<compile_context>
chip_gen: v7x
topology: tpu7x:2x2x1
jax: 0.10.2.dev20260603
libtpu: 0.0.44.dev20260713+nightly
codegen_flags: <defaults>
</compile_context>

<pallas_src>
import functools

import jax
import jax.numpy as jnp
from jax import lax
from jax.experimental import pallas as pl
from jax.experimental.pallas import tpu as pltpu
from jax.experimental.pallas import tpu_sc as plsc

B, S = 1024, 50
N = B * S
D = 128
H = 256

NC, NS = 2, 16
NW = NC * NS
NSPLIT = 2
NH = N // NSPLIT
ROWS_PER_W = NH // NW
CHUNK = 80
NCHUNK = ROWS_PER_W // CHUNK


def _sc_gather3(tabA, tabT, tabK, idxA, idxT, idxK):
    mesh = plsc.VectorSubcoreMesh(core_axis_name="c", subcore_axis_name="s")

    NBUF = 3

    @functools.partial(
        pl.kernel,
        mesh=mesh,
        out_type=[jax.ShapeDtypeStruct((NH, D), jnp.float32)] * 3,
        scratch_types=(
            [pltpu.VMEM((NCHUNK, CHUNK), jnp.int32)] * 3
            + [pltpu.VMEM((CHUNK, D), jnp.float32)] * (3 * NBUF)
            + [pltpu.SemaphoreType.DMA] * (6 * NBUF)
            + [pltpu.VMEM_SHARED((1001, D), jnp.float32)] * 2
        ),
    )
    def k(tabA_h, tabT_h, tabK_h, idxA_h, idxT_h, idxK_h,
          outA_h, outT_h, outK_h, *scr):
        idxv = scr[0:3]
        bufs = [scr[3 + t * NBUF: 3 + (t + 1) * NBUF] for t in range(3)]
        o = 3 + 3 * NBUF
        gsem = [scr[o + t * NBUF: o + (t + 1) * NBUF] for t in range(3)]
        o += 3 * NBUF
        wsem = [scr[o + t * NBUF: o + (t + 1) * NBUF] for t in range(3)]
        spT, spK = scr[o + 3 * NBUF:]

        wid = lax.axis_index("s") * NC + lax.axis_index("c")
        base = wid * ROWS_PER_W

        @pl.when(lax.axis_index("s") == 0)
        def _stage():
            pltpu.sync_copy(tabT_h, spT)
            pltpu.sync_copy(tabK_h, spK)

        pltpu.sync_copy(idxA_h.at[wid], idxv[0])
        pltpu.sync_copy(idxT_h.at[wid], idxv[1])
        pltpu.sync_copy(idxK_h.at[wid], idxv[2])
        plsc.subcore_barrier()

        tabs = (tabA_h, spT, spK)
        outs = (outA_h, outT_h, outK_h)

        def g_cp(t, j, s):
            return pltpu.make_async_copy(
                tabs[t].at[idxv[t].at[j]], bufs[t][s], gsem[t][s])

        def w_cp(t, j, s):
            return pltpu.make_async_copy(
                bufs[t][s], outs[t].at[pl.ds(base + j * CHUNK, CHUNK)],
                wsem[t][s])

        for j in range(NBUF):
            for t in range(3):
                g_cp(t, j, j).start()
        for j in range(NCHUNK):
            s = j % NBUF
            for t in range(3):
                g_cp(t, j, s).wait()
                w_cp(t, j, s).start()
            if j + NBUF < NCHUNK:
                for t in range(3):
                    w_cp(t, j, s).wait()
                    g_cp(t, j + NBUF, s).start()
        for j in range(max(0, NCHUNK - NBUF), NCHUNK):
            for t in range(3):
                w_cp(t, j, j % NBUF).wait()

    return k(tabA, tabT, tabK, idxA, idxT, idxK)


R = 2560
G2 = NH // R


_DN_T = (((0,), (0,)), ((), ()))


def _tc_body(gA, gT, gK, ii, xel, xua, xia, xta, embI, W0, W1, W2, W3,
             cb, cg, cbeta, cW, ctb, ctg, ctbeta, out):
    eps = 1e-5
    acc = jnp.dot(gA[...], W1[...], preferred_element_type=jnp.float32)
    acc += jnp.dot(gT[...], W2[...], preferred_element_type=jnp.float32)
    acc += jnp.dot(gK[...], W3[...], preferred_element_type=jnp.float32)
    P0 = jnp.dot(embI[...], W0[...], preferred_element_type=jnp.float32)
    iif = ii[0].astype(jnp.float32)
    s0 = jnp.maximum(0.0, 1.0 - jnp.abs(iif))
    s1 = jnp.maximum(0.0, 1.0 - jnp.abs(iif - 1.0))
    s2 = jnp.maximum(0.0, 1.0 - jnp.abs(iif - 2.0))
    oh = jnp.concatenate(
        [s0, s1, s2, jnp.zeros((5, s0.shape[1]), jnp.float32)], axis=0)
    p = lax.dot_general(oh, P0, _DN_T, preferred_element_type=jnp.float32)
    x = acc + p + cb[...]
    mu = jnp.mean(x, axis=-1, keepdims=True)
    xc = x - mu
    var = jnp.mean(xc * xc, axis=-1, keepdims=True)
    cate = xc * lax.rsqrt(var + eps) * cg[...] + cbeta[...]

    xq = jnp.concatenate(
        [xel[0], xua[0], xia[0], xta[0],
         jnp.zeros((4, xel.shape[2]), jnp.float32)], axis=0)
    y = lax.dot_general(xq, cW[...], _DN_T,
                        preferred_element_type=jnp.float32) + ctb[...]
    muy = jnp.mean(y, axis=-1, keepdims=True)
    yc = y - muy
    vary = jnp.mean(yc * yc, axis=-1, keepdims=True)
    cont = yc * lax.rsqrt(vary + eps) * ctg[...] + ctbeta[...]

    out[...] = jnp.concatenate([cate, cont], axis=-1)


def kernel(data_assessmentItemID, data_testId, data_KnowledgeTag, data_elapsed,
           data_user_acc, data_item_acc, data_tag_acc, data_answerCode,
           data_mask, data_interaction, emb_interaction, emb_assessmentItemID,
           emb_testId, emb_KnowledgeTag, comb_W, comb_b, comb_ln_g, comb_ln_b,
           cont_W, cont_b, cont_ln_g, cont_ln_b):
    idxA = data_assessmentItemID.T.reshape(NSPLIT, NW, NCHUNK, CHUNK).astype(jnp.int32)
    idxT = data_testId.T.reshape(NSPLIT, NW, NCHUNK, CHUNK).astype(jnp.int32)
    idxK = data_KnowledgeTag.T.reshape(NSPLIT, NW, NCHUNK, CHUNK).astype(jnp.int32)

    halves = [
        _sc_gather3(emb_assessmentItemID, emb_testId, emb_KnowledgeTag,
                    idxA[h], idxT[h], idxK[h])
        for h in range(NSPLIT)
    ]

    ii = data_interaction.T.reshape(NSPLIT * G2, 1, R).astype(jnp.int32)
    xel = data_elapsed.T.reshape(NSPLIT * G2, 1, R)
    xua = data_user_acc.T.reshape(NSPLIT * G2, 1, R)
    xia = data_item_acc.T.reshape(NSPLIT * G2, 1, R)
    xta = data_tag_acc.T.reshape(NSPLIT * G2, 1, R)

    embI = jnp.zeros((8, D), jnp.float32).at[0:3].set(emb_interaction)
    W0 = comb_W[0:D]
    W1 = comb_W[D:2 * D]
    W2 = comb_W[2 * D:3 * D]
    W3 = comb_W[3 * D:4 * D]
    cb = comb_b.reshape(1, H)
    cg = comb_ln_g.reshape(1, H)
    cbeta = comb_ln_b.reshape(1, H)
    cWp = jnp.zeros((8, H), jnp.float32).at[0:4].set(cont_W)
    ctb = cont_b.reshape(1, H)
    ctg = cont_ln_g.reshape(1, H)
    ctbeta = cont_ln_b.reshape(1, H)

    row_spec = pl.BlockSpec((R, D), lambda i: (i, 0))
    full = lambda shape: pl.BlockSpec(shape, lambda i: tuple(0 for _ in shape))

    X = None
    for h in range(NSPLIT):
        gA, gT, gK = halves[h]
        vec_spec = pl.BlockSpec((1, 1, R), lambda i, h=h: (h * G2 + i, 0, 0))
        out_spec = pl.BlockSpec((R, 2 * H), lambda i, h=h: (h * G2 + i, 0))
        body = _tc_body if h == 0 else _tc_body_acc
        in_specs = [
            row_spec, row_spec, row_spec,
            vec_spec, vec_spec, vec_spec, vec_spec, vec_spec,
            full((8, D)), full((D, H)), full((D, H)), full((D, H)),
            full((D, H)), full((1, H)), full((1, H)), full((1, H)),
            full((8, H)), full((1, H)), full((1, H)), full((1, H)),
        ]
        args = [gA, gT, gK, ii, xel, xua, xia, xta, embI, W0, W1, W2, W3,
                cb, cg, cbeta, cWp, ctb, ctg, ctbeta]
        kwargs = {}
        if h > 0:
            in_specs.append(pl.BlockSpec(memory_space=pl.ANY))
            args.append(X)
            kwargs = dict(input_output_aliases={len(args) - 1: 0})
        X = pl.pallas_call(
            body,
            grid=(G2,),
            in_specs=in_specs,
            out_specs=out_spec,
            out_shape=jax.ShapeDtypeStruct((N, 2 * H), jnp.float32),
            **kwargs,
        )(*args)

    return X.reshape(S, B, 2 * H).transpose(1, 0, 2)


def _tc_body_acc(gA, gT, gK, ii, xel, xua, xia, xta, embI, W0, W1, W2, W3,
                 cb, cg, cbeta, cW, ctb, ctg, ctbeta, prev, out):
    _tc_body(gA, gT, gK, ii, xel, xua, xia, xta, embI, W0, W1, W2, W3,
             cb, cg, cbeta, cW, ctb, ctg, ctbeta, out)

# --- scband reference (transcript-rebuilt; emitter-appended) ---
"""Pipeline reference for scband-model-base-61022895341982 (READ-ONLY COPY).

The authoritative reference and input builder live on the scoring server;
editing this copy changes nothing except your own understanding.
"""

import jax, jax.numpy as jnp
import numpy as np

B, S = 1024, 50
INTD = 128

def _layer_norm(x, g, b, eps=1e-5):
    mu = jnp.mean(x, axis=-1, keepdims=True)
    var = jnp.mean((x - mu) ** 2, axis=-1, keepdims=True)
    return (x - mu) / jnp.sqrt(var + eps) * g + b

def setup_inputs(seed: int = 0):
    key = jax.random.key(seed)
    ks = jax.random.split(key, 24)
    inp = {}
    inp["data_assessmentItemID"] = jax.random.randint(ks[0], (B, S), 0, 100000)
    inp["data_testId"] = jax.random.randint(ks[1], (B, S), 0, 1000)
    inp["data_KnowledgeTag"] = jax.random.randint(ks[2], (B, S), 0, 1000)
    inp["data_elapsed"] = jax.random.uniform(ks[3], (B, S), dtype=jnp.float32)
    inp["data_user_acc"] = jax.random.uniform(ks[4], (B, S), dtype=jnp.float32)
    inp["data_item_acc"] = jax.random.uniform(ks[5], (B, S), dtype=jnp.float32)
    inp["data_tag_acc"] = jax.random.uniform(ks[6], (B, S), dtype=jnp.float32)
    inp["data_answerCode"] = jax.random.randint(ks[7], (B, S), 0, 2).astype(jnp.float32)
    inp["data_mask"] = jax.random.randint(ks[8], (B, S), 0, 2)
    inp["data_interaction"] = jax.random.randint(ks[9], (B, S), 0, 3)
    s = 0.02
    inp["emb_interaction"] = jax.random.normal(ks[10], (3, INTD), dtype=jnp.float32) * s
    inp["emb_assessmentItemID"] = jax.random.normal(ks[11], (100001, INTD), dtype=jnp.float32) * s
    inp["emb_testId"] = jax.random.normal(ks[12], (1001, INTD), dtype=jnp.float32) * s
    inp["emb_KnowledgeTag"] = jax.random.normal(ks[13], (1001, INTD), dtype=jnp.float32) * s
    inp["comb_W"] = jax.random.normal(ks[14], (INTD * 4, 256), dtype=jnp.float32) * s
    inp["comb_b"] = jnp.zeros((256,), dtype=jnp.float32)
    inp["comb_ln_g"] = jnp.ones((256,), dtype=jnp.float32)
    inp["comb_ln_b"] = jnp.zeros((256,), dtype=jnp.float32)
    inp["cont_W"] = jax.random.normal(ks[15], (4, 256), dtype=jnp.float32) * s
    inp["cont_b"] = jnp.zeros((256,), dtype=jnp.float32)
    inp["cont_ln_g"] = jnp.ones((256,), dtype=jnp.float32)
    inp["cont_ln_b"] = jnp.zeros((256,), dtype=jnp.float32)
    return inp

def reference(data_assessmentItemID, data_testId, data_KnowledgeTag, data_elapsed, data_user_acc, data_item_acc, data_tag_acc, data_answerCode, data_mask, data_interaction, emb_interaction, emb_assessmentItemID, emb_testId, emb_KnowledgeTag, comb_W, comb_b, comb_ln_g, comb_ln_b, cont_W, cont_b, cont_ln_g, cont_ln_b):
    embed = jnp.concatenate([
        jnp.take(emb_interaction, data_interaction, axis=0),
        jnp.take(emb_assessmentItemID, data_assessmentItemID, axis=0),
        jnp.take(emb_testId, data_testId, axis=0),
        jnp.take(emb_KnowledgeTag, data_KnowledgeTag, axis=0),
    ], axis=2)
    cont_features = jnp.stack([data_elapsed, data_user_acc, data_item_acc, data_tag_acc], axis=2).astype(jnp.float32)
    cate = _layer_norm(embed @ comb_W + comb_b, comb_ln_g, comb_ln_b)
    cont = _layer_norm(cont_features @ cont_W + cont_b, cont_ln_g, cont_ln_b)
    X = jnp.concatenate([cate, cont], axis=2)
    return X

if __name__ == "__main__":
    import jax
    _d = setup_inputs()
    print(jax.jit(kernel)(*tuple(_d.values())))

</pallas_src>

<mosaic_0001>
#map = affine_map<(d0, d1) -> (0, 0)>
#map1 = affine_map<(d0, d1) -> (0, 0, 0)>
module attributes {stable_mosaic.version = 14 : i64} {
  func.func @k(%arg0: i32, %arg1: i32, %arg2: memref<100001x128xf32, #tpu.memory_space<hbm>>, %arg3: memref<1001x128xf32, #tpu.memory_space<hbm>>, %arg4: memref<1001x128xf32, #tpu.memory_space<hbm>>, %arg5: memref<32x10x80xi32, #tpu.memory_space<hbm>>, %arg6: memref<32x10x80xi32, #tpu.memory_space<hbm>>, %arg7: memref<32x10x80xi32, #tpu.memory_space<hbm>>, %arg8: memref<25600x128xf32, #tpu.memory_space<hbm>>, %arg9: memref<25600x128xf32, #tpu.memory_space<hbm>>, %arg10: memref<25600x128xf32, #tpu.memory_space<hbm>>, %arg11: memref<10x80xi32, #tpu.memory_space<vmem>>, %arg12: memref<10x80xi32, #tpu.memory_space<vmem>>, %arg13: memref<10x80xi32, #tpu.memory_space<vmem>>, %arg14: memref<80x128xf32, #tpu.memory_space<vmem>>, %arg15: memref<80x128xf32, #tpu.memory_space<vmem>>, %arg16: memref<80x128xf32, #tpu.memory_space<vmem>>, %arg17: memref<80x128xf32, #tpu.memory_space<vmem>>, %arg18: memref<80x128xf32, #tpu.memory_space<vmem>>, %arg19: memref<80x128xf32, #tpu.memory_space<vmem>>, %arg20: memref<80x128xf32, #tpu.memory_space<vmem>>, %arg21: memref<80x128xf32, #tpu.memory_space<vmem>>, %arg22: memref<80x128xf32, #tpu.memory_space<vmem>>, %arg23: memref<!tpu.dma_semaphore, #tpu.memory_space<semaphore_mem>>, %arg24: memref<!tpu.dma_semaphore, #tpu.memory_space<semaphore_mem>>, %arg25: memref<!tpu.dma_semaphore, #tpu.memory_space<semaphore_mem>>, %arg26: memref<!tpu.dma_semaphore, #tpu.memory_space<semaphore_mem>>, %arg27: memref<!tpu.dma_semaphore, #tpu.memory_space<semaphore_mem>>, %arg28: memref<!tpu.dma_semaphore, #tpu.memory_space<semaphore_mem>>, %arg29: memref<!tpu.dma_semaphore, #tpu.memory_space<semaphore_mem>>, %arg30: memref<!tpu.dma_semaphore, #tpu.memory_space<semaphore_mem>>, %arg31: memref<!tpu.dma_semaphore, #tpu.memory_space<semaphore_mem>>, %arg32: memref<!tpu.dma_semaphore, #tpu.memory_space<semaphore_mem>>, %arg33: memref<!tpu.dma_semaphore, #tpu.memory_space<semaphore_mem>>, %arg34: memref<!tpu.dma_semaphore, #tpu.memory_space<semaphore_mem>>, %arg35: memref<!tpu.dma_semaphore, #tpu.memory_space<semaphore_mem>>, %arg36: memref<!tpu.dma_semaphore, #tpu.memory_space<semaphore_mem>>, %arg37: memref<!tpu.dma_semaphore, #tpu.memory_space<semaphore_mem>>, %arg38: memref<!tpu.dma_semaphore, #tpu.memory_space<semaphore_mem>>, %arg39: memref<!tpu.dma_semaphore, #tpu.memory_space<semaphore_mem>>, %arg40: memref<!tpu.dma_semaphore, #tpu.memory_space<semaphore_mem>>, %arg41: memref<1001x128xf32, #tpu.memory_space<vmem_shared>>, %arg42: memref<1001x128xf32, #tpu.memory_space<vmem_shared>>) attributes {dimension_semantics = [#tpu.dimension_semantics<core_parallel>, #tpu.dimension_semantics<subcore_parallel>], iteration_bounds = array<i64: 2, 16>, scalar_prefetch = 0 : i64, scratch_operands = 32 : i64, tpu.core_type = #tpu.core_type<sc_vector_subcore>, window_params = [{transform_indices = #map}, {transform_indices = #map}, {transform_indices = #map}, {transform_indices = #map1}, {transform_indices = #map1}, {transform_indices = #map1}, {transform_indices = #map}, {transform_indices = #map}, {transform_indices = #map}]} {
    %mul3A = arith.constant 2 : i32
    %mul3A_0 = arith.muli %arg1, %mul3A : i32
    %add3A = arith.addi %mul3A_0, %arg0 : i32
    %mul3A_1 = arith.constant 800 : i32
    %mul3A_2 = arith.muli %add3A, %mul3A_1 : i32
    %eq3A = arith.constant 0 : i32
    %eq3A_3 = arith.cmpi eq, %arg1, %eq3A : i32
    %convert_element_type3A = arith.extui %eq3A_3 : i1 to i32
    %cond3A = arith.constant 0 : i32
    %cond3A_4 = arith.cmpi ne, %convert_element_type3A, %cond3A : i32
    scf.if %cond3A_4 {
      "tpu.region"() ({
        %run_scoped3A = tpu.sem_alloc : memref<!tpu.dma_semaphore, #tpu.memory_space<semaphore_mem>>
        tpu.enqueue_dma source(%arg3 : memref<1001x128xf32, #tpu.memory_space<hbm>>) target(%arg41 : memref<1001x128xf32, #tpu.memory_space<vmem_shared>>) target_semaphore(%run_scoped3A : memref<!tpu.dma_semaphore, #tpu.memory_space<semaphore_mem>>)
        tpu.wait_dma2 semaphore(%run_scoped3A : memref<!tpu.dma_semaphore, #tpu.memory_space<semaphore_mem>>) src(%arg3 : memref<1001x128xf32, #tpu.memory_space<hbm>>) dst(%arg41 : memref<1001x128xf32, #tpu.memory_space<vmem_shared>>)
        tpu.yield
      }) : () -> ()
      "tpu.region"() ({
        %run_scoped3A = tpu.sem_alloc : memref<!tpu.dma_semaphore, #tpu.memory_space<semaphore_mem>>
        tpu.enqueue_dma source(%arg4 : memref<1001x128xf32, #tpu.memory_space<hbm>>) target(%arg42 : memref<1001x128xf32, #tpu.memory_space<vmem_shared>>) target_semaphore(%run_scoped3A : memref<!tpu.dma_semaphore, #tpu.memory_space<semaphore_mem>>)
        tpu.wait_dma2 semaphore(%run_scoped3A : memref<!tpu.dma_semaphore, #tpu.memory_space<semaphore_mem>>) src(%arg4 : memref<1001x128xf32, #tpu.memory_space<hbm>>) dst(%arg42 : memref<1001x128xf32, #tpu.memory_space<vmem_shared>>)
        tpu.yield
      }) : () -> ()
    } else {
    }
    "tpu.region"() ({
      %run_scoped3A = tpu.sem_alloc : memref<!tpu.dma_semaphore, #tpu.memory_space<semaphore_mem>>
      %dma_start3A_783 = arith.constant 0 : i32
      %dma_start3A_784 = arith.constant 0 : i32
      %dma_start3A_785 = tpu.memref_slice %arg5[%add3A, %dma_start3A_783, %dma_start3A_784] : memref<32x10x80xi32, #tpu.memory_space<hbm>> -> memref<1x10x80xi32, #tpu.memory_space<hbm>>
      %dma_start3A_786 = tpu.memref_squeeze %dma_start3A_785 : memref<1x10x80xi32, #tpu.memory_space<hbm>> -> memref<10x80xi32, #tpu.memory_space<hbm>>
      %dma_start3A_787 = arith.constant 0 : i32
      %dma_start3A_788 = arith.constant 0 : i32
      %dma_start3A_789 = tpu.memref_slice %arg5[%add3A, %dma_start3A_787, %dma_start3A_788] : memref<32x10x80xi32, #tpu.memory_space<hbm>> -> memref<1x10x80xi32, #tpu.memory_space<hbm>>
      %dma_start3A_790 = tpu.memref_squeeze %dma_start3A_789 : memref<1x10x80xi32, #tpu.memory_space<hbm>> -> memref<10x80xi32, #tpu.memory_space<hbm>>
      tpu.enqueue_dma source(%dma_start3A_790 : memref<10x80xi32, #tpu.memory_space<hbm>>) target(%arg11 : memref<10x80xi32, #tpu.memory_space<vmem>>) target_semaphore(%run_scoped3A : memref<!tpu.dma_semaphore, #tpu.memory_space<semaphore_mem>>)
      %dma_wait3A_791 = arith.constant 0 : i32
      %dma_wait3A_792 = arith.constant 0 : i32
      %dma_wait3A_793 = tpu.memref_slice %arg5[%add3A, %dma_wait3A_791, %dma_wait3A_792] : memref<32x10x80xi32, #tpu.memory_space<hbm>> -> memref<1x10x80xi32, #tpu.memory_space<hbm>>
      %dma_wait3A_794 = tpu.memref_squeeze %dma_wait3A_793 : memref<1x10x80xi32, #tpu.memory_space<hbm>> -> memref<10x80xi32, #tpu.memory_space<hbm>>
      %dma_wait3A_795 = arith.constant 0 : i32
      %dma_wait3A_796 = arith.constant 0 : i32
      %dma_wait3A_797 = tpu.memref_slice %arg5[%add3A, %dma_wait3A_795, %dma_wait3A_796] : memref<32x10x80xi32, #tpu.memory_space<hbm>> -> memref<1x10x80xi32, #tpu.memory_space<hbm>>
      %dma_wait3A_798 = tpu.memref_squeeze %dma_wait3A_797 : memref<1x10x80xi32, #tpu.memory_space<hbm>> -> memref<10x80xi32, #tpu.memory_space<hbm>>
      tpu.wait_dma2 semaphore(%run_scoped3A : memref<!tpu.dma_semaphore, #tpu.memory_space<semaphore_mem>>) src(%dma_wait3A_798 : memref<10x80xi32, #tpu.memory_space<hbm>>) dst(%arg11 : memref<10x80xi32, #tpu.memory_space<vmem>>)
      tpu.yield
    }) : () -> ()
    "tpu.region"() ({
      %run_scoped3A = tpu.sem_alloc : memref<!tpu.dma_semaphore, #tpu.memory_space<semaphore_mem>>
      %dma_start3A_783 = arith.constant 0 : i32
      %dma_start3A_784 = arith.constant 0 : i32
      %dma_start3A_785 = tpu.memref_slice %arg6[%add3A, %dma_start3A_783, %dma_start3A_784] : memref<32x10x80xi32, #tpu.memory_space<hbm>> -> memref<1x10x80xi32, #tpu.memory_space<hbm>>
      %dma_start3A_786 = tpu.memref_squeeze %dma_start3A_785 : memref<1x10x80xi32, #tpu.memory_space<hbm>> -> memref<10x80xi32, #tpu.memory_space<hbm>>
      %dma_start3A_787 = arith.constant 0 : i32
      %dma_start3A_788 = arith.constant 0 : i32
      %dma_start3A_789 = tpu.memref_slice %arg6[%add3A, %dma_start3A_787, %dma_start3A_788] : memref<32x10x80xi32, #tpu.memory_space<hbm>> -> memref<1x10x80xi32, #tpu.memory_space<hbm>>
      %dma_start3A_790 = tpu.memref_squeeze %dma_start3A_789 : memref<1x10x80xi32, #tpu.memory_space<hbm>> -> memref<10x80xi32, #tpu.memory_space<hbm>>
      tpu.enqueue_dma source(%dma_start3A_790 : memref<10x80xi32, #tpu.memory_space<hbm>>) target(%arg12 : memref<10x80xi32, #tpu.memory_space<vmem>>) target_semaphore(%run_scoped3A : memref<!tpu.dma_semaphore, #tpu.memory_space<semaphore_mem>>)
      %dma_wait3A_791 = arith.constant 0 : i32
      %dma_wait3A_792 = arith.constant 0 : i32
      %dma_wait3A_793 = tpu.memref_slice %arg6[%add3A, %dma_wait3A_791, %dma_wait3A_792] : memref<32x10x80xi32, #tpu.memory_space<hbm>> -> memref<1x10x80xi32, #tpu.memory_space<hbm>>
      %dma_wait3A_794 = tpu.memref_squeeze %dma_wait3A_793 : memref<1x10x80xi32, #tpu.memory_space<hbm>> -> memref<10x80xi32, #tpu.memory_space<hbm>>
      %dma_wait3A_795 = arith.constant 0 : i32
      %dma_wait3A_796 = arith.constant 0 : i32
      %dma_wait3A_797 = tpu.memref_slice %arg6[%add3A, %dma_wait3A_795, %dma_wait3A_796] : memref<32x10x80xi32, #tpu.memory_space<hbm>> -> memref<1x10x80xi32, #tpu.memory_space<hbm>>
      %dma_wait3A_798 = tpu.memref_squeeze %dma_wait3A_797 : memref<1x10x80xi32, #tpu.memory_space<hbm>> -> memref<10x80xi32, #tpu.memory_space<hbm>>
      tpu.wait_dma2 semaphore(%run_scoped3A : memref<!tpu.dma_semaphore, #tpu.memory_space<semaphore_mem>>) src(%dma_wait3A_798 : memref<10x80xi32, #tpu.memory_space<hbm>>) dst(%arg12 : memref<10x80xi32, #tpu.memory_space<vmem>>)
      tpu.yield
    }) : () -> ()
    "tpu.region"() ({
      %run_scoped3A = tpu.sem_alloc : memref<!tpu.dma_semaphore, #tpu.memory_space<semaphore_mem>>
      %dma_start3A_783 = arith.constant 0 : i32
      %dma_start3A_784 = arith.constant 0 : i32
      %dma_start3A_785 = tpu.memref_slice %arg7[%add3A, %dma_start3A_783, %dma_start3A_784] : memref<32x10x80xi32, #tpu.memory_space<hbm>> -> memref<1x10x80xi32, #tpu.memory_space<hbm>>
      %dma_start3A_786 = tpu.memref_squeeze %dma_start3A_785 : memref<1x10x80xi32, #tpu.memory_space<hbm>> -> memref<10x80xi32, #tpu.memory_space<hbm>>
      %dma_start3A_787 = arith.constant 0 : i32
      %dma_start3A_788 = arith.constant 0 : i32
      %dma_start3A_789 = tpu.memref_slice %arg7[%add3A, %dma_start3A_787, %dma_start3A_788] : memref<32x10x80xi32, #tpu.memory_space<hbm>> -> memref<1x10x80xi32, #tpu.memory_space<hbm>>
      %dma_start3A_790 = tpu.memref_squeeze %dma_start3A_789 : memref<1x10x80xi32, #tpu.memory_space<hbm>> -> memref<10x80xi32, #tpu.memory_space<hbm>>
      tpu.enqueue_dma source(%dma_start3A_790 : memref<10x80xi32, #tpu.memory_space<hbm>>) target(%arg13 : memref<10x80xi32, #tpu.memory_space<vmem>>) target_semaphore(%run_scoped3A : memref<!tpu.dma_semaphore, #tpu.memory_space<semaphore_mem>>)
      %dma_wait3A_791 = arith.constant 0 : i32
      %dma_wait3A_792 = arith.constant 0 : i32
      %dma_wait3A_793 = tpu.memref_slice %arg7[%add3A, %dma_wait3A_791, %dma_wait3A_792] : memref<32x10x80xi32, #tpu.memory_space<hbm>> -> memref<1x10x80xi32, #tpu.memory_space<hbm>>
      %dma_wait3A_794 = tpu.memref_squeeze %dma_wait3A_793 : memref<1x10x80xi32, #tpu.memory_space<hbm>> -> memref<10x80xi32, #tpu.memory_space<hbm>>
      %dma_wait3A_795 = arith.constant 0 : i32
      %dma_wait3A_796 = arith.constant 0 : i32
      %dma_wait3A_797 = tpu.memref_slice %arg7[%add3A, %dma_wait3A_795, %dma_wait3A_796] : memref<32x10x80xi32, #tpu.memory_space<hbm>> -> memref<1x10x80xi32, #tpu.memory_space<hbm>>
      %dma_wait3A_798 = tpu.memref_squeeze %dma_wait3A_797 : memref<1x10x80xi32, #tpu.memory_space<hbm>> -> memref<10x80xi32, #tpu.memory_space<hbm>>
      tpu.wait_dma2 semaphore(%run_scoped3A : memref<!tpu.dma_semaphore, #tpu.memory_space<semaphore_mem>>) src(%dma_wait3A_798 : memref<10x80xi32, #tpu.memory_space<hbm>>) dst(%arg13 : memref<10x80xi32, #tpu.memory_space<vmem>>)
      tpu.yield
    }) : () -> ()
    %barrier3A = arith.constant 0 : index
    tpu.barrier barrier_id(%barrier3A)
    %dma_start3A = arith.constant 0 : i32
    %dma_start3A_5 = arith.constant 0 : i32
    %dma_start3A_6 = tpu.memref_slice %arg11[%dma_start3A, %dma_start3A_5] : memref<10x80xi32, #tpu.memory_space<vmem>> -> memref<1x80xi32, #tpu.memory_space<vmem>>
    %dma_start3A_7 = tpu.memref_squeeze %dma_start3A_6 : memref<1x80xi32, #tpu.memory_space<vmem>> -> memref<80xi32, #tpu.memory_space<vmem>>
    %dma_start3A_8 = arith.constant 0 : i32
    %dma_start3A_9 = arith.constant 0 : i32
    %dma_start3A_10 = tpu.memref_slice %arg2[%dma_start3A_8, %dma_start3A_9] : memref<100001x128xf32, #tpu.memory_space<hbm>> -> memref<100001x128xf32, #tpu.memory_space<hbm>>
    tpu.enqueue_indirect_dma source(%dma_start3A_10 : memref<100001x128xf32, #tpu.memory_space<hbm>>) target(%arg14 : memref<80x128xf32, #tpu.memory_space<vmem>>) offsets(%dma_start3A_7 : memref<80xi32, #tpu.memory_space<vmem>>) semaphore(%arg23 : memref<!tpu.dma_semaphore, #tpu.memory_space<semaphore_mem>>)
    %dma_start3A_11 = arith.constant 0 : i32
    %dma_start3A_12 = arith.constant 0 : i32
    %dma_start3A_13 = tpu.memref_slice %arg12[%dma_start3A_11, %dma_start3A_12] : memref<10x80xi32, #tpu.memory_space<vmem>> -> memref<1x80xi32, #tpu.memory_space<vmem>>
    %dma_start3A_14 = tpu.memref_squeeze %dma_start3A_13 : memref<1x80xi32, #tpu.memory_space<vmem>> -> memref<80xi32, #tpu.memory_space<vmem>>
    %dma_start3A_15 = arith.constant 0 : i32
    %dma_start3A_16 = arith.constant 0 : i32
    %dma_start3A_17 = tpu.memref_slice %arg41[%dma_start3A_15, %dma_start3A_16] : memref<1001x128xf32, #tpu.memory_space<vmem_shared>> -> memref<1001x128xf32, #tpu.memory_space<vmem_shared>>
    tpu.enqueue_indirect_dma source(%dma_start3A_17 : memref<1001x128xf32, #tpu.memory_space<vmem_shared>>) target(%arg17 : memref<80x128xf32, #tpu.memory_space<vmem>>) offsets(%dma_start3A_14 : memref<80xi32, #tpu.memory_space<vmem>>) semaphore(%arg26 : memref<!tpu.dma_semaphore, #tpu.memory_space<semaphore_mem>>)
    %dma_start3A_18 = arith.constant 0 : i32
    %dma_start3A_19 = arith.constant 0 : i32
    %dma_start3A_20 = tpu.memref_slice %arg13[%dma_start3A_18, %dma_start3A_19] : memref<10x80xi32, #tpu.memory_space<vmem>> -> memref<1x80xi32, #tpu.memory_space<vmem>>
    %dma_start3A_21 = tpu.memref_squeeze %dma_start3A_20 : memref<1x80xi32, #tpu.memory_space<vmem>> -> memref<80xi32, #tpu.memory_space<vmem>>
    %dma_start3A_22 = arith.constant 0 : i32
    %dma_start3A_23 = arith.constant 0 : i32
    %dma_start3A_24 = tpu.memref_slice %arg42[%dma_start3A_22, %dma_start3A_23] : memref<1001x128xf32, #tpu.memory_space<vmem_shared>> -> memref<1001x128xf32, #tpu.memory_space<vmem_shared>>
    tpu.enqueue_indirect_dma source(%dma_start3A_24 : memref<1001x128xf32, #tpu.memory_space<vmem_shared>>) target(%arg20 : memref<80x128xf32, #tpu.memory_space<vmem>>) offsets(%dma_start3A_21 : memref<80xi32, #tpu.memory_space<vmem>>) semaphore(%arg29 : memref<!tpu.dma_semaphore, #tpu.memory_space<semaphore_mem>>)
    %dma_start3A_25 = arith.constant 1 : i32
    %dma_start3A_26 = arith.constant 0 : i32
    %dma_start3A_27 = tpu.memref_slice %arg11[%dma_start3A_25, %dma_start3A_26] : memref<10x80xi32, #tpu.memory_space<vmem>> -> memref<1x80xi32, #tpu.memory_space<vmem>>
    %dma_start3A_28 = tpu.memref_squeeze %dma_start3A_27 : memref<1x80xi32, #tpu.memory_space<vmem>> -> memref<80xi32, #tpu.memory_space<vmem>>
    %dma_start3A_29 = arith.constant 0 : i32
    %dma_start3A_30 = arith.constant 0 : i32
    %dma_start3A_31 = tpu.memref_slice %arg2[%dma_start3A_29, %dma_start3A_30] : memref<100001x128xf32, #tpu.memory_space<hbm>> -> memref<100001x128xf32, #tpu.memory_space<hbm>>
    tpu.enqueue_indirect_dma source(%dma_start3A_31 : memref<100001x128xf32, #tpu.memory_space<hbm>>) target(%arg15 : memref<80x128xf32, #tpu.memory_space<vmem>>) offsets(%dma_start3A_28 : memref<80xi32, #tpu.memory_space<vmem>>) semaphore(%arg24 : memref<!tpu.dma_semaphore, #tpu.memory_space<semaphore_mem>>)
    %dma_start3A_32 = arith.constant 1 : i32
    %dma_start3A_33 = arith.constant 0 : i32
    %dma_start3A_34 = tpu.memref_slice %arg12[%dma_start3A_32, %dma_start3A_33] : memref<10x80xi32, #tpu.memory_space<vmem>> -> memref<1x80xi32, #tpu.memory_space<vmem>>
    %dma_start3A_35 = tpu.memref_squeeze %dma_start3A_34 : memref<1x80xi32, #tpu.memory_space<vmem>> -> memref<80xi32, #tpu.memory_space<vmem>>
    %dma_start3A_36 = arith.constant 0 : i32
    %dma_start3A_37 = arith.constant 0 : i32
    %dma_start3A_38 = tpu.memref_slice %arg41[%dma_start3A_36, %dma_start3A_37] : memref<1001x128xf32, #tpu.memory_space<vmem_shared>> -> memref<1001x128xf32, #tpu.memory_space<vmem_shared>>
    tpu.enqueue_indirect_dma source(%dma_start3A_38 : memref<1001x128xf32, #tpu.memory_space<vmem_shared>>) target(%arg18 : memref<80x128xf32, #tpu.memory_space<vmem>>) offsets(%dma_start3A_35 : memref<80xi32, #tpu.memory_space<vmem>>) semaphore(%arg27 : memref<!tpu.dma_semaphore, #tpu.memory_space<semaphore_mem>>)
    %dma_start3A_39 = arith.constant 1 : i32
    %dma_start3A_40 = arith.constant 0 : i32
    %dma_start3A_41 = tpu.memref_slice %arg13[%dma_start3A_39, %dma_start3A_40] : memref<10x80xi32, #tpu.memory_space<vmem>> -> memref<1x80xi32, #tpu.memory_space<vmem>>
    %dma_start3A_42 = tpu.memref_squeeze %dma_start3A_41 : memref<1x80xi32, #tpu.memory_space<vmem>> -> memref<80xi32, #tpu.memory_space<vmem>>
    %dma_start3A_43 = arith.constant 0 : i32
    %dma_start3A_44 = arith.constant 0 : i32
    %dma_start3A_45 = tpu.memref_slice %arg42[%dma_start3A_43, %dma_start3A_44] : memref<1001x128xf32, #tpu.memory_space<vmem_shared>> -> memref<1001x128xf32, #tpu.memory_space<vmem_shared>>
    tpu.enqueue_indirect_dma source(%dma_start3A_45 : memref<1001x128xf32, #tpu.memory_space<vmem_shared>>) target(%arg21 : memref<80x128xf32, #tpu.memory_space<vmem>>) offsets(%dma_start3A_42 : memref<80xi32, #tpu.memory_space<vmem>>) semaphore(%arg30 : memref<!tpu.dma_semaphore, #tpu.memory_space<semaphore_mem>>)
    %dma_start3A_46 = arith.constant 2 : i32
    %dma_start3A_47 = arith.constant 0 : i32
    %dma_start3A_48 = tpu.memref_slice %arg11[%dma_start3A_46, %dma_start3A_47] : memref<10x80xi32, #tpu.memory_space<vmem>> -> memref<1x80xi32, #tpu.memory_space<vmem>>
    %dma_start3A_49 = tpu.memref_squeeze %dma_start3A_48 : memref<1x80xi32, #tpu.memory_space<vmem>> -> memref<80xi32, #tpu.memory_space<vmem>>
    %dma_start3A_50 = arith.constant 0 : i32
    %dma_start3A_51 = arith.constant 0 : i32
    %dma_start3A_52 = tpu.memref_slice %arg2[%dma_start3A_50, %dma_start3A_51] : memref<100001x128xf32, #tpu.memory_space<hbm>> -> memref<100001x128xf32, #tpu.memory_space<hbm>>
    tpu.enqueue_indirect_dma source(%dma_start3A_52 : memref<100001x128xf32, #tpu.memory_space<hbm>>) target(%arg16 : memref<80x128xf32, #tpu.memory_space<vmem>>) offsets(%dma_start3A_49 : memref<80xi32, #tpu.memory_space<vmem>>) semaphore(%arg25 : memref<!tpu.dma_semaphore, #tpu.memory_space<semaphore_mem>>)
    %dma_start3A_53 = arith.constant 2 : i32
    %dma_start3A_54 = arith.constant 0 : i32
    %dma_start3A_55 = tpu.memref_slice %arg12[%dma_start3A_53, %dma_start3A_54] : memref<10x80xi32, #tpu.memory_space<vmem>> -> memref<1x80xi32, #tpu.memory_space<vmem>>
    %dma_start3A_56 = tpu.memref_squeeze %dma_start3A_55 : memref<1x80xi32, #tpu.memory_space<vmem>> -> memref<80xi32, #tpu.memory_space<vmem>>
    %dma_start3A_57 = arith.constant 0 : i32
    %dma_start3A_58 = arith.constant 0 : i32
    %dma_start3A_59 = tpu.memref_slice %arg41[%dma_start3A_57, %dma_start3A_58] : memref<1001x128xf32, #tpu.memory_space<vmem_shared>> -> memref<1001x128xf32, #tpu.memory_space<vmem_shared>>
    tpu.enqueue_indirect_dma source(%dma_start3A_59 : memref<1001x128xf32, #tpu.memory_space<vmem_shared>>) target(%arg19 : memref<80x128xf32, #tpu.memory_space<vmem>>) offsets(%dma_start3A_56 : memref<80xi32, #tpu.memory_space<vmem>>) semaphore(%arg28 : memref<!tpu.dma_semaphore, #tpu.memory_space<semaphore_mem>>)
    %dma_start3A_60 = arith.constant 2 : i32
    %dma_start3A_61 = arith.constant 0 : i32
    %dma_start3A_62 = tpu.memref_slice %arg13[%dma_start3A_60, %dma_start3A_61] : memref<10x80xi32, #tpu.memory_space<vmem>> -> memref<1x80xi32, #tpu.memory_space<vmem>>
    %dma_start3A_63 = tpu.memref_squeeze %dma_start3A_62 : memref<1x80xi32, #tpu.memory_space<vmem>> -> memref<80xi32, #tpu.memory_space<vmem>>
    %dma_start3A_64 = arith.constant 0 : i32
    %dma_start3A_65 = arith.constant 0 : i32
    %dma_start3A_66 = tpu.memref_slice %arg42[%dma_start3A_64, %dma_start3A_65] : memref<1001x128xf32, #tpu.memory_space<vmem_shared>> -> memref<1001x128xf32, #tpu.memory_space<vmem_shared>>
    tpu.enqueue_indirect_dma source(%dma_start3A_66 : memref<1001x128xf32, #tpu.memory_space<vmem_shared>>) target(%arg22 : memref<80x128xf32, #tpu.memory_space<vmem>>) offsets(%dma_start3A_63 : memref<80xi32, #tpu.memory_space<vmem>>) semaphore(%arg31 : memref<!tpu.dma_semaphore, #tpu.memory_space<semaphore_mem>>)
    %dma_wait3A = arith.constant 0 : i32
    %dma_wait3A_67 = arith.constant 0 : i32
    %dma_wait3A_68 = tpu.memref_slice %arg11[%dma_wait3A, %dma_wait3A_67] : memref<10x80xi32, #tpu.memory_space<vmem>> -> memref<1x80xi32, #tpu.memory_space<vmem>>
    %dma_wait3A_69 = tpu.memref_squeeze %dma_wait3A_68 : memref<1x80xi32, #tpu.memory_space<vmem>> -> memref<80xi32, #tpu.memory_space<vmem>>
    %dma_wait3A_70 = arith.constant 0 : i32
    %dma_wait3A_71 = arith.constant 0 : i32
    %dma_wait3A_72 = tpu.memref_slice %arg2[%dma_wait3A_70, %dma_wait3A_71] : memref<100001x128xf32, #tpu.memory_space<hbm>> -> memref<100001x128xf32, #tpu.memory_space<hbm>>
    tpu.wait_indirect_dma semaphore(%arg23 : memref<!tpu.dma_semaphore, #tpu.memory_space<semaphore_mem>>) src(%dma_wait3A_72 : memref<100001x128xf32, #tpu.memory_space<hbm>>) dst(%arg14 : memref<80x128xf32, #tpu.memory_space<vmem>>)
    %add3A_73 = arith.constant 0 : i32
    %add3A_74 = arith.addi %mul3A_2, %add3A_73 : i32
    %dma_start3A_75 = arith.constant 0 : i32
    %dma_start3A_76 = tpu.memref_slice %arg8[%add3A_74, %dma_start3A_75] : memref<25600x128xf32, #tpu.memory_space<hbm>> -> memref<80x128xf32, #tpu.memory_space<hbm>>
    %dma_start3A_77 = arith.constant 0 : i32
    %dma_start3A_78 = tpu.memref_slice %arg8[%add3A_74, %dma_start3A_77] : memref<25600x128xf32, #tpu.memory_space<hbm>> -> memref<80x128xf32, #tpu.memory_space<hbm>>
    tpu.enqueue_dma source(%arg14 : memref<80x128xf32, #tpu.memory_space<vmem>>) target(%dma_start3A_78 : memref<80x128xf32, #tpu.memory_space<hbm>>) target_semaphore(%arg32 : memref<!tpu.dma_semaphore, #tpu.memory_space<semaphore_mem>>)
    %dma_wait3A_79 = arith.constant 0 : i32
    %dma_wait3A_80 = arith.constant 0 : i32
    %dma_wait3A_81 = tpu.memref_slice %arg12[%dma_wait3A_79, %dma_wait3A_80] : memref<10x80xi32, #tpu.memory_space<vmem>> -> memref<1x80xi32, #tpu.memory_space<vmem>>
    %dma_wait3A_82 = tpu.memref_squeeze %dma_wait3A_81 : memref<1x80xi32, #tpu.memory_space<vmem>> -> memref<80xi32, #tpu.memory_space<vmem>>
    %dma_wait3A_83 = arith.constant 0 : i32
    %dma_wait3A_84 = arith.constant 0 : i32
    %dma_wait3A_85 = tpu.memref_slice %arg41[%dma_wait3A_83, %dma_wait3A_84] : memref<1001x128xf32, #tpu.memory_space<vmem_shared>> -> memref<1001x128xf32, #tpu.memory_space<vmem_shared>>
    tpu.wait_indirect_dma semaphore(%arg26 : memref<!tpu.dma_semaphore, #tpu.memory_space<semaphore_mem>>) src(%dma_wait3A_85 : memref<1001x128xf32, #tpu.memory_space<vmem_shared>>) dst(%arg17 : memref<80x128xf32, #tpu.memory_space<vmem>>)
    %add3A_86 = arith.constant 0 : i32
    %add3A_87 = arith.addi %mul3A_2, %add3A_86 : i32
    %dma_start3A_88 = arith.constant 0 : i32
    %dma_start3A_89 = tpu.memref_slice %arg9[%add3A_87, %dma_start3A_88] : memref<25600x128xf32, #tpu.memory_space<hbm>> -> memref<80x128xf32, #tpu.memory_space<hbm>>
    %dma_start3A_90 = arith.constant 0 : i32
    %dma_start3A_91 = tpu.memref_slice %arg9[%add3A_87, %dma_start3A_90] : memref<25600x128xf32, #tpu.memory_space<hbm>> -> memref<80x128xf32, #tpu.memory_space<hbm>>
    tpu.enqueue_dma source(%arg17 : memref<80x128xf32, #tpu.memory_space<vmem>>) target(%dma_start3A_91 : memref<80x128xf32, #tpu.memory_space<hbm>>) target_semaphore(%arg35 : memref<!tpu.dma_semaphore, #tpu.memory_space<semaphore_mem>>)
    %dma_wait3A_92 = arith.constant 0 : i32
    %dma_wait3A_93 = arith.constant 0 : i32
    %dma_wait3A_94 = tpu.memref_slice %arg13[%dma_wait3A_92, %dma_wait3A_93] : memref<10x80xi32, #tpu.memory_space<vmem>> -> memref<1x80xi32, #tpu.memory_space<vmem>>
    %dma_wait3A_95 = tpu.memref_squeeze %dma_wait3A_94 : memref<1x80xi32, #tpu.memory_space<vmem>> -> memref<80xi32, #tpu.memory_space<vmem>>
    %dma_wait3A_96 = arith.constant 0 : i32
    %dma_wait3A_97 = arith.constant 0 : i32
    %dma_wait3A_98 = tpu.memref_slice %arg42[%dma_wait3A_96, %dma_wait3A_97] : memref<1001x128xf32, #tpu.memory_space<vmem_shared>> -> memref<1001x128xf32, #tpu.memory_space<vmem_shared>>
    tpu.wait_indirect_dma semaphore(%arg29 : memref<!tpu.dma_semaphore, #tpu.memory_space<semaphore_mem>>) src(%dma_wait3A_98 : memref<1001x128xf32, #tpu.memory_space<vmem_shared>>) dst(%arg20 : memref<80x128xf32, #tpu.memory_space<vmem>>)
    %add3A_99 = arith.constant 0 : i32
    %add3A_100 = arith.addi %mul3A_2, %add3A_99 : i32
    %dma_start3A_101 = arith.constant 0 : i32
    %dma_start3A_102 = tpu.memref_slice %arg10[%add3A_100, %dma_start3A_101] : memref<25600x128xf32, #tpu.memory_space<hbm>> -> memref<80x128xf32, #tpu.memory_space<hbm>>
    %dma_start3A_103 = arith.constant 0 : i32
    %dma_start3A_104 = tpu.memref_slice %arg10[%add3A_100, %dma_start3A_103] : memref<25600x128xf32, #tpu.memory_space<hbm>> -> memref<80x128xf32, #tpu.memory_space<hbm>>
    tpu.enqueue_dma source(%arg20 : memref<80x128xf32, #tpu.memory_space<vmem>>) target(%dma_start3A_104 : memref<80x128xf32, #tpu.memory_space<hbm>>) target_semaphore(%arg38 : memref<!tpu.dma_semaphore, #tpu.memory_space<semaphore_mem>>)
    %add3A_105 = arith.constant 0 : i32
    %add3A_106 = arith.addi %mul3A_2, %add3A_105 : i32
    %dma_wait3A_107 = arith.constant 0 : i32
    %dma_wait3A_108 = tpu.memref_slice %arg8[%add3A_106, %dma_wait3A_107] : memref<25600x128xf32, #tpu.memory_space<hbm>> -> memref<80x128xf32, #tpu.memory_space<hbm>>
    %dma_wait3A_109 = arith.constant 0 : i32
    %dma_wait3A_110 = tpu.memref_slice %arg8[%add3A_106, %dma_wait3A_109] : memref<25600x128xf32, #tpu.memory_space<hbm>> -> memref<80x128xf32, #tpu.memory_space<hbm>>
    tpu.wait_dma2 semaphore(%arg32 : memref<!tpu.dma_semaphore, #tpu.memory_space<semaphore_mem>>) src(%arg14 : memref<80x128xf32, #tpu.memory_space<vmem>>) dst(%dma_wait3A_110 : memref<80x128xf32, #tpu.memory_space<hbm>>)
    %dma_start3A_111 = arith.constant 3 : i32
    %dma_start3A_112 = arith.constant 0 : i32
    %dma_start3A_113 = tpu.memref_slice %arg11[%dma_start3A_111, %dma_start3A_112] : memref<10x80xi32, #tpu.memory_space<vmem>> -> memref<1x80xi32, #tpu.memory_space<vmem>>
    %dma_start3A_114 = tpu.memref_squeeze %dma_start3A_113 : memref<1x80xi32, #tpu.memory_space<vmem>> -> memref<80xi32, #tpu.memory_space<vmem>>
    %dma_start3A_115 = arith.constant 0 : i32
    %dma_start3A_116 = arith.constant 0 : i32
    %dma_start3A_117 = tpu.memref_slice %arg2[%dma_start3A_115, %dma_start3A_116] : memref<100001x128xf32, #tpu.memory_space<hbm>> -> memref<100001x128xf32, #tpu.memory_space<hbm>>
    tpu.enqueue_indirect_dma source(%dma_start3A_117 : memref<100001x128xf32, #tpu.memory_space<hbm>>) target(%arg14 : memref<80x128xf32, #tpu.memory_space<vmem>>) offsets(%dma_start3A_114 : memref<80xi32, #tpu.memory_space<vmem>>) semaphore(%arg23 : memref<!tpu.dma_semaphore, #tpu.memory_space<semaphore_mem>>)
    %add3A_118 = arith.constant 0 : i32
    %add3A_119 = arith.addi %mul3A_2, %add3A_118 : i32
    %dma_wait3A_120 = arith.constant 0 : i32
    %dma_wait3A_121 = tpu.memref_slice %arg9[%add3A_119, %dma_wait3A_120] : memref<25600x128xf32, #tpu.memory_space<hbm>> -> memref<80x128xf32, #tpu.memory_space<hbm>>
    %dma_wait3A_122 = arith.constant 0 : i32
    %dma_wait3A_123 = tpu.memref_slice %arg9[%add3A_119, %dma_wait3A_122] : memref<25600x128xf32, #tpu.memory_space<hbm>> -> memref<80x128xf32, #tpu.memory_space<hbm>>
    tpu.wait_dma2 semaphore(%arg35 : memref<!tpu.dma_semaphore, #tpu.memory_space<semaphore_mem>>) src(%arg17 : memref<80x128xf32, #tpu.memory_space<vmem>>) dst(%dma_wait3A_123 : memref<80x128xf32, #tpu.memory_space<hbm>>)
    %dma_start3A_124 = arith.constant 3 : i32
    %dma_start3A_125 = arith.constant 0 : i32
    %dma_start3A_126 = tpu.memref_slice %arg12[%dma_start3A_124, %dma_start3A_125] : memref<10x80xi32, #tpu.memory_space<vmem>> -> memref<1x80xi32, #tpu.memory_space<vmem>>
    %dma_start3A_127 = tpu.memref_squeeze %dma_start3A_126 : memref<1x80xi32, #tpu.memory_space<vmem>> -> memref<80xi32, #tpu.memory_space<vmem>>
    %dma_start3A_128 = arith.constant 0 : i32
    %dma_start3A_129 = arith.constant 0 : i32
    %dma_start3A_130 = tpu.memref_slice %arg41[%dma_start3A_128, %dma_start3A_129] : memref<1001x128xf32, #tpu.memory_space<vmem_shared>> -> memref<1001x128xf32, #tpu.memory_space<vmem_shared>>
    tpu.enqueue_indirect_dma source(%dma_start3A_130 : memref<1001x128xf32, #tpu.memory_space<vmem_shared>>) target(%arg17 : memref<80x128xf32, #tpu.memory_space<vmem>>) offsets(%dma_start3A_127 : memref<80xi32, #tpu.memory_space<vmem>>) semaphore(%arg26 : memref<!tpu.dma_semaphore, #tpu.memory_space<semaphore_mem>>)
    %add3A_131 = arith.constant 0 : i32
    %add3A_132 = arith.addi %mul3A_2, %add3A_131 : i32
    %dma_wait3A_133 = arith.constant 0 : i32
    %dma_wait3A_134 = tpu.memref_slice %arg10[%add3A_132, %dma_wait3A_133] : memref<25600x128xf32, #tpu.memory_space<hbm>> -> memref<80x128xf32, #tpu.memory_space<hbm>>
    %dma_wait3A_135 = arith.constant 0 : i32
    %dma_wait3A_136 = tpu.memref_slice %arg10[%add3A_132, %dma_wait3A_135] : memref<25600x128xf32, #tpu.memory_space<hbm>> -> memref<80x128xf32, #tpu.memory_space<hbm>>
    tpu.wait_dma2 semaphore(%arg38 : memref<!tpu.dma_semaphore, #tpu.memory_space<semaphore_mem>>) src(%arg20 : memref<80x128xf32, #tpu.memory_space<vmem>>) dst(%dma_wait3A_136 : memref<80x128xf32, #tpu.memory_space<hbm>>)
    %dma_start3A_137 = arith.constant 3 : i32
    %dma_start3A_138 = arith.constant 0 : i32
    %dma_start3A_139 = tpu.memref_slice %arg13[%dma_start3A_137, %dma_start3A_138] : memref<10x80xi32, #tpu.memory_space<vmem>> -> memref<1x80xi32, #tpu.memory_space<vmem>>
    %dma_start3A_140 = tpu.memref_squeeze %dma_start3A_139 : memref<1x80xi32, #tpu.memory_space<vmem>> -> memref<80xi32, #tpu.memory_space<vmem>>
    %dma_start3A_141 = arith.constant 0 : i32
    %dma_start3A_142 = arith.constant 0 : i32
    %dma_start3A_143 = tpu.memref_slice %arg42[%dma_start3A_141, %dma_start3A_142] : memref<1001x128xf32, #tpu.memory_space<vmem_shared>> -> memref<1001x128xf32, #tpu.memory_space<vmem_shared>>
    tpu.enqueue_indirect_dma source(%dma_start3A_143 : memref<1001x128xf32, #tpu.memory_space<vmem_shared>>) target(%arg20 : memref<80x128xf32, #tpu.memory_space<vmem>>) offsets(%dma_start3A_140 : memref<80xi32, #tpu.memory_space<vmem>>) semaphore(%arg29 : memref<!tpu.dma_semaphore, #tpu.memory_space<semaphore_mem>>)
    %dma_wait3A_144 = arith.constant 1 : i32
    %dma_wait3A_145 = arith.constant 0 : i32
    %dma_wait3A_146 = tpu.memref_slice %arg11[%dma_wait3A_144, %dma_wait3A_145] : memref<10x80xi32, #tpu.memory_space<vmem>> -> memref<1x80xi32, #tpu.memory_space<vmem>>
    %dma_wait3A_147 = tpu.memref_squeeze %dma_wait3A_146 : memref<1x80xi32, #tpu.memory_space<vmem>> -> memref<80xi32, #tpu.memory_space<vmem>>
    %dma_wait3A_148 = arith.constant 0 : i32
    %dma_wait3A_149 = arith.constant 0 : i32
    %dma_wait3A_150 = tpu.memref_slice %arg2[%dma_wait3A_148, %dma_wait3A_149] : memref<100001x128xf32, #tpu.memory_space<hbm>> -> memref<100001x128xf32, #tpu.memory_space<hbm>>
    tpu.wait_indirect_dma semaphore(%arg24 : memref<!tpu.dma_semaphore, #tpu.memory_space<semaphore_mem>>) src(%dma_wait3A_150 : memref<100001x128xf32, #tpu.memory_space<hbm>>) dst(%arg15 : memref<80x128xf32, #tpu.memory_space<vmem>>)
    %add3A_151 = arith.constant 80 : i32
    %add3A_152 = arith.addi %mul3A_2, %add3A_151 : i32
    %dma_start3A_153 = arith.constant 0 : i32
    %dma_start3A_154 = tpu.memref_slice %arg8[%add3A_152, %dma_start3A_153] : memref<25600x128xf32, #tpu.memory_space<hbm>> -> memref<80x128xf32, #tpu.memory_space<hbm>>
    %dma_start3A_155 = arith.constant 0 : i32
    %dma_start3A_156 = tpu.memref_slice %arg8[%add3A_152, %dma_start3A_155] : memref<25600x128xf32, #tpu.memory_space<hbm>> -> memref<80x128xf32, #tpu.memory_space<hbm>>
    tpu.enqueue_dma source(%arg15 : memref<80x128xf32, #tpu.memory_space<vmem>>) target(%dma_start3A_156 : memref<80x128xf32, #tpu.memory_space<hbm>>) target_semaphore(%arg33 : memref<!tpu.dma_semaphore, #tpu.memory_space<semaphore_mem>>)
    %dma_wait3A_157 = arith.constant 1 : i32
    %dma_wait3A_158 = arith.constant 0 : i32
    %dma_wait3A_159 = tpu.memref_slice %arg12[%dma_wait3A_157, %dma_wait3A_158] : memref<10x80xi32, #tpu.memory_space<vmem>> -> memref<1x80xi32, #tpu.memory_space<vmem>>
    %dma_wait3A_160 = tpu.memref_squeeze %dma_wait3A_159 : memref<1x80xi32, #tpu.memory_space<vmem>> -> memref<80xi32, #tpu.memory_space<vmem>>
    %dma_wait3A_161 = arith.constant 0 : i32
    %dma_wait3A_162 = arith.constant 0 : i32
    %dma_wait3A_163 = tpu.memref_slice %arg41[%dma_wait3A_161, %dma_wait3A_162] : memref<1001x128xf32, #tpu.memory_space<vmem_shared>> -> memref<1001x128xf32, #tpu.memory_space<vmem_shared>>
    tpu.wait_indirect_dma semaphore(%arg27 : memref<!tpu.dma_semaphore, #tpu.memory_space<semaphore_mem>>) src(%dma_wait3A_163 : memref<1001x128xf32, #tpu.memory_space<vmem_shared>>) dst(%arg18 : memref<80x128xf32, #tpu.memory_space<vmem>>)
    %add3A_164 = arith.constant 80 : i32
    %add3A_165 = arith.addi %mul3A_2, %add3A_164 : i32
    %dma_start3A_166 = arith.constant 0 : i32
    %dma_start3A_167 = tpu.memref_slice %arg9[%add3A_165, %dma_start3A_166] : memref<25600x128xf32, #tpu.memory_space<hbm>> -> memref<80x128xf32, #tpu.memory_space<hbm>>
    %dma_start3A_168 = arith.constant 0 : i32
    %dma_start3A_169 = tpu.memref_slice %arg9[%add3A_165, %dma_start3A_168] : memref<25600x128xf32, #tpu.memory_space<hbm>> -> memref<80x128xf32, #tpu.memory_space<hbm>>
    tpu.enqueue_dma source(%arg18 : memref<80x128xf32, #tpu.memory_space<vmem>>) target(%dma_start3A_169 : memref<80x128xf32, #tpu.memory_space<hbm>>) target_semaphore(%arg36 : memref<!tpu.dma_semaphore, #tpu.memory_space<semaphore_mem>>)
    %dma_wait3A_170 = arith.constant 1 : i32
    %dma_wait3A_171 = arith.constant 0 : i32
    %dma_wait3A_172 = tpu.memref_slice %arg13[%dma_wait3A_170, %dma_wait3A_171] : memref<10x80xi32, #tpu.memory_space<vmem>> -> memref<1x80xi32, #tpu.memory_space<vmem>>
    %dma_wait3A_173 = tpu.memref_squeeze %dma_wait3A_172 : memref<1x80xi32, #tpu.memory_space<vmem>> -> memref<80xi32, #tpu.memory_space<vmem>>
    %dma_wait3A_174 = arith.constant 0 : i32
    %dma_wait3A_175 = arith.constant 0 : i32
    %dma_wait3A_176 = tpu.memref_slice %arg42[%dma_wait3A_174, %dma_wait3A_175] : memref<1001x128xf32, #tpu.memory_space<vmem_shared>> -> memref<1001x128xf32, #tpu.memory_space<vmem_shared>>
    tpu.wait_indirect_dma semaphore(%arg30 : memref<!tpu.dma_semaphore, #tpu.memory_space<semaphore_mem>>) src(%dma_wait3A_176 : memref<1001x128xf32, #tpu.memory_space<vmem_shared>>) dst(%arg21 : memref<80x128xf32, #tpu.memory_space<vmem>>)
    %add3A_177 = arith.constant 80 : i32
    %add3A_178 = arith.addi %mul3A_2, %add3A_177 : i32
    %dma_start3A_179 = arith.constant 0 : i32
    %dma_start3A_180 = tpu.memref_slice %arg10[%add3A_178, %dma_start3A_179] : memref<25600x128xf32, #tpu.memory_space<hbm>> -> memref<80x128xf32, #tpu.memory_space<hbm>>
    %dma_start3A_181 = arith.constant 0 : i32
    %dma_start3A_182 = tpu.memref_slice %arg10[%add3A_178, %dma_start3A_181] : memref<25600x128xf32, #tpu.memory_space<hbm>> -> memref<80x128xf32, #tpu.memory_space<hbm>>
    tpu.enqueue_dma source(%arg21 : memref<80x128xf32, #tpu.memory_space<vmem>>) target(%dma_start3A_182 : memref<80x128xf32, #tpu.memory_space<hbm>>) target_semaphore(%arg39 : memref<!tpu.dma_semaphore, #tpu.memory_space<semaphore_mem>>)
    %add3A_183 = arith.constant 80 : i32
    %add3A_184 = arith.addi %mul3A_2, %add3A_183 : i32
    %dma_wait3A_185 = arith.constant 0 : i32
    %dma_wait3A_186 = tpu.memref_slice %arg8[%add3A_184, %dma_wait3A_185] : memref<25600x128xf32, #tpu.memory_space<hbm>> -> memref<80x128xf32, #tpu.memory_space<hbm>>
    %dma_wait3A_187 = arith.constant 0 : i32
    %dma_wait3A_188 = tpu.memref_slice %arg8[%add3A_184, %dma_wait3A_187] : memref<25600x128xf32, #tpu.memory_space<hbm>> -> memref<80x128xf32, #tpu.memory_space<hbm>>
    tpu.wait_dma2 semaphore(%arg33 : memref<!tpu.dma_semaphore, #tpu.memory_space<semaphore_mem>>) src(%arg15 : memref<80x128xf32, #tpu.memory_space<vmem>>) dst(%dma_wait3A_188 : memref<80x128xf32, #tpu.memory_space<hbm>>)
    %dma_start3A_189 = arith.constant 4 : i32
    %dma_start3A_190 = arith.constant 0 : i32
    %dma_start3A_191 = tpu.memref_slice %arg11[%dma_start3A_189, %dma_start3A_190] : memref<10x80xi32, #tpu.memory_space<vmem>> -> memref<1x80xi32, #tpu.memory_space<vmem>>
    %dma_start3A_192 = tpu.memref_squeeze %dma_start3A_191 : memref<1x80xi32, #tpu.memory_space<vmem>> -> memref<80xi32, #tpu.memory_space<vmem>>
    %dma_start3A_193 = arith.constant 0 : i32
    %dma_start3A_194 = arith.constant 0 : i32
    %dma_start3A_195 = tpu.memref_slice %arg2[%dma_start3A_193, %dma_start3A_194] : memref<100001x128xf32, #tpu.memory_space<hbm>> -> memref<100001x128xf32, #tpu.memory_space<hbm>>
    tpu.enqueue_indirect_dma source(%dma_start3A_195 : memref<100001x128xf32, #tpu.memory_space<hbm>>) target(%arg15 : memref<80x128xf32, #tpu.memory_space<vmem>>) offsets(%dma_start3A_192 : memref<80xi32, #tpu.memory_space<vmem>>) semaphore(%arg24 : memref<!tpu.dma_semaphore, #tpu.memory_space<semaphore_mem>>)
    %add3A_196 = arith.constant 80 : i32
    %add3A_197 = arith.addi %mul3A_2, %add3A_196 : i32
    %dma_wait3A_198 = arith.constant 0 : i32
    %dma_wait3A_199 = tpu.memref_slice %arg9[%add3A_197, %dma_wait3A_198] : memref<25600x128xf32, #tpu.memory_space<hbm>> -> memref<80x128xf32, #tpu.memory_space<hbm>>
    %dma_wait3A_200 = arith.constant 0 : i32
    %dma_wait3A_201 = tpu.memref_slice %arg9[%add3A_197, %dma_wait3A_200] : memref<25600x128xf32, #tpu.memory_space<hbm>> -> memref<80x128xf32, #tpu.memory_space<hbm>>
    tpu.wait_dma2 semaphore(%arg36 : memref<!tpu.dma_semaphore, #tpu.memory_space<semaphore_mem>>) src(%arg18 : memref<80x128xf32, #tpu.memory_space<vmem>>) dst(%dma_wait3A_201 : memref<80x128xf32, #tpu.memory_space<hbm>>)
    %dma_start3A_202 = arith.constant 4 : i32
    %dma_start3A_203 = arith.constant 0 : i32
    %dma_start3A_204 = tpu.memref_slice %arg12[%dma_start3A_202, %dma_start3A_203] : memref<10x80xi32, #tpu.memory_space<vmem>> -> memref<1x80xi32, #tpu.memory_space<vmem>>
    %dma_start3A_205 = tpu.memref_squeeze %dma_start3A_204 : memref<1x80xi32, #tpu.memory_space<vmem>> -> memref<80xi32, #tpu.memory_space<vmem>>
    %dma_start3A_206 = arith.constant 0 : i32
    %dma_start3A_207 = arith.constant 0 : i32
    %dma_start3A_208 = tpu.memref_slice %arg41[%dma_start3A_206, %dma_start3A_207] : memref<1001x128xf32, #tpu.memory_space<vmem_shared>> -> memref<1001x128xf32, #tpu.memory_space<vmem_shared>>
    tpu.enqueue_indirect_dma source(%dma_start3A_208 : memref<1001x128xf32, #tpu.memory_space<vmem_shared>>) target(%arg18 : memref<80x128xf32, #tpu.memory_space<vmem>>) offsets(%dma_start3A_205 : memref<80xi32, #tpu.memory_space<vmem>>) semaphore(%arg27 : memref<!tpu.dma_semaphore, #tpu.memory_space<semaphore_mem>>)
    %add3A_209 = arith.constant 80 : i32
    %add3A_210 = arith.addi %mul3A_2, %add3A_209 : i32
    %dma_wait3A_211 = arith.constant 0 : i32
    %dma_wait3A_212 = tpu.memref_slice %arg10[%add3A_210, %dma_wait3A_211] : memref<25600x128xf32, #tpu.memory_space<hbm>> -> memref<80x128xf32, #tpu.memory_space<hbm>>
    %dma_wait3A_213 = arith.constant 0 : i32
    %dma_wait3A_214 = tpu.memref_slice %arg10[%add3A_210, %dma_wait3A_213] : memref<25600x128xf32, #tpu.memory_space<hbm>> -> memref<80x128xf32, #tpu.memory_space<hbm>>
    tpu.wait_dma2 semaphore(%arg39 : memref<!tpu.dma_semaphore, #tpu.memory_space<semaphore_mem>>) src(%arg21 : memref<80x128xf32, #tpu.memory_space<vmem>>) dst(%dma_wait3A_214 : memref<80x128xf32, #tpu.memory_space<hbm>>)
    %dma_start3A_215 = arith.constant 4 : i32
    %dma_start3A_216 = arith.constant 0 : i32
    %dma_start3A_217 = tpu.memref_slice %arg13[%dma_start3A_215, %dma_start3A_216] : memref<10x80xi32, #tpu.memory_space<vmem>> -> memref<1x80xi32, #tpu.memory_space<vmem>>
    %dma_start3A_218 = tpu.memref_squeeze %dma_start3A_217 : memref<1x80xi32, #tpu.memory_space<vmem>> -> memref<80xi32, #tpu.memory_space<vmem>>
    %dma_start3A_219 = arith.constant 0 : i32
    %dma_start3A_220 = arith.constant 0 : i32
    %dma_start3A_221 = tpu.memref_slice %arg42[%dma_start3A_219, %dma_start3A_220] : memref<1001x128xf32, #tpu.memory_space<vmem_shared>> -> memref<1001x128xf32, #tpu.memory_space<vmem_shared>>
    tpu.enqueue_indirect_dma source(%dma_start3A_221 : memref<1001x128xf32, #tpu.memory_space<vmem_shared>>) target(%arg21 : memref<80x128xf32, #tpu.memory_space<vmem>>) offsets(%dma_start3A_218 : memref<80xi32, #tpu.memory_space<vmem>>) semaphore(%arg30 : memref<!tpu.dma_semaphore, #tpu.memory_space<semaphore_mem>>)
    %dma_wait3A_222 = arith.constant 2 : i32
    %dma_wait3A_223 = arith.constant 0 : i32
    %dma_wait3A_224 = tpu.memref_slice %arg11[%dma_wait3A_222, %dma_wait3A_223] : memref<10x80xi32, #tpu.memory_space<vmem>> -> memref<1x80xi32, #tpu.memory_space<vmem>>
    %dma_wait3A_225 = tpu.memref_squeeze %dma_wait3A_224 : memref<1x80xi32, #tpu.memory_space<vmem>> -> memref<80xi32, #tpu.memory_space<vmem>>
    %dma_wait3A_226 = arith.constant 0 : i32
    %dma_wait3A_227 = arith.constant 0 : i32
    %dma_wait3A_228 = tpu.memref_slice %arg2[%dma_wait3A_226, %dma_wait3A_227] : memref<100001x128xf32, #tpu.memory_space<hbm>> -> memref<100001x128xf32, #tpu.memory_space<hbm>>
    tpu.wait_indirect_dma semaphore(%arg25 : memref<!tpu.dma_semaphore, #tpu.memory_space<semaphore_mem>>) src(%dma_wait3A_228 : memref<100001x128xf32, #tpu.memory_space<hbm>>) dst(%arg16 : memref<80x128xf32, #tpu.memory_space<vmem>>)
    %add3A_229 = arith.constant 160 : i32
    %add3A_230 = arith.addi %mul3A_2, %add3A_229 : i32
    %dma_start3A_231 = arith.constant 0 : i32
    %dma_start3A_232 = tpu.memref_slice %arg8[%add3A_230, %dma_start3A_231] : memref<25600x128xf32, #tpu.memory_space<hbm>> -> memref<80x128xf32, #tpu.memory_space<hbm>>
    %dma_start3A_233 = arith.constant 0 : i32
    %dma_start3A_234 = tpu.memref_slice %arg8[%add3A_230, %dma_start3A_233] : memref<25600x128xf32, #tpu.memory_space<hbm>> -> memref<80x128xf32, #tpu.memory_space<hbm>>
    tpu.enqueue_dma source(%arg16 : memref<80x128xf32, #tpu.memory_space<vmem>>) target(%dma_start3A_234 : memref<80x128xf32, #tpu.memory_space<hbm>>) target_semaphore(%arg34 : memref<!tpu.dma_semaphore, #tpu.memory_space<semaphore_mem>>)
    %dma_wait3A_235 = arith.constant 2 : i32
    %dma_wait3A_236 = arith.constant 0 : i32
    %dma_wait3A_237 = tpu.memref_slice %arg12[%dma_wait3A_235, %dma_wait3A_236] : memref<10x80xi32, #tpu.memory_space<vmem>> -> memref<1x80xi32, #tpu.memory_space<vmem>>
    %dma_wait3A_238 = tpu.memref_squeeze %dma_wait3A_237 : memref<1x80xi32, #tpu.memory_space<vmem>> -> memref<80xi32, #tpu.memory_space<vmem>>
    %dma_wait3A_239 = arith.constant 0 : i32
    %dma_wait3A_240 = arith.constant 0 : i32
    %dma_wait3A_241 = tpu.memref_slice %arg41[%dma_wait3A_239, %dma_wait3A_240] : memref<1001x128xf32, #tpu.memory_space<vmem_shared>> -> memref<1001x128xf32, #tpu.memory_space<vmem_shared>>
    tpu.wait_indirect_dma semaphore(%arg28 : memref<!tpu.dma_semaphore, #tpu.memory_space<semaphore_mem>>) src(%dma_wait3A_241 : memref<1001x128xf32, #tpu.memory_space<vmem_shared>>) dst(%arg19 : memref<80x128xf32, #tpu.memory_space<vmem>>)
    %add3A_242 = arith.constant 160 : i32
    %add3A_243 = arith.addi %mul3A_2, %add3A_242 : i32
    %dma_start3A_244 = arith.constant 0 : i32
    %dma_start3A_245 = tpu.memref_slice %arg9[%add3A_243, %dma_start3A_244] : memref<25600x128xf32, #tpu.memory_space<hbm>> -> memref<80x128xf32, #tpu.memory_space<hbm>>
    %dma_start3A_246 = arith.constant 0 : i32
    %dma_start3A_247 = tpu.memref_slice %arg9[%add3A_243, %dma_start3A_246] : memref<25600x128xf32, #tpu.memory_space<hbm>> -> memref<80x128xf32, #tpu.memory_space<hbm>>
    tpu.enqueue_dma source(%arg19 : memref<80x128xf32, #tpu.memory_space<vmem>>) target(%dma_start3A_247 : memref<80x128xf32, #tpu.memory_space<hbm>>) target_semaphore(%arg37 : memref<!tpu.dma_semaphore, #tpu.memory_space<semaphore_mem>>)
    %dma_wait3A_248 = arith.constant 2 : i32
    %dma_wait3A_249 = arith.constant 0 : i32
    %dma_wait3A_250 = tpu.memref_slice %arg13[%dma_wait3A_248, %dma_wait3A_249] : memref<10x80xi32, #tpu.memory_space<vmem>> -> memref<1x80xi32, #tpu.memory_space<vmem>>
    %dma_wait3A_251 = tpu.memref_squeeze %dma_wait3A_250 : memref<1x80xi32, #tpu.memory_space<vmem>> -> memref<80xi32, #tpu.memory_space<vmem>>
    %dma_wait3A_252 = arith.constant 0 : i32
    %dma_wait3A_253 = arith.constant 0 : i32
    %dma_wait3A_254 = tpu.memref_slice %arg42[%dma_wait3A_252, %dma_wait3A_253] : memref<1001x128xf32, #tpu.memory_space<vmem_shared>> -> memref<1001x128xf32, #tpu.memory_space<vmem_shared>>
    tpu.wait_indirect_dma semaphore(%arg31 : memref<!tpu.dma_semaphore, #tpu.memory_space<semaphore_mem>>) src(%dma_wait3A_254 : memref<1001x128xf32, #tpu.memory_space<vmem_shared>>) dst(%arg22 : memref<80x128xf32, #tpu.memory_space<vmem>>)
    %add3A_255 = arith.constant 160 : i32
    %add3A_256 = arith.addi %mul3A_2, %add3A_255 : i32
    %dma_start3A_257 = arith.constant 0 : i32
    %dma_start3A_258 = tpu.memref_slice %arg10[%add3A_256, %dma_start3A_257] : memref<25600x128xf32, #tpu.memory_space<hbm>> -> memref<80x128xf32, #tpu.memory_space<hbm>>
    %dma_start3A_259 = arith.constant 0 : i32
    %dma_start3A_260 = tpu.memref_slice %arg10[%add3A_256, %dma_start3A_259] : memref<25600x128xf32, #tpu.memory_space<hbm>> -> memref<80x128xf32, #tpu.memory_space<hbm>>
    tpu.enqueue_dma source(%arg22 : memref<80x128xf32, #tpu.memory_space<vmem>>) target(%dma_start3A_260 : memref<80x128xf32, #tpu.memory_space<hbm>>) target_semaphore(%arg40 : memref<!tpu.dma_semaphore, #tpu.memory_space<semaphore_mem>>)
    %add3A_261 = arith.constant 160 : i32
    %add3A_262 = arith.addi %mul3A_2, %add3A_261 : i32
    %dma_wait3A_263 = arith.constant 0 : i32
    %dma_wait3A_264 = tpu.memref_slice %arg8[%add3A_262, %dma_wait3A_263] : memref<25600x128xf32, #tpu.memory_space<hbm>> -> memref<80x128xf32, #tpu.memory_space<hbm>>
    %dma_wait3A_265 = arith.constant 0 : i32
    %dma_wait3A_266 = tpu.memref_slice %arg8[%add3A_262, %dma_wait3A_265] : memref<25600x128xf32, #tpu.memory_space<hbm>> -> memref<80x128xf32, #tpu.memory_space<hbm>>
    tpu.wait_dma2 semaphore(%arg34 : memref<!tpu.dma_semaphore, #tpu.memory_space<semaphore_mem>>) src(%arg16 : memref<80x128xf32, #tpu.memory_space<vmem>>) dst(%dma_wait3A_266 : memref<80x128xf32, #tpu.memory_space<hbm>>)
    %dma_start3A_267 = arith.constant 5 : i32
    %dma_start3A_268 = arith.constant 0 : i32
    %dma_start3A_269 = tpu.memref_slice %arg11[%dma_start3A_267, %dma_start3A_268] : memref<10x80xi32, #tpu.memory_space<vmem>> -> memref<1x80xi32, #tpu.memory_space<vmem>>
    %dma_start3A_270 = tpu.memref_squeeze %dma_start3A_269 : memref<1x80xi32, #tpu.memory_space<vmem>> -> memref<80xi32, #tpu.memory_space<vmem>>
    %dma_start3A_271 = arith.constant 0 : i32
    %dma_start3A_272 = arith.constant 0 : i32
    %dma_start3A_273 = tpu.memref_slice %arg2[%dma_start3A_271, %dma_start3A_272] : memref<100001x128xf32, #tpu.memory_space<hbm>> -> memref<100001x128xf32, #tpu.memory_space<hbm>>
    tpu.enqueue_indirect_dma source(%dma_start3A_273 : memref<100001x128xf32, #tpu.memory_space<hbm>>) target(%arg16 : memref<80x128xf32, #tpu.memory_space<vmem>>) offsets(%dma_start3A_270 : memref<80xi32, #tpu.memory_space<vmem>>) semaphore(%arg25 : memref<!tpu.dma_semaphore, #tpu.memory_space<semaphore_mem>>)
    %add3A_274 = arith.constant 160 : i32
    %add3A_275 = arith.addi %mul3A_2, %add3A_274 : i32
    %dma_wait3A_276 = arith.constant 0 : i32
    %dma_wait3A_277 = tpu.memref_slice %arg9[%add3A_275, %dma_wait3A_276] : memref<25600x128xf32, #tpu.memory_space<hbm>> -> memref<80x128xf32, #tpu.memory_space<hbm>>
    %dma_wait3A_278 = arith.constant 0 : i32
    %dma_wait3A_279 = tpu.memref_slice %arg9[%add3A_275, %dma_wait3A_278] : memref<25600x128xf32, #tpu.memory_space<hbm>> -> memref<80x128xf32, #tpu.memory_space<hbm>>
    tpu.wait_dma2 semaphore(%arg37 : memref<!tpu.dma_semaphore, #tpu.memory_space<semaphore_mem>>) src(%arg19 : memref<80x128xf32, #tpu.memory_space<vmem>>) dst(%dma_wait3A_279 : memref<80x128xf32, #tpu.memory_space<hbm>>)
    %dma_start3A_280 = arith.constant 5 : i32
    %dma_start3A_281 = arith.constant 0 : i32
    %dma_start3A_282 = tpu.memref_slice %arg12[%dma_start3A_280, %dma_start3A_281] : memref<10x80xi32, #tpu.memory_space<vmem>> -> memref<1x80xi32, #tpu.memory_space<vmem>>
    %dma_start3A_283 = tpu.memref_squeeze %dma_start3A_282 : memref<1x80xi32, #tpu.memory_space<vmem>> -> memref<80xi32, #tpu.memory_space<vmem>>
    %dma_start3A_284 = arith.constant 0 : i32
    %dma_start3A_285 = arith.constant 0 : i32
    %dma_start3A_286 = tpu.memref_slice %arg41[%dma_start3A_284, %dma_start3A_285] : memref<1001x128xf32, #tpu.memory_space<vmem_shared>> -> memref<1001x128xf32, #tpu.memory_space<vmem_shared>>
    tpu.enqueue_indirect_dma source(%dma_start3A_286 : memref<1001x128xf32, #tpu.memory_space<vmem_shared>>) target(%arg19 : memref<80x128xf32, #tpu.memory_space<vmem>>) offsets(%dma_start3A_283 : memref<80xi32, #tpu.memory_space<vmem>>) semaphore(%arg28 : memref<!tpu.dma_semaphore, #tpu.memory_space<semaphore_mem>>)
    %add3A_287 = arith.constant 160 : i32
    %add3A_288 = arith.addi %mul3A_2, %add3A_287 : i32
    %dma_wait3A_289 = arith.constant 0 : i32
    %dma_wait3A_290 = tpu.memref_slice %arg10[%add3A_288, %dma_wait3A_289] : memref<25600x128xf32, #tpu.memory_space<hbm>> -> memref<80x128xf32, #tpu.memory_space<hbm>>
    %dma_wait3A_291 = arith.constant 0 : i32
    %dma_wait3A_292 = tpu.memref_slice %arg10[%add3A_288, %dma_wait3A_291] : memref<25600x128xf32, #tpu.memory_space<hbm>> -> memref<80x128xf32, #tpu.memory_space<hbm>>
    tpu.wait_dma2 semaphore(%arg40 : memref<!tpu.dma_semaphore, #tpu.memory_space<semaphore_mem>>) src(%arg22 : memref<80x128xf32, #tpu.memory_space<vmem>>) dst(%dma_wait3A_292 : memref<80x128xf32, #tpu.memory_space<hbm>>)
    %dma_start3A_293 = arith.constant 5 : i32
    %dma_start3A_294 = arith.constant 0 : i32
    %dma_start3A_295 = tpu.memref_slice %arg13[%dma_start3A_293, %dma_start3A_294] : memref<10x80xi32, #tpu.memory_space<vmem>> -> memref<1x80xi32, #tpu.memory_space<vmem>>
    %dma_start3A_296 = tpu.memref_squeeze %dma_start3A_295 : memref<1x80xi32, #tpu.memory_space<vmem>> -> memref<80xi32, #tpu.memory_space<vmem>>
    %dma_start3A_297 = arith.constant 0 : i32
    %dma_start3A_298 = arith.constant 0 : i32
    %dma_start3A_299 = tpu.memref_slice %arg42[%dma_start3A_297, %dma_start3A_298] : memref<1001x128xf32, #tpu.memory_space<vmem_shared>> -> memref<1001x128xf32, #tpu.memory_space<vmem_shared>>
    tpu.enqueue_indirect_dma source(%dma_start3A_299 : memref<1001x128xf32, #tpu.memory_space<vmem_shared>>) target(%arg22 : memref<80x128xf32, #tpu.memory_space<vmem>>) offsets(%dma_start3A_296 : memref<80xi32, #tpu.memory_space<vmem>>) semaphore(%arg31 : memref<!tpu.dma_semaphore, #tpu.memory_space<semaphore_mem>>)
    %dma_wait3A_300 = arith.constant 3 : i32
    %dma_wait3A_301 = arith.constant 0 : i32
    %dma_wait3A_302 = tpu.memref_slice %arg11[%dma_wait3A_300, %dma_wait3A_301] : memref<10x80xi32, #tpu.memory_space<vmem>> -> memref<1x80xi32, #tpu.memory_space<vmem>>
    %dma_wait3A_303 = tpu.memref_squeeze %dma_wait3A_302 : memref<1x80xi32, #tpu.memory_space<vmem>> -> memref<80xi32, #tpu.memory_space<vmem>>
    %dma_wait3A_304 = arith.constant 0 : i32
    %dma_wait3A_305 = arith.constant 0 : i32
    %dma_wait3A_306 = tpu.memref_slice %arg2[%dma_wait3A_304, %dma_wait3A_305] : memref<100001x128xf32, #tpu.memory_space<hbm>> -> memref<100001x128xf32, #tpu.memory_space<hbm>>
    tpu.wait_indirect_dma semaphore(%arg23 : memref<!tpu.dma_semaphore, #tpu.memory_space<semaphore_mem>>) src(%dma_wait3A_306 : memref<100001x128xf32, #tpu.memory_space<hbm>>) dst(%arg14 : memref<80x128xf32, #tpu.memory_space<vmem>>)
    %add3A_307 = arith.constant 240 : i32
    %add3A_308 = arith.addi %mul3A_2, %add3A_307 : i32
    %dma_start3A_309 = arith.constant 0 : i32
    %dma_start3A_310 = tpu.memref_slice %arg8[%add3A_308, %dma_start3A_309] : memref<25600x128xf32, #tpu.memory_space<hbm>> -> memref<80x128xf32, #tpu.memory_space<hbm>>
    %dma_start3A_311 = arith.constant 0 : i32
    %dma_start3A_312 = tpu.memref_slice %arg8[%add3A_308, %dma_start3A_311] : memref<25600x128xf32, #tpu.memory_space<hbm>> -> memref<80x128xf32, #tpu.memory_space<hbm>>
    tpu.enqueue_dma source(%arg14 : memref<80x128xf32, #tpu.memory_space<vmem>>) target(%dma_start3A_312 : memref<80x128xf32, #tpu.memory_space<hbm>>) target_semaphore(%arg32 : memref<!tpu.dma_semaphore, #tpu.memory_space<semaphore_mem>>)
    %dma_wait3A_313 = arith.constant 3 : i32
    %dma_wait3A_314 = arith.constant 0 : i32
    %dma_wait3A_315 = tpu.memref_slice %arg12[%dma_wait3A_313, %dma_wait3A_314] : memref<10x80xi32, #tpu.memory_space<vmem>> -> memref<1x80xi32, #tpu.memory_space<vmem>>
    %dma_wait3A_316 = tpu.memref_squeeze %dma_wait3A_315 : memref<1x80xi32, #tpu.memory_space<vmem>> -> memref<80xi32, #tpu.memory_space<vmem>>
    %dma_wait3A_317 = arith.constant 0 : i32
    %dma_wait3A_318 = arith.constant 0 : i32
    %dma_wait3A_319 = tpu.memref_slice %arg41[%dma_wait3A_317, %dma_wait3A_318] : memref<1001x128xf32, #tpu.memory_space<vmem_shared>> -> memref<1001x128xf32, #tpu.memory_space<vmem_shared>>
    tpu.wait_indirect_dma semaphore(%arg26 : memref<!tpu.dma_semaphore, #tpu.memory_space<semaphore_mem>>) src(%dma_wait3A_319 : memref<1001x128xf32, #tpu.memory_space<vmem_shared>>) dst(%arg17 : memref<80x128xf32, #tpu.memory_space<vmem>>)
    %add3A_320 = arith.constant 240 : i32
    %add3A_321 = arith.addi %mul3A_2, %add3A_320 : i32
    %dma_start3A_322 = arith.constant 0 : i32
    %dma_start3A_323 = tpu.memref_slice %arg9[%add3A_321, %dma_start3A_322] : memref<25600x128xf32, #tpu.memory_space<hbm>> -> memref<80x128xf32, #tpu.memory_space<hbm>>
    %dma_start3A_324 = arith.constant 0 : i32
    %dma_start3A_325 = tpu.memref_slice %arg9[%add3A_321, %dma_start3A_324] : memref<25600x128xf32, #tpu.memory_space<hbm>> -> memref<80x128xf32, #tpu.memory_space<hbm>>
    tpu.enqueue_dma source(%arg17 : memref<80x128xf32, #tpu.memory_space<vmem>>) target(%dma_start3A_325 : memref<80x128xf32, #tpu.memory_space<hbm>>) target_semaphore(%arg35 : memref<!tpu.dma_semaphore, #tpu.memory_space<semaphore_mem>>)
    %dma_wait3A_326 = arith.constant 3 : i32
    %dma_wait3A_327 = arith.constant 0 : i32
    %dma_wait3A_328 = tpu.memref_slice %arg13[%dma_wait3A_326, %dma_wait3A_327] : memref<10x80xi32, #tpu.memory_space<vmem>> -> memref<1x80xi32, #tpu.memory_space<vmem>>
    %dma_wait3A_329 = tpu.memref_squeeze %dma_wait3A_328 : memref<1x80xi32, #tpu.memory_space<vmem>> -> memref<80xi32, #tpu.memory_space<vmem>>
    %dma_wait3A_330 = arith.constant 0 : i32
    %dma_wait3A_331 = arith.constant 0 : i32
    %dma_wait3A_332 = tpu.memref_slice %arg42[%dma_wait3A_330, %dma_wait3A_331] : memref<1001x128xf32, #tpu.memory_space<vmem_shared>> -> memref<1001x128xf32, #tpu.memory_space<vmem_shared>>
    tpu.wait_indirect_dma semaphore(%arg29 : memref<!tpu.dma_semaphore, #tpu.memory_space<semaphore_mem>>) src(%dma_wait3A_332 : memref<1001x128xf32, #tpu.memory_space<vmem_shared>>) dst(%arg20 : memref<80x128xf32, #tpu.memory_space<vmem>>)
    %add3A_333 = arith.constant 240 : i32
    %add3A_334 = arith.addi %mul3A_2, %add3A_333 : i32
    %dma_start3A_335 = arith.constant 0 : i32
    %dma_start3A_336 = tpu.memref_slice %arg10[%add3A_334, %dma_start3A_335] : memref<25600x128xf32, #tpu.memory_space<hbm>> -> memref<80x128xf32, #tpu.memory_space<hbm>>
    %dma_start3A_337 = arith.constant 0 : i32
    %dma_start3A_338 = tpu.memref_slice %arg10[%add3A_334, %dma_start3A_337] : memref<25600x128xf32, #tpu.memory_space<hbm>> -> memref<80x128xf32, #tpu.memory_space<hbm>>
    tpu.enqueue_dma source(%arg20 : memref<80x128xf32, #tpu.memory_space<vmem>>) target(%dma_start3A_338 : memref<80x128xf32, #tpu.memory_space<hbm>>) target_semaphore(%arg38 : memref<!tpu.dma_semaphore, #tpu.memory_space<semaphore_mem>>)
    %add3A_339 = arith.constant 240 : i32
    %add3A_340 = arith.addi %mul3A_2, %add3A_339 : i32
    %dma_wait3A_341 = arith.constant 0 : i32
    %dma_wait3A_342 = tpu.memref_slice %arg8[%add3A_340, %dma_wait3A_341] : memref<25600x128xf32, #tpu.memory_space<hbm>> -> memref<80x128xf32, #tpu.memory_space<hbm>>
    %dma_wait3A_343 = arith.constant 0 : i32
    %dma_wait3A_344 = tpu.memref_slice %arg8[%add3A_340, %dma_wait3A_343] : memref<25600x128xf32, #tpu.memory_space<hbm>> -> memref<80x128xf32, #tpu.memory_space<hbm>>
    tpu.wait_dma2 semaphore(%arg32 : memref<!tpu.dma_semaphore, #tpu.memory_space<semaphore_mem>>) src(%arg14 : memref<80x128xf32, #tpu.memory_space<vmem>>) dst(%dma_wait3A_344 : memref<80x128xf32, #tpu.memory_space<hbm>>)
    %dma_start3A_345 = arith.constant 6 : i32
    %dma_start3A_346 = arith.constant 0 : i32
    %dma_start3A_347 = tpu.memref_slice %arg11[%dma_start3A_345, %dma_start3A_346] : memref<10x80xi32, #tpu.memory_space<vmem>> -> memref<1x80xi32, #tpu.memory_space<vmem>>
    %dma_start3A_348 = tpu.memref_squeeze %dma_start3A_347 : memref<1x80xi32, #tpu.memory_space<vmem>> -> memref<80xi32, #tpu.memory_space<vmem>>
    %dma_start3A_349 = arith.constant 0 : i32
    %dma_start3A_350 = arith.constant 0 : i32
    %dma_start3A_351 = tpu.memref_slice %arg2[%dma_start3A_349, %dma_start3A_350] : memref<100001x128xf32, #tpu.memory_space<hbm>> -> memref<100001x128xf32, #tpu.memory_space<hbm>>
    tpu.enqueue_indirect_dma source(%dma_start3A_351 : memref<100001x128xf32, #tpu.memory_space<hbm>>) target(%arg14 : memref<80x128xf32, #tpu.memory_space<vmem>>) offsets(%dma_start3A_348 : memref<80xi32, #tpu.memory_space<vmem>>) semaphore(%arg23 : memref<!tpu.dma_semaphore, #tpu.memory_space<semaphore_mem>>)
    %add3A_352 = arith.constant 240 : i32
    %add3A_353 = arith.addi %mul3A_2, %add3A_352 : i32
    %dma_wait3A_354 = arith.constant 0 : i32
    %dma_wait3A_355 = tpu.memref_slice %arg9[%add3A_353, %dma_wait3A_354] : memref<25600x128xf32, #tpu.memory_space<hbm>> -> memref<80x128xf32, #tpu.memory_space<hbm>>
    %dma_wait3A_356 = arith.constant 0 : i32
    %dma_wait3A_357 = tpu.memref_slice %arg9[%add3A_353, %dma_wait3A_356] : memref<25600x128xf32, #tpu.memory_space<hbm>> -> memref<80x128xf32, #tpu.memory_space<hbm>>
    tpu.wait_dma2 semaphore(%arg35 : memref<!tpu.dma_semaphore, #tpu.memory_space<semaphore_mem>>) src(%arg17 : memref<80x128xf32, #tpu.memory_space<vmem>>) dst(%dma_wait3A_357 : memref<80x128xf32, #tpu.memory_space<hbm>>)
    %dma_start3A_358 = arith.constant 6 : i32
    %dma_start3A_359 = arith.constant 0 : i32
    %dma_start3A_360 = tpu.memref_slice %arg12[%dma_start3A_358, %dma_start3A_359] : memref<10x80xi32, #tpu.memory_space<vmem>> -> memref<1x80xi32, #tpu.memory_space<vmem>>
    %dma_start3A_361 = tpu.memref_squeeze %dma_start3A_360 : memref<1x80xi32, #tpu.memory_space<vmem>> -> memref<80xi32, #tpu.memory_space<vmem>>
    %dma_start3A_362 = arith.constant 0 : i32
    %dma_start3A_363 = arith.constant 0 : i32
    %dma_start3A_364 = tpu.memref_slice %arg41[%dma_start3A_362, %dma_start3A_363] : memref<1001x128xf32, #tpu.memory_space<vmem_shared>> -> memref<1001x128xf32, #tpu.memory_space<vmem_shared>>
    tpu.enqueue_indirect_dma source(%dma_start3A_364 : memref<1001x128xf32, #tpu.memory_space<vmem_shared>>) target(%arg17 : memref<80x128xf32, #tpu.memory_space<vmem>>) offsets(%dma_start3A_361 : memref<80xi32, #tpu.memory_space<vmem>>) semaphore(%arg26 : memref<!tpu.dma_semaphore, #tpu.memory_space<semaphore_mem>>)
    %add3A_365 = arith.constant 240 : i32
    %add3A_366 = arith.addi %mul3A_2, %add3A_365 : i32
    %dma_wait3A_367 = arith.constant 0 : i32
    %dma_wait3A_368 = tpu.memref_slice %arg10[%add3A_366, %dma_wait3A_367] : memref<25600x128xf32, #tpu.memory_space<hbm>> -> memref<80x128xf32, #tpu.memory_space<hbm>>
    %dma_wait3A_369 = arith.constant 0 : i32
    %dma_wait3A_370 = tpu.memref_slice %arg10[%add3A_366, %dma_wait3A_369] : memref<25600x128xf32, #tpu.memory_space<hbm>> -> memref<80x128xf32, #tpu.memory_space<hbm>>
    tpu.wait_dma2 semaphore(%arg38 : memref<!tpu.dma_semaphore, #tpu.memory_space<semaphore_mem>>) src(%arg20 : memref<80x128xf32, #tpu.memory_space<vmem>>) dst(%dma_wait3A_370 : memref<80x128xf32, #tpu.memory_space<hbm>>)
    %dma_start3A_371 = arith.constant 6 : i32
    %dma_start3A_372 = arith.constant 0 : i32
    %dma_start3A_373 = tpu.memref_slice %arg13[%dma_start3A_371, %dma_start3A_372] : memref<10x80xi32, #tpu.memory_space<vmem>> -> memref<1x80xi32, #tpu.memory_space<vmem>>
    %dma_start3A_374 = tpu.memref_squeeze %dma_start3A_373 : memref<1x80xi32, #tpu.memory_space<vmem>> -> memref<80xi32, #tpu.memory_space<vmem>>
    %dma_start3A_375 = arith.constant 0 : i32
    %dma_start3A_376 = arith.constant 0 : i32
    %dma_start3A_377 = tpu.memref_slice %arg42[%dma_start3A_375, %dma_start3A_376] : memref<1001x128xf32, #tpu.memory_space<vmem_shared>> -> memref<1001x128xf32, #tpu.memory_space<vmem_shared>>
    tpu.enqueue_indirect_dma source(%dma_start3A_377 : memref<1001x128xf32, #tpu.memory_space<vmem_shared>>) target(%arg20 : memref<80x128xf32, #tpu.memory_space<vmem>>) offsets(%dma_start3A_374 : memref<80xi32, #tpu.memory_space<vmem>>) semaphore(%arg29 : memref<!tpu.dma_semaphore, #tpu.memory_space<semaphore_mem>>)
    %dma_wait3A_378 = arith.constant 4 : i32
    %dma_wait3A_379 = arith.constant 0 : i32
    %dma_wait3A_380 = tpu.memref_slice %arg11[%dma_wait3A_378, %dma_wait3A_379] : memref<10x80xi32, #tpu.memory_space<vmem>> -> memref<1x80xi32, #tpu.memory_space<vmem>>
    %dma_wait3A_381 = tpu.memref_squeeze %dma_wait3A_380 : memref<1x80xi32, #tpu.memory_space<vmem>> -> memref<80xi32, #tpu.memory_space<vmem>>
    %dma_wait3A_382 = arith.constant 0 : i32
    %dma_wait3A_383 = arith.constant 0 : i32
    %dma_wait3A_384 = tpu.memref_slice %arg2[%dma_wait3A_382, %dma_wait3A_383] : memref<100001x128xf32, #tpu.memory_space<hbm>> -> memref<100001x128xf32, #tpu.memory_space<hbm>>
    tpu.wait_indirect_dma semaphore(%arg24 : memref<!tpu.dma_semaphore, #tpu.memory_space<semaphore_mem>>) src(%dma_wait3A_384 : memref<100001x128xf32, #tpu.memory_space<hbm>>) dst(%arg15 : memref<80x128xf32, #tpu.memory_space<vmem>>)
    %add3A_385 = arith.constant 320 : i32
    %add3A_386 = arith.addi %mul3A_2, %add3A_385 : i32
    %dma_start3A_387 = arith.constant 0 : i32
    %dma_start3A_388 = tpu.memref_slice %arg8[%add3A_386, %dma_start3A_387] : memref<25600x128xf32, #tpu.memory_space<hbm>> -> memref<80x128xf32, #tpu.memory_space<hbm>>
    %dma_start3A_389 = arith.constant 0 : i32
    %dma_start3A_390 = tpu.memref_slice %arg8[%add3A_386, %dma_start3A_389] : memref<25600x128xf32, #tpu.memory_space<hbm>> -> memref<80x128xf32, #tpu.memory_space<hbm>>
    tpu.enqueue_dma source(%arg15 : memref<80x128xf32, #tpu.memory_space<vmem>>) target(%dma_start3A_390 : memref<80x128xf32, #tpu.memory_space<hbm>>) target_semaphore(%arg33 : memref<!tpu.dma_semaphore, #tpu.memory_space<semaphore_mem>>)
    %dma_wait3A_391 = arith.constant 4 : i32
    %dma_wait3A_392 = arith.constant 0 : i32
    %dma_wait3A_393 = tpu.memref_slice %arg12[%dma_wait3A_391, %dma_wait3A_392] : memref<10x80xi32, #tpu.memory_space<vmem>> -> memref<1x80xi32, #tpu.memory_space<vmem>>
    %dma_wait3A_394 = tpu.memref_squeeze %dma_wait3A_393 : memref<1x80xi32, #tpu.memory_space<vmem>> -> memref<80xi32, #tpu.memory_space<vmem>>
    %dma_wait3A_395 = arith.constant 0 : i32
    %dma_wait3A_396 = arith.constant 0 : i32
    %dma_wait3A_397 = tpu.memref_slice %arg41[%dma_wait3A_395, %dma_wait3A_396] : memref<1001x128xf32, #tpu.memory_space<vmem_shared>> -> memref<1001x128xf32, #tpu.memory_space<vmem_shared>>
    tpu.wait_indirect_dma semaphore(%arg27 : memref<!tpu.dma_semaphore, #tpu.memory_space<semaphore_mem>>) src(%dma_wait3A_397 : memref<1001x128xf32, #tpu.memory_space<vmem_shared>>) dst(%arg18 : memref<80x128xf32, #tpu.memory_space<vmem>>)
    %add3A_398 = arith.constant 320 : i32
    %add3A_399 = arith.addi %mul3A_2, %add3A_398 : i32
    %dma_start3A_400 = arith.constant 0 : i32
    %dma_start3A_401 = tpu.memref_slice %arg9[%add3A_399, %dma_start3A_400] : memref<25600x128xf32, #tpu.memory_space<hbm>> -> memref<80x128xf32, #tpu.memory_space<hbm>>
    %dma_start3A_402 = arith.constant 0 : i32
    %dma_start3A_403 = tpu.memref_slice %arg9[%add3A_399, %dma_start3A_402] : memref<25600x128xf32, #tpu.memory_space<hbm>> -> memref<80x128xf32, #tpu.memory_space<hbm>>
    tpu.enqueue_dma source(%arg18 : memref<80x128xf32, #tpu.memory_space<vmem>>) target(%dma_start3A_403 : memref<80x128xf32, #tpu.memory_space<hbm>>) target_semaphore(%arg36 : memref<!tpu.dma_semaphore, #tpu.memory_space<semaphore_mem>>)
    %dma_wait3A_404 = arith.constant 4 : i32
    %dma_wait3A_405 = arith.constant 0 : i32
    %dma_wait3A_406 = tpu.memref_slice %arg13[%dma_wait3A_404, %dma_wait3A_405] : memref<10x80xi32, #tpu.memory_space<vmem>> -> memref<1x80xi32, #tpu.memory_space<vmem>>
    %dma_wait3A_407 = tpu.memref_squeeze %dma_wait3A_406 : memref<1x80xi32, #tpu.memory_space<vmem>> -> memref<80xi32, #tpu.memory_space<vmem>>
    %dma_wait3A_408 = arith.constant 0 : i32
    %dma_wait3A_409 = arith.constant 0 : i32
    %dma_wait3A_410 = tpu.memref_slice %arg42[%dma_wait3A_408, %dma_wait3A_409] : memref<1001x128xf32, #tpu.memory_space<vmem_shared>> -> memref<1001x128xf32, #tpu.memory_space<vmem_shared>>
    tpu.wait_indirect_dma semaphore(%arg30 : memref<!tpu.dma_semaphore, #tpu.memory_space<semaphore_mem>>) src(%dma_wait3A_410 : memref<1001x128xf32, #tpu.memory_space<vmem_shared>>) dst(%arg21 : memref<80x128xf32, #tpu.memory_space<vmem>>)
    %add3A_411 = arith.constant 320 : i32
    %add3A_412 = arith.addi %mul3A_2, %add3A_411 : i32
    %dma_start3A_413 = arith.constant 0 : i32
    %dma_start3A_414 = tpu.memref_slice %arg10[%add3A_412, %dma_start3A_413] : memref<25600x128xf32, #tpu.memory_space<hbm>> -> memref<80x128xf32, #tpu.memory_space<hbm>>
    %dma_start3A_415 = arith.constant 0 : i32
    %dma_start3A_416 = tpu.memref_slice %arg10[%add3A_412, %dma_start3A_415] : memref<25600x128xf32, #tpu.memory_space<hbm>> -> memref<80x128xf32, #tpu.memory_space<hbm>>
    tpu.enqueue_dma source(%arg21 : memref<80x128xf32, #tpu.memory_space<vmem>>) target(%dma_start3A_416 : memref<80x128xf32, #tpu.memory_space<hbm>>) target_semaphore(%arg39 : memref<!tpu.dma_semaphore, #tpu.memory_space<semaphore_mem>>)
    %add3A_417 = arith.constant 320 : i32
    %add3A_418 = arith.addi %mul3A_2, %add3A_417 : i32
    %dma_wait3A_419 = arith.constant 0 : i32
    %dma_wait3A_420 = tpu.memref_slice %arg8[%add3A_418, %dma_wait3A_419] : memref<25600x128xf32, #tpu.memory_space<hbm>> -> memref<80x128xf32, #tpu.memory_space<hbm>>
    %dma_wait3A_421 = arith.constant 0 : i32
    %dma_wait3A_422 = tpu.memref_slice %arg8[%add3A_418, %dma_wait3A_421] : memref<25600x128xf32, #tpu.memory_space<hbm>> -> memref<80x128xf32, #tpu.memory_space<hbm>>
    tpu.wait_dma2 semaphore(%arg33 : memref<!tpu.dma_semaphore, #tpu.memory_space<semaphore_mem>>) src(%arg15 : memref<80x128xf32, #tpu.memory_space<vmem>>) dst(%dma_wait3A_422 : memref<80x128xf32, #tpu.memory_space<hbm>>)
    %dma_start3A_423 = arith.constant 7 : i32
    %dma_start3A_424 = arith.constant 0 : i32
    %dma_start3A_425 = tpu.memref_slice %arg11[%dma_start3A_423, %dma_start3A_424] : memref<10x80xi32, #tpu.memory_space<vmem>> -> memref<1x80xi32, #tpu.memory_space<vmem>>
    %dma_start3A_426 = tpu.memref_squeeze %dma_start3A_425 : memref<1x80xi32, #tpu.memory_space<vmem>> -> memref<80xi32, #tpu.memory_space<vmem>>
    %dma_start3A_427 = arith.constant 0 : i32
    %dma_start3A_428 = arith.constant 0 : i32
    %dma_start3A_429 = tpu.memref_slice %arg2[%dma_start3A_427, %dma_start3A_428] : memref<100001x128xf32, #tpu.memory_space<hbm>> -> memref<100001x128xf32, #tpu.memory_space<hbm>>
    tpu.enqueue_indirect_dma source(%dma_start3A_429 : memref<100001x128xf32, #tpu.memory_space<hbm>>) target(%arg15 : memref<80x128xf32, #tpu.memory_space<vmem>>) offsets(%dma_start3A_426 : memref<80xi32, #tpu.memory_space<vmem>>) semaphore(%arg24 : memref<!tpu.dma_semaphore, #tpu.memory_space<semaphore_mem>>)
    %add3A_430 = arith.constant 320 : i32
    %add3A_431 = arith.addi %mul3A_2, %add3A_430 : i32
    %dma_wait3A_432 = arith.constant 0 : i32
    %dma_wait3A_433 = tpu.memref_slice %arg9[%add3A_431, %dma_wait3A_432] : memref<25600x128xf32, #tpu.memory_space<hbm>> -> memref<80x128xf32, #tpu.memory_space<hbm>>
    %dma_wait3A_434 = arith.constant 0 : i32
    %dma_wait3A_435 = tpu.memref_slice %arg9[%add3A_431, %dma_wait3A_434] : memref<25600x128xf32, #tpu.memory_space<hbm>> -> memref<80x128xf32, #tpu.memory_space<hbm>>
    tpu.wait_dma2 semaphore(%arg36 : memref<!tpu.dma_semaphore, #tpu.memory_space<semaphore_mem>>) src(%arg18 : memref<80x128xf32, #tpu.memory_space<vmem>>) dst(%dma_wait3A_435 : memref<80x128xf32, #tpu.memory_space<hbm>>)
    %dma_start3A_436 = arith.constant 7 : i32
    %dma_start3A_437 = arith.constant 0 : i32
    %dma_start3A_438 = tpu.memref_slice %arg12[%dma_start3A_436, %dma_start3A_437] : memref<10x80xi32, #tpu.memory_space<vmem>> -> memref<1x80xi32, #tpu.memory_space<vmem>>
    %dma_start3A_439 = tpu.memref_squeeze %dma_start3A_438 : memref<1x80xi32, #tpu.memory_space<vmem>> -> memref<80xi32, #tpu.memory_space<vmem>>
    %dma_start3A_440 = arith.constant 0 : i32
    %dma_start3A_441 = arith.constant 0 : i32
    %dma_start3A_442 = tpu.memref_slice %arg41[%dma_start3A_440, %dma_start3A_441] : memref<1001x128xf32, #tpu.memory_space<vmem_shared>> -> memref<1001x128xf32, #tpu.memory_space<vmem_shared>>
    tpu.enqueue_indirect_dma source(%dma_start3A_442 : memref<1001x128xf32, #tpu.memory_space<vmem_shared>>) target(%arg18 : memref<80x128xf32, #tpu.memory_space<vmem>>) offsets(%dma_start3A_439 : memref<80xi32, #tpu.memory_space<vmem>>) semaphore(%arg27 : memref<!tpu.dma_semaphore, #tpu.memory_space<semaphore_mem>>)
    %add3A_443 = arith.constant 320 : i32
    %add3A_444 = arith.addi %mul3A_2, %add3A_443 : i32
    %dma_wait3A_445 = arith.constant 0 : i32
    %dma_wait3A_446 = tpu.memref_slice %arg10[%add3A_444, %dma_wait3A_445] : memref<25600x128xf32, #tpu.memory_space<hbm>> -> memref<80x128xf32, #tpu.memory_space<hbm>>
    %dma_wait3A_447 = arith.constant 0 : i32
    %dma_wait3A_448 = tpu.memref_slice %arg10[%add3A_444, %dma_wait3A_447] : memref<25600x128xf32, #tpu.memory_space<hbm>> -> memref<80x128xf32, #tpu.memory_space<hbm>>
    tpu.wait_dma2 semaphore(%arg39 : memref<!tpu.dma_semaphore, #tpu.memory_space<semaphore_mem>>) src(%arg21 : memref<80x128xf32, #tpu.memory_space<vmem>>) dst(%dma_wait3A_448 : memref<80x128xf32, #tpu.memory_space<hbm>>)
    %dma_start3A_449 = arith.constant 7 : i32
    %dma_start3A_450 = arith.constant 0 : i32
    %dma_start3A_451 = tpu.memref_slice %arg13[%dma_start3A_449, %dma_start3A_450] : memref<10x80xi32, #tpu.memory_space<vmem>> -> memref<1x80xi32, #tpu.memory_space<vmem>>
    %dma_start3A_452 = tpu.memref_squeeze %dma_start3A_451 : memref<1x80xi32, #tpu.memory_space<vmem>> -> memref<80xi32, #tpu.memory_space<vmem>>
    %dma_start3A_453 = arith.constant 0 : i32
    %dma_start3A_454 = arith.constant 0 : i32
    %dma_start3A_455 = tpu.memref_slice %arg42[%dma_start3A_453, %dma_start3A_454] : memref<1001x128xf32, #tpu.memory_space<vmem_shared>> -> memref<1001x128xf32, #tpu.memory_space<vmem_shared>>
    tpu.enqueue_indirect_dma source(%dma_start3A_455 : memref<1001x128xf32, #tpu.memory_space<vmem_shared>>) target(%arg21 : memref<80x128xf32, #tpu.memory_space<vmem>>) offsets(%dma_start3A_452 : memref<80xi32, #tpu.memory_space<vmem>>) semaphore(%arg30 : memref<!tpu.dma_semaphore, #tpu.memory_space<semaphore_mem>>)
    %dma_wait3A_456 = arith.constant 5 : i32
    %dma_wait3A_457 = arith.constant 0 : i32
    %dma_wait3A_458 = tpu.memref_slice %arg11[%dma_wait3A_456, %dma_wait3A_457] : memref<10x80xi32, #tpu.memory_space<vmem>> -> memref<1x80xi32, #tpu.memory_space<vmem>>
    %dma_wait3A_459 = tpu.memref_squeeze %dma_wait3A_458 : memref<1x80xi32, #tpu.memory_space<vmem>> -> memref<80xi32, #tpu.memory_space<vmem>>
    %dma_wait3A_460 = arith.constant 0 : i32
    %dma_wait3A_461 = arith.constant 0 : i32
    %dma_wait3A_462 = tpu.memref_slice %arg2[%dma_wait3A_460, %dma_wait3A_461] : memref<100001x128xf32, #tpu.memory_space<hbm>> -> memref<100001x128xf32, #tpu.memory_space<hbm>>
    tpu.wait_indirect_dma semaphore(%arg25 : memref<!tpu.dma_semaphore, #tpu.memory_space<semaphore_mem>>) src(%dma_wait3A_462 : memref<100001x128xf32, #tpu.memory_space<hbm>>) dst(%arg16 : memref<80x128xf32, #tpu.memory_space<vmem>>)
    %add3A_463 = arith.constant 400 : i32
    %add3A_464 = arith.addi %mul3A_2, %add3A_463 : i32
    %dma_start3A_465 = arith.constant 0 : i32
    %dma_start3A_466 = tpu.memref_slice %arg8[%add3A_464, %dma_start3A_465] : memref<25600x128xf32, #tpu.memory_space<hbm>> -> memref<80x128xf32, #tpu.memory_space<hbm>>
    %dma_start3A_467 = arith.constant 0 : i32
    %dma_start3A_468 = tpu.memref_slice %arg8[%add3A_464, %dma_start3A_467] : memref<25600x128xf32, #tpu.memory_space<hbm>> -> memref<80x128xf32, #tpu.memory_space<hbm>>
    tpu.enqueue_dma source(%arg16 : memref<80x128xf32, #tpu.memory_space<vmem>>) target(%dma_start3A_468 : memref<80x128xf32, #tpu.memory_space<hbm>>) target_semaphore(%arg34 : memref<!tpu.dma_semaphore, #tpu.memory_space<semaphore_mem>>)
    %dma_wait3A_469 = arith.constant 5 : i32
    %dma_wait3A_470 = arith.constant 0 : i32
    %dma_wait3A_471 = tpu.memref_slice %arg12[%dma_wait3A_469, %dma_wait3A_470] : memref<10x80xi32, #tpu.memory_space<vmem>> -> memref<1x80xi32, #tpu.memory_space<vmem>>
    %dma_wait3A_472 = tpu.memref_squeeze %dma_wait3A_471 : memref<1x80xi32, #tpu.memory_space<vmem>> -> memref<80xi32, #tpu.memory_space<vmem>>
    %dma_wait3A_473 = arith.constant 0 : i32
    %dma_wait3A_474 = arith.constant 0 : i32
    %dma_wait3A_475 = tpu.memref_slice %arg41[%dma_wait3A_473, %dma_wait3A_474] : memref<1001x128xf32, #tpu.memory_space<vmem_shared>> -> memref<1001x128xf32, #tpu.memory_space<vmem_shared>>
    tpu.wait_indirect_dma semaphore(%arg28 : memref<!tpu.dma_semaphore, #tpu.memory_space<semaphore_mem>>) src(%dma_wait3A_475 : memref<1001x128xf32, #tpu.memory_space<vmem_shared>>) dst(%arg19 : memref<80x128xf32, #tpu.memory_space<vmem>>)
    %add3A_476 = arith.constant 400 : i32
    %add3A_477 = arith.addi %mul3A_2, %add3A_476 : i32
    %dma_start3A_478 = arith.constant 0 : i32
    %dma_start3A_479 = tpu.memref_slice %arg9[%add3A_477, %dma_start3A_478] : memref<25600x128xf32, #tpu.memory_space<hbm>> -> memref<80x128xf32, #tpu.memory_space<hbm>>
    %dma_start3A_480 = arith.constant 0 : i32
    %dma_start3A_481 = tpu.memref_slice %arg9[%add3A_477, %dma_start3A_480] : memref<25600x128xf32, #tpu.memory_space<hbm>> -> memref<80x128xf32, #tpu.memory_space<hbm>>
    tpu.enqueue_dma source(%arg19 : memref<80x128xf32, #tpu.memory_space<vmem>>) target(%dma_start3A_481 : memref<80x128xf32, #tpu.memory_space<hbm>>) target_semaphore(%arg37 : memref<!tpu.dma_semaphore, #tpu.memory_space<semaphore_mem>>)
    %dma_wait3A_482 = arith.constant 5 : i32
    %dma_wait3A_483 = arith.constant 0 : i32
    %dma_wait3A_484 = tpu.memref_slice %arg13[%dma_wait3A_482, %dma_wait3A_483] : memref<10x80xi32, #tpu.memory_space<vmem>> -> memref<1x80xi32, #tpu.memory_space<vmem>>
    %dma_wait3A_485 = tpu.memref_squeeze %dma_wait3A_484 : memref<1x80xi32, #tpu.memory_space<vmem>> -> memref<80xi32, #tpu.memory_space<vmem>>
    %dma_wait3A_486 = arith.constant 0 : i32
    %dma_wait3A_487 = arith.constant 0 : i32
    %dma_wait3A_488 = tpu.memref_slice %arg42[%dma_wait3A_486, %dma_wait3A_487] : memref<1001x128xf32, #tpu.memory_space<vmem_shared>> -> memref<1001x128xf32, #tpu.memory_space<vmem_shared>>
    tpu.wait_indirect_dma semaphore(%arg31 : memref<!tpu.dma_semaphore, #tpu.memory_space<semaphore_mem>>) src(%dma_wait3A_488 : memref<1001x128xf32, #tpu.memory_space<vmem_shared>>) dst(%arg22 : memref<80x128xf32, #tpu.memory_space<vmem>>)
    %add3A_489 = arith.constant 400 : i32
    %add3A_490 = arith.addi %mul3A_2, %add3A_489 : i32
    %dma_start3A_491 = arith.constant 0 : i32
    %dma_start3A_492 = tpu.memref_slice %arg10[%add3A_490, %dma_start3A_491] : memref<25600x128xf32, #tpu.memory_space<hbm>> -> memref<80x128xf32, #tpu.memory_space<hbm>>
    %dma_start3A_493 = arith.constant 0 : i32
    %dma_start3A_494 = tpu.memref_slice %arg10[%add3A_490, %dma_start3A_493] : memref<25600x128xf32, #tpu.memory_space<hbm>> -> memref<80x128xf32, #tpu.memory_space<hbm>>
    tpu.enqueue_dma source(%arg22 : memref<80x128xf32, #tpu.memory_space<vmem>>) target(%dma_start3A_494 : memref<80x128xf32, #tpu.memory_space<hbm>>) target_semaphore(%arg40 : memref<!tpu.dma_semaphore, #tpu.memory_space<semaphore_mem>>)
    %add3A_495 = arith.constant 400 : i32
    %add3A_496 = arith.addi %mul3A_2, %add3A_495 : i32
    %dma_wait3A_497 = arith.constant 0 : i32
    %dma_wait3A_498 = tpu.memref_slice %arg8[%add3A_496, %dma_wait3A_497] : memref<25600x128xf32, #tpu.memory_space<hbm>> -> memref<80x128xf32, #tpu.memory_space<hbm>>
    %dma_wait3A_499 = arith.constant 0 : i32
    %dma_wait3A_500 = tpu.memref_slice %arg8[%add3A_496, %dma_wait3A_499] : memref<25600x128xf32, #tpu.memory_space<hbm>> -> memref<80x128xf32, #tpu.memory_space<hbm>>
    tpu.wait_dma2 semaphore(%arg34 : memref<!tpu.dma_semaphore, #tpu.memory_space<semaphore_mem>>) src(%arg16 : memref<80x128xf32, #tpu.memory_space<vmem>>) dst(%dma_wait3A_500 : memref<80x128xf32, #tpu.memory_space<hbm>>)
    %dma_start3A_501 = arith.constant 8 : i32
    %dma_start3A_502 = arith.constant 0 : i32
    %dma_start3A_503 = tpu.memref_slice %arg11[%dma_start3A_501, %dma_start3A_502] : memref<10x80xi32, #tpu.memory_space<vmem>> -> memref<1x80xi32, #tpu.memory_space<vmem>>
    %dma_start3A_504 = tpu.memref_squeeze %dma_start3A_503 : memref<1x80xi32, #tpu.memory_space<vmem>> -> memref<80xi32, #tpu.memory_space<vmem>>
    %dma_start3A_505 = arith.constant 0 : i32
    %dma_start3A_506 = arith.constant 0 : i32
    %dma_start3A_507 = tpu.memref_slice %arg2[%dma_start3A_505, %dma_start3A_506] : memref<100001x128xf32, #tpu.memory_space<hbm>> -> memref<100001x128xf32, #tpu.memory_space<hbm>>
    tpu.enqueue_indirect_dma source(%dma_start3A_507 : memref<100001x128xf32, #tpu.memory_space<hbm>>) target(%arg16 : memref<80x128xf32, #tpu.memory_space<vmem>>) offsets(%dma_start3A_504 : memref<80xi32, #tpu.memory_space<vmem>>) semaphore(%arg25 : memref<!tpu.dma_semaphore, #tpu.memory_space<semaphore_mem>>)
    %add3A_508 = arith.constant 400 : i32
    %add3A_509 = arith.addi %mul3A_2, %add3A_508 : i32
    %dma_wait3A_510 = arith.constant 0 : i32
    %dma_wait3A_511 = tpu.memref_slice %arg9[%add3A_509, %dma_wait3A_510] : memref<25600x128xf32, #tpu.memory_space<hbm>> -> memref<80x128xf32, #tpu.memory_space<hbm>>
    %dma_wait3A_512 = arith.constant 0 : i32
    %dma_wait3A_513 = tpu.memref_slice %arg9[%add3A_509, %dma_wait3A_512] : memref<25600x128xf32, #tpu.memory_space<hbm>> -> memref<80x128xf32, #tpu.memory_space<hbm>>
    tpu.wait_dma2 semaphore(%arg37 : memref<!tpu.dma_semaphore, #tpu.memory_space<semaphore_mem>>) src(%arg19 : memref<80x128xf32, #tpu.memory_space<vmem>>) dst(%dma_wait3A_513 : memref<80x128xf32, #tpu.memory_space<hbm>>)
    %dma_start3A_514 = arith.constant 8 : i32
    %dma_start3A_515 = arith.constant 0 : i32
    %dma_start3A_516 = tpu.memref_slice %arg12[%dma_start3A_514, %dma_start3A_515] : memref<10x80xi32, #tpu.memory_space<vmem>> -> memref<1x80xi32, #tpu.memory_space<vmem>>
    %dma_start3A_517 = tpu.memref_squeeze %dma_start3A_516 : memref<1x80xi32, #tpu.memory_space<vmem>> -> memref<80xi32, #tpu.memory_space<vmem>>
    %dma_start3A_518 = arith.constant 0 : i32
    %dma_start3A_519 = arith.constant 0 : i32
    %dma_start3A_520 = tpu.memref_slice %arg41[%dma_start3A_518, %dma_start3A_519] : memref<1001x128xf32, #tpu.memory_space<vmem_shared>> -> memref<1001x128xf32, #tpu.memory_space<vmem_shared>>
    tpu.enqueue_indirect_dma source(%dma_start3A_520 : memref<1001x128xf32, #tpu.memory_space<vmem_shared>>) target(%arg19 : memref<80x128xf32, #tpu.memory_space<vmem>>) offsets(%dma_start3A_517 : memref<80xi32, #tpu.memory_space<vmem>>) semaphore(%arg28 : memref<!tpu.dma_semaphore, #tpu.memory_space<semaphore_mem>>)
    %add3A_521 = arith.constant 400 : i32
    %add3A_522 = arith.addi %mul3A_2, %add3A_521 : i32
    %dma_wait3A_523 = arith.constant 0 : i32
    %dma_wait3A_524 = tpu.memref_slice %arg10[%add3A_522, %dma_wait3A_523] : memref<25600x128xf32, #tpu.memory_space<hbm>> -> memref<80x128xf32, #tpu.memory_space<hbm>>
    %dma_wait3A_525 = arith.constant 0 : i32
    %dma_wait3A_526 = tpu.memref_slice %arg10[%add3A_522, %dma_wait3A_525] : memref<25600x128xf32, #tpu.memory_space<hbm>> -> memref<80x128xf32, #tpu.memory_space<hbm>>
    tpu.wait_dma2 semaphore(%arg40 : memref<!tpu.dma_semaphore, #tpu.memory_space<semaphore_mem>>) src(%arg22 : memref<80x128xf32, #tpu.memory_space<vmem>>) dst(%dma_wait3A_526 : memref<80x128xf32, #tpu.memory_space<hbm>>)
    %dma_start3A_527 = arith.constant 8 : i32
    %dma_start3A_528 = arith.constant 0 : i32
    %dma_start3A_529 = tpu.memref_slice %arg13[%dma_start3A_527, %dma_start3A_528] : memref<10x80xi32, #tpu.memory_space<vmem>> -> memref<1x80xi32, #tpu.memory_space<vmem>>
    %dma_start3A_530 = tpu.memref_squeeze %dma_start3A_529 : memref<1x80xi32, #tpu.memory_space<vmem>> -> memref<80xi32, #tpu.memory_space<vmem>>
    %dma_start3A_531 = arith.constant 0 : i32
    %dma_start3A_532 = arith.constant 0 : i32
    %dma_start3A_533 = tpu.memref_slice %arg42[%dma_start3A_531, %dma_start3A_532] : memref<1001x128xf32, #tpu.memory_space<vmem_shared>> -> memref<1001x128xf32, #tpu.memory_space<vmem_shared>>
    tpu.enqueue_indirect_dma source(%dma_start3A_533 : memref<1001x128xf32, #tpu.memory_space<vmem_shared>>) target(%arg22 : memref<80x128xf32, #tpu.memory_space<vmem>>) offsets(%dma_start3A_530 : memref<80xi32, #tpu.memory_space<vmem>>) semaphore(%arg31 : memref<!tpu.dma_semaphore, #tpu.memory_space<semaphore_mem>>)
    %dma_wait3A_534 = arith.constant 6 : i32
    %dma_wait3A_535 = arith.constant 0 : i32
    %dma_wait3A_536 = tpu.memref_slice %arg11[%dma_wait3A_534, %dma_wait3A_535] : memref<10x80xi32, #tpu.memory_space<vmem>> -> memref<1x80xi32, #tpu.memory_space<vmem>>
    %dma_wait3A_537 = tpu.memref_squeeze %dma_wait3A_536 : memref<1x80xi32, #tpu.memory_space<vmem>> -> memref<80xi32, #tpu.memory_space<vmem>>
    %dma_wait3A_538 = arith.constant 0 : i32
    %dma_wait3A_539 = arith.constant 0 : i32
    %dma_wait3A_540 = tpu.memref_slice %arg2[%dma_wait3A_538, %dma_wait3A_539] : memref<100001x128xf32, #tpu.memory_space<hbm>> -> memref<100001x128xf32, #tpu.memory_space<hbm>>
    tpu.wait_indirect_dma semaphore(%arg23 : memref<!tpu.dma_semaphore, #tpu.memory_space<semaphore_mem>>) src(%dma_wait3A_540 : memref<100001x128xf32, #tpu.memory_space<hbm>>) dst(%arg14 : memref<80x128xf32, #tpu.memory_space<vmem>>)
    %add3A_541 = arith.constant 480 : i32
    %add3A_542 = arith.addi %mul3A_2, %add3A_541 : i32
    %dma_start3A_543 = arith.constant 0 : i32
    %dma_start3A_544 = tpu.memref_slice %arg8[%add3A_542, %dma_start3A_543] : memref<25600x128xf32, #tpu.memory_space<hbm>> -> memref<80x128xf32, #tpu.memory_space<hbm>>
    %dma_start3A_545 = arith.constant 0 : i32
    %dma_start3A_546 = tpu.memref_slice %arg8[%add3A_542, %dma_start3A_545] : memref<25600x128xf32, #tpu.memory_space<hbm>> -> memref<80x128xf32, #tpu.memory_space<hbm>>
    tpu.enqueue_dma source(%arg14 : memref<80x128xf32, #tpu.memory_space<vmem>>) target(%dma_start3A_546 : memref<80x128xf32, #tpu.memory_space<hbm>>) target_semaphore(%arg32 : memref<!tpu.dma_semaphore, #tpu.memory_space<semaphore_mem>>)
    %dma_wait3A_547 = arith.constant 6 : i32
    %dma_wait3A_548 = arith.constant 0 : i32
    %dma_wait3A_549 = tpu.memref_slice %arg12[%dma_wait3A_547, %dma_wait3A_548] : memref<10x80xi32, #tpu.memory_space<vmem>> -> memref<1x80xi32, #tpu.memory_space<vmem>>
    %dma_wait3A_550 = tpu.memref_squeeze %dma_wait3A_549 : memref<1x80xi32, #tpu.memory_space<vmem>> -> memref<80xi32, #tpu.memory_space<vmem>>
    %dma_wait3A_551 = arith.constant 0 : i32
    %dma_wait3A_552 = arith.constant 0 : i32
    %dma_wait3A_553 = tpu.memref_slice %arg41[%dma_wait3A_551, %dma_wait3A_552] : memref<1001x128xf32, #tpu.memory_space<vmem_shared>> -> memref<1001x128xf32, #tpu.memory_space<vmem_shared>>
    tpu.wait_indirect_dma semaphore(%arg26 : memref<!tpu.dma_semaphore, #tpu.memory_space<semaphore_mem>>) src(%dma_wait3A_553 : memref<1001x128xf32, #tpu.memory_space<vmem_shared>>) dst(%arg17 : memref<80x128xf32, #tpu.memory_space<vmem>>)
    %add3A_554 = arith.constant 480 : i32
    %add3A_555 = arith.addi %mul3A_2, %add3A_554 : i32
    %dma_start3A_556 = arith.constant 0 : i32
    %dma_start3A_557 = tpu.memref_slice %arg9[%add3A_555, %dma_start3A_556] : memref<25600x128xf32, #tpu.memory_space<hbm>> -> memref<80x128xf32, #tpu.memory_space<hbm>>
    %dma_start3A_558 = arith.constant 0 : i32
    %dma_start3A_559 = tpu.memref_slice %arg9[%add3A_555, %dma_start3A_558] : memref<25600x128xf32, #tpu.memory_space<hbm>> -> memref<80x128xf32, #tpu.memory_space<hbm>>
    tpu.enqueue_dma source(%arg17 : memref<80x128xf32, #tpu.memory_space<vmem>>) target(%dma_start3A_559 : memref<80x128xf32, #tpu.memory_space<hbm>>) target_semaphore(%arg35 : memref<!tpu.dma_semaphore, #tpu.memory_space<semaphore_mem>>)
    %dma_wait3A_560 = arith.constant 6 : i32
    %dma_wait3A_561 = arith.constant 0 : i32
    %dma_wait3A_562 = tpu.memref_slice %arg13[%dma_wait3A_560, %dma_wait3A_561] : memref<10x80xi32, #tpu.memory_space<vmem>> -> memref<1x80xi32, #tpu.memory_space<vmem>>
    %dma_wait3A_563 = tpu.memref_squeeze %dma_wait3A_562 : memref<1x80xi32, #tpu.memory_space<vmem>> -> memref<80xi32, #tpu.memory_space<vmem>>
    %dma_wait3A_564 = arith.constant 0 : i32
    %dma_wait3A_565 = arith.constant 0 : i32
    %dma_wait3A_566 = tpu.memref_slice %arg42[%dma_wait3A_564, %dma_wait3A_565] : memref<1001x128xf32, #tpu.memory_space<vmem_shared>> -> memref<1001x128xf32, #tpu.memory_space<vmem_shared>>
    tpu.wait_indirect_dma semaphore(%arg29 : memref<!tpu.dma_semaphore, #tpu.memory_space<semaphore_mem>>) src(%dma_wait3A_566 : memref<1001x128xf32, #tpu.memory_space<vmem_shared>>) dst(%arg20 : memref<80x128xf32, #tpu.memory_space<vmem>>)
    %add3A_567 = arith.constant 480 : i32
    %add3A_568 = arith.addi %mul3A_2, %add3A_567 : i32
    %dma_start3A_569 = arith.constant 0 : i32
    %dma_start3A_570 = tpu.memref_slice %arg10[%add3A_568, %dma_start3A_569] : memref<25600x128xf32, #tpu.memory_space<hbm>> -> memref<80x128xf32, #tpu.memory_space<hbm>>
    %dma_start3A_571 = arith.constant 0 : i32
    %dma_start3A_572 = tpu.memref_slice %arg10[%add3A_568, %dma_start3A_571] : memref<25600x128xf32, #tpu.memory_space<hbm>> -> memref<80x128xf32, #tpu.memory_space<hbm>>
    tpu.enqueue_dma source(%arg20 : memref<80x128xf32, #tpu.memory_space<vmem>>) target(%dma_start3A_572 : memref<80x128xf32, #tpu.memory_space<hbm>>) target_semaphore(%arg38 : memref<!tpu.dma_semaphore, #tpu.memory_space<semaphore_mem>>)
    %add3A_573 = arith.constant 480 : i32
    %add3A_574 = arith.addi %mul3A_2, %add3A_573 : i32
    %dma_wait3A_575 = arith.constant 0 : i32
    %dma_wait3A_576 = tpu.memref_slice %arg8[%add3A_574, %dma_wait3A_575] : memref<25600x128xf32, #tpu.memory_space<hbm>> -> memref<80x128xf32, #tpu.memory_space<hbm>>
    %dma_wait3A_577 = arith.constant 0 : i32
    %dma_wait3A_578 = tpu.memref_slice %arg8[%add3A_574, %dma_wait3A_577] : memref<25600x128xf32, #tpu.memory_space<hbm>> -> memref<80x128xf32, #tpu.memory_space<hbm>>
    tpu.wait_dma2 semaphore(%arg32 : memref<!tpu.dma_semaphore, #tpu.memory_space<semaphore_mem>>) src(%arg14 : memref<80x128xf32, #tpu.memory_space<vmem>>) dst(%dma_wait3A_578 : memref<80x128xf32, #tpu.memory_space<hbm>>)
    %dma_start3A_579 = arith.constant 9 : i32
    %dma_start3A_580 = arith.constant 0 : i32
    %dma_start3A_581 = tpu.memref_slice %arg11[%dma_start3A_579, %dma_start3A_580] : memref<10x80xi32, #tpu.memory_space<vmem>> -> memref<1x80xi32, #tpu.memory_space<vmem>>
    %dma_start3A_582 = tpu.memref_squeeze %dma_start3A_581 : memref<1x80xi32, #tpu.memory_space<vmem>> -> memref<80xi32, #tpu.memory_space<vmem>>
    %dma_start3A_583 = arith.constant 0 : i32
    %dma_start3A_584 = arith.constant 0 : i32
    %dma_start3A_585 = tpu.memref_slice %arg2[%dma_start3A_583, %dma_start3A_584] : memref<100001x128xf32, #tpu.memory_space<hbm>> -> memref<100001x128xf32, #tpu.memory_space<hbm>>
    tpu.enqueue_indirect_dma source(%dma_start3A_585 : memref<100001x128xf32, #tpu.memory_space<hbm>>) target(%arg14 : memref<80x128xf32, #tpu.memory_space<vmem>>) offsets(%dma_start3A_582 : memref<80xi32, #tpu.memory_space<vmem>>) semaphore(%arg23 : memref<!tpu.dma_semaphore, #tpu.memory_space<semaphore_mem>>)
    %add3A_586 = arith.constant 480 : i32
    %add3A_587 = arith.addi %mul3A_2, %add3A_586 : i32
    %dma_wait3A_588 = arith.constant 0 : i32
    %dma_wait3A_589 = tpu.memref_slice %arg9[%add3A_587, %dma_wait3A_588] : memref<25600x128xf32, #tpu.memory_space<hbm>> -> memref<80x128xf32, #tpu.memory_space<hbm>>
    %dma_wait3A_590 = arith.constant 0 : i32
    %dma_wait3A_591 = tpu.memref_slice %arg9[%add3A_587, %dma_wait3A_590] : memref<25600x128xf32, #tpu.memory_space<hbm>> -> memref<80x128xf32, #tpu.memory_space<hbm>>
    tpu.wait_dma2 semaphore(%arg35 : memref<!tpu.dma_semaphore, #tpu.memory_space<semaphore_mem>>) src(%arg17 : memref<80x128xf32, #tpu.memory_space<vmem>>) dst(%dma_wait3A_591 : memref<80x128xf32, #tpu.memory_space<hbm>>)
    %dma_start3A_592 = arith.constant 9 : i32
    %dma_start3A_593 = arith.constant 0 : i32
    %dma_start3A_594 = tpu.memref_slice %arg12[%dma_start3A_592, %dma_start3A_593] : memref<10x80xi32, #tpu.memory_space<vmem>> -> memref<1x80xi32, #tpu.memory_space<vmem>>
    %dma_start3A_595 = tpu.memref_squeeze %dma_start3A_594 : memref<1x80xi32, #tpu.memory_space<vmem>> -> memref<80xi32, #tpu.memory_space<vmem>>
    %dma_start3A_596 = arith.constant 0 : i32
    %dma_start3A_597 = arith.constant 0 : i32
    %dma_start3A_598 = tpu.memref_slice %arg41[%dma_start3A_596, %dma_start3A_597] : memref<1001x128xf32, #tpu.memory_space<vmem_shared>> -> memref<1001x128xf32, #tpu.memory_space<vmem_shared>>
    tpu.enqueue_indirect_dma source(%dma_start3A_598 : memref<1001x128xf32, #tpu.memory_space<vmem_shared>>) target(%arg17 : memref<80x128xf32, #tpu.memory_space<vmem>>) offsets(%dma_start3A_595 : memref<80xi32, #tpu.memory_space<vmem>>) semaphore(%arg26 : memref<!tpu.dma_semaphore, #tpu.memory_space<semaphore_mem>>)
    %add3A_599 = arith.constant 480 : i32
    %add3A_600 = arith.addi %mul3A_2, %add3A_599 : i32
    %dma_wait3A_601 = arith.constant 0 : i32
    %dma_wait3A_602 = tpu.memref_slice %arg10[%add3A_600, %dma_wait3A_601] : memref<25600x128xf32, #tpu.memory_space<hbm>> -> memref<80x128xf32, #tpu.memory_space<hbm>>
    %dma_wait3A_603 = arith.constant 0 : i32
    %dma_wait3A_604 = tpu.memref_slice %arg10[%add3A_600, %dma_wait3A_603] : memref<25600x128xf32, #tpu.memory_space<hbm>> -> memref<80x128xf32, #tpu.memory_space<hbm>>
    tpu.wait_dma2 semaphore(%arg38 : memref<!tpu.dma_semaphore, #tpu.memory_space<semaphore_mem>>) src(%arg20 : memref<80x128xf32, #tpu.memory_space<vmem>>) dst(%dma_wait3A_604 : memref<80x128xf32, #tpu.memory_space<hbm>>)
    %dma_start3A_605 = arith.constant 9 : i32
    %dma_start3A_606 = arith.constant 0 : i32
    %dma_start3A_607 = tpu.memref_slice %arg13[%dma_start3A_605, %dma_start3A_606] : memref<10x80xi32, #tpu.memory_space<vmem>> -> memref<1x80xi32, #tpu.memory_space<vmem>>
    %dma_start3A_608 = tpu.memref_squeeze %dma_start3A_607 : memref<1x80xi32, #tpu.memory_space<vmem>> -> memref<80xi32, #tpu.memory_space<vmem>>
    %dma_start3A_609 = arith.constant 0 : i32
    %dma_start3A_610 = arith.constant 0 : i32
    %dma_start3A_611 = tpu.memref_slice %arg42[%dma_start3A_609, %dma_start3A_610] : memref<1001x128xf32, #tpu.memory_space<vmem_shared>> -> memref<1001x128xf32, #tpu.memory_space<vmem_shared>>
    tpu.enqueue_indirect_dma source(%dma_start3A_611 : memref<1001x128xf32, #tpu.memory_space<vmem_shared>>) target(%arg20 : memref<80x128xf32, #tpu.memory_space<vmem>>) offsets(%dma_start3A_608 : memref<80xi32, #tpu.memory_space<vmem>>) semaphore(%arg29 : memref<!tpu.dma_semaphore, #tpu.memory_space<semaphore_mem>>)
    %dma_wait3A_612 = arith.constant 7 : i32
    %dma_wait3A_613 = arith.constant 0 : i32
    %dma_wait3A_614 = tpu.memref_slice %arg11[%dma_wait3A_612, %dma_wait3A_613] : memref<10x80xi32, #tpu.memory_space<vmem>> -> memref<1x80xi32, #tpu.memory_space<vmem>>
    %dma_wait3A_615 = tpu.memref_squeeze %dma_wait3A_614 : memref<1x80xi32, #tpu.memory_space<vmem>> -> memref<80xi32, #tpu.memory_space<vmem>>
    %dma_wait3A_616 = arith.constant 0 : i32
    %dma_wait3A_617 = arith.constant 0 : i32
    %dma_wait3A_618 = tpu.memref_slice %arg2[%dma_wait3A_616, %dma_wait3A_617] : memref<100001x128xf32, #tpu.memory_space<hbm>> -> memref<100001x128xf32, #tpu.memory_space<hbm>>
    tpu.wait_indirect_dma semaphore(%arg24 : memref<!tpu.dma_semaphore, #tpu.memory_space<semaphore_mem>>) src(%dma_wait3A_618 : memref<100001x128xf32, #tpu.memory_space<hbm>>) dst(%arg15 : memref<80x128xf32, #tpu.memory_space<vmem>>)
    %add3A_619 = arith.constant 560 : i32
    %add3A_620 = arith.addi %mul3A_2, %add3A_619 : i32
    %dma_start3A_621 = arith.constant 0 : i32
    %dma_start3A_622 = tpu.memref_slice %arg8[%add3A_620, %dma_start3A_621] : memref<25600x128xf32, #tpu.memory_space<hbm>> -> memref<80x128xf32, #tpu.memory_space<hbm>>
    %dma_start3A_623 = arith.constant 0 : i32
    %dma_start3A_624 = tpu.memref_slice %arg8[%add3A_620, %dma_start3A_623] : memref<25600x128xf32, #tpu.memory_space<hbm>> -> memref<80x128xf32, #tpu.memory_space<hbm>>
    tpu.enqueue_dma source(%arg15 : memref<80x128xf32, #tpu.memory_space<vmem>>) target(%dma_start3A_624 : memref<80x128xf32, #tpu.memory_space<hbm>>) target_semaphore(%arg33 : memref<!tpu.dma_semaphore, #tpu.memory_space<semaphore_mem>>)
    %dma_wait3A_625 = arith.constant 7 : i32
    %dma_wait3A_626 = arith.constant 0 : i32
    %dma_wait3A_627 = tpu.memref_slice %arg12[%dma_wait3A_625, %dma_wait3A_626] : memref<10x80xi32, #tpu.memory_space<vmem>> -> memref<1x80xi32, #tpu.memory_space<vmem>>
    %dma_wait3A_628 = tpu.memref_squeeze %dma_wait3A_627 : memref<1x80xi32, #tpu.memory_space<vmem>> -> memref<80xi32, #tpu.memory_space<vmem>>
    %dma_wait3A_629 = arith.constant 0 : i32
    %dma_wait3A_630 = arith.constant 0 : i32
    %dma_wait3A_631 = tpu.memref_slice %arg41[%dma_wait3A_629, %dma_wait3A_630] : memref<1001x128xf32, #tpu.memory_space<vmem_shared>> -> memref<1001x128xf32, #tpu.memory_space<vmem_shared>>
    tpu.wait_indirect_dma semaphore(%arg27 : memref<!tpu.dma_semaphore, #tpu.memory_space<semaphore_mem>>) src(%dma_wait3A_631 : memref<1001x128xf32, #tpu.memory_space<vmem_shared>>) dst(%arg18 : memref<80x128xf32, #tpu.memory_space<vmem>>)
    %add3A_632 = arith.constant 560 : i32
    %add3A_633 = arith.addi %mul3A_2, %add3A_632 : i32
    %dma_start3A_634 = arith.constant 0 : i32
    %dma_start3A_635 = tpu.memref_slice %arg9[%add3A_633, %dma_start3A_634] : memref<25600x128xf32, #tpu.memory_space<hbm>> -> memref<80x128xf32, #tpu.memory_space<hbm>>
    %dma_start3A_636 = arith.constant 0 : i32
    %dma_start3A_637 = tpu.memref_slice %arg9[%add3A_633, %dma_start3A_636] : memref<25600x128xf32, #tpu.memory_space<hbm>> -> memref<80x128xf32, #tpu.memory_space<hbm>>
    tpu.enqueue_dma source(%arg18 : memref<80x128xf32, #tpu.memory_space<vmem>>) target(%dma_start3A_637 : memref<80x128xf32, #tpu.memory_space<hbm>>) target_semaphore(%arg36 : memref<!tpu.dma_semaphore, #tpu.memory_space<semaphore_mem>>)
    %dma_wait3A_638 = arith.constant 7 : i32
    %dma_wait3A_639 = arith.constant 0 : i32
    %dma_wait3A_640 = tpu.memref_slice %arg13[%dma_wait3A_638, %dma_wait3A_639] : memref<10x80xi32, #tpu.memory_space<vmem>> -> memref<1x80xi32, #tpu.memory_space<vmem>>
    %dma_wait3A_641 = tpu.memref_squeeze %dma_wait3A_640 : memref<1x80xi32, #tpu.memory_space<vmem>> -> memref<80xi32, #tpu.memory_space<vmem>>
    %dma_wait3A_642 = arith.constant 0 : i32
    %dma_wait3A_643 = arith.constant 0 : i32
    %dma_wait3A_644 = tpu.memref_slice %arg42[%dma_wait3A_642, %dma_wait3A_643] : memref<1001x128xf32, #tpu.memory_space<vmem_shared>> -> memref<1001x128xf32, #tpu.memory_space<vmem_shared>>
    tpu.wait_indirect_dma semaphore(%arg30 : memref<!tpu.dma_semaphore, #tpu.memory_space<semaphore_mem>>) src(%dma_wait3A_644 : memref<1001x128xf32, #tpu.memory_space<vmem_shared>>) dst(%arg21 : memref<80x128xf32, #tpu.memory_space<vmem>>)
    %add3A_645 = arith.constant 560 : i32
    %add3A_646 = arith.addi %mul3A_2, %add3A_645 : i32
    %dma_start3A_647 = arith.constant 0 : i32
    %dma_start3A_648 = tpu.memref_slice %arg10[%add3A_646, %dma_start3A_647] : memref<25600x128xf32, #tpu.memory_space<hbm>> -> memref<80x128xf32, #tpu.memory_space<hbm>>
    %dma_start3A_649 = arith.constant 0 : i32
    %dma_start3A_650 = tpu.memref_slice %arg10[%add3A_646, %dma_start3A_649] : memref<25600x128xf32, #tpu.memory_space<hbm>> -> memref<80x128xf32, #tpu.memory_space<hbm>>
    tpu.enqueue_dma source(%arg21 : memref<80x128xf32, #tpu.memory_space<vmem>>) target(%dma_start3A_650 : memref<80x128xf32, #tpu.memory_space<hbm>>) target_semaphore(%arg39 : memref<!tpu.dma_semaphore, #tpu.memory_space<semaphore_mem>>)
    %dma_wait3A_651 = arith.constant 8 : i32
    %dma_wait3A_652 = arith.constant 0 : i32
    %dma_wait3A_653 = tpu.memref_slice %arg11[%dma_wait3A_651, %dma_wait3A_652] : memref<10x80xi32, #tpu.memory_space<vmem>> -> memref<1x80xi32, #tpu.memory_space<vmem>>
    %dma_wait3A_654 = tpu.memref_squeeze %dma_wait3A_653 : memref<1x80xi32, #tpu.memory_space<vmem>> -> memref<80xi32, #tpu.memory_space<vmem>>
    %dma_wait3A_655 = arith.constant 0 : i32
    %dma_wait3A_656 = arith.constant 0 : i32
    %dma_wait3A_657 = tpu.memref_slice %arg2[%dma_wait3A_655, %dma_wait3A_656] : memref<100001x128xf32, #tpu.memory_space<hbm>> -> memref<100001x128xf32, #tpu.memory_space<hbm>>
    tpu.wait_indirect_dma semaphore(%arg25 : memref<!tpu.dma_semaphore, #tpu.memory_space<semaphore_mem>>) src(%dma_wait3A_657 : memref<100001x128xf32, #tpu.memory_space<hbm>>) dst(%arg16 : memref<80x128xf32, #tpu.memory_space<vmem>>)
    %add3A_658 = arith.constant 640 : i32
    %add3A_659 = arith.addi %mul3A_2, %add3A_658 : i32
    %dma_start3A_660 = arith.constant 0 : i32
    %dma_start3A_661 = tpu.memref_slice %arg8[%add3A_659, %dma_start3A_660] : memref<25600x128xf32, #tpu.memory_space<hbm>> -> memref<80x128xf32, #tpu.memory_space<hbm>>
    %dma_start3A_662 = arith.constant 0 : i32
    %dma_start3A_663 = tpu.memref_slice %arg8[%add3A_659, %dma_start3A_662] : memref<25600x128xf32, #tpu.memory_space<hbm>> -> memref<80x128xf32, #tpu.memory_space<hbm>>
    tpu.enqueue_dma source(%arg16 : memref<80x128xf32, #tpu.memory_space<vmem>>) target(%dma_start3A_663 : memref<80x128xf32, #tpu.memory_space<hbm>>) target_semaphore(%arg34 : memref<!tpu.dma_semaphore, #tpu.memory_space<semaphore_mem>>)
    %dma_wait3A_664 = arith.constant 8 : i32
    %dma_wait3A_665 = arith.constant 0 : i32
    %dma_wait3A_666 = tpu.memref_slice %arg12[%dma_wait3A_664, %dma_wait3A_665] : memref<10x80xi32, #tpu.memory_space<vmem>> -> memref<1x80xi32, #tpu.memory_space<vmem>>
    %dma_wait3A_667 = tpu.memref_squeeze %dma_wait3A_666 : memref<1x80xi32, #tpu.memory_space<vmem>> -> memref<80xi32, #tpu.memory_space<vmem>>
    %dma_wait3A_668 = arith.constant 0 : i32
    %dma_wait3A_669 = arith.constant 0 : i32
    %dma_wait3A_670 = tpu.memref_slice %arg41[%dma_wait3A_668, %dma_wait3A_669] : memref<1001x128xf32, #tpu.memory_space<vmem_shared>> -> memref<1001x128xf32, #tpu.memory_space<vmem_shared>>
    tpu.wait_indirect_dma semaphore(%arg28 : memref<!tpu.dma_semaphore, #tpu.memory_space<semaphore_mem>>) src(%dma_wait3A_670 : memref<1001x128xf32, #tpu.memory_space<vmem_shared>>) dst(%arg19 : memref<80x128xf32, #tpu.memory_space<vmem>>)
    %add3A_671 = arith.constant 640 : i32
    %add3A_672 = arith.addi %mul3A_2, %add3A_671 : i32
    %dma_start3A_673 = arith.constant 0 : i32
    %dma_start3A_674 = tpu.memref_slice %arg9[%add3A_672, %dma_start3A_673] : memref<25600x128xf32, #tpu.memory_space<hbm>> -> memref<80x128xf32, #tpu.memory_space<hbm>>
    %dma_start3A_675 = arith.constant 0 : i32
    %dma_start3A_676 = tpu.memref_slice %arg9[%add3A_672, %dma_start3A_675] : memref<25600x128xf32, #tpu.memory_space<hbm>> -> memref<80x128xf32, #tpu.memory_space<hbm>>
    tpu.enqueue_dma source(%arg19 : memref<80x128xf32, #tpu.memory_space<vmem>>) target(%dma_start3A_676 : memref<80x128xf32, #tpu.memory_space<hbm>>) target_semaphore(%arg37 : memref<!tpu.dma_semaphore, #tpu.memory_space<semaphore_mem>>)
    %dma_wait3A_677 = arith.constant 8 : i32
    %dma_wait3A_678 = arith.constant 0 : i32
    %dma_wait3A_679 = tpu.memref_slice %arg13[%dma_wait3A_677, %dma_wait3A_678] : memref<10x80xi32, #tpu.memory_space<vmem>> -> memref<1x80xi32, #tpu.memory_space<vmem>>
    %dma_wait3A_680 = tpu.memref_squeeze %dma_wait3A_679 : memref<1x80xi32, #tpu.memory_space<vmem>> -> memref<80xi32, #tpu.memory_space<vmem>>
    %dma_wait3A_681 = arith.constant 0 : i32
    %dma_wait3A_682 = arith.constant 0 : i32
    %dma_wait3A_683 = tpu.memref_slice %arg42[%dma_wait3A_681, %dma_wait3A_682] : memref<1001x128xf32, #tpu.memory_space<vmem_shared>> -> memref<1001x128xf32, #tpu.memory_space<vmem_shared>>
    tpu.wait_indirect_dma semaphore(%arg31 : memref<!tpu.dma_semaphore, #tpu.memory_space<semaphore_mem>>) src(%dma_wait3A_683 : memref<1001x128xf32, #tpu.memory_space<vmem_shared>>) dst(%arg22 : memref<80x128xf32, #tpu.memory_space<vmem>>)
    %add3A_684 = arith.constant 640 : i32
    %add3A_685 = arith.addi %mul3A_2, %add3A_684 : i32
    %dma_start3A_686 = arith.constant 0 : i32
    %dma_start3A_687 = tpu.memref_slice %arg10[%add3A_685, %dma_start3A_686] : memref<25600x128xf32, #tpu.memory_space<hbm>> -> memref<80x128xf32, #tpu.memory_space<hbm>>
    %dma_start3A_688 = arith.constant 0 : i32
    %dma_start3A_689 = tpu.memref_slice %arg10[%add3A_685, %dma_start3A_688] : memref<25600x128xf32, #tpu.memory_space<hbm>> -> memref<80x128xf32, #tpu.memory_space<hbm>>
    tpu.enqueue_dma source(%arg22 : memref<80x128xf32, #tpu.memory_space<vmem>>) target(%dma_start3A_689 : memref<80x128xf32, #tpu.memory_space<hbm>>) target_semaphore(%arg40 : memref<!tpu.dma_semaphore, #tpu.memory_space<semaphore_mem>>)
    %dma_wait3A_690 = arith.constant 9 : i32
    %dma_wait3A_691 = arith.constant 0 : i32
    %dma_wait3A_692 = tpu.memref_slice %arg11[%dma_wait3A_690, %dma_wait3A_691] : memref<10x80xi32, #tpu.memory_space<vmem>> -> memref<1x80xi32, #tpu.memory_space<vmem>>
    %dma_wait3A_693 = tpu.memref_squeeze %dma_wait3A_692 : memref<1x80xi32, #tpu.memory_space<vmem>> -> memref<80xi32, #tpu.memory_space<vmem>>
    %dma_wait3A_694 = arith.constant 0 : i32
    %dma_wait3A_695 = arith.constant 0 : i32
    %dma_wait3A_696 = tpu.memref_slice %arg2[%dma_wait3A_694, %dma_wait3A_695] : memref<100001x128xf32, #tpu.memory_space<hbm>> -> memref<100001x128xf32, #tpu.memory_space<hbm>>
    tpu.wait_indirect_dma semaphore(%arg23 : memref<!tpu.dma_semaphore, #tpu.memory_space<semaphore_mem>>) src(%dma_wait3A_696 : memref<100001x128xf32, #tpu.memory_space<hbm>>) dst(%arg14 : memref<80x128xf32, #tpu.memory_space<vmem>>)
    %add3A_697 = arith.constant 720 : i32
    %add3A_698 = arith.addi %mul3A_2, %add3A_697 : i32
    %dma_start3A_699 = arith.constant 0 : i32
    %dma_start3A_700 = tpu.memref_slice %arg8[%add3A_698, %dma_start3A_699] : memref<25600x128xf32, #tpu.memory_space<hbm>> -> memref<80x128xf32, #tpu.memory_space<hbm>>
    %dma_start3A_701 = arith.constant 0 : i32
    %dma_start3A_702 = tpu.memref_slice %arg8[%add3A_698, %dma_start3A_701] : memref<25600x128xf32, #tpu.memory_space<hbm>> -> memref<80x128xf32, #tpu.memory_space<hbm>>
    tpu.enqueue_dma source(%arg14 : memref<80x128xf32, #tpu.memory_space<vmem>>) target(%dma_start3A_702 : memref<80x128xf32, #tpu.memory_space<hbm>>) target_semaphore(%arg32 : memref<!tpu.dma_semaphore, #tpu.memory_space<semaphore_mem>>)
    %dma_wait3A_703 = arith.constant 9 : i32
    %dma_wait3A_704 = arith.constant 0 : i32
    %dma_wait3A_705 = tpu.memref_slice %arg12[%dma_wait3A_703, %dma_wait3A_704] : memref<10x80xi32, #tpu.memory_space<vmem>> -> memref<1x80xi32, #tpu.memory_space<vmem>>
    %dma_wait3A_706 = tpu.memref_squeeze %dma_wait3A_705 : memref<1x80xi32, #tpu.memory_space<vmem>> -> memref<80xi32, #tpu.memory_space<vmem>>
    %dma_wait3A_707 = arith.constant 0 : i32
    %dma_wait3A_708 = arith.constant 0 : i32
    %dma_wait3A_709 = tpu.memref_slice %arg41[%dma_wait3A_707, %dma_wait3A_708] : memref<1001x128xf32, #tpu.memory_space<vmem_shared>> -> memref<1001x128xf32, #tpu.memory_space<vmem_shared>>
    tpu.wait_indirect_dma semaphore(%arg26 : memref<!tpu.dma_semaphore, #tpu.memory_space<semaphore_mem>>) src(%dma_wait3A_709 : memref<1001x128xf32, #tpu.memory_space<vmem_shared>>) dst(%arg17 : memref<80x128xf32, #tpu.memory_space<vmem>>)
    %add3A_710 = arith.constant 720 : i32
    %add3A_711 = arith.addi %mul3A_2, %add3A_710 : i32
    %dma_start3A_712 = arith.constant 0 : i32
    %dma_start3A_713 = tpu.memref_slice %arg9[%add3A_711, %dma_start3A_712] : memref<25600x128xf32, #tpu.memory_space<hbm>> -> memref<80x128xf32, #tpu.memory_space<hbm>>
    %dma_start3A_714 = arith.constant 0 : i32
    %dma_start3A_715 = tpu.memref_slice %arg9[%add3A_711, %dma_start3A_714] : memref<25600x128xf32, #tpu.memory_space<hbm>> -> memref<80x128xf32, #tpu.memory_space<hbm>>
    tpu.enqueue_dma source(%arg17 : memref<80x128xf32, #tpu.memory_space<vmem>>) target(%dma_start3A_715 : memref<80x128xf32, #tpu.memory_space<hbm>>) target_semaphore(%arg35 : memref<!tpu.dma_semaphore, #tpu.memory_space<semaphore_mem>>)
    %dma_wait3A_716 = arith.constant 9 : i32
    %dma_wait3A_717 = arith.constant 0 : i32
    %dma_wait3A_718 = tpu.memref_slice %arg13[%dma_wait3A_716, %dma_wait3A_717] : memref<10x80xi32, #tpu.memory_space<vmem>> -> memref<1x80xi32, #tpu.memory_space<vmem>>
    %dma_wait3A_719 = tpu.memref_squeeze %dma_wait3A_718 : memref<1x80xi32, #tpu.memory_space<vmem>> -> memref<80xi32, #tpu.memory_space<vmem>>
    %dma_wait3A_720 = arith.constant 0 : i32
    %dma_wait3A_721 = arith.constant 0 : i32
    %dma_wait3A_722 = tpu.memref_slice %arg42[%dma_wait3A_720, %dma_wait3A_721] : memref<1001x128xf32, #tpu.memory_space<vmem_shared>> -> memref<1001x128xf32, #tpu.memory_space<vmem_shared>>
    tpu.wait_indirect_dma semaphore(%arg29 : memref<!tpu.dma_semaphore, #tpu.memory_space<semaphore_mem>>) src(%dma_wait3A_722 : memref<1001x128xf32, #tpu.memory_space<vmem_shared>>) dst(%arg20 : memref<80x128xf32, #tpu.memory_space<vmem>>)
    %add3A_723 = arith.constant 720 : i32
    %add3A_724 = arith.addi %mul3A_2, %add3A_723 : i32
    %dma_start3A_725 = arith.constant 0 : i32
    %dma_start3A_726 = tpu.memref_slice %arg10[%add3A_724, %dma_start3A_725] : memref<25600x128xf32, #tpu.memory_space<hbm>> -> memref<80x128xf32, #tpu.memory_space<hbm>>
    %dma_start3A_727 = arith.constant 0 : i32
    %dma_start3A_728 = tpu.memref_slice %arg10[%add3A_724, %dma_start3A_727] : memref<25600x128xf32, #tpu.memory_space<hbm>> -> memref<80x128xf32, #tpu.memory_space<hbm>>
    tpu.enqueue_dma source(%arg20 : memref<80x128xf32, #tpu.memory_space<vmem>>) target(%dma_start3A_728 : memref<80x128xf32, #tpu.memory_space<hbm>>) target_semaphore(%arg38 : memref<!tpu.dma_semaphore, #tpu.memory_space<semaphore_mem>>)
    %add3A_729 = arith.constant 560 : i32
    %add3A_730 = arith.addi %mul3A_2, %add3A_729 : i32
    %dma_wait3A_731 = arith.constant 0 : i32
    %dma_wait3A_732 = tpu.memref_slice %arg8[%add3A_730, %dma_wait3A_731] : memref<25600x128xf32, #tpu.memory_space<hbm>> -> memref<80x128xf32, #tpu.memory_space<hbm>>
    %dma_wait3A_733 = arith.constant 0 : i32
    %dma_wait3A_734 = tpu.memref_slice %arg8[%add3A_730, %dma_wait3A_733] : memref<25600x128xf32, #tpu.memory_space<hbm>> -> memref<80x128xf32, #tpu.memory_space<hbm>>
    tpu.wait_dma2 semaphore(%arg33 : memref<!tpu.dma_semaphore, #tpu.memory_space<semaphore_mem>>) src(%arg15 : memref<80x128xf32, #tpu.memory_space<vmem>>) dst(%dma_wait3A_734 : memref<80x128xf32, #tpu.memory_space<hbm>>)
    %add3A_735 = arith.constant 560 : i32
    %add3A_736 = arith.addi %mul3A_2, %add3A_735 : i32
    %dma_wait3A_737 = arith.constant 0 : i32
    %dma_wait3A_738 = tpu.memref_slice %arg9[%add3A_736, %dma_wait3A_737] : memref<25600x128xf32, #tpu.memory_space<hbm>> -> memref<80x128xf32, #tpu.memory_space<hbm>>
    %dma_wait3A_739 = arith.constant 0 : i32
    %dma_wait3A_740 = tpu.memref_slice %arg9[%add3A_736, %dma_wait3A_739] : memref<25600x128xf32, #tpu.memory_space<hbm>> -> memref<80x128xf32, #tpu.memory_space<hbm>>
    tpu.wait_dma2 semaphore(%arg36 : memref<!tpu.dma_semaphore, #tpu.memory_space<semaphore_mem>>) src(%arg18 : memref<80x128xf32, #tpu.memory_space<vmem>>) dst(%dma_wait3A_740 : memref<80x128xf32, #tpu.memory_space<hbm>>)
    %add3A_741 = arith.constant 560 : i32
    %add3A_742 = arith.addi %mul3A_2, %add3A_741 : i32
    %dma_wait3A_743 = arith.constant 0 : i32
    %dma_wait3A_744 = tpu.memref_slice %arg10[%add3A_742, %dma_wait3A_743] : memref<25600x128xf32, #tpu.memory_space<hbm>> -> memref<80x128xf32, #tpu.memory_space<hbm>>
    %dma_wait3A_745 = arith.constant 0 : i32
    %dma_wait3A_746 = tpu.memref_slice %arg10[%add3A_742, %dma_wait3A_745] : memref<25600x128xf32, #tpu.memory_space<hbm>> -> memref<80x128xf32, #tpu.memory_space<hbm>>
    tpu.wait_dma2 semaphore(%arg39 : memref<!tpu.dma_semaphore, #tpu.memory_space<semaphore_mem>>) src(%arg21 : memref<80x128xf32, #tpu.memory_space<vmem>>) dst(%dma_wait3A_746 : memref<80x128xf32, #tpu.memory_space<hbm>>)
    %add3A_747 = arith.constant 640 : i32
    %add3A_748 = arith.addi %mul3A_2, %add3A_747 : i32
    %dma_wait3A_749 = arith.constant 0 : i32
    %dma_wait3A_750 = tpu.memref_slice %arg8[%add3A_748, %dma_wait3A_749] : memref<25600x128xf32, #tpu.memory_space<hbm>> -> memref<80x128xf32, #tpu.memory_space<hbm>>
    %dma_wait3A_751 = arith.constant 0 : i32
    %dma_wait3A_752 = tpu.memref_slice %arg8[%add3A_748, %dma_wait3A_751] : memref<25600x128xf32, #tpu.memory_space<hbm>> -> memref<80x128xf32, #tpu.memory_space<hbm>>
    tpu.wait_dma2 semaphore(%arg34 : memref<!tpu.dma_semaphore, #tpu.memory_space<semaphore_mem>>) src(%arg16 : memref<80x128xf32, #tpu.memory_space<vmem>>) dst(%dma_wait3A_752 : memref<80x128xf32, #tpu.memory_space<hbm>>)
    %add3A_753 = arith.constant 640 : i32
    %add3A_754 = arith.addi %mul3A_2, %add3A_753 : i32
    %dma_wait3A_755 = arith.constant 0 : i32
    %dma_wait3A_756 = tpu.memref_slice %arg9[%add3A_754, %dma_wait3A_755] : memref<25600x128xf32, #tpu.memory_space<hbm>> -> memref<80x128xf32, #tpu.memory_space<hbm>>
    %dma_wait3A_757 = arith.constant 0 : i32
    %dma_wait3A_758 = tpu.memref_slice %arg9[%add3A_754, %dma_wait3A_757] : memref<25600x128xf32, #tpu.memory_space<hbm>> -> memref<80x128xf32, #tpu.memory_space<hbm>>
    tpu.wait_dma2 semaphore(%arg37 : memref<!tpu.dma_semaphore, #tpu.memory_space<semaphore_mem>>) src(%arg19 : memref<80x128xf32, #tpu.memory_space<vmem>>) dst(%dma_wait3A_758 : memref<80x128xf32, #tpu.memory_space<hbm>>)
    %add3A_759 = arith.constant 640 : i32
    %add3A_760 = arith.addi %mul3A_2, %add3A_759 : i32
    %dma_wait3A_761 = arith.constant 0 : i32
    %dma_wait3A_762 = tpu.memref_slice %arg10[%add3A_760, %dma_wait3A_761] : memref<25600x128xf32, #tpu.memory_space<hbm>> -> memref<80x128xf32, #tpu.memory_space<hbm>>
    %dma_wait3A_763 = arith.constant 0 : i32
    %dma_wait3A_764 = tpu.memref_slice %arg10[%add3A_760, %dma_wait3A_763] : memref<25600x128xf32, #tpu.memory_space<hbm>> -> memref<80x128xf32, #tpu.memory_space<hbm>>
    tpu.wait_dma2 semaphore(%arg40 : memref<!tpu.dma_semaphore, #tpu.memory_space<semaphore_mem>>) src(%arg22 : memref<80x128xf32, #tpu.memory_space<vmem>>) dst(%dma_wait3A_764 : memref<80x128xf32, #tpu.memory_space<hbm>>)
    %add3A_765 = arith.constant 720 : i32
    %add3A_766 = arith.addi %mul3A_2, %add3A_765 : i32
    %dma_wait3A_767 = arith.constant 0 : i32
    %dma_wait3A_768 = tpu.memref_slice %arg8[%add3A_766, %dma_wait3A_767] : memref<25600x128xf32, #tpu.memory_space<hbm>> -> memref<80x128xf32, #tpu.memory_space<hbm>>
    %dma_wait3A_769 = arith.constant 0 : i32
    %dma_wait3A_770 = tpu.memref_slice %arg8[%add3A_766, %dma_wait3A_769] : memref<25600x128xf32, #tpu.memory_space<hbm>> -> memref<80x128xf32, #tpu.memory_space<hbm>>
    tpu.wait_dma2 semaphore(%arg32 : memref<!tpu.dma_semaphore, #tpu.memory_space<semaphore_mem>>) src(%arg14 : memref<80x128xf32, #tpu.memory_space<vmem>>) dst(%dma_wait3A_770 : memref<80x128xf32, #tpu.memory_space<hbm>>)
    %add3A_771 = arith.constant 720 : i32
    %add3A_772 = arith.addi %mul3A_2, %add3A_771 : i32
    %dma_wait3A_773 = arith.constant 0 : i32
    %dma_wait3A_774 = tpu.memref_slice %arg9[%add3A_772, %dma_wait3A_773] : memref<25600x128xf32, #tpu.memory_space<hbm>> -> memref<80x128xf32, #tpu.memory_space<hbm>>
    %dma_wait3A_775 = arith.constant 0 : i32
    %dma_wait3A_776 = tpu.memref_slice %arg9[%add3A_772, %dma_wait3A_775] : memref<25600x128xf32, #tpu.memory_space<hbm>> -> memref<80x128xf32, #tpu.memory_space<hbm>>
    tpu.wait_dma2 semaphore(%arg35 : memref<!tpu.dma_semaphore, #tpu.memory_space<semaphore_mem>>) src(%arg17 : memref<80x128xf32, #tpu.memory_space<vmem>>) dst(%dma_wait3A_776 : memref<80x128xf32, #tpu.memory_space<hbm>>)
    %add3A_777 = arith.constant 720 : i32
    %add3A_778 = arith.addi %mul3A_2, %add3A_777 : i32
    %dma_wait3A_779 = arith.constant 0 : i32
    %dma_wait3A_780 = tpu.memref_slice %arg10[%add3A_778, %dma_wait3A_779] : memref<25600x128xf32, #tpu.memory_space<hbm>> -> memref<80x128xf32, #tpu.memory_space<hbm>>
    %dma_wait3A_781 = arith.constant 0 : i32
    %dma_wait3A_782 = tpu.memref_slice %arg10[%add3A_778, %dma_wait3A_781] : memref<25600x128xf32, #tpu.memory_space<hbm>> -> memref<80x128xf32, #tpu.memory_space<hbm>>
    tpu.wait_dma2 semaphore(%arg38 : memref<!tpu.dma_semaphore, #tpu.memory_space<semaphore_mem>>) src(%arg20 : memref<80x128xf32, #tpu.memory_space<vmem>>) dst(%dma_wait3A_782 : memref<80x128xf32, #tpu.memory_space<hbm>>)
    return
  }
}

#map = affine_map<(d0, d1) -> (0, 0)>
#map1 = affine_map<(d0, d1) -> (0, 0, 0)>
module attributes {stable_mosaic.version = 14 : i64} {
  func.func @k(%arg0: i32, %arg1: i32, %arg2: memref<100001x128xf32, #tpu.memory_space<hbm>>, %arg3: memref<1001x128xf32, #tpu.memory_space<hbm>>, %arg4: memref<1001x128xf32, #tpu.memory_space<hbm>>, %arg5: memref<32x10x80xi32, #tpu.memory_space<hbm>>, %arg6: memref<32x10x80xi32, #tpu.memory_space<hbm>>, %arg7: memref<32x10x80xi32, #tpu.memory_space<hbm>>, %arg8: memref<25600x128xf32, #tpu.memory_space<hbm>>, %arg9: memref<25600x128xf32, #tpu.memory_space<hbm>>, %arg10: memref<25600x128xf32, #tpu.memory_space<hbm>>, %arg11: memref<10x80xi32, #tpu.memory_space<vmem>>, %arg12: memref<10x80xi32, #tpu.memory_space<vmem>>, %arg13: memref<10x80xi32, #tpu.memory_space<vmem>>, %arg14: memref<80x128xf32, #tpu.memory_space<vmem>>, %arg15: memref<80x128xf32, #tpu.memory_space<vmem>>, %arg16: memref<80x128xf32, #tpu.memory_space<vmem>>, %arg17: memref<80x128xf32, #tpu.memory_space<vmem>>, %arg18: memref<80x128xf32, #tpu.memory_space<vmem>>, %arg19: memref<80x128xf32, #tpu.memory_space<vmem>>, %arg20: memref<80x128xf32, #tpu.memory_space<vmem>>, %arg21: memref<80x128xf32, #tpu.memory_space<vmem>>, %arg22: memref<80x128xf32, #tpu.memory_space<vmem>>, %arg23: memref<!tpu.dma_semaphore, #tpu.memory_space<semaphore_mem>>, %arg24: memref<!tpu.dma_semaphore, #tpu.memory_space<semaphore_mem>>, %arg25: memref<!tpu.dma_semaphore, #tpu.memory_space<semaphore_mem>>, %arg26: memref<!tpu.dma_semaphore, #tpu.memory_space<semaphore_mem>>, %arg27: memref<!tpu.dma_semaphore, #tpu.memory_space<semaphore_mem>>, %arg28: memref<!tpu.dma_semaphore, #tpu.memory_space<semaphore_mem>>, %arg29: memref<!tpu.dma_semaphore, #tpu.memory_space<semaphore_mem>>, %arg30: memref<!tpu.dma_semaphore, #tpu.memory_space<semaphore_mem>>, %arg31: memref<!tpu.dma_semaphore, #tpu.memory_space<semaphore_mem>>, %arg32: memref<!tpu.dma_semaphore, #tpu.memory_space<semaphore_mem>>, %arg33: memref<!tpu.dma_semaphore, #tpu.memory_space<semaphore_mem>>, %arg34: memref<!tpu.dma_semaphore, #tpu.memory_space<semaphore_mem>>, %arg35: memref<!tpu.dma_semaphore, #tpu.memory_space<semaphore_mem>>, %arg36: memref<!tpu.dma_semaphore, #tpu.memory_space<semaphore_mem>>, %arg37: memref<!tpu.dma_semaphore, #tpu.memory_space<semaphore_mem>>, %arg38: memref<!tpu.dma_semaphore, #tpu.memory_space<semaphore_mem>>, %arg39: memref<!tpu.dma_semaphore, #tpu.memory_space<semaphore_mem>>, %arg40: memref<!tpu.dma_semaphore, #tpu.memory_space<semaphore_mem>>, %arg41: memref<1001x128xf32, #tpu.memory_space<vmem_shared>>, %arg42: memref<1001x128xf32, #tpu.memory_space<vmem_shared>>) attributes {dimension_semantics = [#tpu.dimension_semantics<core_parallel>, #tpu.dimension_semantics<subcore_parallel>], iteration_bounds = array<i64: 2, 16>, scalar_prefetch = 0 : i64, scratch_operands = 32 : i64, tpu.core_type = #tpu.core_type<sc_vector_subcore>, window_params = [{transform_indices = #map}, {transform_indices = #map}, {transform_indices = #map}, {transform_indices = #map1}, {transform_indices = #map1}, {transform_indices = #map1}, {transform_indices = #map}, {transform_indices = #map}, {transform_indices = #map}]} {
    %mul3A = arith.constant 2 : i32
    %mul3A_0 = arith.muli %arg1, %mul3A : i32
    %add3A = arith.addi %mul3A_0, %arg0 : i32
    %mul3A_1 = arith.constant 800 : i32
    %mul3A_2 = arith.muli %add3A, %mul3A_1 : i32
    %eq3A = arith.constant 0 : i32
    %eq3A_3 = arith.cmpi eq, %arg1, %eq3A : i32
    %convert_element_type3A = arith.extui %eq3A_3 : i1 to i32
    %cond3A = arith.constant 0 : i32
    %cond3A_4 = arith.cmpi ne, %convert_element_type3A, %cond3A : i32
    scf.if %cond3A_4 {
      "tpu.region"() ({
        %run_scoped3A = tpu.sem_alloc : memref<!tpu.dma_semaphore, #tpu.memory_space<semaphore_mem>>
        tpu.enqueue_dma source(%arg3 : memref<1001x128xf32, #tpu.memory_space<hbm>>) target(%arg41 : memref<1001x128xf32, #tpu.memory_space<vmem_shared>>) target_semaphore(%run_scoped3A : memref<!tpu.dma_semaphore, #tpu.memory_space<semaphore_mem>>)
        tpu.wait_dma2 semaphore(%run_scoped3A : memref<!tpu.dma_semaphore, #tpu.memory_space<semaphore_mem>>) src(%arg3 : memref<1001x128xf32, #tpu.memory_space<hbm>>) dst(%arg41 : memref<1001x128xf32, #tpu.memory_space<vmem_shared>>)
        tpu.yield
      }) : () -> ()
      "tpu.region"() ({
        %run_scoped3A = tpu.sem_alloc : memref<!tpu.dma_semaphore, #tpu.memory_space<semaphore_mem>>
        tpu.enqueue_dma source(%arg4 : memref<1001x128xf32, #tpu.memory_space<hbm>>) target(%arg42 : memref<1001x128xf32, #tpu.memory_space<vmem_shared>>) target_semaphore(%run_scoped3A : memref<!tpu.dma_semaphore, #tpu.memory_space<semaphore_mem>>)
        tpu.wait_dma2 semaphore(%run_scoped3A : memref<!tpu.dma_semaphore, #tpu.memory_space<semaphore_mem>>) src(%arg4 : memref<1001x128xf32, #tpu.memory_space<hbm>>) dst(%arg42 : memref<1001x128xf32, #tpu.memory_space<vmem_shared>>)
        tpu.yield
      }) : () -> ()
    } else {
    }
    "tpu.region"() ({
      %run_scoped3A = tpu.sem_alloc : memref<!tpu.dma_semaphore, #tpu.memory_space<semaphore_mem>>
      %dma_start3A_783 = arith.constant 0 : i32
      %dma_start3A_784 = arith.constant 0 : i32
      %dma_start3A_785 = tpu.memref_slice %arg5[%add3A, %dma_start3A_783, %dma_start3A_784] : memref<32x10x80xi32, #tpu.memory_space<hbm>> -> memref<1x10x80xi32, #tpu.memory_space<hbm>>
      %dma_start3A_786 = tpu.memref_squeeze %dma_start3A_785 : memref<1x10x80xi32, #tpu.memory_space<hbm>> -> memref<10x80xi32, #tpu.memory_space<hbm>>
      %dma_start3A_787 = arith.constant 0 : i32
      %dma_start3A_788 = arith.constant 0 : i32
      %dma_start3A_789 = tpu.memref_slice %arg5[%add3A, %dma_start3A_787, %dma_start3A_788] : memref<32x10x80xi32, #tpu.memory_space<hbm>> -> memref<1x10x80xi32, #tpu.memory_space<hbm>>
      %dma_start3A_790 = tpu.memref_squeeze %dma_start3A_789 : memref<1x10x80xi32, #tpu.memory_space<hbm>> -> memref<10x80xi32, #tpu.memory_space<hbm>>
      tpu.enqueue_dma source(%dma_start3A_790 : memref<10x80xi32, #tpu.memory_space<hbm>>) target(%arg11 : memref<10x80xi32, #tpu.memory_space<vmem>>) target_semaphore(%run_scoped3A : memref<!tpu.dma_semaphore, #tpu.memory_space<semaphore_mem>>)
      %dma_wait3A_791 = arith.constant 0 : i32
      %dma_wait3A_792 = arith.constant 0 : i32
      %dma_wait3A_793 = tpu.memref_slice %arg5[%add3A, %dma_wait3A_791, %dma_wait3A_792] : memref<32x10x80xi32, #tpu.memory_space<hbm>> -> memref<1x10x80xi32, #tpu.memory_space<hbm>>
      %dma_wait3A_794 = tpu.memref_squeeze %dma_wait3A_793 : memref<1x10x80xi32, #tpu.memory_space<hbm>> -> memref<10x80xi32, #tpu.memory_space<hbm>>
      %dma_wait3A_795 = arith.constant 0 : i32
      %dma_wait3A_796 = arith.constant 0 : i32
      %dma_wait3A_797 = tpu.memref_slice %arg5[%add3A, %dma_wait3A_795, %dma_wait3A_796] : memref<32x10x80xi32, #tpu.memory_space<hbm>> -> memref<1x10x80xi32, #tpu.memory_space<hbm>>
      %dma_wait3A_798 = tpu.memref_squeeze %dma_wait3A_797 : memref<1x10x80xi32, #tpu.memory_space<hbm>> -> memref<10x80xi32, #tpu.memory_space<hbm>>
      tpu.wait_dma2 semaphore(%run_scoped3A : memref<!tpu.dma_semaphore, #tpu.memory_space<semaphore_mem>>) src(%dma_wait3A_798 : memref<10x80xi32, #tpu.memory_space<hbm>>) dst(%arg11 : memref<10x80xi32, #tpu.memory_space<vmem>>)
      tpu.yield
    }) : () -> ()
    "tpu.region"() ({
      %run_scoped3A = tpu.sem_alloc : memref<!tpu.dma_semaphore, #tpu.memory_space<semaphore_mem>>
      %dma_start3A_783 = arith.constant 0 : i32
      %dma_start3A_784 = arith.constant 0 : i32
      %dma_start3A_785 = tpu.memref_slice %arg6[%add3A, %dma_start3A_783, %dma_start3A_784] : memref<32x10x80xi32, #tpu.memory_space<hbm>> -> memref<1x10x80xi32, #tpu.memory_space<hbm>>
      %dma_start3A_786 = tpu.memref_squeeze %dma_start3A_785 : memref<1x10x80xi32, #tpu.memory_space<hbm>> -> memref<10x80xi32, #tpu.memory_space<hbm>>
      %dma_start3A_787 = arith.constant 0 : i32
      %dma_start3A_788 = arith.constant 0 : i32
      %dma_start3A_789 = tpu.memref_slice %arg6[%add3A, %dma_start3A_787, %dma_start3A_788] : memref<32x10x80xi32, #tpu.memory_space<hbm>> -> memref<1x10x80xi32, #tpu.memory_space<hbm>>
      %dma_start3A_790 = tpu.memref_squeeze %dma_start3A_789 : memref<1x10x80xi32, #tpu.memory_space<hbm>> -> memref<10x80xi32, #tpu.memory_space<hbm>>
      tpu.enqueue_dma source(%dma_start3A_790 : memref<10x80xi32, #tpu.memory_space<hbm>>) target(%arg12 : memref<10x80xi32, #tpu.memory_space<vmem>>) target_semaphore(%run_scoped3A : memref<!tpu.dma_semaphore, #tpu.memory_space<semaphore_mem>>)
      %dma_wait3A_791 = arith.constant 0 : i32
      %dma_wait3A_792 = arith.constant 0 : i32
      %dma_wait3A_793 = tpu.memref_slice %arg6[%add3A, %dma_wait3A_791, %dma_wait3A_792] : memref<32x10x80xi32, #tpu.memory_space<hbm>> -> memref<1x10x80xi32, #tpu.memory_space<hbm>>
      %dma_wait3A_794 = tpu.memref_squeeze %dma_wait3A_793 : memref<1x10x80xi32, #tpu.memory_space<hbm>> -> memref<10x80xi32, #tpu.memory_space<hbm>>
      %dma_wait3A_795 = arith.constant 0 : i32
      %dma_wait3A_796 = arith.constant 0 : i32
      %dma_wait3A_797 = tpu.memref_slice %arg6[%add3A, %dma_wait3A_795, %dma_wait3A_796] : memref<32x10x80xi32, #tpu.memory_space<hbm>> -> memref<1x10x80xi32, #tpu.memory_space<hbm>>
      %dma_wait3A_798 = tpu.memref_squeeze %dma_wait3A_797 : memref<1x10x80xi32, #tpu.memory_space<hbm>> -> memref<10x80xi32, #tpu.memory_space<hbm>>
      tpu.wait_dma2 semaphore(%run_scoped3A : memref<!tpu.dma_semaphore, #tpu.memory_space<semaphore_mem>>) src(%dma_wait3A_798 : memref<10x80xi32, #tpu.memory_space<hbm>>) dst(%arg12 : memref<10x80xi32, #tpu.memory_space<vmem>>)
      tpu.yield
    }) : () -> ()
    "tpu.region"() ({
      %run_scoped3A = tpu.sem_alloc : memref<!tpu.dma_semaphore, #tpu.memory_space<semaphore_mem>>
      %dma_start3A_783 = arith.constant 0 : i32
      %dma_start3A_784 = arith.constant 0 : i32
      %dma_start3A_785 = tpu.memref_slice %arg7[%add3A, %dma_start3A_783, %dma_start3A_784] : memref<32x10x80xi32, #tpu.memory_space<hbm>> -> memref<1x10x80xi32, #tpu.memory_space<hbm>>
      %dma_start3A_786 = tpu.memref_squeeze %dma_start3A_785 : memref<1x10x80xi32, #tpu.memory_space<hbm>> -> memref<10x80xi32, #tpu.memory_space<hbm>>
      %dma_start3A_787 = arith.constant 0 : i32
      %dma_start3A_788 = arith.constant 0 : i32
      %dma_start3A_789 = tpu.memref_slice %arg7[%add3A, %dma_start3A_787, %dma_start3A_788] : memref<32x10x80xi32, #tpu.memory_space<hbm>> -> memref<1x10x80xi32, #tpu.memory_space<hbm>>
      %dma_start3A_790 = tpu.memref_squeeze %dma_start3A_789 : memref<1x10x80xi32, #tpu.memory_space<hbm>> -> memref<10x80xi32, #tpu.memory_space<hbm>>
      tpu.enqueue_dma source(%dma_start3A_790 : memref<10x80xi32, #tpu.memory_space<hbm>>) target(%arg13 : memref<10x80xi32, #tpu.memory_space<vmem>>) target_semaphore(%run_scoped3A : memref<!tpu.dma_semaphore, #tpu.memory_space<semaphore_mem>>)
      %dma_wait3A_791 = arith.constant 0 : i32
      %dma_wait3A_792 = arith.constant 0 : i32
      %dma_wait3A_793 = tpu.memref_slice %arg7[%add3A, %dma_wait3A_791, %dma_wait3A_792] : memref<32x10x80xi32, #tpu.memory_space<hbm>> -> memref<1x10x80xi32, #tpu.memory_space<hbm>>
      %dma_wait3A_794 = tpu.memref_squeeze %dma_wait3A_793 : memref<1x10x80xi32, #tpu.memory_space<hbm>> -> memref<10x80xi32, #tpu.memory_space<hbm>>
      %dma_wait3A_795 = arith.constant 0 : i32
      %dma_wait3A_796 = arith.constant 0 : i32
      %dma_wait3A_797 = tpu.memref_slice %arg7[%add3A, %dma_wait3A_795, %dma_wait3A_796] : memref<32x10x80xi32, #tpu.memory_space<hbm>> -> memref<1x10x80xi32, #tpu.memory_space<hbm>>
      %dma_wait3A_798 = tpu.memref_squeeze %dma_wait3A_797 : memref<1x10x80xi32, #tpu.memory_space<hbm>> -> memref<10x80xi32, #tpu.memory_space<hbm>>
      tpu.wait_dma2 semaphore(%run_scoped3A : memref<!tpu.dma_semaphore, #tpu.memory_space<semaphore_mem>>) src(%dma_wait3A_798 : memref<10x80xi32, #tpu.memory_space<hbm>>) dst(%arg13 : memref<10x80xi32, #tpu.memory_space<vmem>>)
      tpu.yield
    }) : () -> ()
    %barrier3A = arith.constant 0 : index
    tpu.barrier barrier_id(%barrier3A)
    %dma_start3A = arith.constant 0 : i32
    %dma_start3A_5 = arith.constant 0 : i32
    %dma_start3A_6 = tpu.memref_slice %arg11[%dma_start3A, %dma_start3A_5] : memref<10x80xi32, #tpu.memory_space<vmem>> -> memref<1x80xi32, #tpu.memory_space<vmem>>
    %dma_start3A_7 = tpu.memref_squeeze %dma_start3A_6 : memref<1x80xi32, #tpu.memory_space<vmem>> -> memref<80xi32, #tpu.memory_space<vmem>>
    %dma_start3A_8 = arith.constant 0 : i32
    %dma_start3A_9 = arith.constant 0 : i32
    %dma_start3A_10 = tpu.memref_slice %arg2[%dma_start3A_8, %dma_start3A_9] : memref<100001x128xf32, #tpu.memory_space<hbm>> -> memref<100001x128xf32, #tpu.memory_space<hbm>>
    tpu.enqueue_indirect_dma source(%dma_start3A_10 : memref<100001x128xf32, #tpu.memory_space<hbm>>) target(%arg14 : memref<80x128xf32, #tpu.memory_space<vmem>>) offsets(%dma_start3A_7 : memref<80xi32, #tpu.memory_space<vmem>>) semaphore(%arg23 : memref<!tpu.dma_semaphore, #tpu.memory_space<semaphore_mem>>)
    %dma_start3A_11 = arith.constant 0 : i32
    %dma_start3A_12 = arith.constant 0 : i32
    %dma_start3A_13 = tpu.memref_slice %arg12[%dma_start3A_11, %dma_start3A_12] : memref<10x80xi32, #tpu.memory_space<vmem>> -> memref<1x80xi32, #tpu.memory_space<vmem>>
    %dma_start3A_14 = tpu.memref_squeeze %dma_start3A_13 : memref<1x80xi32, #tpu.memory_space<vmem>> -> memref<80xi32, #tpu.memory_space<vmem>>
    %dma_start3A_15 = arith.constant 0 : i32
    %dma_start3A_16 = arith.constant 0 : i32
    %dma_start3A_17 = tpu.memref_slice %arg41[%dma_start3A_15, %dma_start3A_16] : memref<1001x128xf32, #tpu.memory_space<vmem_shared>> -> memref<1001x128xf32, #tpu.memory_space<vmem_shared>>
    tpu.enqueue_indirect_dma source(%dma_start3A_17 : memref<1001x128xf32, #tpu.memory_space<vmem_shared>>) target(%arg17 : memref<80x128xf32, #tpu.memory_space<vmem>>) offsets(%dma_start3A_14 : memref<80xi32, #tpu.memory_space<vmem>>) semaphore(%arg26 : memref<!tpu.dma_semaphore, #tpu.memory_space<semaphore_mem>>)
    %dma_start3A_18 = arith.constant 0 : i32
    %dma_start3A_19 = arith.constant 0 : i32
    %dma_start3A_20 = tpu.memref_slice %arg13[%dma_start3A_18, %dma_start3A_19] : memref<10x80xi32, #tpu.memory_space<vmem>> -> memref<1x80xi32, #tpu.memory_space<vmem>>
    %dma_start3A_21 = tpu.memref_squeeze %dma_start3A_20 : memref<1x80xi32, #tpu.memory_space<vmem>> -> memref<80xi32, #tpu.memory_space<vmem>>
    %dma_start3A_22 = arith.constant 0 : i32
    %dma_start3A_23 = arith.constant 0 : i32
    %dma_start3A_24 = tpu.memref_slice %arg42[%dma_start3A_22, %dma_start3A_23] : memref<1001x128xf32, #tpu.memory_space<vmem_shared>> -> memref<1001x128xf32, #tpu.memory_space<vmem_shared>>
    tpu.enqueue_indirect_dma source(%dma_start3A_24 : memref<1001x128xf32, #tpu.memory_space<vmem_shared>>) target(%arg20 : memref<80x128xf32, #tpu.memory_space<vmem>>) offsets(%dma_start3A_21 : memref<80xi32, #tpu.memory_space<vmem>>) semaphore(%arg29 : memref<!tpu.dma_semaphore, #tpu.memory_space<semaphore_mem>>)
    %dma_start3A_25 = arith.constant 1 : i32
    %dma_start3A_26 = arith.constant 0 : i32
    %dma_start3A_27 = tpu.memref_slice %arg11[%dma_start3A_25, %dma_start3A_26] : memref<10x80xi32, #tpu.memory_space<vmem>> -> memref<1x80xi32, #tpu.memory_space<vmem>>
    %dma_start3A_28 = tpu.memref_squeeze %dma_start3A_27 : memref<1x80xi32, #tpu.memory_space<vmem>> -> memref<80xi32, #tpu.memory_space<vmem>>
    %dma_start3A_29 = arith.constant 0 : i32
    %dma_start3A_30 = arith.constant 0 : i32
    %dma_start3A_31 = tpu.memref_slice %arg2[%dma_start3A_29, %dma_start3A_30] : memref<100001x128xf32, #tpu.memory_space<hbm>> -> memref<100001x128xf32, #tpu.memory_space<hbm>>
    tpu.enqueue_indirect_dma source(%dma_start3A_31 : memref<100001x128xf32, #tpu.memory_space<hbm>>) target(%arg15 : memref<80x128xf32, #tpu.memory_space<vmem>>) offsets(%dma_start3A_28 : memref<80xi32, #tpu.memory_space<vmem>>) semaphore(%arg24 : memref<!tpu.dma_semaphore, #tpu.memory_space<semaphore_mem>>)
    %dma_start3A_32 = arith.constant 1 : i32
    %dma_start3A_33 = arith.constant 0 : i32
    %dma_start3A_34 = tpu.memref_slice %arg12[%dma_start3A_32, %dma_start3A_33] : memref<10x80xi32, #tpu.memory_space<vmem>> -> memref<1x80xi32, #tpu.memory_space<vmem>>
    %dma_start3A_35 = tpu.memref_squeeze %dma_start3A_34 : memref<1x80xi32, #tpu.memory_space<vmem>> -> memref<80xi32, #tpu.memory_space<vmem>>
    %dma_start3A_36 = arith.constant 0 : i32
    %dma_start3A_37 = arith.constant 0 : i32
    %dma_start3A_38 = tpu.memref_slice %arg41[%dma_start3A_36, %dma_start3A_37] : memref<1001x128xf32, #tpu.memory_space<vmem_shared>> -> memref<1001x128xf32, #tpu.memory_space<vmem_shared>>
    tpu.enqueue_indirect_dma source(%dma_start3A_38 : memref<1001x128xf32, #tpu.memory_space<vmem_shared>>) target(%arg18 : memref<80x128xf32, #tpu.memory_space<vmem>>) offsets(%dma_start3A_35 : memref<80xi32, #tpu.memory_space<vmem>>) semaphore(%arg27 : memref<!tpu.dma_semaphore, #tpu.memory_space<semaphore_mem>>)
    %dma_start3A_39 = arith.constant 1 : i32
    %dma_start3A_40 = arith.constant 0 : i32
    %dma_start3A_41 = tpu.memref_slice %arg13[%dma_start3A_39, %dma_start3A_40] : memref<10x80xi32, #tpu.memory_space<vmem>> -> memref<1x80xi32, #tpu.memory_space<vmem>>
    %dma_start3A_42 = tpu.memref_squeeze %dma_start3A_41 : memref<1x80xi32, #tpu.memory_space<vmem>> -> memref<80xi32, #tpu.memory_space<vmem>>
    %dma_start3A_43 = arith.constant 0 : i32
    %dma_start3A_44 = arith.constant 0 : i32
    %dma_start3A_45 = tpu.memref_slice %arg42[%dma_start3A_43, %dma_start3A_44] : memref<1001x128xf32, #tpu.memory_space<vmem_shared>> -> memref<1001x128xf32, #tpu.memory_space<vmem_shared>>
    tpu.enqueue_indirect_dma source(%dma_start3A_45 : memref<1001x128xf32, #tpu.memory_space<vmem_shared>>) target(%arg21 : memref<80x128xf32, #tpu.memory_space<vmem>>) offsets(%dma_start3A_42 : memref<80xi32, #tpu.memory_space<vmem>>) semaphore(%arg30 : memref<!tpu.dma_semaphore, #tpu.memory_space<semaphore_mem>>)
    %dma_start3A_46 = arith.constant 2 : i32
    %dma_start3A_47 = arith.constant 0 : i32
    %dma_start3A_48 = tpu.memref_slice %arg11[%dma_start3A_46, %dma_start3A_47] : memref<10x80xi32, #tpu.memory_space<vmem>> -> memref<1x80xi32, #tpu.memory_space<vmem>>
    %dma_start3A_49 = tpu.memref_squeeze %dma_start3A_48 : memref<1x80xi32, #tpu.memory_space<vmem>> -> memref<80xi32, #tpu.memory_space<vmem>>
    %dma_start3A_50 = arith.constant 0 : i32
    %dma_start3A_51 = arith.constant 0 : i32
    %dma_start3A_52 = tpu.memref_slice %arg2[%dma_start3A_50, %dma_start3A_51] : memref<100001x128xf32, #tpu.memory_space<hbm>> -> memref<100001x128xf32, #tpu.memory_space<hbm>>
    tpu.enqueue_indirect_dma source(%dma_start3A_52 : memref<100001x128xf32, #tpu.memory_space<hbm>>) target(%arg16 : memref<80x128xf32, #tpu.memory_space<vmem>>) offsets(%dma_start3A_49 : memref<80xi32, #tpu.memory_space<vmem>>) semaphore(%arg25 : memref<!tpu.dma_semaphore, #tpu.memory_space<semaphore_mem>>)
    %dma_start3A_53 = arith.constant 2 : i32
    %dma_start3A_54 = arith.constant 0 : i32
    %dma_start3A_55 = tpu.memref_slice %arg12[%dma_start3A_53, %dma_start3A_54] : memref<10x80xi32, #tpu.memory_space<vmem>> -> memref<1x80xi32, #tpu.memory_space<vmem>>
    %dma_start3A_56 = tpu.memref_squeeze %dma_start3A_55 : memref<1x80xi32, #tpu.memory_space<vmem>> -> memref<80xi32, #tpu.memory_space<vmem>>
    %dma_start3A_57 = arith.constant 0 : i32
    %dma_start3A_58 = arith.constant 0 : i32
    %dma_start3A_59 = tpu.memref_slice %arg41[%dma_start3A_57, %dma_start3A_58] : memref<1001x128xf32, #tpu.memory_space<vmem_shared>> -> memref<1001x128xf32, #tpu.memory_space<vmem_shared>>
    tpu.enqueue_indirect_dma source(%dma_start3A_59 : memref<1001x128xf32, #tpu.memory_space<vmem_shared>>) target(%arg19 : memref<80x128xf32, #tpu.memory_space<vmem>>) offsets(%dma_start3A_56 : memref<80xi32, #tpu.memory_space<vmem>>) semaphore(%arg28 : memref<!tpu.dma_semaphore, #tpu.memory_space<semaphore_mem>>)
    %dma_start3A_60 = arith.constant 2 : i32
    %dma_start3A_61 = arith.constant 0 : i32
    %dma_start3A_62 = tpu.memref_slice %arg13[%dma_start3A_60, %dma_start3A_61] : memref<10x80xi32, #tpu.memory_space<vmem>> -> memref<1x80xi32, #tpu.memory_space<vmem>>
    %dma_start3A_63 = tpu.memref_squeeze %dma_start3A_62 : memref<1x80xi32, #tpu.memory_space<vmem>> -> memref<80xi32, #tpu.memory_space<vmem>>
    %dma_start3A_64 = arith.constant 0 : i32
    %dma_start3A_65 = arith.constant 0 : i32
    %dma_start3A_66 = tpu.memref_slice %arg42[%dma_start3A_64, %dma_start3A_65] : memref<1001x128xf32, #tpu.memory_space<vmem_shared>> -> memref<1001x128xf32, #tpu.memory_space<vmem_shared>>
    tpu.enqueue_indirect_dma source(%dma_start3A_66 : memref<1001x128xf32, #tpu.memory_space<vmem_shared>>) target(%arg22 : memref<80x128xf32, #tpu.memory_space<vmem>>) offsets(%dma_start3A_63 : memref<80xi32, #tpu.memory_space<vmem>>) semaphore(%arg31 : memref<!tpu.dma_semaphore, #tpu.memory_space<semaphore_mem>>)
    %dma_wait3A = arith.constant 0 : i32
    %dma_wait3A_67 = arith.constant 0 : i32
    %dma_wait3A_68 = tpu.memref_slice %arg11[%dma_wait3A, %dma_wait3A_67] : memref<10x80xi32, #tpu.memory_space<vmem>> -> memref<1x80xi32, #tpu.memory_space<vmem>>
    %dma_wait3A_69 = tpu.memref_squeeze %dma_wait3A_68 : memref<1x80xi32, #tpu.memory_space<vmem>> -> memref<80xi32, #tpu.memory_space<vmem>>
    %dma_wait3A_70 = arith.constant 0 : i32
    %dma_wait3A_71 = arith.constant 0 : i32
    %dma_wait3A_72 = tpu.memref_slice %arg2[%dma_wait3A_70, %dma_wait3A_71] : memref<100001x128xf32, #tpu.memory_space<hbm>> -> memref<100001x128xf32, #tpu.memory_space<hbm>>
    tpu.wait_indirect_dma semaphore(%arg23 : memref<!tpu.dma_semaphore, #tpu.memory_space<semaphore_mem>>) src(%dma_wait3A_72 : memref<100001x128xf32, #tpu.memory_space<hbm>>) dst(%arg14 : memref<80x128xf32, #tpu.memory_space<vmem>>)
    %add3A_73 = arith.constant 0 : i32
    %add3A_74 = arith.addi %mul3A_2, %add3A_73 : i32
    %dma_start3A_75 = arith.constant 0 : i32
    %dma_start3A_76 = tpu.memref_slice %arg8[%add3A_74, %dma_start3A_75] : memref<25600x128xf32, #tpu.memory_space<hbm>> -> memref<80x128xf32, #tpu.memory_space<hbm>>
    %dma_start3A_77 = arith.constant 0 : i32
    %dma_start3A_78 = tpu.memref_slice %arg8[%add3A_74, %dma_start3A_77] : memref<25600x128xf32, #tpu.memory_space<hbm>> -> memref<80x128xf32, #tpu.memory_space<hbm>>
    tpu.enqueue_dma source(%arg14 : memref<80x128xf32, #tpu.memory_space<vmem>>) target(%dma_start3A_78 : memref<80x128xf32, #tpu.memory_space<hbm>>) target_semaphore(%arg32 : memref<!tpu.dma_semaphore, #tpu.memory_space<semaphore_mem>>)
    %dma_wait3A_79 = arith.constant 0 : i32
    %dma_wait3A_80 = arith.constant 0 : i32
    %dma_wait3A_81 = tpu.memref_slice %arg12[%dma_wait3A_79, %dma_wait3A_80] : memref<10x80xi32, #tpu.memory_space<vmem>> -> memref<1x80xi32, #tpu.memory_space<vmem>>
    %dma_wait3A_82 = tpu.memref_squeeze %dma_wait3A_81 : memref<1x80xi32, #tpu.memory_space<vmem>> -> memref<80xi32, #tpu.memory_space<vmem>>
    %dma_wait3A_83 = arith.constant 0 : i32
    %dma_wait3A_84 = arith.constant 0 : i32
    %dma_wait3A_85 = tpu.memref_slice %arg41[%dma_wait3A_83, %dma_wait3A_84] : memref<1001x128xf32, #tpu.memory_space<vmem_shared>> -> memref<1001x128xf32, #tpu.memory_space<vmem_shared>>
    tpu.wait_indirect_dma semaphore(%arg26 : memref<!tpu.dma_semaphore, #tpu.memory_space<semaphore_mem>>) src(%dma_wait3A_85 : memref<1001x128xf32, #tpu.memory_space<vmem_shared>>) dst(%arg17 : memref<80x128xf32, #tpu.memory_space<vmem>>)
    %add3A_86 = arith.constant 0 : i32
    %add3A_87 = arith.addi %mul3A_2, %add3A_86 : i32
    %dma_start3A_88 = arith.constant 0 : i32
    %dma_start3A_89 = tpu.memref_slice %arg9[%add3A_87, %dma_start3A_88] : memref<25600x128xf32, #tpu.memory_space<hbm>> -> memref<80x128xf32, #tpu.memory_space<hbm>>
    %dma_start3A_90 = arith.constant 0 : i32
    %dma_start3A_91 = tpu.memref_slice %arg9[%add3A_87, %dma_start3A_90] : memref<25600x128xf32, #tpu.memory_space<hbm>> -> memref<80x128xf32, #tpu.memory_space<hbm>>
    tpu.enqueue_dma source(%arg17 : memref<80x128xf32, #tpu.memory_space<vmem>>) target(%dma_start3A_91 : memref<80x128xf32, #tpu.memory_space<hbm>>) target_semaphore(%arg35 : memref<!tpu.dma_semaphore, #tpu.memory_space<semaphore_mem>>)
    %dma_wait3A_92 = arith.constant 0 : i32
    %dma_wait3A_93 = arith.constant 0 : i32
    %dma_wait3A_94 = tpu.memref_slice %arg13[%dma_wait3A_92, %dma_wait3A_93] : memref<10x80xi32, #tpu.memory_space<vmem>> -> memref<1x80xi32, #tpu.memory_space<vmem>>
    %dma_wait3A_95 = tpu.memref_squeeze %dma_wait3A_94 : memref<1x80xi32, #tpu.memory_space<vmem>> -> memref<80xi32, #tpu.memory_space<vmem>>
    %dma_wait3A_96 = arith.constant 0 : i32
    %dma_wait3A_97 = arith.constant 0 : i32
    %dma_wait3A_98 = tpu.memref_slice %arg42[%dma_wait3A_96, %dma_wait3A_97] : memref<1001x128xf32, #tpu.memory_space<vmem_shared>> -> memref<1001x128xf32, #tpu.memory_space<vmem_shared>>
    tpu.wait_indirect_dma semaphore(%arg29 : memref<!tpu.dma_semaphore, #tpu.memory_space<semaphore_mem>>) src(%dma_wait3A_98 : memref<1001x128xf32, #tpu.memory_space<vmem_shared>>) dst(%arg20 : memref<80x128xf32, #tpu.memory_space<vmem>>)
    %add3A_99 = arith.constant 0 : i32
    %add3A_100 = arith.addi %mul3A_2, %add3A_99 : i32
    %dma_start3A_101 = arith.constant 0 : i32
    %dma_start3A_102 = tpu.memref_slice %arg10[%add3A_100, %dma_start3A_101] : memref<25600x128xf32, #tpu.memory_space<hbm>> -> memref<80x128xf32, #tpu.memory_space<hbm>>
    %dma_start3A_103 = arith.constant 0 : i32
    %dma_start3A_104 = tpu.memref_slice %arg10[%add3A_100, %dma_start3A_103] : memref<25600x128xf32, #tpu.memory_space<hbm>> -> memref<80x128xf32, #tpu.memory_space<hbm>>
    tpu.enqueue_dma source(%arg20 : memref<80x128xf32, #tpu.memory_space<vmem>>) target(%dma_start3A_104 : memref<80x128xf32, #tpu.memory_space<hbm>>) target_semaphore(%arg38 : memref<!tpu.dma_semaphore, #tpu.memory_space<semaphore_mem>>)
    %add3A_105 = arith.constant 0 : i32
    %add3A_106 = arith.addi %mul3A_2, %add3A_105 : i32
    %dma_wait3A_107 = arith.constant 0 : i32
    %dma_wait3A_108 = tpu.memref_slice %arg8[%add3A_106, %dma_wait3A_107] : memref<25600x128xf32, #tpu.memory_space<hbm>> -> memref<80x128xf32, #tpu.memory_space<hbm>>
    %dma_wait3A_109 = arith.constant 0 : i32
    %dma_wait3A_110 = tpu.memref_slice %arg8[%add3A_106, %dma_wait3A_109] : memref<25600x128xf32, #tpu.memory_space<hbm>> -> memref<80x128xf32, #tpu.memory_space<hbm>>
    tpu.wait_dma2 semaphore(%arg32 : memref<!tpu.dma_semaphore, #tpu.memory_space<semaphore_mem>>) src(%arg14 : memref<80x128xf32, #tpu.memory_space<vmem>>) dst(%dma_wait3A_110 : memref<80x128xf32, #tpu.memory_space<hbm>>)
    %dma_start3A_111 = arith.constant 3 : i32
    %dma_start3A_112 = arith.constant 0 : i32
    %dma_start3A_113 = tpu.memref_slice %arg11[%dma_start3A_111, %dma_start3A_112] : memref<10x80xi32, #tpu.memory_space<vmem>> -> memref<1x80xi32, #tpu.memory_space<vmem>>
    %dma_start3A_114 = tpu.memref_squeeze %dma_start3A_113 : memref<1x80xi32, #tpu.memory_space<vmem>> -> memref<80xi32, #tpu.memory_space<vmem>>
    %dma_start3A_115 = arith.constant 0 : i32
    %dma_start3A_116 = arith.constant 0 : i32
    %dma_start3A_117 = tpu.memref_slice %arg2[%dma_start3A_115, %dma_start3A_116] : memref<100001x128xf32, #tpu.memory_space<hbm>> -> memref<100001x128xf32, #tpu.memory_space<hbm>>
    tpu.enqueue_indirect_dma source(%dma_start3A_117 : memref<100001x128xf32, #tpu.memory_space<hbm>>) target(%arg14 : memref<80x128xf32, #tpu.memory_space<vmem>>) offsets(%dma_start3A_114 : memref<80xi32, #tpu.memory_space<vmem>>) semaphore(%arg23 : memref<!tpu.dma_semaphore, #tpu.memory_space<semaphore_mem>>)
    %add3A_118 = arith.constant 0 : i32
    %add3A_119 = arith.addi %mul3A_2, %add3A_118 : i32
    %dma_wait3A_120 = arith.constant 0 : i32
    %dma_wait3A_121 = tpu.memref_slice %arg9[%add3A_119, %dma_wait3A_120] : memref<25600x128xf32, #tpu.memory_space<hbm>> -> memref<80x128xf32, #tpu.memory_space<hbm>>
    %dma_wait3A_122 = arith.constant 0 : i32
    %dma_wait3A_123 = tpu.memref_slice %arg9[%add3A_119, %dma_wait3A_122] : memref<25600x128xf32, #tpu.memory_space<hbm>> -> memref<80x128xf32, #tpu.memory_space<hbm>>
    tpu.wait_dma2 semaphore(%arg35 : memref<!tpu.dma_semaphore, #tpu.memory_space<semaphore_mem>>) src(%arg17 : memref<80x128xf32, #tpu.memory_space<vmem>>) dst(%dma_wait3A_123 : memref<80x128xf32, #tpu.memory_space<hbm>>)
    %dma_start3A_124 = arith.constant 3 : i32
    %dma_start3A_125 = arith.constant 0 : i32
    %dma_start3A_126 = tpu.memref_slice %arg12[%dma_start3A_124, %dma_start3A_125] : memref<10x80xi32, #tpu.memory_space<vmem>> -> memref<1x80xi32, #tpu.memory_space<vmem>>
    %dma_start3A_127 = tpu.memref_squeeze %dma_start3A_126 : memref<1x80xi32, #tpu.memory_space<vmem>> -> memref<80xi32, #tpu.memory_space<vmem>>
    %dma_start3A_128 = arith.constant 0 : i32
    %dma_start3A_129 = arith.constant 0 : i32
    %dma_start3A_130 = tpu.memref_slice %arg41[%dma_start3A_128, %dma_start3A_129] : memref<1001x128xf32, #tpu.memory_space<vmem_shared>> -> memref<1001x128xf32, #tpu.memory_space<vmem_shared>>
    tpu.enqueue_indirect_dma source(%dma_start3A_130 : memref<1001x128xf32, #tpu.memory_space<vmem_shared>>) target(%arg17 : memref<80x128xf32, #tpu.memory_space<vmem>>) offsets(%dma_start3A_127 : memref<80xi32, #tpu.memory_space<vmem>>) semaphore(%arg26 : memref<!tpu.dma_semaphore, #tpu.memory_space<semaphore_mem>>)
    %add3A_131 = arith.constant 0 : i32
    %add3A_132 = arith.addi %mul3A_2, %add3A_131 : i32
    %dma_wait3A_133 = arith.constant 0 : i32
    %dma_wait3A_134 = tpu.memref_slice %arg10[%add3A_132, %dma_wait3A_133] : memref<25600x128xf32, #tpu.memory_space<hbm>> -> memref<80x128xf32, #tpu.memory_space<hbm>>
    %dma_wait3A_135 = arith.constant 0 : i32
    %dma_wait3A_136 = tpu.memref_slice %arg10[%add3A_132, %dma_wait3A_135] : memref<25600x128xf32, #tpu.memory_space<hbm>> -> memref<80x128xf32, #tpu.memory_space<hbm>>
    tpu.wait_dma2 semaphore(%arg38 : memref<!tpu.dma_semaphore, #tpu.memory_space<semaphore_mem>>) src(%arg20 : memref<80x128xf32, #tpu.memory_space<vmem>>) dst(%dma_wait3A_136 : memref<80x128xf32, #tpu.memory_space<hbm>>)
    %dma_start3A_137 = arith.constant 3 : i32
    %dma_start3A_138 = arith.constant 0 : i32
    %dma_start3A_139 = tpu.memref_slice %arg13[%dma_start3A_137, %dma_start3A_138] : memref<10x80xi32, #tpu.memory_space<vmem>> -> memref<1x80xi32, #tpu.memory_space<vmem>>
    %dma_start3A_140 = tpu.memref_squeeze %dma_start3A_139 : memref<1x80xi32, #tpu.memory_space<vmem>> -> memref<80xi32, #tpu.memory_space<vmem>>
    %dma_start3A_141 = arith.constant 0 : i32
    %dma_start3A_142 = arith.constant 0 : i32
    %dma_start3A_143 = tpu.memref_slice %arg42[%dma_start3A_141, %dma_start3A_142] : memref<1001x128xf32, #tpu.memory_space<vmem_shared>> -> memref<1001x128xf32, #tpu.memory_space<vmem_shared>>
    tpu.enqueue_indirect_dma source(%dma_start3A_143 : memref<1001x128xf32, #tpu.memory_space<vmem_shared>>) target(%arg20 : memref<80x128xf32, #tpu.memory_space<vmem>>) offsets(%dma_start3A_140 : memref<80xi32, #tpu.memory_space<vmem>>) semaphore(%arg29 : memref<!tpu.dma_semaphore, #tpu.memory_space<semaphore_mem>>)
    %dma_wait3A_144 = arith.constant 1 : i32
    %dma_wait3A_145 = arith.constant 0 : i32
    %dma_wait3A_146 = tpu.memref_slice %arg11[%dma_wait3A_144, %dma_wait3A_145] : memref<10x80xi32, #tpu.memory_space<vmem>> -> memref<1x80xi32, #tpu.memory_space<vmem>>
    %dma_wait3A_147 = tpu.memref_squeeze %dma_wait3A_146 : memref<1x80xi32, #tpu.memory_space<vmem>> -> memref<80xi32, #tpu.memory_space<vmem>>
    %dma_wait3A_148 = arith.constant 0 : i32
    %dma_wait3A_149 = arith.constant 0 : i32
    %dma_wait3A_150 = tpu.memref_slice %arg2[%dma_wait3A_148, %dma_wait3A_149] : memref<100001x128xf32, #tpu.memory_space<hbm>> -> memref<100001x128xf32, #tpu.memory_space<hbm>>
    tpu.wait_indirect_dma semaphore(%arg24 : memref<!tpu.dma_semaphore, #tpu.memory_space<semaphore_mem>>) src(%dma_wait3A_150 : memref<100001x128xf32, #tpu.memory_space<hbm>>) dst(%arg15 : memref<80x128xf32, #tpu.memory_space<vmem>>)
    %add3A_151 = arith.constant 80 : i32
    %add3A_152 = arith.addi %mul3A_2, %add3A_151 : i32
    %dma_start3A_153 = arith.constant 0 : i32
    %dma_start3A_154 = tpu.memref_slice %arg8[%add3A_152, %dma_start3A_153] : memref<25600x128xf32, #tpu.memory_space<hbm>> -> memref<80x128xf32, #tpu.memory_space<hbm>>
    %dma_start3A_155 = arith.constant 0 : i32
    %dma_start3A_156 = tpu.memref_slice %arg8[%add3A_152, %dma_start3A_155] : memref<25600x128xf32, #tpu.memory_space<hbm>> -> memref<80x128xf32, #tpu.memory_space<hbm>>
    tpu.enqueue_dma source(%arg15 : memref<80x128xf32, #tpu.memory_space<vmem>>) target(%dma_start3A_156 : memref<80x128xf32, #tpu.memory_space<hbm>>) target_semaphore(%arg33 : memref<!tpu.dma_semaphore, #tpu.memory_space<semaphore_mem>>)
    %dma_wait3A_157 = arith.constant 1 : i32
    %dma_wait3A_158 = arith.constant 0 : i32
    %dma_wait3A_159 = tpu.memref_slice %arg12[%dma_wait3A_157, %dma_wait3A_158] : memref<10x80xi32, #tpu.memory_space<vmem>> -> memref<1x80xi32, #tpu.memory_space<vmem>>
    %dma_wait3A_160 = tpu.memref_squeeze %dma_wait3A_159 : memref<1x80xi32, #tpu.memory_space<vmem>> -> memref<80xi32, #tpu.memory_space<vmem>>
    %dma_wait3A_161 = arith.constant 0 : i32
    %dma_wait3A_162 = arith.constant 0 : i32
    %dma_wait3A_163 = tpu.memref_slice %arg41[%dma_wait3A_161, %dma_wait3A_162] : memref<1001x128xf32, #tpu.memory_space<vmem_shared>> -> memref<1001x128xf32, #tpu.memory_space<vmem_shared>>
    tpu.wait_indirect_dma semaphore(%arg27 : memref<!tpu.dma_semaphore, #tpu.memory_space<semaphore_mem>>) src(%dma_wait3A_163 : memref<1001x128xf32, #tpu.memory_space<vmem_shared>>) dst(%arg18 : memref<80x128xf32, #tpu.memory_space<vmem>>)
    %add3A_164 = arith.constant 80 : i32
    %add3A_165 = arith.addi %mul3A_2, %add3A_164 : i32
    %dma_start3A_166 = arith.constant 0 : i32
    %dma_start3A_167 = tpu.memref_slice %arg9[%add3A_165, %dma_start3A_166] : memref<25600x128xf32, #tpu.memory_space<hbm>> -> memref<80x128xf32, #tpu.memory_space<hbm>>
    %dma_start3A_168 = arith.constant 0 : i32
    %dma_start3A_169 = tpu.memref_slice %arg9[%add3A_165, %dma_start3A_168] : memref<25600x128xf32, #tpu.memory_space<hbm>> -> memref<80x128xf32, #tpu.memory_space<hbm>>
    tpu.enqueue_dma source(%arg18 : memref<80x128xf32, #tpu.memory_space<vmem>>) target(%dma_start3A_169 : memref<80x128xf32, #tpu.memory_space<hbm>>) target_semaphore(%arg36 : memref<!tpu.dma_semaphore, #tpu.memory_space<semaphore_mem>>)
    %dma_wait3A_170 = arith.constant 1 : i32
    %dma_wait3A_171 = arith.constant 0 : i32
    %dma_wait3A_172 = tpu.memref_slice %arg13[%dma_wait3A_170, %dma_wait3A_171] : memref<10x80xi32, #tpu.memory_space<vmem>> -> memref<1x80xi32, #tpu.memory_space<vmem>>
    %dma_wait3A_173 = tpu.memref_squeeze %dma_wait3A_172 : memref<1x80xi32, #tpu.memory_space<vmem>> -> memref<80xi32, #tpu.memory_space<vmem>>
    %dma_wait3A_174 = arith.constant 0 : i32
    %dma_wait3A_175 = arith.constant 0 : i32
    %dma_wait3A_176 = tpu.memref_slice %arg42[%dma_wait3A_174, %dma_wait3A_175] : memref<1001x128xf32, #tpu.memory_space<vmem_shared>> -> memref<1001x128xf32, #tpu.memory_space<vmem_shared>>
    tpu.wait_indirect_dma semaphore(%arg30 : memref<!tpu.dma_semaphore, #tpu.memory_space<semaphore_mem>>) src(%dma_wait3A_176 : memref<1001x128xf32, #tpu.memory_space<vmem_shared>>) dst(%arg21 : memref<80x128xf32, #tpu.memory_space<vmem>>)
    %add3A_177 = arith.constant 80 : i32
    %add3A_178 = arith.addi %mul3A_2, %add3A_177 : i32
    %dma_start3A_179 = arith.constant 0 : i32
    %dma_start3A_180 = tpu.memref_slice %arg10[%add3A_178, %dma_start3A_179] : memref<25600x128xf32, #tpu.memory_space<hbm>> -> memref<80x128xf32, #tpu.memory_space<hbm>>
    %dma_start3A_181 = arith.constant 0 : i32
    %dma_start3A_182 = tpu.memref_slice %arg10[%add3A_178, %dma_start3A_181] : memref<25600x128xf32, #tpu.memory_space<hbm>> -> memref<80x128xf32, #tpu.memory_space<hbm>>
    tpu.enqueue_dma source(%arg21 : memref<80x128xf32, #tpu.memory_space<vmem>>) target(%dma_start3A_182 : memref<80x128xf32, #tpu.memory_space<hbm>>) target_semaphore(%arg39 : memref<!tpu.dma_semaphore, #tpu.memory_space<semaphore_mem>>)
    %add3A_183 = arith.constant 80 : i32
    %add3A_184 = arith.addi %mul3A_2, %add3A_183 : i32
    %dma_wait3A_185 = arith.constant 0 : i32
    %dma_wait3A_186 = tpu.memref_slice %arg8[%add3A_184, %dma_wait3A_185] : memref<25600x128xf32, #tpu.memory_space<hbm>> -> memref<80x128xf32, #tpu.memory_space<hbm>>
    %dma_wait3A_187 = arith.constant 0 : i32
    %dma_wait3A_188 = tpu.memref_slice %arg8[%add3A_184, %dma_wait3A_187] : memref<25600x128xf32, #tpu.memory_space<hbm>> -> memref<80x128xf32, #tpu.memory_space<hbm>>
    tpu.wait_dma2 semaphore(%arg33 : memref<!tpu.dma_semaphore, #tpu.memory_space<semaphore_mem>>) src(%arg15 : memref<80x128xf32, #tpu.memory_space<vmem>>) dst(%dma_wait3A_188 : memref<80x128xf32, #tpu.memory_space<hbm>>)
    %dma_start3A_189 = arith.constant 4 : i32
    %dma_start3A_190 = arith.constant 0 : i32
    %dma_start3A_191 = tpu.memref_slice %arg11[%dma_start3A_189, %dma_start3A_190] : memref<10x80xi32, #tpu.memory_space<vmem>> -> memref<1x80xi32, #tpu.memory_space<vmem>>
    %dma_start3A_192 = tpu.memref_squeeze %dma_start3A_191 : memref<1x80xi32, #tpu.memory_space<vmem>> -> memref<80xi32, #tpu.memory_space<vmem>>
    %dma_start3A_193 = arith.constant 0 : i32
    %dma_start3A_194 = arith.constant 0 : i32
    %dma_start3A_195 = tpu.memref_slice %arg2[%dma_start3A_193, %dma_start3A_194] : memref<100001x128xf32, #tpu.memory_space<hbm>> -> memref<100001x128xf32, #tpu.memory_space<hbm>>
    tpu.enqueue_indirect_dma source(%dma_start3A_195 : memref<100001x128xf32, #tpu.memory_space<hbm>>) target(%arg15 : memref<80x128xf32, #tpu.memory_space<vmem>>) offsets(%dma_start3A_192 : memref<80xi32, #tpu.memory_space<vmem>>) semaphore(%arg24 : memref<!tpu.dma_semaphore, #tpu.memory_space<semaphore_mem>>)
    %add3A_196 = arith.constant 80 : i32
    %add3A_197 = arith.addi %mul3A_2, %add3A_196 : i32
    %dma_wait3A_198 = arith.constant 0 : i32
    %dma_wait3A_199 = tpu.memref_slice %arg9[%add3A_197, %dma_wait3A_198] : memref<25600x128xf32, #tpu.memory_space<hbm>> -> memref<80x128xf32, #tpu.memory_space<hbm>>
    %dma_wait3A_200 = arith.constant 0 : i32
    %dma_wait3A_201 = tpu.memref_slice %arg9[%add3A_197, %dma_wait3A_200] : memref<25600x128xf32, #tpu.memory_space<hbm>> -> memref<80x128xf32, #tpu.memory_space<hbm>>
    tpu.wait_dma2 semaphore(%arg36 : memref<!tpu.dma_semaphore, #tpu.memory_space<semaphore_mem>>) src(%arg18 : memref<80x128xf32, #tpu.memory_space<vmem>>) dst(%dma_wait3A_201 : memref<80x128xf32, #tpu.memory_space<hbm>>)
    %dma_start3A_202 = arith.constant 4 : i32
    %dma_start3A_203 = arith.constant 0 : i32
    %dma_start3A_204 = tpu.memref_slice %arg12[%dma_start3A_202, %dma_start3A_203] : memref<10x80xi32, #tpu.memory_space<vmem>> -> memref<1x80xi32, #tpu.memory_space<vmem>>
    %dma_start3A_205 = tpu.memref_squeeze %dma_start3A_204 : memref<1x80xi32, #tpu.memory_space<vmem>> -> memref<80xi32, #tpu.memory_space<vmem>>
    %dma_start3A_206 = arith.constant 0 : i32
    %dma_start3A_207 = arith.constant 0 : i32
    %dma_start3A_208 = tpu.memref_slice %arg41[%dma_start3A_206, %dma_start3A_207] : memref<1001x128xf32, #tpu.memory_space<vmem_shared>> -> memref<1001x128xf32, #tpu.memory_space<vmem_shared>>
    tpu.enqueue_indirect_dma source(%dma_start3A_208 : memref<1001x128xf32, #tpu.memory_space<vmem_shared>>) target(%arg18 : memref<80x128xf32, #tpu.memory_space<vmem>>) offsets(%dma_start3A_205 : memref<80xi32, #tpu.memory_space<vmem>>) semaphore(%arg27 : memref<!tpu.dma_semaphore, #tpu.memory_space<semaphore_mem>>)
    %add3A_209 = arith.constant 80 : i32
    %add3A_210 = arith.addi %mul3A_2, %add3A_209 : i32
    %dma_wait3A_211 = arith.constant 0 : i32
    %dma_wait3A_212 = tpu.memref_slice %arg10[%add3A_210, %dma_wait3A_211] : memref<25600x128xf32, #tpu.memory_space<hbm>> -> memref<80x128xf32, #tpu.memory_space<hbm>>
    %dma_wait3A_213 = arith.constant 0 : i32
    %dma_wait3A_214 = tpu.memref_slice %arg10[%add3A_210, %dma_wait3A_213] : memref<25600x128xf32, #tpu.memory_space<hbm>> -> memref<80x128xf32, #tpu.memory_space<hbm>>
    tpu.wait_dma2 semaphore(%arg39 : memref<!tpu.dma_semaphore, #tpu.memory_space<semaphore_mem>>) src(%arg21 : memref<80x128xf32, #tpu.memory_space<vmem>>) dst(%dma_wait3A_214 : memref<80x128xf32, #tpu.memory_space<hbm>>)
    %dma_start3A_215 = arith.constant 4 : i32
    %dma_start3A_216 = arith.constant 0 : i32
    %dma_start3A_217 = tpu.memref_slice %arg13[%dma_start3A_215, %dma_start3A_216] : memref<10x80xi32, #tpu.memory_space<vmem>> -> memref<1x80xi32, #tpu.memory_space<vmem>>
    %dma_start3A_218 = tpu.memref_squeeze %dma_start3A_217 : memref<1x80xi32, #tpu.memory_space<vmem>> -> memref<80xi32, #tpu.memory_space<vmem>>
    %dma_start3A_219 = arith.constant 0 : i32
    %dma_start3A_220 = arith.constant 0 : i32
    %dma_start3A_221 = tpu.memref_slice %arg42[%dma_start3A_219, %dma_start3A_220] : memref<1001x128xf32, #tpu.memory_space<vmem_shared>> -> memref<1001x128xf32, #tpu.memory_space<vmem_shared>>
    tpu.enqueue_indirect_dma source(%dma_start3A_221 : memref<1001x128xf32, #tpu.memory_space<vmem_shared>>) target(%arg21 : memref<80x128xf32, #tpu.memory_space<vmem>>) offsets(%dma_start3A_218 : memref<80xi32, #tpu.memory_space<vmem>>) semaphore(%arg30 : memref<!tpu.dma_semaphore, #tpu.memory_space<semaphore_mem>>)
    %dma_wait3A_222 = arith.constant 2 : i32
    %dma_wait3A_223 = arith.constant 0 : i32
    %dma_wait3A_224 = tpu.memref_slice %arg11[%dma_wait3A_222, %dma_wait3A_223] : memref<10x80xi32, #tpu.memory_space<vmem>> -> memref<1x80xi32, #tpu.memory_space<vmem>>
    %dma_wait3A_225 = tpu.memref_squeeze %dma_wait3A_224 : memref<1x80xi32, #tpu.memory_space<vmem>> -> memref<80xi32, #tpu.memory_space<vmem>>
    %dma_wait3A_226 = arith.constant 0 : i32
    %dma_wait3A_227 = arith.constant 0 : i32
    %dma_wait3A_228 = tpu.memref_slice %arg2[%dma_wait3A_226, %dma_wait3A_227] : memref<100001x128xf32, #tpu.memory_space<hbm>> -> memref<100001x128xf32, #tpu.memory_space<hbm>>
    tpu.wait_indirect_dma semaphore(%arg25 : memref<!tpu.dma_semaphore, #tpu.memory_space<semaphore_mem>>) src(%dma_wait3A_228 : memref<100001x128xf32, #tpu.memory_space<hbm>>) dst(%arg16 : memref<80x128xf32, #tpu.memory_space<vmem>>)
    %add3A_229 = arith.constant 160 : i32
    %add3A_230 = arith.addi %mul3A_2, %add3A_229 : i32
    %dma_start3A_231 = arith.constant 0 : i32
    %dma_start3A_232 = tpu.memref_slice %arg8[%add3A_230, %dma_start3A_231] : memref<25600x128xf32, #tpu.memory_space<hbm>> -> memref<80x128xf32, #tpu.memory_space<hbm>>
    %dma_start3A_233 = arith.constant 0 : i32
    %dma_start3A_234 = tpu.memref_slice %arg8[%add3A_230, %dma_start3A_233] : memref<25600x128xf32, #tpu.memory_space<hbm>> -> memref<80x128xf32, #tpu.memory_space<hbm>>
    tpu.enqueue_dma source(%arg16 : memref<80x128xf32, #tpu.memory_space<vmem>>) target(%dma_start3A_234 : memref<80x128xf32, #tpu.memory_space<hbm>>) target_semaphore(%arg34 : memref<!tpu.dma_semaphore, #tpu.memory_space<semaphore_mem>>)
    %dma_wait3A_235 = arith.constant 2 : i32
    %dma_wait3A_236 = arith.constant 0 : i32
    %dma_wait3A_237 = tpu.memref_slice %arg12[%dma_wait3A_235, %dma_wait3A_236] : memref<10x80xi32, #tpu.memory_space<vmem>> -> memref<1x80xi32, #tpu.memory_space<vmem>>
    %dma_wait3A_238 = tpu.memref_squeeze %dma_wait3A_237 : memref<1x80xi32, #tpu.memory_space<vmem>> -> memref<80xi32, #tpu.memory_space<vmem>>
    %dma_wait3A_239 = arith.constant 0 : i32
    %dma_wait3A_240 = arith.constant 0 : i32
    %dma_wait3A_241 = tpu.memref_slice %arg41[%dma_wait3A_239, %dma_wait3A_240] : memref<1001x128xf32, #tpu.memory_space<vmem_shared>> -> memref<1001x128xf32, #tpu.memory_space<vmem_shared>>
    tpu.wait_indirect_dma semaphore(%arg28 : memref<!tpu.dma_semaphore, #tpu.memory_space<semaphore_mem>>) src(%dma_wait3A_241 : memref<1001x128xf32, #tpu.memory_space<vmem_shared>>) dst(%arg19 : memref<80x128xf32, #tpu.memory_space<vmem>>)
    %add3A_242 = arith.constant 160 : i32
    %add3A_243 = arith.addi %mul3A_2, %add3A_242 : i32
    %dma_start3A_244 = arith.constant 0 : i32
    %dma_start3A_245 = tpu.memref_slice %arg9[%add3A_243, %dma_start3A_244] : memref<25600x128xf32, #tpu.memory_space<hbm>> -> memref<80x128xf32, #tpu.memory_space<hbm>>
    %dma_start3A_246 = arith.constant 0 : i32
    %dma_start3A_247 = tpu.memref_slice %arg9[%add3A_243, %dma_start3A_246] : memref<25600x128xf32, #tpu.memory_space<hbm>> -> memref<80x128xf32, #tpu.memory_space<hbm>>
    tpu.enqueue_dma source(%arg19 : memref<80x128xf32, #tpu.memory_space<vmem>>) target(%dma_start3A_247 : memref<80x128xf32, #tpu.memory_space<hbm>>) target_semaphore(%arg37 : memref<!tpu.dma_semaphore, #tpu.memory_space<semaphore_mem>>)
    %dma_wait3A_248 = arith.constant 2 : i32
    %dma_wait3A_249 = arith.constant 0 : i32
    %dma_wait3A_250 = tpu.memref_slice %arg13[%dma_wait3A_248, %dma_wait3A_249] : memref<10x80xi32, #tpu.memory_space<vmem>> -> memref<1x80xi32, #tpu.memory_space<vmem>>
    %dma_wait3A_251 = tpu.memref_squeeze %dma_wait3A_250 : memref<1x80xi32, #tpu.memory_space<vmem>> -> memref<80xi32, #tpu.memory_space<vmem>>
    %dma_wait3A_252 = arith.constant 0 : i32
    %dma_wait3A_253 = arith.constant 0 : i32
    %dma_wait3A_254 = tpu.memref_slice %arg42[%dma_wait3A_252, %dma_wait3A_253] : memref<1001x128xf32, #tpu.memory_space<vmem_shared>> -> memref<1001x128xf32, #tpu.memory_space<vmem_shared>>
    tpu.wait_indirect_dma semaphore(%arg31 : memref<!tpu.dma_semaphore, #tpu.memory_space<semaphore_mem>>) src(%dma_wait3A_254 : memref<1001x128xf32, #tpu.memory_space<vmem_shared>>) dst(%arg22 : memref<80x128xf32, #tpu.memory_space<vmem>>)
    %add3A_255 = arith.constant 160 : i32
    %add3A_256 = arith.addi %mul3A_2, %add3A_255 : i32
    %dma_start3A_257 = arith.constant 0 : i32
    %dma_start3A_258 = tpu.memref_slice %arg10[%add3A_256, %dma_start3A_257] : memref<25600x128xf32, #tpu.memory_space<hbm>> -> memref<80x128xf32, #tpu.memory_space<hbm>>
    %dma_start3A_259 = arith.constant 0 : i32
    %dma_start3A_260 = tpu.memref_slice %arg10[%add3A_256, %dma_start3A_259] : memref<25600x128xf32, #tpu.memory_space<hbm>> -> memref<80x128xf32, #tpu.memory_space<hbm>>
    tpu.enqueue_dma source(%arg22 : memref<80x128xf32, #tpu.memory_space<vmem>>) target(%dma_start3A_260 : memref<80x128xf32, #tpu.memory_space<hbm>>) target_semaphore(%arg40 : memref<!tpu.dma_semaphore, #tpu.memory_space<semaphore_mem>>)
    %add3A_261 = arith.constant 160 : i32
    %add3A_262 = arith.addi %mul3A_2, %add3A_261 : i32
    %dma_wait3A_263 = arith.constant 0 : i32
    %dma_wait3A_264 = tpu.memref_slice %arg8[%add3A_262, %dma_wait3A_263] : memref<25600x128xf32, #tpu.memory_space<hbm>> -> memref<80x128xf32, #tpu.memory_space<hbm>>
    %dma_wait3A_265 = arith.constant 0 : i32
    %dma_wait3A_266 = tpu.memref_slice %arg8[%add3A_262, %dma_wait3A_265] : memref<25600x128xf32, #tpu.memory_space<hbm>> -> memref<80x128xf32, #tpu.memory_space<hbm>>
    tpu.wait_dma2 semaphore(%arg34 : memref<!tpu.dma_semaphore, #tpu.memory_space<semaphore_mem>>) src(%arg16 : memref<80x128xf32, #tpu.memory_space<vmem>>) dst(%dma_wait3A_266 : memref<80x128xf32, #tpu.memory_space<hbm>>)
    %dma_start3A_267 = arith.constant 5 : i32
    %dma_start3A_268 = arith.constant 0 : i32
    %dma_start3A_269 = tpu.memref_slice %arg11[%dma_start3A_267, %dma_start3A_268] : memref<10x80xi32, #tpu.memory_space<vmem>> -> memref<1x80xi32, #tpu.memory_space<vmem>>
    %dma_start3A_270 = tpu.memref_squeeze %dma_start3A_269 : memref<1x80xi32, #tpu.memory_space<vmem>> -> memref<80xi32, #tpu.memory_space<vmem>>
    %dma_start3A_271 = arith.constant 0 : i32
    %dma_start3A_272 = arith.constant 0 : i32
    %dma_start3A_273 = tpu.memref_slice %arg2[%dma_start3A_271, %dma_start3A_272] : memref<100001x128xf32, #tpu.memory_space<hbm>> -> memref<100001x128xf32, #tpu.memory_space<hbm>>
    tpu.enqueue_indirect_dma source(%dma_start3A_273 : memref<100001x128xf32, #tpu.memory_space<hbm>>) target(%arg16 : memref<80x128xf32, #tpu.memory_space<vmem>>) offsets(%dma_start3A_270 : memref<80xi32, #tpu.memory_space<vmem>>) semaphore(%arg25 : memref<!tpu.dma_semaphore, #tpu.memory_space<semaphore_mem>>)
    %add3A_274 = arith.constant 160 : i32
    %add3A_275 = arith.addi %mul3A_2, %add3A_274 : i32
    %dma_wait3A_276 = arith.constant 0 : i32
    %dma_wait3A_277 = tpu.memref_slice %arg9[%add3A_275, %dma_wait3A_276] : memref<25600x128xf32, #tpu.memory_space<hbm>> -> memref<80x128xf32, #tpu.memory_space<hbm>>
    %dma_wait3A_278 = arith.constant 0 : i32
    %dma_wait3A_279 = tpu.memref_slice %arg9[%add3A_275, %dma_wait3A_278] : memref<25600x128xf32, #tpu.memory_space<hbm>> -> memref<80x128xf32, #tpu.memory_space<hbm>>
    tpu.wait_dma2 semaphore(%arg37 : memref<!tpu.dma_semaphore, #tpu.memory_space<semaphore_mem>>) src(%arg19 : memref<80x128xf32, #tpu.memory_space<vmem>>) dst(%dma_wait3A_279 : memref<80x128xf32, #tpu.memory_space<hbm>>)
    %dma_start3A_280 = arith.constant 5 : i32
    %dma_start3A_281 = arith.constant 0 : i32
    %dma_start3A_282 = tpu.memref_slice %arg12[%dma_start3A_280, %dma_start3A_281] : memref<10x80xi32, #tpu.memory_space<vmem>> -> memref<1x80xi32, #tpu.memory_space<vmem>>
    %dma_start3A_283 = tpu.memref_squeeze %dma_start3A_282 : memref<1x80xi32, #tpu.memory_space<vmem>> -> memref<80xi32, #tpu.memory_space<vmem>>
    %dma_start3A_284 = arith.constant 0 : i32
    %dma_start3A_285 = arith.constant 0 : i32
    %dma_start3A_286 = tpu.memref_slice %arg41[%dma_start3A_284, %dma_start3A_285] : memref<1001x128xf32, #tpu.memory_space<vmem_shared>> -> memref<1001x128xf32, #tpu.memory_space<vmem_shared>>
    tpu.enqueue_indirect_dma source(%dma_start3A_286 : memref<1001x128xf32, #tpu.memory_space<vmem_shared>>) target(%arg19 : memref<80x128xf32, #tpu.memory_space<vmem>>) offsets(%dma_start3A_283 : memref<80xi32, #tpu.memory_space<vmem>>) semaphore(%arg28 : memref<!tpu.dma_semaphore, #tpu.memory_space<semaphore_mem>>)
    %add3A_287 = arith.constant 160 : i32
    %add3A_288 = arith.addi %mul3A_2, %add3A_287 : i32
    %dma_wait3A_289 = arith.constant 0 : i32
    %dma_wait3A_290 = tpu.memref_slice %arg10[%add3A_288, %dma_wait3A_289] : memref<25600x128xf32, #tpu.memory_space<hbm>> -> memref<80x128xf32, #tpu.memory_space<hbm>>
    %dma_wait3A_291 = arith.constant 0 : i32
    %dma_wait3A_292 = tpu.memref_slice %arg10[%add3A_288, %dma_wait3A_291] : memref<25600x128xf32, #tpu.memory_space<hbm>> -> memref<80x128xf32, #tpu.memory_space<hbm>>
    tpu.wait_dma2 semaphore(%arg40 : memref<!tpu.dma_semaphore, #tpu.memory_space<semaphore_mem>>) src(%arg22 : memref<80x128xf32, #tpu.memory_space<vmem>>) dst(%dma_wait3A_292 : memref<80x128xf32, #tpu.memory_space<hbm>>)
    %dma_start3A_293 = arith.constant 5 : i32
    %dma_start3A_294 = arith.constant 0 : i32
    %dma_start3A_295 = tpu.memref_slice %arg13[%dma_start3A_293, %dma_start3A_294] : memref<10x80xi32, #tpu.memory_space<vmem>> -> memref<1x80xi32, #tpu.memory_space<vmem>>
    %dma_start3A_296 = tpu.memref_squeeze %dma_start3A_295 : memref<1x80xi32, #tpu.memory_space<vmem>> -> memref<80xi32, #tpu.memory_space<vmem>>
    %dma_start3A_297 = arith.constant 0 : i32
    %dma_start3A_298 = arith.constant 0 : i32
    %dma_start3A_299 = tpu.memref_slice %arg42[%dma_start3A_297, %dma_start3A_298] : memref<1001x128xf32, #tpu.memory_space<vmem_shared>> -> memref<1001x128xf32, #tpu.memory_space<vmem_shared>>
    tpu.enqueue_indirect_dma source(%dma_start3A_299 : memref<1001x128xf32, #tpu.memory_space<vmem_shared>>) target(%arg22 : memref<80x128xf32, #tpu.memory_space<vmem>>) offsets(%dma_start3A_296 : memref<80xi32, #tpu.memory_space<vmem>>) semaphore(%arg31 : memref<!tpu.dma_semaphore, #tpu.memory_space<semaphore_mem>>)
    %dma_wait3A_300 = arith.constant 3 : i32
    %dma_wait3A_301 = arith.constant 0 : i32
    %dma_wait3A_302 = tpu.memref_slice %arg11[%dma_wait3A_300, %dma_wait3A_301] : memref<10x80xi32, #tpu.memory_space<vmem>> -> memref<1x80xi32, #tpu.memory_space<vmem>>
    %dma_wait3A_303 = tpu.memref_squeeze %dma_wait3A_302 : memref<1x80xi32, #tpu.memory_space<vmem>> -> memref<80xi32, #tpu.memory_space<vmem>>
    %dma_wait3A_304 = arith.constant 0 : i32
    %dma_wait3A_305 = arith.constant 0 : i32
    %dma_wait3A_306 = tpu.memref_slice %arg2[%dma_wait3A_304, %dma_wait3A_305] : memref<100001x128xf32, #tpu.memory_space<hbm>> -> memref<100001x128xf32, #tpu.memory_space<hbm>>
    tpu.wait_indirect_dma semaphore(%arg23 : memref<!tpu.dma_semaphore, #tpu.memory_space<semaphore_mem>>) src(%dma_wait3A_306 : memref<100001x128xf32, #tpu.memory_space<hbm>>) dst(%arg14 : memref<80x128xf32, #tpu.memory_space<vmem>>)
    %add3A_307 = arith.constant 240 : i32
    %add3A_308 = arith.addi %mul3A_2, %add3A_307 : i32
    %dma_start3A_309 = arith.constant 0 : i32
    %dma_start3A_310 = tpu.memref_slice %arg8[%add3A_308, %dma_start3A_309] : memref<25600x128xf32, #tpu.memory_space<hbm>> -> memref<80x128xf32, #tpu.memory_space<hbm>>
    %dma_start3A_311 = arith.constant 0 : i32
    %dma_start3A_312 = tpu.memref_slice %arg8[%add3A_308, %dma_start3A_311] : memref<25600x128xf32, #tpu.memory_space<hbm>> -> memref<80x128xf32, #tpu.memory_space<hbm>>
    tpu.enqueue_dma source(%arg14 : memref<80x128xf32, #tpu.memory_space<vmem>>) target(%dma_start3A_312 : memref<80x128xf32, #tpu.memory_space<hbm>>) target_semaphore(%arg32 : memref<!tpu.dma_semaphore, #tpu.memory_space<semaphore_mem>>)
    %dma_wait3A_313 = arith.constant 3 : i32
    %dma_wait3A_314 = arith.constant 0 : i32
    %dma_wait3A_315 = tpu.memref_slice %arg12[%dma_wait3A_313, %dma_wait3A_314] : memref<10x80xi32, #tpu.memory_space<vmem>> -> memref<1x80xi32, #tpu.memory_space<vmem>>
    %dma_wait3A_316 = tpu.memref_squeeze %dma_wait3A_315 : memref<1x80xi32, #tpu.memory_space<vmem>> -> memref<80xi32, #tpu.memory_space<vmem>>
    %dma_wait3A_317 = arith.constant 0 : i32
    %dma_wait3A_318 = arith.constant 0 : i32
    %dma_wait3A_319 = tpu.memref_slice %arg41[%dma_wait3A_317, %dma_wait3A_318] : memref<1001x128xf32, #tpu.memory_space<vmem_shared>> -> memref<1001x128xf32, #tpu.memory_space<vmem_shared>>
    tpu.wait_indirect_dma semaphore(%arg26 : memref<!tpu.dma_semaphore, #tpu.memory_space<semaphore_mem>>) src(%dma_wait3A_319 : memref<1001x128xf32, #tpu.memory_space<vmem_shared>>) dst(%arg17 : memref<80x128xf32, #tpu.memory_space<vmem>>)
    %add3A_320 = arith.constant 240 : i32
    %add3A_321 = arith.addi %mul3A_2, %add3A_320 : i32
    %dma_start3A_322 = arith.constant 0 : i32
    %dma_start3A_323 = tpu.memref_slice %arg9[%add3A_321, %dma_start3A_322] : memref<25600x128xf32, #tpu.memory_space<hbm>> -> memref<80x128xf32, #tpu.memory_space<hbm>>
    %dma_start3A_324 = arith.constant 0 : i32
    %dma_start3A_325 = tpu.memref_slice %arg9[%add3A_321, %dma_start3A_324] : memref<25600x128xf32, #tpu.memory_space<hbm>> -> memref<80x128xf32, #tpu.memory_space<hbm>>
    tpu.enqueue_dma source(%arg17 : memref<80x128xf32, #tpu.memory_space<vmem>>) target(%dma_start3A_325 : memref<80x128xf32, #tpu.memory_space<hbm>>) target_semaphore(%arg35 : memref<!tpu.dma_semaphore, #tpu.memory_space<semaphore_mem>>)
    %dma_wait3A_326 = arith.constant 3 : i32
    %dma_wait3A_327 = arith.constant 0 : i32
    %dma_wait3A_328 = tpu.memref_slice %arg13[%dma_wait3A_326, %dma_wait3A_327] : memref<10x80xi32, #tpu.memory_space<vmem>> -> memref<1x80xi32, #tpu.memory_space<vmem>>
    %dma_wait3A_329 = tpu.memref_squeeze %dma_wait3A_328 : memref<1x80xi32, #tpu.memory_space<vmem>> -> memref<80xi32, #tpu.memory_space<vmem>>
    %dma_wait3A_330 = arith.constant 0 : i32
    %dma_wait3A_331 = arith.constant 0 : i32
    %dma_wait3A_332 = tpu.memref_slice %arg42[%dma_wait3A_330, %dma_wait3A_331] : memref<1001x128xf32, #tpu.memory_space<vmem_shared>> -> memref<1001x128xf32, #tpu.memory_space<vmem_shared>>
    tpu.wait_indirect_dma semaphore(%arg29 : memref<!tpu.dma_semaphore, #tpu.memory_space<semaphore_mem>>) src(%dma_wait3A_332 : memref<1001x128xf32, #tpu.memory_space<vmem_shared>>) dst(%arg20 : memref<80x128xf32, #tpu.memory_space<vmem>>)
    %add3A_333 = arith.constant 240 : i32
    %add3A_334 = arith.addi %mul3A_2, %add3A_333 : i32
    %dma_start3A_335 = arith.constant 0 : i32
    %dma_start3A_336 = tpu.memref_slice %arg10[%add3A_334, %dma_start3A_335] : memref<25600x128xf32, #tpu.memory_space<hbm>> -> memref<80x128xf32, #tpu.memory_space<hbm>>
    %dma_start3A_337 = arith.constant 0 : i32
    %dma_start3A_338 = tpu.memref_slice %arg10[%add3A_334, %dma_start3A_337] : memref<25600x128xf32, #tpu.memory_space<hbm>> -> memref<80x128xf32, #tpu.memory_space<hbm>>
    tpu.enqueue_dma source(%arg20 : memref<80x128xf32, #tpu.memory_space<vmem>>) target(%dma_start3A_338 : memref<80x128xf32, #tpu.memory_space<hbm>>) target_semaphore(%arg38 : memref<!tpu.dma_semaphore, #tpu.memory_space<semaphore_mem>>)
    %add3A_339 = arith.constant 240 : i32
    %add3A_340 = arith.addi %mul3A_2, %add3A_339 : i32
    %dma_wait3A_341 = arith.constant 0 : i32
    %dma_wait3A_342 = tpu.memref_slice %arg8[%add3A_340, %dma_wait3A_341] : memref<25600x128xf32, #tpu.memory_space<hbm>> -> memref<80x128xf32, #tpu.memory_space<hbm>>
    %dma_wait3A_343 = arith.constant 0 : i32
    %dma_wait3A_344 = tpu.memref_slice %arg8[%add3A_340, %dma_wait3A_343] : memref<25600x128xf32, #tpu.memory_space<hbm>> -> memref<80x128xf32, #tpu.memory_space<hbm>>
    tpu.wait_dma2 semaphore(%arg32 : memref<!tpu.dma_semaphore, #tpu.memory_space<semaphore_mem>>) src(%arg14 : memref<80x128xf32, #tpu.memory_space<vmem>>) dst(%dma_wait3A_344 : memref<80x128xf32, #tpu.memory_space<hbm>>)
    %dma_start3A_345 = arith.constant 6 : i32
    %dma_start3A_346 = arith.constant 0 : i32
    %dma_start3A_347 = tpu.memref_slice %arg11[%dma_start3A_345, %dma_start3A_346] : memref<10x80xi32, #tpu.memory_space<vmem>> -> memref<1x80xi32, #tpu.memory_space<vmem>>
    %dma_start3A_348 = tpu.memref_squeeze %dma_start3A_347 : memref<1x80xi32, #tpu.memory_space<vmem>> -> memref<80xi32, #tpu.memory_space<vmem>>
    %dma_start3A_349 = arith.constant 0 : i32
    %dma_start3A_350 = arith.constant 0 : i32
    %dma_start3A_351 = tpu.memref_slice %arg2[%dma_start3A_349, %dma_start3A_350] : memref<100001x128xf32, #tpu.memory_space<hbm>> -> memref<100001x128xf32, #tpu.memory_space<hbm>>
    tpu.enqueue_indirect_dma source(%dma_start3A_351 : memref<100001x128xf32, #tpu.memory_space<hbm>>) target(%arg14 : memref<80x128xf32, #tpu.memory_space<vmem>>) offsets(%dma_start3A_348 : memref<80xi32, #tpu.memory_space<vmem>>) semaphore(%arg23 : memref<!tpu.dma_semaphore, #tpu.memory_space<semaphore_mem>>)
    %add3A_352 = arith.constant 240 : i32
    %add3A_353 = arith.addi %mul3A_2, %add3A_352 : i32
    %dma_wait3A_354 = arith.constant 0 : i32
    %dma_wait3A_355 = tpu.memref_slice %arg9[%add3A_353, %dma_wait3A_354] : memref<25600x128xf32, #tpu.memory_space<hbm>> -> memref<80x128xf32, #tpu.memory_space<hbm>>
    %dma_wait3A_356 = arith.constant 0 : i32
    %dma_wait3A_357 = tpu.memref_slice %arg9[%add3A_353, %dma_wait3A_356] : memref<25600x128xf32, #tpu.memory_space<hbm>> -> memref<80x128xf32, #tpu.memory_space<hbm>>
    tpu.wait_dma2 semaphore(%arg35 : memref<!tpu.dma_semaphore, #tpu.memory_space<semaphore_mem>>) src(%arg17 : memref<80x128xf32, #tpu.memory_space<vmem>>) dst(%dma_wait3A_357 : memref<80x128xf32, #tpu.memory_space<hbm>>)
    %dma_start3A_358 = arith.constant 6 : i32
    %dma_start3A_359 = arith.constant 0 : i32
    %dma_start3A_360 = tpu.memref_slice %arg12[%dma_start3A_358, %dma_start3A_359] : memref<10x80xi32, #tpu.memory_space<vmem>> -> memref<1x80xi32, #tpu.memory_space<vmem>>
    %dma_start3A_361 = tpu.memref_squeeze %dma_start3A_360 : memref<1x80xi32, #tpu.memory_space<vmem>> -> memref<80xi32, #tpu.memory_space<vmem>>
    %dma_start3A_362 = arith.constant 0 : i32
    %dma_start3A_363 = arith.constant 0 : i32
    %dma_start3A_364 = tpu.memref_slice %arg41[%dma_start3A_362, %dma_start3A_363] : memref<1001x128xf32, #tpu.memory_space<vmem_shared>> -> memref<1001x128xf32, #tpu.memory_space<vmem_shared>>
    tpu.enqueue_indirect_dma source(%dma_start3A_364 : memref<1001x128xf32, #tpu.memory_space<vmem_shared>>) target(%arg17 : memref<80x128xf32, #tpu.memory_space<vmem>>) offsets(%dma_start3A_361 : memref<80xi32, #tpu.memory_space<vmem>>) semaphore(%arg26 : memref<!tpu.dma_semaphore, #tpu.memory_space<semaphore_mem>>)
    %add3A_365 = arith.constant 240 : i32
    %add3A_366 = arith.addi %mul3A_2, %add3A_365 : i32
    %dma_wait3A_367 = arith.constant 0 : i32
    %dma_wait3A_368 = tpu.memref_slice %arg10[%add3A_366, %dma_wait3A_367] : memref<25600x128xf32, #tpu.memory_space<hbm>> -> memref<80x128xf32, #tpu.memory_space<hbm>>
    %dma_wait3A_369 = arith.constant 0 : i32
    %dma_wait3A_370 = tpu.memref_slice %arg10[%add3A_366, %dma_wait3A_369] : memref<25600x128xf32, #tpu.memory_space<hbm>> -> memref<80x128xf32, #tpu.memory_space<hbm>>
    tpu.wait_dma2 semaphore(%arg38 : memref<!tpu.dma_semaphore, #tpu.memory_space<semaphore_mem>>) src(%arg20 : memref<80x128xf32, #tpu.memory_space<vmem>>) dst(%dma_wait3A_370 : memref<80x128xf32, #tpu.memory_space<hbm>>)
    %dma_start3A_371 = arith.constant 6 : i32
    %dma_start3A_372 = arith.constant 0 : i32
    %dma_start3A_373 = tpu.memref_slice %arg13[%dma_start3A_371, %dma_start3A_372] : memref<10x80xi32, #tpu.memory_space<vmem>> -> memref<1x80xi32, #tpu.memory_space<vmem>>
    %dma_start3A_374 = tpu.memref_squeeze %dma_start3A_373 : memref<1x80xi32, #tpu.memory_space<vmem>> -> memref<80xi32, #tpu.memory_space<vmem>>
    %dma_start3A_375 = arith.constant 0 : i32
    %dma_start3A_376 = arith.constant 0 : i32
    %dma_start3A_377 = tpu.memref_slice %arg42[%dma_start3A_375, %dma_start3A_376] : memref<1001x128xf32, #tpu.memory_space<vmem_shared>> -> memref<1001x128xf32, #tpu.memory_space<vmem_shared>>
    tpu.enqueue_indirect_dma source(%dma_start3A_377 : memref<1001x128xf32, #tpu.memory_space<vmem_shared>>) target(%arg20 : memref<80x128xf32, #tpu.memory_space<vmem>>) offsets(%dma_start3A_374 : memref<80xi32, #tpu.memory_space<vmem>>) semaphore(%arg29 : memref<!tpu.dma_semaphore, #tpu.memory_space<semaphore_mem>>)
    %dma_wait3A_378 = arith.constant 4 : i32
    %dma_wait3A_379 = arith.constant 0 : i32
    %dma_wait3A_380 = tpu.memref_slice %arg11[%dma_wait3A_378, %dma_wait3A_379] : memref<10x80xi32, #tpu.memory_space<vmem>> -> memref<1x80xi32, #tpu.memory_space<vmem>>
    %dma_wait3A_381 = tpu.memref_squeeze %dma_wait3A_380 : memref<1x80xi32, #tpu.memory_space<vmem>> -> memref<80xi32, #tpu.memory_space<vmem>>
    %dma_wait3A_382 = arith.constant 0 : i32
    %dma_wait3A_383 = arith.constant 0 : i32
    %dma_wait3A_384 = tpu.memref_slice %arg2[%dma_wait3A_382, %dma_wait3A_383] : memref<100001x128xf32, #tpu.memory_space<hbm>> -> memref<100001x128xf32, #tpu.memory_space<hbm>>
    tpu.wait_indirect_dma semaphore(%arg24 : memref<!tpu.dma_semaphore, #tpu.memory_space<semaphore_mem>>) src(%dma_wait3A_384 : memref<100001x128xf32, #tpu.memory_space<hbm>>) dst(%arg15 : memref<80x128xf32, #tpu.memory_space<vmem>>)
    %add3A_385 = arith.constant 320 : i32
    %add3A_386 = arith.addi %mul3A_2, %add3A_385 : i32
    %dma_start3A_387 = arith.constant 0 : i32
    %dma_start3A_388 = tpu.memref_slice %arg8[%add3A_386, %dma_start3A_387] : memref<25600x128xf32, #tpu.memory_space<hbm>> -> memref<80x128xf32, #tpu.memory_space<hbm>>
    %dma_start3A_389 = arith.constant 0 : i32
    %dma_start3A_390 = tpu.memref_slice %arg8[%add3A_386, %dma_start3A_389] : memref<25600x128xf32, #tpu.memory_space<hbm>> -> memref<80x128xf32, #tpu.memory_space<hbm>>
    tpu.enqueue_dma source(%arg15 : memref<80x128xf32, #tpu.memory_space<vmem>>) target(%dma_start3A_390 : memref<80x128xf32, #tpu.memory_space<hbm>>) target_semaphore(%arg33 : memref<!tpu.dma_semaphore, #tpu.memory_space<semaphore_mem>>)
    %dma_wait3A_391 = arith.constant 4 : i32
    %dma_wait3A_392 = arith.constant 0 : i32
    %dma_wait3A_393 = tpu.memref_slice %arg12[%dma_wait3A_391, %dma_wait3A_392] : memref<10x80xi32, #tpu.memory_space<vmem>> -> memref<1x80xi32, #tpu.memory_space<vmem>>
    %dma_wait3A_394 = tpu.memref_squeeze %dma_wait3A_393 : memref<1x80xi32, #tpu.memory_space<vmem>> -> memref<80xi32, #tpu.memory_space<vmem>>
    %dma_wait3A_395 = arith.constant 0 : i32
    %dma_wait3A_396 = arith.constant 0 : i32
    %dma_wait3A_397 = tpu.memref_slice %arg41[%dma_wait3A_395, %dma_wait3A_396] : memref<1001x128xf32, #tpu.memory_space<vmem_shared>> -> memref<1001x128xf32, #tpu.memory_space<vmem_shared>>
    tpu.wait_indirect_dma semaphore(%arg27 : memref<!tpu.dma_semaphore, #tpu.memory_space<semaphore_mem>>) src(%dma_wait3A_397 : memref<1001x128xf32, #tpu.memory_space<vmem_shared>>) dst(%arg18 : memref<80x128xf32, #tpu.memory_space<vmem>>)
    %add3A_398 = arith.constant 320 : i32
    %add3A_399 = arith.addi %mul3A_2, %add3A_398 : i32
    %dma_start3A_400 = arith.constant 0 : i32
    %dma_start3A_401 = tpu.memref_slice %arg9[%add3A_399, %dma_start3A_400] : memref<25600x128xf32, #tpu.memory_space<hbm>> -> memref<80x128xf32, #tpu.memory_space<hbm>>
    %dma_start3A_402 = arith.constant 0 : i32
    %dma_start3A_403 = tpu.memref_slice %arg9[%add3A_399, %dma_start3A_402] : memref<25600x128xf32, #tpu.memory_space<hbm>> -> memref<80x128xf32, #tpu.memory_space<hbm>>
    tpu.enqueue_dma source(%arg18 : memref<80x128xf32, #tpu.memory_space<vmem>>) target(%dma_start3A_403 : memref<80x128xf32, #tpu.memory_space<hbm>>) target_semaphore(%arg36 : memref<!tpu.dma_semaphore, #tpu.memory_space<semaphore_mem>>)
    %dma_wait3A_404 = arith.constant 4 : i32
    %dma_wait3A_405 = arith.constant 0 : i32
    %dma_wait3A_406 = tpu.memref_slice %arg13[%dma_wait3A_404, %dma_wait3A_405] : memref<10x80xi32, #tpu.memory_space<vmem>> -> memref<1x80xi32, #tpu.memory_space<vmem>>
    %dma_wait3A_407 = tpu.memref_squeeze %dma_wait3A_406 : memref<1x80xi32, #tpu.memory_space<vmem>> -> memref<80xi32, #tpu.memory_space<vmem>>
    %dma_wait3A_408 = arith.constant 0 : i32
    %dma_wait3A_409 = arith.constant 0 : i32
    %dma_wait3A_410 = tpu.memref_slice %arg42[%dma_wait3A_408, %dma_wait3A_409] : memref<1001x128xf32, #tpu.memory_space<vmem_shared>> -> memref<1001x128xf32, #tpu.memory_space<vmem_shared>>
    tpu.wait_indirect_dma semaphore(%arg30 : memref<!tpu.dma_semaphore, #tpu.memory_space<semaphore_mem>>) src(%dma_wait3A_410 : memref<1001x128xf32, #tpu.memory_space<vmem_shared>>) dst(%arg21 : memref<80x128xf32, #tpu.memory_space<vmem>>)
    %add3A_411 = arith.constant 320 : i32
    %add3A_412 = arith.addi %mul3A_2, %add3A_411 : i32
    %dma_start3A_413 = arith.constant 0 : i32
    %dma_start3A_414 = tpu.memref_slice %arg10[%add3A_412, %dma_start3A_413] : memref<25600x128xf32, #tpu.memory_space<hbm>> -> memref<80x128xf32, #tpu.memory_space<hbm>>
    %dma_start3A_415 = arith.constant 0 : i32
    %dma_start3A_416 = tpu.memref_slice %arg10[%add3A_412, %dma_start3A_415] : memref<25600x128xf32, #tpu.memory_space<hbm>> -> memref<80x128xf32, #tpu.memory_space<hbm>>
    tpu.enqueue_dma source(%arg21 : memref<80x128xf32, #tpu.memory_space<vmem>>) target(%dma_start3A_416 : memref<80x128xf32, #tpu.memory_space<hbm>>) target_semaphore(%arg39 : memref<!tpu.dma_semaphore, #tpu.memory_space<semaphore_mem>>)
    %add3A_417 = arith.constant 320 : i32
    %add3A_418 = arith.addi %mul3A_2, %add3A_417 : i32
    %dma_wait3A_419 = arith.constant 0 : i32
    %dma_wait3A_420 = tpu.memref_slice %arg8[%add3A_418, %dma_wait3A_419] : memref<25600x128xf32, #tpu.memory_space<hbm>> -> memref<80x128xf32, #tpu.memory_space<hbm>>
    %dma_wait3A_421 = arith.constant 0 : i32
    %dma_wait3A_422 = tpu.memref_slice %arg8[%add3A_418, %dma_wait3A_421] : memref<25600x128xf32, #tpu.memory_space<hbm>> -> memref<80x128xf32, #tpu.memory_space<hbm>>
    tpu.wait_dma2 semaphore(%arg33 : memref<!tpu.dma_semaphore, #tpu.memory_space<semaphore_mem>>) src(%arg15 : memref<80x128xf32, #tpu.memory_space<vmem>>) dst(%dma_wait3A_422 : memref<80x128xf32, #tpu.memory_space<hbm>>)
    %dma_start3A_423 = arith.constant 7 : i32
    %dma_start3A_424 = arith.constant 0 : i32
    %dma_start3A_425 = tpu.memref_slice %arg11[%dma_start3A_423, %dma_start3A_424] : memref<10x80xi32, #tpu.memory_space<vmem>> -> memref<1x80xi32, #tpu.memory_space<vmem>>
    %dma_start3A_426 = tpu.memref_squeeze %dma_start3A_425 : memref<1x80xi32, #tpu.memory_space<vmem>> -> memref<80xi32, #tpu.memory_space<vmem>>
    %dma_start3A_427 = arith.constant 0 : i32
    %dma_start3A_428 = arith.constant 0 : i32
    %dma_start3A_429 = tpu.memref_slice %arg2[%dma_start3A_427, %dma_start3A_428] : memref<100001x128xf32, #tpu.memory_space<hbm>> -> memref<100001x128xf32, #tpu.memory_space<hbm>>
    tpu.enqueue_indirect_dma source(%dma_start3A_429 : memref<100001x128xf32, #tpu.memory_space<hbm>>) target(%arg15 : memref<80x128xf32, #tpu.memory_space<vmem>>) offsets(%dma_start3A_426 : memref<80xi32, #tpu.memory_space<vmem>>) semaphore(%arg24 : memref<!tpu.dma_semaphore, #tpu.memory_space<semaphore_mem>>)
    %add3A_430 = arith.constant 320 : i32
    %add3A_431 = arith.addi %mul3A_2, %add3A_430 : i32
    %dma_wait3A_432 = arith.constant 0 : i32
    %dma_wait3A_433 = tpu.memref_slice %arg9[%add3A_431, %dma_wait3A_432] : memref<25600x128xf32, #tpu.memory_space<hbm>> -> memref<80x128xf32, #tpu.memory_space<hbm>>
    %dma_wait3A_434 = arith.constant 0 : i32
    %dma_wait3A_435 = tpu.memref_slice %arg9[%add3A_431, %dma_wait3A_434] : memref<25600x128xf32, #tpu.memory_space<hbm>> -> memref<80x128xf32, #tpu.memory_space<hbm>>
    tpu.wait_dma2 semaphore(%arg36 : memref<!tpu.dma_semaphore, #tpu.memory_space<semaphore_mem>>) src(%arg18 : memref<80x128xf32, #tpu.memory_space<vmem>>) dst(%dma_wait3A_435 : memref<80x128xf32, #tpu.memory_space<hbm>>)
    %dma_start3A_436 = arith.constant 7 : i32
    %dma_start3A_437 = arith.constant 0 : i32
    %dma_start3A_438 = tpu.memref_slice %arg12[%dma_start3A_436, %dma_start3A_437] : memref<10x80xi32, #tpu.memory_space<vmem>> -> memref<1x80xi32, #tpu.memory_space<vmem>>
    %dma_start3A_439 = tpu.memref_squeeze %dma_start3A_438 : memref<1x80xi32, #tpu.memory_space<vmem>> -> memref<80xi32, #tpu.memory_space<vmem>>
    %dma_start3A_440 = arith.constant 0 : i32
    %dma_start3A_441 = arith.constant 0 : i32
    %dma_start3A_442 = tpu.memref_slice %arg41[%dma_start3A_440, %dma_start3A_441] : memref<1001x128xf32, #tpu.memory_space<vmem_shared>> -> memref<1001x128xf32, #tpu.memory_space<vmem_shared>>
    tpu.enqueue_indirect_dma source(%dma_start3A_442 : memref<1001x128xf32, #tpu.memory_space<vmem_shared>>) target(%arg18 : memref<80x128xf32, #tpu.memory_space<vmem>>) offsets(%dma_start3A_439 : memref<80xi32, #tpu.memory_space<vmem>>) semaphore(%arg27 : memref<!tpu.dma_semaphore, #tpu.memory_space<semaphore_mem>>)
    %add3A_443 = arith.constant 320 : i32
    %add3A_444 = arith.addi %mul3A_2, %add3A_443 : i32
    %dma_wait3A_445 = arith.constant 0 : i32
    %dma_wait3A_446 = tpu.memref_slice %arg10[%add3A_444, %dma_wait3A_445] : memref<25600x128xf32, #tpu.memory_space<hbm>> -> memref<80x128xf32, #tpu.memory_space<hbm>>
    %dma_wait3A_447 = arith.constant 0 : i32
    %dma_wait3A_448 = tpu.memref_slice %arg10[%add3A_444, %dma_wait3A_447] : memref<25600x128xf32, #tpu.memory_space<hbm>> -> memref<80x128xf32, #tpu.memory_space<hbm>>
    tpu.wait_dma2 semaphore(%arg39 : memref<!tpu.dma_semaphore, #tpu.memory_space<semaphore_mem>>) src(%arg21 : memref<80x128xf32, #tpu.memory_space<vmem>>) dst(%dma_wait3A_448 : memref<80x128xf32, #tpu.memory_space<hbm>>)
    %dma_start3A_449 = arith.constant 7 : i32
    %dma_start3A_450 = arith.constant 0 : i32
    %dma_start3A_451 = tpu.memref_slice %arg13[%dma_start3A_449, %dma_start3A_450] : memref<10x80xi32, #tpu.memory_space<vmem>> -> memref<1x80xi32, #tpu.memory_space<vmem>>
    %dma_start3A_452 = tpu.memref_squeeze %dma_start3A_451 : memref<1x80xi32, #tpu.memory_space<vmem>> -> memref<80xi32, #tpu.memory_space<vmem>>
    %dma_start3A_453 = arith.constant 0 : i32
    %dma_start3A_454 = arith.constant 0 : i32
    %dma_start3A_455 = tpu.memref_slice %arg42[%dma_start3A_453, %dma_start3A_454] : memref<1001x128xf32, #tpu.memory_space<vmem_shared>> -> memref<1001x128xf32, #tpu.memory_space<vmem_shared>>
    tpu.enqueue_indirect_dma source(%dma_start3A_455 : memref<1001x128xf32, #tpu.memory_space<vmem_shared>>) target(%arg21 : memref<80x128xf32, #tpu.memory_space<vmem>>) offsets(%dma_start3A_452 : memref<80xi32, #tpu.memory_space<vmem>>) semaphore(%arg30 : memref<!tpu.dma_semaphore, #tpu.memory_space<semaphore_mem>>)
    %dma_wait3A_456 = arith.constant 5 : i32
    %dma_wait3A_457 = arith.constant 0 : i32
    %dma_wait3A_458 = tpu.memref_slice %arg11[%dma_wait3A_456, %dma_wait3A_457] : memref<10x80xi32, #tpu.memory_space<vmem>> -> memref<1x80xi32, #tpu.memory_space<vmem>>
    %dma_wait3A_459 = tpu.memref_squeeze %dma_wait3A_458 : memref<1x80xi32, #tpu.memory_space<vmem>> -> memref<80xi32, #tpu.memory_space<vmem>>
    %dma_wait3A_460 = arith.constant 0 : i32
    %dma_wait3A_461 = arith.constant 0 : i32
    %dma_wait3A_462 = tpu.memref_slice %arg2[%dma_wait3A_460, %dma_wait3A_461] : memref<100001x128xf32, #tpu.memory_space<hbm>> -> memref<100001x128xf32, #tpu.memory_space<hbm>>
    tpu.wait_indirect_dma semaphore(%arg25 : memref<!tpu.dma_semaphore, #tpu.memory_space<semaphore_mem>>) src(%dma_wait3A_462 : memref<100001x128xf32, #tpu.memory_space<hbm>>) dst(%arg16 : memref<80x128xf32, #tpu.memory_space<vmem>>)
    %add3A_463 = arith.constant 400 : i32
    %add3A_464 = arith.addi %mul3A_2, %add3A_463 : i32
    %dma_start3A_465 = arith.constant 0 : i32
    %dma_start3A_466 = tpu.memref_slice %arg8[%add3A_464, %dma_start3A_465] : memref<25600x128xf32, #tpu.memory_space<hbm>> -> memref<80x128xf32, #tpu.memory_space<hbm>>
    %dma_start3A_467 = arith.constant 0 : i32
    %dma_start3A_468 = tpu.memref_slice %arg8[%add3A_464, %dma_start3A_467] : memref<25600x128xf32, #tpu.memory_space<hbm>> -> memref<80x128xf32, #tpu.memory_space<hbm>>
    tpu.enqueue_dma source(%arg16 : memref<80x128xf32, #tpu.memory_space<vmem>>) target(%dma_start3A_468 : memref<80x128xf32, #tpu.memory_space<hbm>>) target_semaphore(%arg34 : memref<!tpu.dma_semaphore, #tpu.memory_space<semaphore_mem>>)
    %dma_wait3A_469 = arith.constant 5 : i32
    %dma_wait3A_470 = arith.constant 0 : i32
    %dma_wait3A_471 = tpu.memref_slice %arg12[%dma_wait3A_469, %dma_wait3A_470] : memref<10x80xi32, #tpu.memory_space<vmem>> -> memref<1x80xi32, #tpu.memory_space<vmem>>
    %dma_wait3A_472 = tpu.memref_squeeze %dma_wait3A_471 : memref<1x80xi32, #tpu.memory_space<vmem>> -> memref<80xi32, #tpu.memory_space<vmem>>
    %dma_wait3A_473 = arith.constant 0 : i32
    %dma_wait3A_474 = arith.constant 0 : i32
    %dma_wait3A_475 = tpu.memref_slice %arg41[%dma_wait3A_473, %dma_wait3A_474] : memref<1001x128xf32, #tpu.memory_space<vmem_shared>> -> memref<1001x128xf32, #tpu.memory_space<vmem_shared>>
    tpu.wait_indirect_dma semaphore(%arg28 : memref<!tpu.dma_semaphore, #tpu.memory_space<semaphore_mem>>) src(%dma_wait3A_475 : memref<1001x128xf32, #tpu.memory_space<vmem_shared>>) dst(%arg19 : memref<80x128xf32, #tpu.memory_space<vmem>>)
    %add3A_476 = arith.constant 400 : i32
    %add3A_477 = arith.addi %mul3A_2, %add3A_476 : i32
    %dma_start3A_478 = arith.constant 0 : i32
    %dma_start3A_479 = tpu.memref_slice %arg9[%add3A_477, %dma_start3A_478] : memref<25600x128xf32, #tpu.memory_space<hbm>> -> memref<80x128xf32, #tpu.memory_space<hbm>>
    %dma_start3A_480 = arith.constant 0 : i32
    %dma_start3A_481 = tpu.memref_slice %arg9[%add3A_477, %dma_start3A_480] : memref<25600x128xf32, #tpu.memory_space<hbm>> -> memref<80x128xf32, #tpu.memory_space<hbm>>
    tpu.enqueue_dma source(%arg19 : memref<80x128xf32, #tpu.memory_space<vmem>>) target(%dma_start3A_481 : memref<80x128xf32, #tpu.memory_space<hbm>>) target_semaphore(%arg37 : memref<!tpu.dma_semaphore, #tpu.memory_space<semaphore_mem>>)
    %dma_wait3A_482 = arith.constant 5 : i32
    %dma_wait3A_483 = arith.constant 0 : i32
    %dma_wait3A_484 = tpu.memref_slice %arg13[%dma_wait3A_482, %dma_wait3A_483] : memref<10x80xi32, #tpu.memory_space<vmem>> -> memref<1x80xi32, #tpu.memory_space<vmem>>
    %dma_wait3A_485 = tpu.memref_squeeze %dma_wait3A_484 : memref<1x80xi32, #tpu.memory_space<vmem>> -> memref<80xi32, #tpu.memory_space<vmem>>
    %dma_wait3A_486 = arith.constant 0 : i32
    %dma_wait3A_487 = arith.constant 0 : i32
    %dma_wait3A_488 = tpu.memref_slice %arg42[%dma_wait3A_486, %dma_wait3A_487] : memref<1001x128xf32, #tpu.memory_space<vmem_shared>> -> memref<1001x128xf32, #tpu.memory_space<vmem_shared>>
    tpu.wait_indirect_dma semaphore(%arg31 : memref<!tpu.dma_semaphore, #tpu.memory_space<semaphore_mem>>) src(%dma_wait3A_488 : memref<1001x128xf32, #tpu.memory_space<vmem_shared>>) dst(%arg22 : memref<80x128xf32, #tpu.memory_space<vmem>>)
    %add3A_489 = arith.constant 400 : i32
    %add3A_490 = arith.addi %mul3A_2, %add3A_489 : i32
    %dma_start3A_491 = arith.constant 0 : i32
    %dma_start3A_492 = tpu.memref_slice %arg10[%add3A_490, %dma_start3A_491] : memref<25600x128xf32, #tpu.memory_space<hbm>> -> memref<80x128xf32, #tpu.memory_space<hbm>>
    %dma_start3A_493 = arith.constant 0 : i32
    %dma_start3A_494 = tpu.memref_slice %arg10[%add3A_490, %dma_start3A_493] : memref<25600x128xf32, #tpu.memory_space<hbm>> -> memref<80x128xf32, #tpu.memory_space<hbm>>
    tpu.enqueue_dma source(%arg22 : memref<80x128xf32, #tpu.memory_space<vmem>>) target(%dma_start3A_494 : memref<80x128xf32, #tpu.memory_space<hbm>>) target_semaphore(%arg40 : memref<!tpu.dma_semaphore, #tpu.memory_space<semaphore_mem>>)
    %add3A_495 = arith.constant 400 : i32
    %add3A_496 = arith.addi %mul3A_2, %add3A_495 : i32
    %dma_wait3A_497 = arith.constant 0 : i32
    %dma_wait3A_498 = tpu.memref_slice %arg8[%add3A_496, %dma_wait3A_497] : memref<25600x128xf32, #tpu.memory_space<hbm>> -> memref<80x128xf32, #tpu.memory_space<hbm>>
    %dma_wait3A_499 = arith.constant 0 : i32
    %dma_wait3A_500 = tpu.memref_slice %arg8[%add3A_496, %dma_wait3A_499] : memref<25600x128xf32, #tpu.memory_space<hbm>> -> memref<80x128xf32, #tpu.memory_space<hbm>>
    tpu.wait_dma2 semaphore(%arg34 : memref<!tpu.dma_semaphore, #tpu.memory_space<semaphore_mem>>) src(%arg16 : memref<80x128xf32, #tpu.memory_space<vmem>>) dst(%dma_wait3A_500 : memref<80x128xf32, #tpu.memory_space<hbm>>)
    %dma_start3A_501 = arith.constant 8 : i32
    %dma_start3A_502 = arith.constant 0 : i32
    %dma_start3A_503 = tpu.memref_slice %arg11[%dma_start3A_501, %dma_start3A_502] : memref<10x80xi32, #tpu.memory_space<vmem>> -> memref<1x80xi32, #tpu.memory_space<vmem>>
    %dma_start3A_504 = tpu.memref_squeeze %dma_start3A_503 : memref<1x80xi32, #tpu.memory_space<vmem>> -> memref<80xi32, #tpu.memory_space<vmem>>
    %dma_start3A_505 = arith.constant 0 : i32
    %dma_start3A_506 = arith.constant 0 : i32
    %dma_start3A_507 = tpu.memref_slice %arg2[%dma_start3A_505, %dma_start3A_506] : memref<100001x128xf32, #tpu.memory_space<hbm>> -> memref<100001x128xf32, #tpu.memory_space<hbm>>
    tpu.enqueue_indirect_dma source(%dma_start3A_507 : memref<100001x128xf32, #tpu.memory_space<hbm>>) target(%arg16 : memref<80x128xf32, #tpu.memory_space<vmem>>) offsets(%dma_start3A_504 : memref<80xi32, #tpu.memory_space<vmem>>) semaphore(%arg25 : memref<!tpu.dma_semaphore, #tpu.memory_space<semaphore_mem>>)
    %add3A_508 = arith.constant 400 : i32
    %add3A_509 = arith.addi %mul3A_2, %add3A_508 : i32
    %dma_wait3A_510 = arith.constant 0 : i32
    %dma_wait3A_511 = tpu.memref_slice %arg9[%add3A_509, %dma_wait3A_510] : memref<25600x128xf32, #tpu.memory_space<hbm>> -> memref<80x128xf32, #tpu.memory_space<hbm>>
    %dma_wait3A_512 = arith.constant 0 : i32
    %dma_wait3A_513 = tpu.memref_slice %arg9[%add3A_509, %dma_wait3A_512] : memref<25600x128xf32, #tpu.memory_space<hbm>> -> memref<80x128xf32, #tpu.memory_space<hbm>>
    tpu.wait_dma2 semaphore(%arg37 : memref<!tpu.dma_semaphore, #tpu.memory_space<semaphore_mem>>) src(%arg19 : memref<80x128xf32, #tpu.memory_space<vmem>>) dst(%dma_wait3A_513 : memref<80x128xf32, #tpu.memory_space<hbm>>)
    %dma_start3A_514 = arith.constant 8 : i32
    %dma_start3A_515 = arith.constant 0 : i32
    %dma_start3A_516 = tpu.memref_slice %arg12[%dma_start3A_514, %dma_start3A_515] : memref<10x80xi32, #tpu.memory_space<vmem>> -> memref<1x80xi32, #tpu.memory_space<vmem>>
    %dma_start3A_517 = tpu.memref_squeeze %dma_start3A_516 : memref<1x80xi32, #tpu.memory_space<vmem>> -> memref<80xi32, #tpu.memory_space<vmem>>
    %dma_start3A_518 = arith.constant 0 : i32
    %dma_start3A_519 = arith.constant 0 : i32
    %dma_start3A_520 = tpu.memref_slice %arg41[%dma_start3A_518, %dma_start3A_519] : memref<1001x128xf32, #tpu.memory_space<vmem_shared>> -> memref<1001x128xf32, #tpu.memory_space<vmem_shared>>
    tpu.enqueue_indirect_dma source(%dma_start3A_520 : memref<1001x128xf32, #tpu.memory_space<vmem_shared>>) target(%arg19 : memref<80x128xf32, #tpu.memory_space<vmem>>) offsets(%dma_start3A_517 : memref<80xi32, #tpu.memory_space<vmem>>) semaphore(%arg28 : memref<!tpu.dma_semaphore, #tpu.memory_space<semaphore_mem>>)
    %add3A_521 = arith.constant 400 : i32
    %add3A_522 = arith.addi %mul3A_2, %add3A_521 : i32
    %dma_wait3A_523 = arith.constant 0 : i32
    %dma_wait3A_524 = tpu.memref_slice %arg10[%add3A_522, %dma_wait3A_523] : memref<25600x128xf32, #tpu.memory_space<hbm>> -> memref<80x128xf32, #tpu.memory_space<hbm>>
    %dma_wait3A_525 = arith.constant 0 : i32
    %dma_wait3A_526 = tpu.memref_slice %arg10[%add3A_522, %dma_wait3A_525] : memref<25600x128xf32, #tpu.memory_space<hbm>> -> memref<80x128xf32, #tpu.memory_space<hbm>>
    tpu.wait_dma2 semaphore(%arg40 : memref<!tpu.dma_semaphore, #tpu.memory_space<semaphore_mem>>) src(%arg22 : memref<80x128xf32, #tpu.memory_space<vmem>>) dst(%dma_wait3A_526 : memref<80x128xf32, #tpu.memory_space<hbm>>)
    %dma_start3A_527 = arith.constant 8 : i32
    %dma_start3A_528 = arith.constant 0 : i32
    %dma_start3A_529 = tpu.memref_slice %arg13[%dma_start3A_527, %dma_start3A_528] : memref<10x80xi32, #tpu.memory_space<vmem>> -> memref<1x80xi32, #tpu.memory_space<vmem>>
    %dma_start3A_530 = tpu.memref_squeeze %dma_start3A_529 : memref<1x80xi32, #tpu.memory_space<vmem>> -> memref<80xi32, #tpu.memory_space<vmem>>
    %dma_start3A_531 = arith.constant 0 : i32
    %dma_start3A_532 = arith.constant 0 : i32
    %dma_start3A_533 = tpu.memref_slice %arg42[%dma_start3A_531, %dma_start3A_532] : memref<1001x128xf32, #tpu.memory_space<vmem_shared>> -> memref<1001x128xf32, #tpu.memory_space<vmem_shared>>
    tpu.enqueue_indirect_dma source(%dma_start3A_533 : memref<1001x128xf32, #tpu.memory_space<vmem_shared>>) target(%arg22 : memref<80x128xf32, #tpu.memory_space<vmem>>) offsets(%dma_start3A_530 : memref<80xi32, #tpu.memory_space<vmem>>) semaphore(%arg31 : memref<!tpu.dma_semaphore, #tpu.memory_space<semaphore_mem>>)
    %dma_wait3A_534 = arith.constant 6 : i32
    %dma_wait3A_535 = arith.constant 0 : i32
    %dma_wait3A_536 = tpu.memref_slice %arg11[%dma_wait3A_534, %dma_wait3A_535] : memref<10x80xi32, #tpu.memory_space<vmem>> -> memref<1x80xi32, #tpu.memory_space<vmem>>
    %dma_wait3A_537 = tpu.memref_squeeze %dma_wait3A_536 : memref<1x80xi32, #tpu.memory_space<vmem>> -> memref<80xi32, #tpu.memory_space<vmem>>
    %dma_wait3A_538 = arith.constant 0 : i32
    %dma_wait3A_539 = arith.constant 0 : i32
    %dma_wait3A_540 = tpu.memref_slice %arg2[%dma_wait3A_538, %dma_wait3A_539] : memref<100001x128xf32, #tpu.memory_space<hbm>> -> memref<100001x128xf32, #tpu.memory_space<hbm>>
    tpu.wait_indirect_dma semaphore(%arg23 : memref<!tpu.dma_semaphore, #tpu.memory_space<semaphore_mem>>) src(%dma_wait3A_540 : memref<100001x128xf32, #tpu.memory_space<hbm>>) dst(%arg14 : memref<80x128xf32, #tpu.memory_space<vmem>>)
    %add3A_541 = arith.constant 480 : i32
    %add3A_542 = arith.addi %mul3A_2, %add3A_541 : i32
    %dma_start3A_543 = arith.constant 0 : i32
    %dma_start3A_544 = tpu.memref_slice %arg8[%add3A_542, %dma_start3A_543] : memref<25600x128xf32, #tpu.memory_space<hbm>> -> memref<80x128xf32, #tpu.memory_space<hbm>>
    %dma_start3A_545 = arith.constant 0 : i32
    %dma_start3A_546 = tpu.memref_slice %arg8[%add3A_542, %dma_start3A_545] : memref<25600x128xf32, #tpu.memory_space<hbm>> -> memref<80x128xf32, #tpu.memory_space<hbm>>
    tpu.enqueue_dma source(%arg14 : memref<80x128xf32, #tpu.memory_space<vmem>>) target(%dma_start3A_546 : memref<80x128xf32, #tpu.memory_space<hbm>>) target_semaphore(%arg32 : memref<!tpu.dma_semaphore, #tpu.memory_space<semaphore_mem>>)
    %dma_wait3A_547 = arith.constant 6 : i32
    %dma_wait3A_548 = arith.constant 0 : i32
    %dma_wait3A_549 = tpu.memref_slice %arg12[%dma_wait3A_547, %dma_wait3A_548] : memref<10x80xi32, #tpu.memory_space<vmem>> -> memref<1x80xi32, #tpu.memory_space<vmem>>
    %dma_wait3A_550 = tpu.memref_squeeze %dma_wait3A_549 : memref<1x80xi32, #tpu.memory_space<vmem>> -> memref<80xi32, #tpu.memory_space<vmem>>
    %dma_wait3A_551 = arith.constant 0 : i32
    %dma_wait3A_552 = arith.constant 0 : i32
    %dma_wait3A_553 = tpu.memref_slice %arg41[%dma_wait3A_551, %dma_wait3A_552] : memref<1001x128xf32, #tpu.memory_space<vmem_shared>> -> memref<1001x128xf32, #tpu.memory_space<vmem_shared>>
    tpu.wait_indirect_dma semaphore(%arg26 : memref<!tpu.dma_semaphore, #tpu.memory_space<semaphore_mem>>) src(%dma_wait3A_553 : memref<1001x128xf32, #tpu.memory_space<vmem_shared>>) dst(%arg17 : memref<80x128xf32, #tpu.memory_space<vmem>>)
    %add3A_554 = arith.constant 480 : i32
    %add3A_555 = arith.addi %mul3A_2, %add3A_554 : i32
    %dma_start3A_556 = arith.constant 0 : i32
    %dma_start3A_557 = tpu.memref_slice %arg9[%add3A_555, %dma_start3A_556] : memref<25600x128xf32, #tpu.memory_space<hbm>> -> memref<80x128xf32, #tpu.memory_space<hbm>>
    %dma_start3A_558 = arith.constant 0 : i32
    %dma_start3A_559 = tpu.memref_slice %arg9[%add3A_555, %dma_start3A_558] : memref<25600x128xf32, #tpu.memory_space<hbm>> -> memref<80x128xf32, #tpu.memory_space<hbm>>
    tpu.enqueue_dma source(%arg17 : memref<80x128xf32, #tpu.memory_space<vmem>>) target(%dma_start3A_559 : memref<80x128xf32, #tpu.memory_space<hbm>>) target_semaphore(%arg35 : memref<!tpu.dma_semaphore, #tpu.memory_space<semaphore_mem>>)
    %dma_wait3A_560 = arith.constant 6 : i32
    %dma_wait3A_561 = arith.constant 0 : i32
    %dma_wait3A_562 = tpu.memref_slice %arg13[%dma_wait3A_560, %dma_wait3A_561] : memref<10x80xi32, #tpu.memory_space<vmem>> -> memref<1x80xi32, #tpu.memory_space<vmem>>
    %dma_wait3A_563 = tpu.memref_squeeze %dma_wait3A_562 : memref<1x80xi32, #tpu.memory_space<vmem>> -> memref<80xi32, #tpu.memory_space<vmem>>
    %dma_wait3A_564 = arith.constant 0 : i32
    %dma_wait3A_565 = arith.constant 0 : i32
    %dma_wait3A_566 = tpu.memref_slice %arg42[%dma_wait3A_564, %dma_wait3A_565] : memref<1001x128xf32, #tpu.memory_space<vmem_shared>> -> memref<1001x128xf32, #tpu.memory_space<vmem_shared>>
    tpu.wait_indirect_dma semaphore(%arg29 : memref<!tpu.dma_semaphore, #tpu.memory_space<semaphore_mem>>) src(%dma_wait3A_566 : memref<1001x128xf32, #tpu.memory_space<vmem_shared>>) dst(%arg20 : memref<80x128xf32, #tpu.memory_space<vmem>>)
    %add3A_567 = arith.constant 480 : i32
    %add3A_568 = arith.addi %mul3A_2, %add3A_567 : i32
    %dma_start3A_569 = arith.constant 0 : i32
    %dma_start3A_570 = tpu.memref_slice %arg10[%add3A_568, %dma_start3A_569] : memref<25600x128xf32, #tpu.memory_space<hbm>> -> memref<80x128xf32, #tpu.memory_space<hbm>>
    %dma_start3A_571 = arith.constant 0 : i32
    %dma_start3A_572 = tpu.memref_slice %arg10[%add3A_568, %dma_start3A_571] : memref<25600x128xf32, #tpu.memory_space<hbm>> -> memref<80x128xf32, #tpu.memory_space<hbm>>
    tpu.enqueue_dma source(%arg20 : memref<80x128xf32, #tpu.memory_space<vmem>>) target(%dma_start3A_572 : memref<80x128xf32, #tpu.memory_space<hbm>>) target_semaphore(%arg38 : memref<!tpu.dma_semaphore, #tpu.memory_space<semaphore_mem>>)
    %add3A_573 = arith.constant 480 : i32
    %add3A_574 = arith.addi %mul3A_2, %add3A_573 : i32
    %dma_wait3A_575 = arith.constant 0 : i32
    %dma_wait3A_576 = tpu.memref_slice %arg8[%add3A_574, %dma_wait3A_575] : memref<25600x128xf32, #tpu.memory_space<hbm>> -> memref<80x128xf32, #tpu.memory_space<hbm>>
    %dma_wait3A_577 = arith.constant 0 : i32
    %dma_wait3A_578 = tpu.memref_slice %arg8[%add3A_574, %dma_wait3A_577] : memref<25600x128xf32, #tpu.memory_space<hbm>> -> memref<80x128xf32, #tpu.memory_space<hbm>>
    tpu.wait_dma2 semaphore(%arg32 : memref<!tpu.dma_semaphore, #tpu.memory_space<semaphore_mem>>) src(%arg14 : memref<80x128xf32, #tpu.memory_space<vmem>>) dst(%dma_wait3A_578 : memref<80x128xf32, #tpu.memory_space<hbm>>)
    %dma_start3A_579 = arith.constant 9 : i32
    %dma_start3A_580 = arith.constant 0 : i32
    %dma_start3A_581 = tpu.memref_slice %arg11[%dma_start3A_579, %dma_start3A_580] : memref<10x80xi32, #tpu.memory_space<vmem>> -> memref<1x80xi32, #tpu.memory_space<vmem>>
    %dma_start3A_582 = tpu.memref_squeeze %dma_start3A_581 : memref<1x80xi32, #tpu.memory_space<vmem>> -> memref<80xi32, #tpu.memory_space<vmem>>
    %dma_start3A_583 = arith.constant 0 : i32
    %dma_start3A_584 = arith.constant 0 : i32
    %dma_start3A_585 = tpu.memref_slice %arg2[%dma_start3A_583, %dma_start3A_584] : memref<100001x128xf32, #tpu.memory_space<hbm>> -> memref<100001x128xf32, #tpu.memory_space<hbm>>
    tpu.enqueue_indirect_dma source(%dma_start3A_585 : memref<100001x128xf32, #tpu.memory_space<hbm>>) target(%arg14 : memref<80x128xf32, #tpu.memory_space<vmem>>) offsets(%dma_start3A_582 : memref<80xi32, #tpu.memory_space<vmem>>) semaphore(%arg23 : memref<!tpu.dma_semaphore, #tpu.memory_space<semaphore_mem>>)
    %add3A_586 = arith.constant 480 : i32
    %add3A_587 = arith.addi %mul3A_2, %add3A_586 : i32
    %dma_wait3A_588 = arith.constant 0 : i32
    %dma_wait3A_589 = tpu.memref_slice %arg9[%add3A_587, %dma_wait3A_588] : memref<25600x128xf32, #tpu.memory_space<hbm>> -> memref<80x128xf32, #tpu.memory_space<hbm>>
    %dma_wait3A_590 = arith.constant 0 : i32
    %dma_wait3A_591 = tpu.memref_slice %arg9[%add3A_587, %dma_wait3A_590] : memref<25600x128xf32, #tpu.memory_space<hbm>> -> memref<80x128xf32, #tpu.memory_space<hbm>>
    tpu.wait_dma2 semaphore(%arg35 : memref<!tpu.dma_semaphore, #tpu.memory_space<semaphore_mem>>) src(%arg17 : memref<80x128xf32, #tpu.memory_space<vmem>>) dst(%dma_wait3A_591 : memref<80x128xf32, #tpu.memory_space<hbm>>)
    %dma_start3A_592 = arith.constant 9 : i32
    %dma_start3A_593 = arith.constant 0 : i32
    %dma_start3A_594 = tpu.memref_slice %arg12[%dma_start3A_592, %dma_start3A_593] : memref<10x80xi32, #tpu.memory_space<vmem>> -> memref<1x80xi32, #tpu.memory_space<vmem>>
    %dma_start3A_595 = tpu.memref_squeeze %dma_start3A_594 : memref<1x80xi32, #tpu.memory_space<vmem>> -> memref<80xi32, #tpu.memory_space<vmem>>
    %dma_start3A_596 = arith.constant 0 : i32
    %dma_start3A_597 = arith.constant 0 : i32
    %dma_start3A_598 = tpu.memref_slice %arg41[%dma_start3A_596, %dma_start3A_597] : memref<1001x128xf32, #tpu.memory_space<vmem_shared>> -> memref<1001x128xf32, #tpu.memory_space<vmem_shared>>
    tpu.enqueue_indirect_dma source(%dma_start3A_598 : memref<1001x128xf32, #tpu.memory_space<vmem_shared>>) target(%arg17 : memref<80x128xf32, #tpu.memory_space<vmem>>) offsets(%dma_start3A_595 : memref<80xi32, #tpu.memory_space<vmem>>) semaphore(%arg26 : memref<!tpu.dma_semaphore, #tpu.memory_space<semaphore_mem>>)
    %add3A_599 = arith.constant 480 : i32
    %add3A_600 = arith.addi %mul3A_2, %add3A_599 : i32
    %dma_wait3A_601 = arith.constant 0 : i32
    %dma_wait3A_602 = tpu.memref_slice %arg10[%add3A_600, %dma_wait3A_601] : memref<25600x128xf32, #tpu.memory_space<hbm>> -> memref<80x128xf32, #tpu.memory_space<hbm>>
    %dma_wait3A_603 = arith.constant 0 : i32
    %dma_wait3A_604 = tpu.memref_slice %arg10[%add3A_600, %dma_wait3A_603] : memref<25600x128xf32, #tpu.memory_space<hbm>> -> memref<80x128xf32, #tpu.memory_space<hbm>>
    tpu.wait_dma2 semaphore(%arg38 : memref<!tpu.dma_semaphore, #tpu.memory_space<semaphore_mem>>) src(%arg20 : memref<80x128xf32, #tpu.memory_space<vmem>>) dst(%dma_wait3A_604 : memref<80x128xf32, #tpu.memory_space<hbm>>)
    %dma_start3A_605 = arith.constant 9 : i32
    %dma_start3A_606 = arith.constant 0 : i32
    %dma_start3A_607 = tpu.memref_slice %arg13[%dma_start3A_605, %dma_start3A_606] : memref<10x80xi32, #tpu.memory_space<vmem>> -> memref<1x80xi32, #tpu.memory_space<vmem>>
    %dma_start3A_608 = tpu.memref_squeeze %dma_start3A_607 : memref<1x80xi32, #tpu.memory_space<vmem>> -> memref<80xi32, #tpu.memory_space<vmem>>
    %dma_start3A_609 = arith.constant 0 : i32
    %dma_start3A_610 = arith.constant 0 : i32
    %dma_start3A_611 = tpu.memref_slice %arg42[%dma_start3A_609, %dma_start3A_610] : memref<1001x128xf32, #tpu.memory_space<vmem_shared>> -> memref<1001x128xf32, #tpu.memory_space<vmem_shared>>
    tpu.enqueue_indirect_dma source(%dma_start3A_611 : memref<1001x128xf32, #tpu.memory_space<vmem_shared>>) target(%arg20 : memref<80x128xf32, #tpu.memory_space<vmem>>) offsets(%dma_start3A_608 : memref<80xi32, #tpu.memory_space<vmem>>) semaphore(%arg29 : memref<!tpu.dma_semaphore, #tpu.memory_space<semaphore_mem>>)
    %dma_wait3A_612 = arith.constant 7 : i32
    %dma_wait3A_613 = arith.constant 0 : i32
    %dma_wait3A_614 = tpu.memref_slice %arg11[%dma_wait3A_612, %dma_wait3A_613] : memref<10x80xi32, #tpu.memory_space<vmem>> -> memref<1x80xi32, #tpu.memory_space<vmem>>
    %dma_wait3A_615 = tpu.memref_squeeze %dma_wait3A_614 : memref<1x80xi32, #tpu.memory_space<vmem>> -> memref<80xi32, #tpu.memory_space<vmem>>
    %dma_wait3A_616 = arith.constant 0 : i32
    %dma_wait3A_617 = arith.constant 0 : i32
    %dma_wait3A_618 = tpu.memref_slice %arg2[%dma_wait3A_616, %dma_wait3A_617] : memref<100001x128xf32, #tpu.memory_space<hbm>> -> memref<100001x128xf32, #tpu.memory_space<hbm>>
    tpu.wait_indirect_dma semaphore(%arg24 : memref<!tpu.dma_semaphore, #tpu.memory_space<semaphore_mem>>) src(%dma_wait3A_618 : memref<100001x128xf32, #tpu.memory_space<hbm>>) dst(%arg15 : memref<80x128xf32, #tpu.memory_space<vmem>>)
    %add3A_619 = arith.constant 560 : i32
    %add3A_620 = arith.addi %mul3A_2, %add3A_619 : i32
    %dma_start3A_621 = arith.constant 0 : i32
    %dma_start3A_622 = tpu.memref_slice %arg8[%add3A_620, %dma_start3A_621] : memref<25600x128xf32, #tpu.memory_space<hbm>> -> memref<80x128xf32, #tpu.memory_space<hbm>>
    %dma_start3A_623 = arith.constant 0 : i32
    %dma_start3A_624 = tpu.memref_slice %arg8[%add3A_620, %dma_start3A_623] : memref<25600x128xf32, #tpu.memory_space<hbm>> -> memref<80x128xf32, #tpu.memory_space<hbm>>
    tpu.enqueue_dma source(%arg15 : memref<80x128xf32, #tpu.memory_space<vmem>>) target(%dma_start3A_624 : memref<80x128xf32, #tpu.memory_space<hbm>>) target_semaphore(%arg33 : memref<!tpu.dma_semaphore, #tpu.memory_space<semaphore_mem>>)
    %dma_wait3A_625 = arith.constant 7 : i32
    %dma_wait3A_626 = arith.constant 0 : i32
    %dma_wait3A_627 = tpu.memref_slice %arg12[%dma_wait3A_625, %dma_wait3A_626] : memref<10x80xi32, #tpu.memory_space<vmem>> -> memref<1x80xi32, #tpu.memory_space<vmem>>
    %dma_wait3A_628 = tpu.memref_squeeze %dma_wait3A_627 : memref<1x80xi32, #tpu.memory_space<vmem>> -> memref<80xi32, #tpu.memory_space<vmem>>
    %dma_wait3A_629 = arith.constant 0 : i32
    %dma_wait3A_630 = arith.constant 0 : i32
    %dma_wait3A_631 = tpu.memref_slice %arg41[%dma_wait3A_629, %dma_wait3A_630] : memref<1001x128xf32, #tpu.memory_space<vmem_shared>> -> memref<1001x128xf32, #tpu.memory_space<vmem_shared>>
    tpu.wait_indirect_dma semaphore(%arg27 : memref<!tpu.dma_semaphore, #tpu.memory_space<semaphore_mem>>) src(%dma_wait3A_631 : memref<1001x128xf32, #tpu.memory_space<vmem_shared>>) dst(%arg18 : memref<80x128xf32, #tpu.memory_space<vmem>>)
    %add3A_632 = arith.constant 560 : i32
    %add3A_633 = arith.addi %mul3A_2, %add3A_632 : i32
    %dma_start3A_634 = arith.constant 0 : i32
    %dma_start3A_635 = tpu.memref_slice %arg9[%add3A_633, %dma_start3A_634] : memref<25600x128xf32, #tpu.memory_space<hbm>> -> memref<80x128xf32, #tpu.memory_space<hbm>>
    %dma_start3A_636 = arith.constant 0 : i32
    %dma_start3A_637 = tpu.memref_slice %arg9[%add3A_633, %dma_start3A_636] : memref<25600x128xf32, #tpu.memory_space<hbm>> -> memref<80x128xf32, #tpu.memory_space<hbm>>
    tpu.enqueue_dma source(%arg18 : memref<80x128xf32, #tpu.memory_space<vmem>>) target(%dma_start3A_637 : memref<80x128xf32, #tpu.memory_space<hbm>>) target_semaphore(%arg36 : memref<!tpu.dma_semaphore, #tpu.memory_space<semaphore_mem>>)
    %dma_wait3A_638 = arith.constant 7 : i32
    %dma_wait3A_639 = arith.constant 0 : i32
    %dma_wait3A_640 = tpu.memref_slice %arg13[%dma_wait3A_638, %dma_wait3A_639] : memref<10x80xi32, #tpu.memory_space<vmem>> -> memref<1x80xi32, #tpu.memory_space<vmem>>
    %dma_wait3A_641 = tpu.memref_squeeze %dma_wait3A_640 : memref<1x80xi32, #tpu.memory_space<vmem>> -> memref<80xi32, #tpu.memory_space<vmem>>
    %dma_wait3A_642 = arith.constant 0 : i32
    %dma_wait3A_643 = arith.constant 0 : i32
    %dma_wait3A_644 = tpu.memref_slice %arg42[%dma_wait3A_642, %dma_wait3A_643] : memref<1001x128xf32, #tpu.memory_space<vmem_shared>> -> memref<1001x128xf32, #tpu.memory_space<vmem_shared>>
    tpu.wait_indirect_dma semaphore(%arg30 : memref<!tpu.dma_semaphore, #tpu.memory_space<semaphore_mem>>) src(%dma_wait3A_644 : memref<1001x128xf32, #tpu.memory_space<vmem_shared>>) dst(%arg21 : memref<80x128xf32, #tpu.memory_space<vmem>>)
    %add3A_645 = arith.constant 560 : i32
    %add3A_646 = arith.addi %mul3A_2, %add3A_645 : i32
    %dma_start3A_647 = arith.constant 0 : i32
    %dma_start3A_648 = tpu.memref_slice %arg10[%add3A_646, %dma_start3A_647] : memref<25600x128xf32, #tpu.memory_space<hbm>> -> memref<80x128xf32, #tpu.memory_space<hbm>>
    %dma_start3A_649 = arith.constant 0 : i32
    %dma_start3A_650 = tpu.memref_slice %arg10[%add3A_646, %dma_start3A_649] : memref<25600x128xf32, #tpu.memory_space<hbm>> -> memref<80x128xf32, #tpu.memory_space<hbm>>
    tpu.enqueue_dma source(%arg21 : memref<80x128xf32, #tpu.memory_space<vmem>>) target(%dma_start3A_650 : memref<80x128xf32, #tpu.memory_space<hbm>>) target_semaphore(%arg39 : memref<!tpu.dma_semaphore, #tpu.memory_space<semaphore_mem>>)
    %dma_wait3A_651 = arith.constant 8 : i32
    %dma_wait3A_652 = arith.constant 0 : i32
    %dma_wait3A_653 = tpu.memref_slice %arg11[%dma_wait3A_651, %dma_wait3A_652] : memref<10x80xi32, #tpu.memory_space<vmem>> -> memref<1x80xi32, #tpu.memory_space<vmem>>
    %dma_wait3A_654 = tpu.memref_squeeze %dma_wait3A_653 : memref<1x80xi32, #tpu.memory_space<vmem>> -> memref<80xi32, #tpu.memory_space<vmem>>
    %dma_wait3A_655 = arith.constant 0 : i32
    %dma_wait3A_656 = arith.constant 0 : i32
    %dma_wait3A_657 = tpu.memref_slice %arg2[%dma_wait3A_655, %dma_wait3A_656] : memref<100001x128xf32, #tpu.memory_space<hbm>> -> memref<100001x128xf32, #tpu.memory_space<hbm>>
    tpu.wait_indirect_dma semaphore(%arg25 : memref<!tpu.dma_semaphore, #tpu.memory_space<semaphore_mem>>) src(%dma_wait3A_657 : memref<100001x128xf32, #tpu.memory_space<hbm>>) dst(%arg16 : memref<80x128xf32, #tpu.memory_space<vmem>>)
    %add3A_658 = arith.constant 640 : i32
    %add3A_659 = arith.addi %mul3A_2, %add3A_658 : i32
    %dma_start3A_660 = arith.constant 0 : i32
    %dma_start3A_661 = tpu.memref_slice %arg8[%add3A_659, %dma_start3A_660] : memref<25600x128xf32, #tpu.memory_space<hbm>> -> memref<80x128xf32, #tpu.memory_space<hbm>>
    %dma_start3A_662 = arith.constant 0 : i32
    %dma_start3A_663 = tpu.memref_slice %arg8[%add3A_659, %dma_start3A_662] : memref<25600x128xf32, #tpu.memory_space<hbm>> -> memref<80x128xf32, #tpu.memory_space<hbm>>
    tpu.enqueue_dma source(%arg16 : memref<80x128xf32, #tpu.memory_space<vmem>>) target(%dma_start3A_663 : memref<80x128xf32, #tpu.memory_space<hbm>>) target_semaphore(%arg34 : memref<!tpu.dma_semaphore, #tpu.memory_space<semaphore_mem>>)
    %dma_wait3A_664 = arith.constant 8 : i32
    %dma_wait3A_665 = arith.constant 0 : i32
    %dma_wait3A_666 = tpu.memref_slice %arg12[%dma_wait3A_664, %dma_wait3A_665] : memref<10x80xi32, #tpu.memory_space<vmem>> -> memref<1x80xi32, #tpu.memory_space<vmem>>
    %dma_wait3A_667 = tpu.memref_squeeze %dma_wait3A_666 : memref<1x80xi32, #tpu.memory_space<vmem>> -> memref<80xi32, #tpu.memory_space<vmem>>
    %dma_wait3A_668 = arith.constant 0 : i32
    %dma_wait3A_669 = arith.constant 0 : i32
    %dma_wait3A_670 = tpu.memref_slice %arg41[%dma_wait3A_668, %dma_wait3A_669] : memref<1001x128xf32, #tpu.memory_space<vmem_shared>> -> memref<1001x128xf32, #tpu.memory_space<vmem_shared>>
    tpu.wait_indirect_dma semaphore(%arg28 : memref<!tpu.dma_semaphore, #tpu.memory_space<semaphore_mem>>) src(%dma_wait3A_670 : memref<1001x128xf32, #tpu.memory_space<vmem_shared>>) dst(%arg19 : memref<80x128xf32, #tpu.memory_space<vmem>>)
    %add3A_671 = arith.constant 640 : i32
    %add3A_672 = arith.addi %mul3A_2, %add3A_671 : i32
    %dma_start3A_673 = arith.constant 0 : i32
    %dma_start3A_674 = tpu.memref_slice %arg9[%add3A_672, %dma_start3A_673] : memref<25600x128xf32, #tpu.memory_space<hbm>> -> memref<80x128xf32, #tpu.memory_space<hbm>>
    %dma_start3A_675 = arith.constant 0 : i32
    %dma_start3A_676 = tpu.memref_slice %arg9[%add3A_672, %dma_start3A_675] : memref<25600x128xf32, #tpu.memory_space<hbm>> -> memref<80x128xf32, #tpu.memory_space<hbm>>
    tpu.enqueue_dma source(%arg19 : memref<80x128xf32, #tpu.memory_space<vmem>>) target(%dma_start3A_676 : memref<80x128xf32, #tpu.memory_space<hbm>>) target_semaphore(%arg37 : memref<!tpu.dma_semaphore, #tpu.memory_space<semaphore_mem>>)
    %dma_wait3A_677 = arith.constant 8 : i32
    %dma_wait3A_678 = arith.constant 0 : i32
    %dma_wait3A_679 = tpu.memref_slice %arg13[%dma_wait3A_677, %dma_wait3A_678] : memref<10x80xi32, #tpu.memory_space<vmem>> -> memref<1x80xi32, #tpu.memory_space<vmem>>
    %dma_wait3A_680 = tpu.memref_squeeze %dma_wait3A_679 : memref<1x80xi32, #tpu.memory_space<vmem>> -> memref<80xi32, #tpu.memory_space<vmem>>
    %dma_wait3A_681 = arith.constant 0 : i32
    %dma_wait3A_682 = arith.constant 0 : i32
    %dma_wait3A_683 = tpu.memref_slice %arg42[%dma_wait3A_681, %dma_wait3A_682] : memref<1001x128xf32, #tpu.memory_space<vmem_shared>> -> memref<1001x128xf32, #tpu.memory_space<vmem_shared>>
    tpu.wait_indirect_dma semaphore(%arg31 : memref<!tpu.dma_semaphore, #tpu.memory_space<semaphore_mem>>) src(%dma_wait3A_683 : memref<1001x128xf32, #tpu.memory_space<vmem_shared>>) dst(%arg22 : memref<80x128xf32, #tpu.memory_space<vmem>>)
    %add3A_684 = arith.constant 640 : i32
    %add3A_685 = arith.addi %mul3A_2, %add3A_684 : i32
    %dma_start3A_686 = arith.constant 0 : i32
    %dma_start3A_687 = tpu.memref_slice %arg10[%add3A_685, %dma_start3A_686] : memref<25600x128xf32, #tpu.memory_space<hbm>> -> memref<80x128xf32, #tpu.memory_space<hbm>>
    %dma_start3A_688 = arith.constant 0 : i32
    %dma_start3A_689 = tpu.memref_slice %arg10[%add3A_685, %dma_start3A_688] : memref<25600x128xf32, #tpu.memory_space<hbm>> -> memref<80x128xf32, #tpu.memory_space<hbm>>
    tpu.enqueue_dma source(%arg22 : memref<80x128xf32, #tpu.memory_space<vmem>>) target(%dma_start3A_689 : memref<80x128xf32, #tpu.memory_space<hbm>>) target_semaphore(%arg40 : memref<!tpu.dma_semaphore, #tpu.memory_space<semaphore_mem>>)
    %dma_wait3A_690 = arith.constant 9 : i32
    %dma_wait3A_691 = arith.constant 0 : i32
    %dma_wait3A_692 = tpu.memref_slice %arg11[%dma_wait3A_690, %dma_wait3A_691] : memref<10x80xi32, #tpu.memory_space<vmem>> -> memref<1x80xi32, #tpu.memory_space<vmem>>
    %dma_wait3A_693 = tpu.memref_squeeze %dma_wait3A_692 : memref<1x80xi32, #tpu.memory_space<vmem>> -> memref<80xi32, #tpu.memory_space<vmem>>
    %dma_wait3A_694 = arith.constant 0 : i32
    %dma_wait3A_695 = arith.constant 0 : i32
    %dma_wait3A_696 = tpu.memref_slice %arg2[%dma_wait3A_694, %dma_wait3A_695] : memref<100001x128xf32, #tpu.memory_space<hbm>> -> memref<100001x128xf32, #tpu.memory_space<hbm>>
    tpu.wait_indirect_dma semaphore(%arg23 : memref<!tpu.dma_semaphore, #tpu.memory_space<semaphore_mem>>) src(%dma_wait3A_696 : memref<100001x128xf32, #tpu.memory_space<hbm>>) dst(%arg14 : memref<80x128xf32, #tpu.memory_space<vmem>>)
    %add3A_697 = arith.constant 720 : i32
    %add3A_698 = arith.addi %mul3A_2, %add3A_697 : i32
    %dma_start3A_699 = arith.constant 0 : i32
    %dma_start3A_700 = tpu.memref_slice %arg8[%add3A_698, %dma_start3A_699] : memref<25600x128xf32, #tpu.memory_space<hbm>> -> memref<80x128xf32, #tpu.memory_space<hbm>>
    %dma_start3A_701 = arith.constant 0 : i32
    %dma_start3A_702 = tpu.memref_slice %arg8[%add3A_698, %dma_start3A_701] : memref<25600x128xf32, #tpu.memory_space<hbm>> -> memref<80x128xf32, #tpu.memory_space<hbm>>
    tpu.enqueue_dma source(%arg14 : memref<80x128xf32, #tpu.memory_space<vmem>>) target(%dma_start3A_702 : memref<80x128xf32, #tpu.memory_space<hbm>>) target_semaphore(%arg32 : memref<!tpu.dma_semaphore, #tpu.memory_space<semaphore_mem>>)
    %dma_wait3A_703 = arith.constant 9 : i32
    %dma_wait3A_704 = arith.constant 0 : i32
    %dma_wait3A_705 = tpu.memref_slice %arg12[%dma_wait3A_703, %dma_wait3A_704] : memref<10x80xi32, #tpu.memory_space<vmem>> -> memref<1x80xi32, #tpu.memory_space<vmem>>
    %dma_wait3A_706 = tpu.memref_squeeze %dma_wait3A_705 : memref<1x80xi32, #tpu.memory_space<vmem>> -> memref<80xi32, #tpu.memory_space<vmem>>
    %dma_wait3A_707 = arith.constant 0 : i32
    %dma_wait3A_708 = arith.constant 0 : i32
    %dma_wait3A_709 = tpu.memref_slice %arg41[%dma_wait3A_707, %dma_wait3A_708] : memref<1001x128xf32, #tpu.memory_space<vmem_shared>> -> memref<1001x128xf32, #tpu.memory_space<vmem_shared>>
    tpu.wait_indirect_dma semaphore(%arg26 : memref<!tpu.dma_semaphore, #tpu.memory_space<semaphore_mem>>) src(%dma_wait3A_709 : memref<1001x128xf32, #tpu.memory_space<vmem_shared>>) dst(%arg17 : memref<80x128xf32, #tpu.memory_space<vmem>>)
    %add3A_710 = arith.constant 720 : i32
    %add3A_711 = arith.addi %mul3A_2, %add3A_710 : i32
    %dma_start3A_712 = arith.constant 0 : i32
    %dma_start3A_713 = tpu.memref_slice %arg9[%add3A_711, %dma_start3A_712] : memref<25600x128xf32, #tpu.memory_space<hbm>> -> memref<80x128xf32, #tpu.memory_space<hbm>>
    %dma_start3A_714 = arith.constant 0 : i32
    %dma_start3A_715 = tpu.memref_slice %arg9[%add3A_711, %dma_start3A_714] : memref<25600x128xf32, #tpu.memory_space<hbm>> -> memref<80x128xf32, #tpu.memory_space<hbm>>
    tpu.enqueue_dma source(%arg17 : memref<80x128xf32, #tpu.memory_space<vmem>>) target(%dma_start3A_715 : memref<80x128xf32, #tpu.memory_space<hbm>>) target_semaphore(%arg35 : memref<!tpu.dma_semaphore, #tpu.memory_space<semaphore_mem>>)
    %dma_wait3A_716 = arith.constant 9 : i32
    %dma_wait3A_717 = arith.constant 0 : i32
    %dma_wait3A_718 = tpu.memref_slice %arg13[%dma_wait3A_716, %dma_wait3A_717] : memref<10x80xi32, #tpu.memory_space<vmem>> -> memref<1x80xi32, #tpu.memory_space<vmem>>
    %dma_wait3A_719 = tpu.memref_squeeze %dma_wait3A_718 : memref<1x80xi32, #tpu.memory_space<vmem>> -> memref<80xi32, #tpu.memory_space<vmem>>
    %dma_wait3A_720 = arith.constant 0 : i32
    %dma_wait3A_721 = arith.constant 0 : i32
    %dma_wait3A_722 = tpu.memref_slice %arg42[%dma_wait3A_720, %dma_wait3A_721] : memref<1001x128xf32, #tpu.memory_space<vmem_shared>> -> memref<1001x128xf32, #tpu.memory_space<vmem_shared>>
    tpu.wait_indirect_dma semaphore(%arg29 : memref<!tpu.dma_semaphore, #tpu.memory_space<semaphore_mem>>) src(%dma_wait3A_722 : memref<1001x128xf32, #tpu.memory_space<vmem_shared>>) dst(%arg20 : memref<80x128xf32, #tpu.memory_space<vmem>>)
    %add3A_723 = arith.constant 720 : i32
    %add3A_724 = arith.addi %mul3A_2, %add3A_723 : i32
    %dma_start3A_725 = arith.constant 0 : i32
    %dma_start3A_726 = tpu.memref_slice %arg10[%add3A_724, %dma_start3A_725] : memref<25600x128xf32, #tpu.memory_space<hbm>> -> memref<80x128xf32, #tpu.memory_space<hbm>>
    %dma_start3A_727 = arith.constant 0 : i32
    %dma_start3A_728 = tpu.memref_slice %arg10[%add3A_724, %dma_start3A_727] : memref<25600x128xf32, #tpu.memory_space<hbm>> -> memref<80x128xf32, #tpu.memory_space<hbm>>
    tpu.enqueue_dma source(%arg20 : memref<80x128xf32, #tpu.memory_space<vmem>>) target(%dma_start3A_728 : memref<80x128xf32, #tpu.memory_space<hbm>>) target_semaphore(%arg38 : memref<!tpu.dma_semaphore, #tpu.memory_space<semaphore_mem>>)
    %add3A_729 = arith.constant 560 : i32
    %add3A_730 = arith.addi %mul3A_2, %add3A_729 : i32
    %dma_wait3A_731 = arith.constant 0 : i32
    %dma_wait3A_732 = tpu.memref_slice %arg8[%add3A_730, %dma_wait3A_731] : memref<25600x128xf32, #tpu.memory_space<hbm>> -> memref<80x128xf32, #tpu.memory_space<hbm>>
    %dma_wait3A_733 = arith.constant 0 : i32
    %dma_wait3A_734 = tpu.memref_slice %arg8[%add3A_730, %dma_wait3A_733] : memref<25600x128xf32, #tpu.memory_space<hbm>> -> memref<80x128xf32, #tpu.memory_space<hbm>>
    tpu.wait_dma2 semaphore(%arg33 : memref<!tpu.dma_semaphore, #tpu.memory_space<semaphore_mem>>) src(%arg15 : memref<80x128xf32, #tpu.memory_space<vmem>>) dst(%dma_wait3A_734 : memref<80x128xf32, #tpu.memory_space<hbm>>)
    %add3A_735 = arith.constant 560 : i32
    %add3A_736 = arith.addi %mul3A_2, %add3A_735 : i32
    %dma_wait3A_737 = arith.constant 0 : i32
    %dma_wait3A_738 = tpu.memref_slice %arg9[%add3A_736, %dma_wait3A_737] : memref<25600x128xf32, #tpu.memory_space<hbm>> -> memref<80x128xf32, #tpu.memory_space<hbm>>
    %dma_wait3A_739 = arith.constant 0 : i32
    %dma_wait3A_740 = tpu.memref_slice %arg9[%add3A_736, %dma_wait3A_739] : memref<25600x128xf32, #tpu.memory_space<hbm>> -> memref<80x128xf32, #tpu.memory_space<hbm>>
    tpu.wait_dma2 semaphore(%arg36 : memref<!tpu.dma_semaphore, #tpu.memory_space<semaphore_mem>>) src(%arg18 : memref<80x128xf32, #tpu.memory_space<vmem>>) dst(%dma_wait3A_740 : memref<80x128xf32, #tpu.memory_space<hbm>>)
    %add3A_741 = arith.constant 560 : i32
    %add3A_742 = arith.addi %mul3A_2, %add3A_741 : i32
    %dma_wait3A_743 = arith.constant 0 : i32
    %dma_wait3A_744 = tpu.memref_slice %arg10[%add3A_742, %dma_wait3A_743] : memref<25600x128xf32, #tpu.memory_space<hbm>> -> memref<80x128xf32, #tpu.memory_space<hbm>>
    %dma_wait3A_745 = arith.constant 0 : i32
    %dma_wait3A_746 = tpu.memref_slice %arg10[%add3A_742, %dma_wait3A_745] : memref<25600x128xf32, #tpu.memory_space<hbm>> -> memref<80x128xf32, #tpu.memory_space<hbm>>
    tpu.wait_dma2 semaphore(%arg39 : memref<!tpu.dma_semaphore, #tpu.memory_space<semaphore_mem>>) src(%arg21 : memref<80x128xf32, #tpu.memory_space<vmem>>) dst(%dma_wait3A_746 : memref<80x128xf32, #tpu.memory_space<hbm>>)
    %add3A_747 = arith.constant 640 : i32
    %add3A_748 = arith.addi %mul3A_2, %add3A_747 : i32
    %dma_wait3A_749 = arith.constant 0 : i32
    %dma_wait3A_750 = tpu.memref_slice %arg8[%add3A_748, %dma_wait3A_749] : memref<25600x128xf32, #tpu.memory_space<hbm>> -> memref<80x128xf32, #tpu.memory_space<hbm>>
    %dma_wait3A_751 = arith.constant 0 : i32
    %dma_wait3A_752 = tpu.memref_slice %arg8[%add3A_748, %dma_wait3A_751] : memref<25600x128xf32, #tpu.memory_space<hbm>> -> memref<80x128xf32, #tpu.memory_space<hbm>>
    tpu.wait_dma2 semaphore(%arg34 : memref<!tpu.dma_semaphore, #tpu.memory_space<semaphore_mem>>) src(%arg16 : memref<80x128xf32, #tpu.memory_space<vmem>>) dst(%dma_wait3A_752 : memref<80x128xf32, #tpu.memory_space<hbm>>)
    %add3A_753 = arith.constant 640 : i32
    %add3A_754 = arith.addi %mul3A_2, %add3A_753 : i32
    %dma_wait3A_755 = arith.constant 0 : i32
    %dma_wait3A_756 = tpu.memref_slice %arg9[%add3A_754, %dma_wait3A_755] : memref<25600x128xf32, #tpu.memory_space<hbm>> -> memref<80x128xf32, #tpu.memory_space<hbm>>
    %dma_wait3A_757 = arith.constant 0 : i32
    %dma_wait3A_758 = tpu.memref_slice %arg9[%add3A_754, %dma_wait3A_757] : memref<25600x128xf32, #tpu.memory_space<hbm>> -> memref<80x128xf32, #tpu.memory_space<hbm>>
    tpu.wait_dma2 semaphore(%arg37 : memref<!tpu.dma_semaphore, #tpu.memory_space<semaphore_mem>>) src(%arg19 : memref<80x128xf32, #tpu.memory_space<vmem>>) dst(%dma_wait3A_758 : memref<80x128xf32, #tpu.memory_space<hbm>>)
    %add3A_759 = arith.constant 640 : i32
    %add3A_760 = arith.addi %mul3A_2, %add3A_759 : i32
    %dma_wait3A_761 = arith.constant 0 : i32
    %dma_wait3A_762 = tpu.memref_slice %arg10[%add3A_760, %dma_wait3A_761] : memref<25600x128xf32, #tpu.memory_space<hbm>> -> memref<80x128xf32, #tpu.memory_space<hbm>>
    %dma_wait3A_763 = arith.constant 0 : i32
    %dma_wait3A_764 = tpu.memref_slice %arg10[%add3A_760, %dma_wait3A_763] : memref<25600x128xf32, #tpu.memory_space<hbm>> -> memref<80x128xf32, #tpu.memory_space<hbm>>
    tpu.wait_dma2 semaphore(%arg40 : memref<!tpu.dma_semaphore, #tpu.memory_space<semaphore_mem>>) src(%arg22 : memref<80x128xf32, #tpu.memory_space<vmem>>) dst(%dma_wait3A_764 : memref<80x128xf32, #tpu.memory_space<hbm>>)
    %add3A_765 = arith.constant 720 : i32
    %add3A_766 = arith.addi %mul3A_2, %add3A_765 : i32
    %dma_wait3A_767 = arith.constant 0 : i32
    %dma_wait3A_768 = tpu.memref_slice %arg8[%add3A_766, %dma_wait3A_767] : memref<25600x128xf32, #tpu.memory_space<hbm>> -> memref<80x128xf32, #tpu.memory_space<hbm>>
    %dma_wait3A_769 = arith.constant 0 : i32
    %dma_wait3A_770 = tpu.memref_slice %arg8[%add3A_766, %dma_wait3A_769] : memref<25600x128xf32, #tpu.memory_space<hbm>> -> memref<80x128xf32, #tpu.memory_space<hbm>>
    tpu.wait_dma2 semaphore(%arg32 : memref<!tpu.dma_semaphore, #tpu.memory_space<semaphore_mem>>) src(%arg14 : memref<80x128xf32, #tpu.memory_space<vmem>>) dst(%dma_wait3A_770 : memref<80x128xf32, #tpu.memory_space<hbm>>)
    %add3A_771 = arith.constant 720 : i32
    %add3A_772 = arith.addi %mul3A_2, %add3A_771 : i32
    %dma_wait3A_773 = arith.constant 0 : i32
    %dma_wait3A_774 = tpu.memref_slice %arg9[%add3A_772, %dma_wait3A_773] : memref<25600x128xf32, #tpu.memory_space<hbm>> -> memref<80x128xf32, #tpu.memory_space<hbm>>
    %dma_wait3A_775 = arith.constant 0 : i32
    %dma_wait3A_776 = tpu.memref_slice %arg9[%add3A_772, %dma_wait3A_775] : memref<25600x128xf32, #tpu.memory_space<hbm>> -> memref<80x128xf32, #tpu.memory_space<hbm>>
    tpu.wait_dma2 semaphore(%arg35 : memref<!tpu.dma_semaphore, #tpu.memory_space<semaphore_mem>>) src(%arg17 : memref<80x128xf32, #tpu.memory_space<vmem>>) dst(%dma_wait3A_776 : memref<80x128xf32, #tpu.memory_space<hbm>>)
    %add3A_777 = arith.constant 720 : i32
    %add3A_778 = arith.addi %mul3A_2, %add3A_777 : i32
    %dma_wait3A_779 = arith.constant 0 : i32
    %dma_wait3A_780 = tpu.memref_slice %arg10[%add3A_778, %dma_wait3A_779] : memref<25600x128xf32, #tpu.memory_space<hbm>> -> memref<80x128xf32, #tpu.memory_space<hbm>>
    %dma_wait3A_781 = arith.constant 0 : i32
    %dma_wait3A_782 = tpu.memref_slice %arg10[%add3A_778, %dma_wait3A_781] : memref<25600x128xf32, #tpu.memory_space<hbm>> -> memref<80x128xf32, #tpu.memory_space<hbm>>
    tpu.wait_dma2 semaphore(%arg38 : memref<!tpu.dma_semaphore, #tpu.memory_space<semaphore_mem>>) src(%arg20 : memref<80x128xf32, #tpu.memory_space<vmem>>) dst(%dma_wait3A_782 : memref<80x128xf32, #tpu.memory_space<hbm>>)
    return
  }
}

module attributes {stable_mosaic.version = 14 : i64} {
  func.func @_tc_body_acc(%arg0: i32, %arg1: memref<2560x128xf32, #tpu.memory_space<vmem>>, %arg2: memref<2560x128xf32, #tpu.memory_space<vmem>>, %arg3: memref<2560x128xf32, #tpu.memory_space<vmem>>, %arg4: memref<1x1x2560xi32, #tpu.memory_space<vmem>>, %arg5: memref<1x1x2560xf32, #tpu.memory_space<vmem>>, %arg6: memref<1x1x2560xf32, #tpu.memory_space<vmem>>, %arg7: memref<1x1x2560xf32, #tpu.memory_space<vmem>>, %arg8: memref<1x1x2560xf32, #tpu.memory_space<vmem>>, %arg9: memref<8x128xf32, #tpu.memory_space<vmem>>, %arg10: memref<128x256xf32, #tpu.memory_space<vmem>>, %arg11: memref<128x256xf32, #tpu.memory_space<vmem>>, %arg12: memref<128x256xf32, #tpu.memory_space<vmem>>, %arg13: memref<128x256xf32, #tpu.memory_space<vmem>>, %arg14: memref<1x256xf32, #tpu.memory_space<vmem>>, %arg15: memref<1x256xf32, #tpu.memory_space<vmem>>, %arg16: memref<1x256xf32, #tpu.memory_space<vmem>>, %arg17: memref<8x256xf32, #tpu.memory_space<vmem>>, %arg18: memref<1x256xf32, #tpu.memory_space<vmem>>, %arg19: memref<1x256xf32, #tpu.memory_space<vmem>>, %arg20: memref<1x256xf32, #tpu.memory_space<vmem>>, %arg21: memref<51200x512xf32, #tpu.memory_space<any>>, %arg22: memref<2560x512xf32, #tpu.memory_space<vmem>>) attributes {dimension_semantics = [#tpu.dimension_semantics<arbitrary>], iteration_bounds = array<i64: 10>, scalar_prefetch = 0 : i64, scratch_operands = 0 : i64, tpu.core_type = #tpu.core_type<tc>, window_params = [{transform_indices = @transform_0, window_bounds = array<i64: 2560, 128>}, {transform_indices = @transform_1, window_bounds = array<i64: 2560, 128>}, {transform_indices = @transform_2, window_bounds = array<i64: 2560, 128>}, {transform_indices = @transform_3, window_bounds = array<i64: 1, 1, 2560>}, {transform_indices = @transform_4, window_bounds = array<i64: 1, 1, 2560>}, {transform_indices = @transform_5, window_bounds = array<i64: 1, 1, 2560>}, {transform_indices = @transform_6, window_bounds = array<i64: 1, 1, 2560>}, {transform_indices = @transform_7, window_bounds = array<i64: 1, 1, 2560>}, {pipeline_mode = #tpu.pipeline_mode<synchronous>, transform_indices = @transform_8, window_bounds = array<i64: 8, 128>}, {pipeline_mode = #tpu.pipeline_mode<synchronous>, transform_indices = @transform_9, window_bounds = array<i64: 128, 256>}, {pipeline_mode = #tpu.pipeline_mode<synchronous>, transform_indices = @transform_10, window_bounds = array<i64: 128, 256>}, {pipeline_mode = #tpu.pipeline_mode<synchronous>, transform_indices = @transform_11, window_bounds = array<i64: 128, 256>}, {pipeline_mode = #tpu.pipeline_mode<synchronous>, transform_indices = @transform_12, window_bounds = array<i64: 128, 256>}, {pipeline_mode = #tpu.pipeline_mode<synchronous>, transform_indices = @transform_13, window_bounds = array<i64: 1, 256>}, {pipeline_mode = #tpu.pipeline_mode<synchronous>, transform_indices = @transform_14, window_bounds = array<i64: 1, 256>}, {pipeline_mode = #tpu.pipeline_mode<synchronous>, transform_indices = @transform_15, window_bounds = array<i64: 1, 256>}, {pipeline_mode = #tpu.pipeline_mode<synchronous>, transform_indices = @transform_16, window_bounds = array<i64: 8, 256>}, {pipeline_mode = #tpu.pipeline_mode<synchronous>, transform_indices = @transform_17, window_bounds = array<i64: 1, 256>}, {pipeline_mode = #tpu.pipeline_mode<synchronous>, transform_indices = @transform_18, window_bounds = array<i64: 1, 256>}, {pipeline_mode = #tpu.pipeline_mode<synchronous>, transform_indices = @transform_19, window_bounds = array<i64: 1, 256>}, {}, {transform_indices = @transform_21, window_bounds = array<i64: 2560, 512>}]} {
    %get3A = arith.constant 0 : index
    %get3A_0 = arith.constant 0 : index
    %get3A_1 = vector.load %arg1[%get3A, %get3A_0] : memref<2560x128xf32, #tpu.memory_space<vmem>>, vector<2560x128xf32>
    %get3A_2 = arith.constant 0 : index
    %get3A_3 = arith.constant 0 : index
    %get3A_4 = vector.load %arg11[%get3A_2, %get3A_3] : memref<128x256xf32, #tpu.memory_space<vmem>>, vector<128x256xf32>
    %dot_general3A = arith.constant dense<0.000000e+00> : vector<2560x256xf32>
    %dot_general3A_5 = tpu.matmul %get3A_1, %get3A_4, %dot_general3A {dimension_numbers = #tpu.dot_dimension_numbers<[1], [0], [0], [1], [0, 0, 1, 1], [], []>, transpose_lhs_hint = false} : vector<2560x128xf32>, vector<128x256xf32>, vector<2560x256xf32> -> vector<2560x256xf32>
    %get3A_6 = arith.constant 0 : index
    %get3A_7 = arith.constant 0 : index
    %get3A_8 = vector.load %arg2[%get3A_6, %get3A_7] : memref<2560x128xf32, #tpu.memory_space<vmem>>, vector<2560x128xf32>
    %get3A_9 = arith.constant 0 : index
    %get3A_10 = arith.constant 0 : index
    %get3A_11 = vector.load %arg12[%get3A_9, %get3A_10] : memref<128x256xf32, #tpu.memory_space<vmem>>, vector<128x256xf32>
    %dot_general3A_12 = arith.constant dense<0.000000e+00> : vector<2560x256xf32>
    %dot_general3A_13 = tpu.matmul %get3A_8, %get3A_11, %dot_general3A_12 {dimension_numbers = #tpu.dot_dimension_numbers<[1], [0], [0], [1], [0, 0, 1, 1], [], []>, transpose_lhs_hint = false} : vector<2560x128xf32>, vector<128x256xf32>, vector<2560x256xf32> -> vector<2560x256xf32>
    %add3A = arith.addf %dot_general3A_5, %dot_general3A_13 : vector<2560x256xf32>
    %get3A_14 = arith.constant 0 : index
    %get3A_15 = arith.constant 0 : index
    %get3A_16 = vector.load %arg3[%get3A_14, %get3A_15] : memref<2560x128xf32, #tpu.memory_space<vmem>>, vector<2560x128xf32>
    %get3A_17 = arith.constant 0 : index
    %get3A_18 = arith.constant 0 : index
    %get3A_19 = vector.load %arg13[%get3A_17, %get3A_18] : memref<128x256xf32, #tpu.memory_space<vmem>>, vector<128x256xf32>
    %dot_general3A_20 = arith.constant dense<0.000000e+00> : vector<2560x256xf32>
    %dot_general3A_21 = tpu.matmul %get3A_16, %get3A_19, %dot_general3A_20 {dimension_numbers = #tpu.dot_dimension_numbers<[1], [0], [0], [1], [0, 0, 1, 1], [], []>, transpose_lhs_hint = false} : vector<2560x128xf32>, vector<128x256xf32>, vector<2560x256xf32> -> vector<2560x256xf32>
    %add3A_22 = arith.addf %add3A, %dot_general3A_21 : vector<2560x256xf32>
    %get3A_23 = arith.constant 0 : index
    %get3A_24 = arith.constant 0 : index
    %get3A_25 = vector.load %arg9[%get3A_23, %get3A_24] : memref<8x128xf32, #tpu.memory_space<vmem>>, vector<8x128xf32>
    %get3A_26 = arith.constant 0 : index
    %get3A_27 = arith.constant 0 : index
    %get3A_28 = vector.load %arg10[%get3A_26, %get3A_27] : memref<128x256xf32, #tpu.memory_space<vmem>>, vector<128x256xf32>
    %dot_general3A_29 = arith.constant dense<0.000000e+00> : vector<8x256xf32>
    %dot_general3A_30 = tpu.matmul %get3A_25, %get3A_28, %dot_general3A_29 {dimension_numbers = #tpu.dot_dimension_numbers<[1], [0], [0], [1], [0, 0, 1, 1], [], []>, transpose_lhs_hint = false} : vector<8x128xf32>, vector<128x256xf32>, vector<8x256xf32> -> vector<8x256xf32>
    %get3A_31 = arith.constant 0 : index
    %get3A_32 = arith.constant 0 : index
    %get3A_33 = arith.constant 0 : index
    %get3A_34 = vector.load %arg4[%get3A_31, %get3A_32, %get3A_33] : memref<1x1x2560xi32, #tpu.memory_space<vmem>>, vector<1x1x2560xi32>
    %get3A_35 = vector.shape_cast %get3A_34 : vector<1x1x2560xi32> to vector<1x2560xi32>
    %convert_element_type3A = arith.sitofp %get3A_35 : vector<1x2560xi32> to vector<1x2560xf32>
    %abs3A = math.absf %convert_element_type3A : vector<1x2560xf32>
    %sub3A = arith.constant 1.000000e+00 : f32
    %sub3A_36 = vector.broadcast %sub3A : f32 to vector<1x2560xf32>
    %sub3A_37 = arith.subf %sub3A_36, %abs3A : vector<1x2560xf32>
    %max3A = arith.constant 0.000000e+00 : f32
    %max3A_38 = vector.broadcast %max3A : f32 to vector<1x2560xf32>
    %max3A_39 = arith.maximumf %max3A_38, %sub3A_37 : vector<1x2560xf32>
    %sub3A_40 = arith.constant 1.000000e+00 : f32
    %sub3A_41 = vector.broadcast %sub3A_40 : f32 to vector<1x2560xf32>
    %sub3A_42 = arith.subf %convert_element_type3A, %sub3A_41 : vector<1x2560xf32>
    %abs3A_43 = math.absf %sub3A_42 : vector<1x2560xf32>
    %sub3A_44 = arith.constant 1.000000e+00 : f32
    %sub3A_45 = vector.broadcast %sub3A_44 : f32 to vector<1x2560xf32>
    %sub3A_46 = arith.subf %sub3A_45, %abs3A_43 : vector<1x2560xf32>
    %max3A_47 = arith.constant 0.000000e+00 : f32
    %max3A_48 = vector.broadcast %max3A_47 : f32 to vector<1x2560xf32>
    %max3A_49 = arith.maximumf %max3A_48, %sub3A_46 : vector<1x2560xf32>
    %sub3A_50 = arith.constant 2.000000e+00 : f32
    %sub3A_51 = vector.broadcast %sub3A_50 : f32 to vector<1x2560xf32>
    %sub3A_52 = arith.subf %convert_element_type3A, %sub3A_51 : vector<1x2560xf32>
    %abs3A_53 = math.absf %sub3A_52 : vector<1x2560xf32>
    %sub3A_54 = arith.constant 1.000000e+00 : f32
    %sub3A_55 = vector.broadcast %sub3A_54 : f32 to vector<1x2560xf32>
    %sub3A_56 = arith.subf %sub3A_55, %abs3A_53 : vector<1x2560xf32>
    %max3A_57 = arith.constant 0.000000e+00 : f32
    %max3A_58 = vector.broadcast %max3A_57 : f32 to vector<1x2560xf32>
    %max3A_59 = arith.maximumf %max3A_58, %sub3A_56 : vector<1x2560xf32>
    %broadcast_in_dim3A = arith.constant 0.000000e+00 : f32
    %broadcast_in_dim3A_60 = vector.broadcast %broadcast_in_dim3A : f32 to vector<5x2560xf32>
    %concatenate3A = tpu.concatenate %max3A_39, %max3A_49, %max3A_59, %broadcast_in_dim3A_60 in 0 : vector<1x2560xf32>, vector<1x2560xf32>, vector<1x2560xf32>, vector<5x2560xf32> -> vector<8x2560xf32>
    %dot_general3A_61 = arith.constant dense<0.000000e+00> : vector<2560x256xf32>
    %dot_general3A_62 = tpu.matmul %concatenate3A, %dot_general3A_30, %dot_general3A_61 {dimension_numbers = #tpu.dot_dimension_numbers<[0], [0], [1], [1], [0, 1, 1, 1], [], []>, transpose_lhs_hint = false} : vector<8x2560xf32>, vector<8x256xf32>, vector<2560x256xf32> -> vector<2560x256xf32>
    %add3A_63 = arith.addf %add3A_22, %dot_general3A_62 : vector<2560x256xf32>
    %get3A_64 = arith.constant 0 : index
    %get3A_65 = arith.constant 0 : index
    %get3A_66 = vector.load %arg14[%get3A_64, %get3A_65] : memref<1x256xf32, #tpu.memory_space<vmem>>, vector<1x256xf32>
    %add3A_67 = vector.broadcast %get3A_66 : vector<1x256xf32> to vector<2560x256xf32>
    %add3A_68 = arith.addf %add3A_63, %add3A_67 : vector<2560x256xf32>
    %reduce_sum3A = arith.constant dense<0.000000e+00> : vector<2560xf32>
    %reduce_sum3A_69 = vector.multi_reduction <add>, %add3A_68, %reduce_sum3A [1] : vector<2560x256xf32> to vector<2560xf32>
    %broadcast_in_dim3A_70 = vector.shape_cast %reduce_sum3A_69 : vector<2560xf32> to vector<2560x1xf32>
    %div3A = arith.constant 2.560000e+02 : f32
    %div3A_71 = vector.broadcast %div3A : f32 to vector<2560x1xf32>
    %div3A_72 = arith.divf %broadcast_in_dim3A_70, %div3A_71 : vector<2560x1xf32>
    %sub3A_73 = vector.broadcast %div3A_72 : vector<2560x1xf32> to vector<2560x256xf32>
    %sub3A_74 = arith.subf %add3A_68, %sub3A_73 : vector<2560x256xf32>
    %mul3A = arith.mulf %sub3A_74, %sub3A_74 : vector<2560x256xf32>
    %reduce_sum3A_75 = arith.constant dense<0.000000e+00> : vector<2560xf32>
    %reduce_sum3A_76 = vector.multi_reduction <add>, %mul3A, %reduce_sum3A_75 [1] : vector<2560x256xf32> to vector<2560xf32>
    %broadcast_in_dim3A_77 = vector.shape_cast %reduce_sum3A_76 : vector<2560xf32> to vector<2560x1xf32>
    %div3A_78 = arith.constant 2.560000e+02 : f32
    %div3A_79 = vector.broadcast %div3A_78 : f32 to vector<2560x1xf32>
    %div3A_80 = arith.divf %broadcast_in_dim3A_77, %div3A_79 : vector<2560x1xf32>
    %add3A_81 = arith.constant 9.99999974E-6 : f32
    %add3A_82 = vector.broadcast %add3A_81 : f32 to vector<2560x1xf32>
    %add3A_83 = arith.addf %div3A_80, %add3A_82 : vector<2560x1xf32>
    %rsqrt3A = math.rsqrt %add3A_83 : vector<2560x1xf32>
    %mul3A_84 = vector.broadcast %rsqrt3A : vector<2560x1xf32> to vector<2560x256xf32>
    %mul3A_85 = arith.mulf %sub3A_74, %mul3A_84 : vector<2560x256xf32>
    %get3A_86 = arith.constant 0 : index
    %get3A_87 = arith.constant 0 : index
    %get3A_88 = vector.load %arg15[%get3A_86, %get3A_87] : memref<1x256xf32, #tpu.memory_space<vmem>>, vector<1x256xf32>
    %mul3A_89 = vector.broadcast %get3A_88 : vector<1x256xf32> to vector<2560x256xf32>
    %mul3A_90 = arith.mulf %mul3A_85, %mul3A_89 : vector<2560x256xf32>
    %get3A_91 = arith.constant 0 : index
    %get3A_92 = arith.constant 0 : index
    %get3A_93 = vector.load %arg16[%get3A_91, %get3A_92] : memref<1x256xf32, #tpu.memory_space<vmem>>, vector<1x256xf32>
    %add3A_94 = vector.broadcast %get3A_93 : vector<1x256xf32> to vector<2560x256xf32>
    %add3A_95 = arith.addf %mul3A_90, %add3A_94 : vector<2560x256xf32>
    %get3A_96 = arith.constant 0 : index
    %get3A_97 = arith.constant 0 : index
    %get3A_98 = arith.constant 0 : index
    %get3A_99 = vector.load %arg5[%get3A_96, %get3A_97, %get3A_98] : memref<1x1x2560xf32, #tpu.memory_space<vmem>>, vector<1x1x2560xf32>
    %get3A_100 = vector.shape_cast %get3A_99 : vector<1x1x2560xf32> to vector<1x2560xf32>
    %get3A_101 = arith.constant 0 : index
    %get3A_102 = arith.constant 0 : index
    %get3A_103 = arith.constant 0 : index
    %get3A_104 = vector.load %arg6[%get3A_101, %get3A_102, %get3A_103] : memref<1x1x2560xf32, #tpu.memory_space<vmem>>, vector<1x1x2560xf32>
    %get3A_105 = vector.shape_cast %get3A_104 : vector<1x1x2560xf32> to vector<1x2560xf32>
    %get3A_106 = arith.constant 0 : index
    %get3A_107 = arith.constant 0 : index
    %get3A_108 = arith.constant 0 : index
    %get3A_109 = vector.load %arg7[%get3A_106, %get3A_107, %get3A_108] : memref<1x1x2560xf32, #tpu.memory_space<vmem>>, vector<1x1x2560xf32>
    %get3A_110 = vector.shape_cast %get3A_109 : vector<1x1x2560xf32> to vector<1x2560xf32>
    %get3A_111 = arith.constant 0 : index
    %get3A_112 = arith.constant 0 : index
    %get3A_113 = arith.constant 0 : index
    %get3A_114 = vector.load %arg8[%get3A_111, %get3A_112, %get3A_113] : memref<1x1x2560xf32, #tpu.memory_space<vmem>>, vector<1x1x2560xf32>
    %get3A_115 = vector.shape_cast %get3A_114 : vector<1x1x2560xf32> to vector<1x2560xf32>
    %broadcast_in_dim3A_116 = arith.constant 0.000000e+00 : f32
    %broadcast_in_dim3A_117 = vector.broadcast %broadcast_in_dim3A_116 : f32 to vector<4x2560xf32>
    %concatenate3A_118 = tpu.concatenate %get3A_100, %get3A_105, %get3A_110, %get3A_115, %broadcast_in_dim3A_117 in 0 : vector<1x2560xf32>, vector<1x2560xf32>, vector<1x2560xf32>, vector<1x2560xf32>, vector<4x2560xf32> -> vector<8x2560xf32>
    %get3A_119 = arith.constant 0 : index
    %get3A_120 = arith.constant 0 : index
    %get3A_121 = vector.load %arg17[%get3A_119, %get3A_120] : memref<8x256xf32, #tpu.memory_space<vmem>>, vector<8x256xf32>
    %dot_general3A_122 = arith.constant dense<0.000000e+00> : vector<2560x256xf32>
    %dot_general3A_123 = tpu.matmul %concatenate3A_118, %get3A_121, %dot_general3A_122 {dimension_numbers = #tpu.dot_dimension_numbers<[0], [0], [1], [1], [0, 1, 1, 1], [], []>, transpose_lhs_hint = false} : vector<8x2560xf32>, vector<8x256xf32>, vector<2560x256xf32> -> vector<2560x256xf32>
    %get3A_124 = arith.constant 0 : index
    %get3A_125 = arith.constant 0 : index
    %get3A_126 = vector.load %arg18[%get3A_124, %get3A_125] : memref<1x256xf32, #tpu.memory_space<vmem>>, vector<1x256xf32>
    %add3A_127 = vector.broadcast %get3A_126 : vector<1x256xf32> to vector<2560x256xf32>
    %add3A_128 = arith.addf %dot_general3A_123, %add3A_127 : vector<2560x256xf32>
    %reduce_sum3A_129 = arith.constant dense<0.000000e+00> : vector<2560xf32>
    %reduce_sum3A_130 = vector.multi_reduction <add>, %add3A_128, %reduce_sum3A_129 [1] : vector<2560x256xf32> to vector<2560xf32>
    %broadcast_in_dim3A_131 = vector.shape_cast %reduce_sum3A_130 : vector<2560xf32> to vector<2560x1xf32>
    %div3A_132 = arith.constant 2.560000e+02 : f32
    %div3A_133 = vector.broadcast %div3A_132 : f32 to vector<2560x1xf32>
    %div3A_134 = arith.divf %broadcast_in_dim3A_131, %div3A_133 : vector<2560x1xf32>
    %sub3A_135 = vector.broadcast %div3A_134 : vector<2560x1xf32> to vector<2560x256xf32>
    %sub3A_136 = arith.subf %add3A_128, %sub3A_135 : vector<2560x256xf32>
    %mul3A_137 = arith.mulf %sub3A_136, %sub3A_136 : vector<2560x256xf32>
    %reduce_sum3A_138 = arith.constant dense<0.000000e+00> : vector<2560xf32>
    %reduce_sum3A_139 = vector.multi_reduction <add>, %mul3A_137, %reduce_sum3A_138 [1] : vector<2560x256xf32> to vector<2560xf32>
    %broadcast_in_dim3A_140 = vector.shape_cast %reduce_sum3A_139 : vector<2560xf32> to vector<2560x1xf32>
    %div3A_141 = arith.constant 2.560000e+02 : f32
    %div3A_142 = vector.broadcast %div3A_141 : f32 to vector<2560x1xf32>
    %div3A_143 = arith.divf %broadcast_in_dim3A_140, %div3A_142 : vector<2560x1xf32>
    %add3A_144 = arith.constant 9.99999974E-6 : f32
    %add3A_145 = vector.broadcast %add3A_144 : f32 to vector<2560x1xf32>
    %add3A_146 = arith.addf %div3A_143, %add3A_145 : vector<2560x1xf32>
    %rsqrt3A_147 = math.rsqrt %add3A_146 : vector<2560x1xf32>
    %mul3A_148 = vector.broadcast %rsqrt3A_147 : vector<2560x1xf32> to vector<2560x256xf32>
    %mul3A_149 = arith.mulf %sub3A_136, %mul3A_148 : vector<2560x256xf32>
    %get3A_150 = arith.constant 0 : index
    %get3A_151 = arith.constant 0 : index
    %get3A_152 = vector.load %arg19[%get3A_150, %get3A_151] : memref<1x256xf32, #tpu.memory_space<vmem>>, vector<1x256xf32>
    %mul3A_153 = vector.broadcast %get3A_152 : vector<1x256xf32> to vector<2560x256xf32>
    %mul3A_154 = arith.mulf %mul3A_149, %mul3A_153 : vector<2560x256xf32>
    %get3A_155 = arith.constant 0 : index
    %get3A_156 = arith.constant 0 : index
    %get3A_157 = vector.load %arg20[%get3A_155, %get3A_156] : memref<1x256xf32, #tpu.memory_space<vmem>>, vector<1x256xf32>
    %add3A_158 = vector.broadcast %get3A_157 : vector<1x256xf32> to vector<2560x256xf32>
    %add3A_159 = arith.addf %mul3A_154, %add3A_158 : vector<2560x256xf32>
    %concatenate3A_160 = tpu.concatenate %add3A_95, %add3A_159 in 1 : vector<2560x256xf32>, vector<2560x256xf32> -> vector<2560x512xf32>
    %swap3A = arith.constant 0 : index
    %swap3A_161 = arith.constant 0 : index
    %swap3A_162 = vector.load %arg22[%swap3A, %swap3A_161] : memref<2560x512xf32, #tpu.memory_space<vmem>>, vector<2560x512xf32>
    tpu.vector_store %arg22[%swap3A, %swap3A_161], %concatenate3A_160 {strides = array<i32>} : memref<2560x512xf32, #tpu.memory_space<vmem>>, vector<2560x512xf32>,
    return
  }
  func.func @transform_0(%arg0: i32) -> (i32, i32) {
    %c0_i32 = arith.constant 0 : i32
    %c0_i32_0 = arith.constant 0 : i32
    return %arg0, %c0_i32 : i32, i32
  }
  func.func @transform_1(%arg0: i32) -> (i32, i32) {
    %c0_i32 = arith.constant 0 : i32
    %c0_i32_0 = arith.constant 0 : i32
    return %arg0, %c0_i32 : i32, i32
  }
  func.func @transform_2(%arg0: i32) -> (i32, i32) {
    %c0_i32 = arith.constant 0 : i32
    %c0_i32_0 = arith.constant 0 : i32
    return %arg0, %c0_i32 : i32, i32
  }
  func.func @transform_3(%arg0: i32) -> (i32, i32, i32) {
    %add3A = arith.constant 10 : i32
    %add3A_0 = arith.addi %add3A, %arg0 : i32
    %c0_i32 = arith.constant 0 : i32
    %c0_i32_1 = arith.constant 0 : i32
    %c0_i32_2 = arith.constant 0 : i32
    return %add3A_0, %c0_i32, %c0_i32_1 : i32, i32, i32
  }
  func.func @transform_4(%arg0: i32) -> (i32, i32, i32) {
    %add3A = arith.constant 10 : i32
    %add3A_0 = arith.addi %add3A, %arg0 : i32
    %c0_i32 = arith.constant 0 : i32
    %c0_i32_1 = arith.constant 0 : i32
    %c0_i32_2 = arith.constant 0 : i32
    return %add3A_0, %c0_i32, %c0_i32_1 : i32, i32, i32
  }
  func.func @transform_5(%arg0: i32) -> (i32, i32, i32) {
    %add3A = arith.constant 10 : i32
    %add3A_0 = arith.addi %add3A, %arg0 : i32
    %c0_i32 = arith.constant 0 : i32
    %c0_i32_1 = arith.constant 0 : i32
    %c0_i32_2 = arith.constant 0 : i32
    return %add3A_0, %c0_i32, %c0_i32_1 : i32, i32, i32
  }
  func.func @transform_6(%arg0: i32) -> (i32, i32, i32) {
    %add3A = arith.constant 10 : i32
    %add3A_0 = arith.addi %add3A, %arg0 : i32
    %c0_i32 = arith.constant 0 : i32
    %c0_i32_1 = arith.constant 0 : i32
    %c0_i32_2 = arith.constant 0 : i32
    return %add3A_0, %c0_i32, %c0_i32_1 : i32, i32, i32
  }
  func.func @transform_7(%arg0: i32) -> (i32, i32, i32) {
    %add3A = arith.constant 10 : i32
    %add3A_0 = arith.addi %add3A, %arg0 : i32
    %c0_i32 = arith.constant 0 : i32
    %c0_i32_1 = arith.constant 0 : i32
    %c0_i32_2 = arith.constant 0 : i32
    return %add3A_0, %c0_i32, %c0_i32_1 : i32, i32, i32
  }
  func.func @transform_8(%arg0: i32) -> (i32, i32) {
    %c0_i32 = arith.constant 0 : i32
    %c0_i32_0 = arith.constant 0 : i32
    %c0_i32_1 = arith.constant 0 : i32
    return %c0_i32, %c0_i32_0 : i32, i32
  }
  func.func @transform_9(%arg0: i32) -> (i32, i32) {
    %c0_i32 = arith.constant 0 : i32
    %c0_i32_0 = arith.constant 0 : i32
    %c0_i32_1 = arith.constant 0 : i32
    return %c0_i32, %c0_i32_0 : i32, i32
  }
  func.func @transform_10(%arg0: i32) -> (i32, i32) {
    %c0_i32 = arith.constant 0 : i32
    %c0_i32_0 = arith.constant 0 : i32
    %c0_i32_1 = arith.constant 0 : i32
    return %c0_i32, %c0_i32_0 : i32, i32
  }
  func.func @transform_11(%arg0: i32) -> (i32, i32) {
    %c0_i32 = arith.constant 0 : i32
    %c0_i32_0 = arith.constant 0 : i32
    %c0_i32_1 = arith.constant 0 : i32
    return %c0_i32, %c0_i32_0 : i32, i32
  }
  func.func @transform_12(%arg0: i32) -> (i32, i32) {
    %c0_i32 = arith.constant 0 : i32
    %c0_i32_0 = arith.constant 0 : i32
    %c0_i32_1 = arith.constant 0 : i32
    return %c0_i32, %c0_i32_0 : i32, i32
  }
  func.func @transform_13(%arg0: i32) -> (i32, i32) {
    %c0_i32 = arith.constant 0 : i32
    %c0_i32_0 = arith.constant 0 : i32
    %c0_i32_1 = arith.constant 0 : i32
    return %c0_i32, %c0_i32_0 : i32, i32
  }
  func.func @transform_14(%arg0: i32) -> (i32, i32) {
    %c0_i32 = arith.constant 0 : i32
    %c0_i32_0 = arith.constant 0 : i32
    %c0_i32_1 = arith.constant 0 : i32
    return %c0_i32, %c0_i32_0 : i32, i32
  }
  func.func @transform_15(%arg0: i32) -> (i32, i32) {
    %c0_i32 = arith.constant 0 : i32
    %c0_i32_0 = arith.constant 0 : i32
    %c0_i32_1 = arith.constant 0 : i32
    return %c0_i32, %c0_i32_0 : i32, i32
  }
  func.func @transform_16(%arg0: i32) -> (i32, i32) {
    %c0_i32 = arith.constant 0 : i32
    %c0_i32_0 = arith.constant 0 : i32
    %c0_i32_1 = arith.constant 0 : i32
    return %c0_i32, %c0_i32_0 : i32, i32
  }
  func.func @transform_17(%arg0: i32) -> (i32, i32) {
    %c0_i32 = arith.constant 0 : i32
    %c0_i32_0 = arith.constant 0 : i32
    %c0_i32_1 = arith.constant 0 : i32
    return %c0_i32, %c0_i32_0 : i32, i32
  }
  func.func @transform_18(%arg0: i32) -> (i32, i32) {
    %c0_i32 = arith.constant 0 : i32
    %c0_i32_0 = arith.constant 0 : i32
    %c0_i32_1 = arith.constant 0 : i32
    return %c0_i32, %c0_i32_0 : i32, i32
  }
  func.func @transform_19(%arg0: i32) -> (i32, i32) {
    %c0_i32 = arith.constant 0 : i32
    %c0_i32_0 = arith.constant 0 : i32
    %c0_i32_1 = arith.constant 0 : i32
    return %c0_i32, %c0_i32_0 : i32, i32
  }
  func.func @transform_21(%arg0: i32) -> (i32, i32) {
    %add3A = arith.constant 10 : i32
    %add3A_0 = arith.addi %add3A, %arg0 : i32
    %c0_i32 = arith.constant 0 : i32
    %c0_i32_1 = arith.constant 0 : i32
    return %add3A_0, %c0_i32 : i32, i32
  }
}

module attributes {stable_mosaic.version = 14 : i64} {
  func.func @_tc_body(%arg0: i32, %arg1: memref<2560x128xf32, #tpu.memory_space<vmem>>, %arg2: memref<2560x128xf32, #tpu.memory_space<vmem>>, %arg3: memref<2560x128xf32, #tpu.memory_space<vmem>>, %arg4: memref<1x1x2560xi32, #tpu.memory_space<vmem>>, %arg5: memref<1x1x2560xf32, #tpu.memory_space<vmem>>, %arg6: memref<1x1x2560xf32, #tpu.memory_space<vmem>>, %arg7: memref<1x1x2560xf32, #tpu.memory_space<vmem>>, %arg8: memref<1x1x2560xf32, #tpu.memory_space<vmem>>, %arg9: memref<8x128xf32, #tpu.memory_space<vmem>>, %arg10: memref<128x256xf32, #tpu.memory_space<vmem>>, %arg11: memref<128x256xf32, #tpu.memory_space<vmem>>, %arg12: memref<128x256xf32, #tpu.memory_space<vmem>>, %arg13: memref<128x256xf32, #tpu.memory_space<vmem>>, %arg14: memref<1x256xf32, #tpu.memory_space<vmem>>, %arg15: memref<1x256xf32, #tpu.memory_space<vmem>>, %arg16: memref<1x256xf32, #tpu.memory_space<vmem>>, %arg17: memref<8x256xf32, #tpu.memory_space<vmem>>, %arg18: memref<1x256xf32, #tpu.memory_space<vmem>>, %arg19: memref<1x256xf32, #tpu.memory_space<vmem>>, %arg20: memref<1x256xf32, #tpu.memory_space<vmem>>, %arg21: memref<2560x512xf32, #tpu.memory_space<vmem>>) attributes {dimension_semantics = [#tpu.dimension_semantics<arbitrary>], iteration_bounds = array<i64: 10>, scalar_prefetch = 0 : i64, scratch_operands = 0 : i64, tpu.core_type = #tpu.core_type<tc>, window_params = [{transform_indices = @transform_0, window_bounds = array<i64: 2560, 128>}, {transform_indices = @transform_1, window_bounds = array<i64: 2560, 128>}, {transform_indices = @transform_2, window_bounds = array<i64: 2560, 128>}, {transform_indices = @transform_3, window_bounds = array<i64: 1, 1, 2560>}, {transform_indices = @transform_4, window_bounds = array<i64: 1, 1, 2560>}, {transform_indices = @transform_5, window_bounds = array<i64: 1, 1, 2560>}, {transform_indices = @transform_6, window_bounds = array<i64: 1, 1, 2560>}, {transform_indices = @transform_7, window_bounds = array<i64: 1, 1, 2560>}, {pipeline_mode = #tpu.pipeline_mode<synchronous>, transform_indices = @transform_8, window_bounds = array<i64: 8, 128>}, {pipeline_mode = #tpu.pipeline_mode<synchronous>, transform_indices = @transform_9, window_bounds = array<i64: 128, 256>}, {pipeline_mode = #tpu.pipeline_mode<synchronous>, transform_indices = @transform_10, window_bounds = array<i64: 128, 256>}, {pipeline_mode = #tpu.pipeline_mode<synchronous>, transform_indices = @transform_11, window_bounds = array<i64: 128, 256>}, {pipeline_mode = #tpu.pipeline_mode<synchronous>, transform_indices = @transform_12, window_bounds = array<i64: 128, 256>}, {pipeline_mode = #tpu.pipeline_mode<synchronous>, transform_indices = @transform_13, window_bounds = array<i64: 1, 256>}, {pipeline_mode = #tpu.pipeline_mode<synchronous>, transform_indices = @transform_14, window_bounds = array<i64: 1, 256>}, {pipeline_mode = #tpu.pipeline_mode<synchronous>, transform_indices = @transform_15, window_bounds = array<i64: 1, 256>}, {pipeline_mode = #tpu.pipeline_mode<synchronous>, transform_indices = @transform_16, window_bounds = array<i64: 8, 256>}, {pipeline_mode = #tpu.pipeline_mode<synchronous>, transform_indices = @transform_17, window_bounds = array<i64: 1, 256>}, {pipeline_mode = #tpu.pipeline_mode<synchronous>, transform_indices = @transform_18, window_bounds = array<i64: 1, 256>}, {pipeline_mode = #tpu.pipeline_mode<synchronous>, transform_indices = @transform_19, window_bounds = array<i64: 1, 256>}, {transform_indices = @transform_20, window_bounds = array<i64: 2560, 512>}]} {
    %get3A = arith.constant 0 : index
    %get3A_0 = arith.constant 0 : index
    %get3A_1 = vector.load %arg1[%get3A, %get3A_0] : memref<2560x128xf32, #tpu.memory_space<vmem>>, vector<2560x128xf32>
    %get3A_2 = arith.constant 0 : index
    %get3A_3 = arith.constant 0 : index
    %get3A_4 = vector.load %arg11[%get3A_2, %get3A_3] : memref<128x256xf32, #tpu.memory_space<vmem>>, vector<128x256xf32>
    %dot_general3A = arith.constant dense<0.000000e+00> : vector<2560x256xf32>
    %dot_general3A_5 = tpu.matmul %get3A_1, %get3A_4, %dot_general3A {dimension_numbers = #tpu.dot_dimension_numbers<[1], [0], [0], [1], [0, 0, 1, 1], [], []>, transpose_lhs_hint = false} : vector<2560x128xf32>, vector<128x256xf32>, vector<2560x256xf32> -> vector<2560x256xf32>
    %get3A_6 = arith.constant 0 : index
    %get3A_7 = arith.constant 0 : index
    %get3A_8 = vector.load %arg2[%get3A_6, %get3A_7] : memref<2560x128xf32, #tpu.memory_space<vmem>>, vector<2560x128xf32>
    %get3A_9 = arith.constant 0 : index
    %get3A_10 = arith.constant 0 : index
    %get3A_11 = vector.load %arg12[%get3A_9, %get3A_10] : memref<128x256xf32, #tpu.memory_space<vmem>>, vector<128x256xf32>
    %dot_general3A_12 = arith.constant dense<0.000000e+00> : vector<2560x256xf32>
    %dot_general3A_13 = tpu.matmul %get3A_8, %get3A_11, %dot_general3A_12 {dimension_numbers = #tpu.dot_dimension_numbers<[1], [0], [0], [1], [0, 0, 1, 1], [], []>, transpose_lhs_hint = false} : vector<2560x128xf32>, vector<128x256xf32>, vector<2560x256xf32> -> vector<2560x256xf32>
    %add3A = arith.addf %dot_general3A_5, %dot_general3A_13 : vector<2560x256xf32>
    %get3A_14 = arith.constant 0 : index
    %get3A_15 = arith.constant 0 : index
    %get3A_16 = vector.load %arg3[%get3A_14, %get3A_15] : memref<2560x128xf32, #tpu.memory_space<vmem>>, vector<2560x128xf32>
    %get3A_17 = arith.constant 0 : index
    %get3A_18 = arith.constant 0 : index
    %get3A_19 = vector.load %arg13[%get3A_17, %get3A_18] : memref<128x256xf32, #tpu.memory_space<vmem>>, vector<128x256xf32>
    %dot_general3A_20 = arith.constant dense<0.000000e+00> : vector<2560x256xf32>
    %dot_general3A_21 = tpu.matmul %get3A_16, %get3A_19, %dot_general3A_20 {dimension_numbers = #tpu.dot_dimension_numbers<[1], [0], [0], [1], [0, 0, 1, 1], [], []>, transpose_lhs_hint = false} : vector<2560x128xf32>, vector<128x256xf32>, vector<2560x256xf32> -> vector<2560x256xf32>
    %add3A_22 = arith.addf %add3A, %dot_general3A_21 : vector<2560x256xf32>
    %get3A_23 = arith.constant 0 : index
    %get3A_24 = arith.constant 0 : index
    %get3A_25 = vector.load %arg9[%get3A_23, %get3A_24] : memref<8x128xf32, #tpu.memory_space<vmem>>, vector<8x128xf32>
    %get3A_26 = arith.constant 0 : index
    %get3A_27 = arith.constant 0 : index
    %get3A_28 = vector.load %arg10[%get3A_26, %get3A_27] : memref<128x256xf32, #tpu.memory_space<vmem>>, vector<128x256xf32>
    %dot_general3A_29 = arith.constant dense<0.000000e+00> : vector<8x256xf32>
    %dot_general3A_30 = tpu.matmul %get3A_25, %get3A_28, %dot_general3A_29 {dimension_numbers = #tpu.dot_dimension_numbers<[1], [0], [0], [1], [0, 0, 1, 1], [], []>, transpose_lhs_hint = false} : vector<8x128xf32>, vector<128x256xf32>, vector<8x256xf32> -> vector<8x256xf32>
    %get3A_31 = arith.constant 0 : index
    %get3A_32 = arith.constant 0 : index
    %get3A_33 = arith.constant 0 : index
    %get3A_34 = vector.load %arg4[%get3A_31, %get3A_32, %get3A_33] : memref<1x1x2560xi32, #tpu.memory_space<vmem>>, vector<1x1x2560xi32>
    %get3A_35 = vector.shape_cast %get3A_34 : vector<1x1x2560xi32> to vector<1x2560xi32>
    %convert_element_type3A = arith.sitofp %get3A_35 : vector<1x2560xi32> to vector<1x2560xf32>
    %abs3A = math.absf %convert_element_type3A : vector<1x2560xf32>
    %sub3A = arith.constant 1.000000e+00 : f32
    %sub3A_36 = vector.broadcast %sub3A : f32 to vector<1x2560xf32>
    %sub3A_37 = arith.subf %sub3A_36, %abs3A : vector<1x2560xf32>
    %max3A = arith.constant 0.000000e+00 : f32
    %max3A_38 = vector.broadcast %max3A : f32 to vector<1x2560xf32>
    %max3A_39 = arith.maximumf %max3A_38, %sub3A_37 : vector<1x2560xf32>
    %sub3A_40 = arith.constant 1.000000e+00 : f32
    %sub3A_41 = vector.broadcast %sub3A_40 : f32 to vector<1x2560xf32>
    %sub3A_42 = arith.subf %convert_element_type3A, %sub3A_41 : vector<1x2560xf32>
    %abs3A_43 = math.absf %sub3A_42 : vector<1x2560xf32>
    %sub3A_44 = arith.constant 1.000000e+00 : f32
    %sub3A_45 = vector.broadcast %sub3A_44 : f32 to vector<1x2560xf32>
    %sub3A_46 = arith.subf %sub3A_45, %abs3A_43 : vector<1x2560xf32>
    %max3A_47 = arith.constant 0.000000e+00 : f32
    %max3A_48 = vector.broadcast %max3A_47 : f32 to vector<1x2560xf32>
    %max3A_49 = arith.maximumf %max3A_48, %sub3A_46 : vector<1x2560xf32>
    %sub3A_50 = arith.constant 2.000000e+00 : f32
    %sub3A_51 = vector.broadcast %sub3A_50 : f32 to vector<1x2560xf32>
    %sub3A_52 = arith.subf %convert_element_type3A, %sub3A_51 : vector<1x2560xf32>
    %abs3A_53 = math.absf %sub3A_52 : vector<1x2560xf32>
    %sub3A_54 = arith.constant 1.000000e+00 : f32
    %sub3A_55 = vector.broadcast %sub3A_54 : f32 to vector<1x2560xf32>
    %sub3A_56 = arith.subf %sub3A_55, %abs3A_53 : vector<1x2560xf32>
    %max3A_57 = arith.constant 0.000000e+00 : f32
    %max3A_58 = vector.broadcast %max3A_57 : f32 to vector<1x2560xf32>
    %max3A_59 = arith.maximumf %max3A_58, %sub3A_56 : vector<1x2560xf32>
    %broadcast_in_dim3A = arith.constant 0.000000e+00 : f32
    %broadcast_in_dim3A_60 = vector.broadcast %broadcast_in_dim3A : f32 to vector<5x2560xf32>
    %concatenate3A = tpu.concatenate %max3A_39, %max3A_49, %max3A_59, %broadcast_in_dim3A_60 in 0 : vector<1x2560xf32>, vector<1x2560xf32>, vector<1x2560xf32>, vector<5x2560xf32> -> vector<8x2560xf32>
    %dot_general3A_61 = arith.constant dense<0.000000e+00> : vector<2560x256xf32>
    %dot_general3A_62 = tpu.matmul %concatenate3A, %dot_general3A_30, %dot_general3A_61 {dimension_numbers = #tpu.dot_dimension_numbers<[0], [0], [1], [1], [0, 1, 1, 1], [], []>, transpose_lhs_hint = false} : vector<8x2560xf32>, vector<8x256xf32>, vector<2560x256xf32> -> vector<2560x256xf32>
    %add3A_63 = arith.addf %add3A_22, %dot_general3A_62 : vector<2560x256xf32>
    %get3A_64 = arith.constant 0 : index
    %get3A_65 = arith.constant 0 : index
    %get3A_66 = vector.load %arg14[%get3A_64, %get3A_65] : memref<1x256xf32, #tpu.memory_space<vmem>>, vector<1x256xf32>
    %add3A_67 = vector.broadcast %get3A_66 : vector<1x256xf32> to vector<2560x256xf32>
    %add3A_68 = arith.addf %add3A_63, %add3A_67 : vector<2560x256xf32>
    %reduce_sum3A = arith.constant dense<0.000000e+00> : vector<2560xf32>
    %reduce_sum3A_69 = vector.multi_reduction <add>, %add3A_68, %reduce_sum3A [1] : vector<2560x256xf32> to vector<2560xf32>
    %broadcast_in_dim3A_70 = vector.shape_cast %reduce_sum3A_69 : vector<2560xf32> to vector<2560x1xf32>
    %div3A = arith.constant 2.560000e+02 : f32
    %div3A_71 = vector.broadcast %div3A : f32 to vector<2560x1xf32>
    %div3A_72 = arith.divf %broadcast_in_dim3A_70, %div3A_71 : vector<2560x1xf32>
    %sub3A_73 = vector.broadcast %div3A_72 : vector<2560x1xf32> to vector<2560x256xf32>
    %sub3A_74 = arith.subf %add3A_68, %sub3A_73 : vector<2560x256xf32>
    %mul3A = arith.mulf %sub3A_74, %sub3A_74 : vector<2560x256xf32>
    %reduce_sum3A_75 = arith.constant dense<0.000000e+00> : vector<2560xf32>
    %reduce_sum3A_76 = vector.multi_reduction <add>, %mul3A, %reduce_sum3A_75 [1] : vector<2560x256xf32> to vector<2560xf32>
    %broadcast_in_dim3A_77 = vector.shape_cast %reduce_sum3A_76 : vector<2560xf32> to vector<2560x1xf32>
    %div3A_78 = arith.constant 2.560000e+02 : f32
    %div3A_79 = vector.broadcast %div3A_78 : f32 to vector<2560x1xf32>
    %div3A_80 = arith.divf %broadcast_in_dim3A_77, %div3A_79 : vector<2560x1xf32>
    %add3A_81 = arith.constant 9.99999974E-6 : f32
    %add3A_82 = vector.broadcast %add3A_81 : f32 to vector<2560x1xf32>
    %add3A_83 = arith.addf %div3A_80, %add3A_82 : vector<2560x1xf32>
    %rsqrt3A = math.rsqrt %add3A_83 : vector<2560x1xf32>
    %mul3A_84 = vector.broadcast %rsqrt3A : vector<2560x1xf32> to vector<2560x256xf32>
    %mul3A_85 = arith.mulf %sub3A_74, %mul3A_84 : vector<2560x256xf32>
    %get3A_86 = arith.constant 0 : index
    %get3A_87 = arith.constant 0 : index
    %get3A_88 = vector.load %arg15[%get3A_86, %get3A_87] : memref<1x256xf32, #tpu.memory_space<vmem>>, vector<1x256xf32>
    %mul3A_89 = vector.broadcast %get3A_88 : vector<1x256xf32> to vector<2560x256xf32>
    %mul3A_90 = arith.mulf %mul3A_85, %mul3A_89 : vector<2560x256xf32>
    %get3A_91 = arith.constant 0 : index
    %get3A_92 = arith.constant 0 : index
    %get3A_93 = vector.load %arg16[%get3A_91, %get3A_92] : memref<1x256xf32, #tpu.memory_space<vmem>>, vector<1x256xf32>
    %add3A_94 = vector.broadcast %get3A_93 : vector<1x256xf32> to vector<2560x256xf32>
    %add3A_95 = arith.addf %mul3A_90, %add3A_94 : vector<2560x256xf32>
    %get3A_96 = arith.constant 0 : index
    %get3A_97 = arith.constant 0 : index
    %get3A_98 = arith.constant 0 : index
    %get3A_99 = vector.load %arg5[%get3A_96, %get3A_97, %get3A_98] : memref<1x1x2560xf32, #tpu.memory_space<vmem>>, vector<1x1x2560xf32>
    %get3A_100 = vector.shape_cast %get3A_99 : vector<1x1x2560xf32> to vector<1x2560xf32>
    %get3A_101 = arith.constant 0 : index
    %get3A_102 = arith.constant 0 : index
    %get3A_103 = arith.constant 0 : index
    %get3A_104 = vector.load %arg6[%get3A_101, %get3A_102, %get3A_103] : memref<1x1x2560xf32, #tpu.memory_space<vmem>>, vector<1x1x2560xf32>
    %get3A_105 = vector.shape_cast %get3A_104 : vector<1x1x2560xf32> to vector<1x2560xf32>
    %get3A_106 = arith.constant 0 : index
    %get3A_107 = arith.constant 0 : index
    %get3A_108 = arith.constant 0 : index
    %get3A_109 = vector.load %arg7[%get3A_106, %get3A_107, %get3A_108] : memref<1x1x2560xf32, #tpu.memory_space<vmem>>, vector<1x1x2560xf32>
    %get3A_110 = vector.shape_cast %get3A_109 : vector<1x1x2560xf32> to vector<1x2560xf32>
    %get3A_111 = arith.constant 0 : index
    %get3A_112 = arith.constant 0 : index
    %get3A_113 = arith.constant 0 : index
    %get3A_114 = vector.load %arg8[%get3A_111, %get3A_112, %get3A_113] : memref<1x1x2560xf32, #tpu.memory_space<vmem>>, vector<1x1x2560xf32>
    %get3A_115 = vector.shape_cast %get3A_114 : vector<1x1x2560xf32> to vector<1x2560xf32>
    %broadcast_in_dim3A_116 = arith.constant 0.000000e+00 : f32
    %broadcast_in_dim3A_117 = vector.broadcast %broadcast_in_dim3A_116 : f32 to vector<4x2560xf32>
    %concatenate3A_118 = tpu.concatenate %get3A_100, %get3A_105, %get3A_110, %get3A_115, %broadcast_in_dim3A_117 in 0 : vector<1x2560xf32>, vector<1x2560xf32>, vector<1x2560xf32>, vector<1x2560xf32>, vector<4x2560xf32> -> vector<8x2560xf32>
    %get3A_119 = arith.constant 0 : index
    %get3A_120 = arith.constant 0 : index
    %get3A_121 = vector.load %arg17[%get3A_119, %get3A_120] : memref<8x256xf32, #tpu.memory_space<vmem>>, vector<8x256xf32>
    %dot_general3A_122 = arith.constant dense<0.000000e+00> : vector<2560x256xf32>
    %dot_general3A_123 = tpu.matmul %concatenate3A_118, %get3A_121, %dot_general3A_122 {dimension_numbers = #tpu.dot_dimension_numbers<[0], [0], [1], [1], [0, 1, 1, 1], [], []>, transpose_lhs_hint = false} : vector<8x2560xf32>, vector<8x256xf32>, vector<2560x256xf32> -> vector<2560x256xf32>
    %get3A_124 = arith.constant 0 : index
    %get3A_125 = arith.constant 0 : index
    %get3A_126 = vector.load %arg18[%get3A_124, %get3A_125] : memref<1x256xf32, #tpu.memory_space<vmem>>, vector<1x256xf32>
    %add3A_127 = vector.broadcast %get3A_126 : vector<1x256xf32> to vector<2560x256xf32>
    %add3A_128 = arith.addf %dot_general3A_123, %add3A_127 : vector<2560x256xf32>
    %reduce_sum3A_129 = arith.constant dense<0.000000e+00> : vector<2560xf32>
    %reduce_sum3A_130 = vector.multi_reduction <add>, %add3A_128, %reduce_sum3A_129 [1] : vector<2560x256xf32> to vector<2560xf32>
    %broadcast_in_dim3A_131 = vector.shape_cast %reduce_sum3A_130 : vector<2560xf32> to vector<2560x1xf32>
    %div3A_132 = arith.constant 2.560000e+02 : f32
    %div3A_133 = vector.broadcast %div3A_132 : f32 to vector<2560x1xf32>
    %div3A_134 = arith.divf %broadcast_in_dim3A_131, %div3A_133 : vector<2560x1xf32>
    %sub3A_135 = vector.broadcast %div3A_134 : vector<2560x1xf32> to vector<2560x256xf32>
    %sub3A_136 = arith.subf %add3A_128, %sub3A_135 : vector<2560x256xf32>
    %mul3A_137 = arith.mulf %sub3A_136, %sub3A_136 : vector<2560x256xf32>
    %reduce_sum3A_138 = arith.constant dense<0.000000e+00> : vector<2560xf32>
    %reduce_sum3A_139 = vector.multi_reduction <add>, %mul3A_137, %reduce_sum3A_138 [1] : vector<2560x256xf32> to vector<2560xf32>
    %broadcast_in_dim3A_140 = vector.shape_cast %reduce_sum3A_139 : vector<2560xf32> to vector<2560x1xf32>
    %div3A_141 = arith.constant 2.560000e+02 : f32
    %div3A_142 = vector.broadcast %div3A_141 : f32 to vector<2560x1xf32>
    %div3A_143 = arith.divf %broadcast_in_dim3A_140, %div3A_142 : vector<2560x1xf32>
    %add3A_144 = arith.constant 9.99999974E-6 : f32
    %add3A_145 = vector.broadcast %add3A_144 : f32 to vector<2560x1xf32>
    %add3A_146 = arith.addf %div3A_143, %add3A_145 : vector<2560x1xf32>
    %rsqrt3A_147 = math.rsqrt %add3A_146 : vector<2560x1xf32>
    %mul3A_148 = vector.broadcast %rsqrt3A_147 : vector<2560x1xf32> to vector<2560x256xf32>
    %mul3A_149 = arith.mulf %sub3A_136, %mul3A_148 : vector<2560x256xf32>
    %get3A_150 = arith.constant 0 : index
    %get3A_151 = arith.constant 0 : index
    %get3A_152 = vector.load %arg19[%get3A_150, %get3A_151] : memref<1x256xf32, #tpu.memory_space<vmem>>, vector<1x256xf32>
    %mul3A_153 = vector.broadcast %get3A_152 : vector<1x256xf32> to vector<2560x256xf32>
    %mul3A_154 = arith.mulf %mul3A_149, %mul3A_153 : vector<2560x256xf32>
    %get3A_155 = arith.constant 0 : index
    %get3A_156 = arith.constant 0 : index
    %get3A_157 = vector.load %arg20[%get3A_155, %get3A_156] : memref<1x256xf32, #tpu.memory_space<vmem>>, vector<1x256xf32>
    %add3A_158 = vector.broadcast %get3A_157 : vector<1x256xf32> to vector<2560x256xf32>
    %add3A_159 = arith.addf %mul3A_154, %add3A_158 : vector<2560x256xf32>
    %concatenate3A_160 = tpu.concatenate %add3A_95, %add3A_159 in 1 : vector<2560x256xf32>, vector<2560x256xf32> -> vector<2560x512xf32>
    %swap3A = arith.constant 0 : index
    %swap3A_161 = arith.constant 0 : index
    %swap3A_162 = vector.load %arg21[%swap3A, %swap3A_161] : memref<2560x512xf32, #tpu.memory_space<vmem>>, vector<2560x512xf32>
    tpu.vector_store %arg21[%swap3A, %swap3A_161], %concatenate3A_160 {strides = array<i32>} : memref<2560x512xf32, #tpu.memory_space<vmem>>, vector<2560x512xf32>,
    return
  }
  func.func @transform_0(%arg0: i32) -> (i32, i32) {
    %c0_i32 = arith.constant 0 : i32
    %c0_i32_0 = arith.constant 0 : i32
    return %arg0, %c0_i32 : i32, i32
  }
  func.func @transform_1(%arg0: i32) -> (i32, i32) {
    %c0_i32 = arith.constant 0 : i32
    %c0_i32_0 = arith.constant 0 : i32
    return %arg0, %c0_i32 : i32, i32
  }
  func.func @transform_2(%arg0: i32) -> (i32, i32) {
    %c0_i32 = arith.constant 0 : i32
    %c0_i32_0 = arith.constant 0 : i32
    return %arg0, %c0_i32 : i32, i32
  }
  func.func @transform_3(%arg0: i32) -> (i32, i32, i32) {
    %add3A = arith.constant 0 : i32
    %add3A_0 = arith.addi %add3A, %arg0 : i32
    %c0_i32 = arith.constant 0 : i32
    %c0_i32_1 = arith.constant 0 : i32
    %c0_i32_2 = arith.constant 0 : i32
    return %add3A_0, %c0_i32, %c0_i32_1 : i32, i32, i32
  }
  func.func @transform_4(%arg0: i32) -> (i32, i32, i32) {
    %add3A = arith.constant 0 : i32
    %add3A_0 = arith.addi %add3A, %arg0 : i32
    %c0_i32 = arith.constant 0 : i32
    %c0_i32_1 = arith.constant 0 : i32
    %c0_i32_2 = arith.constant 0 : i32
    return %add3A_0, %c0_i32, %c0_i32_1 : i32, i32, i32
  }
  func.func @transform_5(%arg0: i32) -> (i32, i32, i32) {
    %add3A = arith.constant 0 : i32
    %add3A_0 = arith.addi %add3A, %arg0 : i32
    %c0_i32 = arith.constant 0 : i32
    %c0_i32_1 = arith.constant 0 : i32
    %c0_i32_2 = arith.constant 0 : i32
    return %add3A_0, %c0_i32, %c0_i32_1 : i32, i32, i32
  }
  func.func @transform_6(%arg0: i32) -> (i32, i32, i32) {
    %add3A = arith.constant 0 : i32
    %add3A_0 = arith.addi %add3A, %arg0 : i32
    %c0_i32 = arith.constant 0 : i32
    %c0_i32_1 = arith.constant 0 : i32
    %c0_i32_2 = arith.constant 0 : i32
    return %add3A_0, %c0_i32, %c0_i32_1 : i32, i32, i32
  }
  func.func @transform_7(%arg0: i32) -> (i32, i32, i32) {
    %add3A = arith.constant 0 : i32
    %add3A_0 = arith.addi %add3A, %arg0 : i32
    %c0_i32 = arith.constant 0 : i32
    %c0_i32_1 = arith.constant 0 : i32
    %c0_i32_2 = arith.constant 0 : i32
    return %add3A_0, %c0_i32, %c0_i32_1 : i32, i32, i32
  }
  func.func @transform_8(%arg0: i32) -> (i32, i32) {
    %c0_i32 = arith.constant 0 : i32
    %c0_i32_0 = arith.constant 0 : i32
    %c0_i32_1 = arith.constant 0 : i32
    return %c0_i32, %c0_i32_0 : i32, i32
  }
  func.func @transform_9(%arg0: i32) -> (i32, i32) {
    %c0_i32 = arith.constant 0 : i32
    %c0_i32_0 = arith.constant 0 : i32
    %c0_i32_1 = arith.constant 0 : i32
    return %c0_i32, %c0_i32_0 : i32, i32
  }
  func.func @transform_10(%arg0: i32) -> (i32, i32) {
    %c0_i32 = arith.constant 0 : i32
    %c0_i32_0 = arith.constant 0 : i32
    %c0_i32_1 = arith.constant 0 : i32
    return %c0_i32, %c0_i32_0 : i32, i32
  }
  func.func @transform_11(%arg0: i32) -> (i32, i32) {
    %c0_i32 = arith.constant 0 : i32
    %c0_i32_0 = arith.constant 0 : i32
    %c0_i32_1 = arith.constant 0 : i32
    return %c0_i32, %c0_i32_0 : i32, i32
  }
  func.func @transform_12(%arg0: i32) -> (i32, i32) {
    %c0_i32 = arith.constant 0 : i32
    %c0_i32_0 = arith.constant 0 : i32
    %c0_i32_1 = arith.constant 0 : i32
    return %c0_i32, %c0_i32_0 : i32, i32
  }
  func.func @transform_13(%arg0: i32) -> (i32, i32) {
    %c0_i32 = arith.constant 0 : i32
    %c0_i32_0 = arith.constant 0 : i32
    %c0_i32_1 = arith.constant 0 : i32
    return %c0_i32, %c0_i32_0 : i32, i32
  }
  func.func @transform_14(%arg0: i32) -> (i32, i32) {
    %c0_i32 = arith.constant 0 : i32
    %c0_i32_0 = arith.constant 0 : i32
    %c0_i32_1 = arith.constant 0 : i32
    return %c0_i32, %c0_i32_0 : i32, i32
  }
  func.func @transform_15(%arg0: i32) -> (i32, i32) {
    %c0_i32 = arith.constant 0 : i32
    %c0_i32_0 = arith.constant 0 : i32
    %c0_i32_1 = arith.constant 0 : i32
    return %c0_i32, %c0_i32_0 : i32, i32
  }
  func.func @transform_16(%arg0: i32) -> (i32, i32) {
    %c0_i32 = arith.constant 0 : i32
    %c0_i32_0 = arith.constant 0 : i32
    %c0_i32_1 = arith.constant 0 : i32
    return %c0_i32, %c0_i32_0 : i32, i32
  }
  func.func @transform_17(%arg0: i32) -> (i32, i32) {
    %c0_i32 = arith.constant 0 : i32
    %c0_i32_0 = arith.constant 0 : i32
    %c0_i32_1 = arith.constant 0 : i32
    return %c0_i32, %c0_i32_0 : i32, i32
  }
  func.func @transform_18(%arg0: i32) -> (i32, i32) {
    %c0_i32 = arith.constant 0 : i32
    %c0_i32_0 = arith.constant 0 : i32
    %c0_i32_1 = arith.constant 0 : i32
    return %c0_i32, %c0_i32_0 : i32, i32
  }
  func.func @transform_19(%arg0: i32) -> (i32, i32) {
    %c0_i32 = arith.constant 0 : i32
    %c0_i32_0 = arith.constant 0 : i32
    %c0_i32_1 = arith.constant 0 : i32
    return %c0_i32, %c0_i32_0 : i32, i32
  }
  func.func @transform_20(%arg0: i32) -> (i32, i32) {
    %add3A = arith.constant 0 : i32
    %add3A_0 = arith.addi %add3A, %arg0 : i32
    %c0_i32 = arith.constant 0 : i32
    %c0_i32_1 = arith.constant 0 : i32
    return %add3A_0, %c0_i32 : i32, i32
  }
}

</mosaic_0001>

<sc_bundles>
// kernel: kernel.6.cloned.1.call-start
scs
__scs_entry_jumppad:
0x0: {  	(pc) =	sbr.rel $0x88, $3  }
0x1: {  	(tag) =	ssettag $0x0;
	lr =	simm.s32 $0x1  }
0x2: {  	[smem:$0x3F8D] =	sst lr;
	_ =	strace $0xD0000000  }
0x3: {  	_ = 	snop  }
0x4: {  	_ = 	snop  }
0x5: {  	_ = 	snop  }
0x6: {  	_ = 	snop  }
0x7: {  	_ = 	snop  }
__scs_overlays_trampoline_lowered:
0x8: {  	[smem:$0x3F9C] =	sst s0  }
0x9: {  	[smem:$0x3F9D] =	sst s1  }
0xa: {  	[smem:$0x3F9E] =	sst s2  }
0xb: {  	[smem:$0x3F9F] =	sst s3  }
0xc: {  	[smem:$0x3FA0] =	sst s4  }
0xd: {  	[smem:$0x3FA1] =	sst s5  }
0xe: {  	[smem:$0x3FA2] =	sst s6  }
0xf: {  	[smem:$0x3FA3] =	sst s7  }
0x10: {  	[smem:$0x3FA4] =	sst s8  }
0x11: {  	[smem:$0x3FA5] =	sst s9;
	s0 =	simm.s32 @!p0 $0x0  }
0x12: {  	s1 =	sld [smem:$0x3F8B];
	s0 =	simm.s32 @p0 $0x1  }
0x13: {  	[smem:$0x3FA6] =	sst s0;
	s0 =	simm.s32 @!p1 $0x0  }
0x14: {  	s2 =	sld [smem:$0x3F8A];
	s0 =	simm.s32 @p1 $0x1  }
0x15: {  	[smem:$0x3FA7] =	sst s0;
	s0 =	simm.s32 @!p2 $0x0  }
0x16: {  	s3 =	sld [smem:$0x3FDB];
	s0 =	simm.s32 @p2 $0x1  }
0x17: {  	s4 =	simm.s32 $0x1BF5;
	[smem:$0x3FA9] =	sst s0  }
0x18: {  	s0 =	sld [smem:$0x3F8C];
	_ =	swait.ge [sflag:s4], $0x0  }
0x19: {  	s7 =	sld [smem:$0x3F8D]  }
0x1a: {  	s8 =	sadd.s32 $0xFFFFE003, lr  }
0x1b: {  	s9 =	sadd.s32 $0xFFFFFEF7, lr;
	s5 =	simm.s32 $0xFFFFFFFF;
	p2 =	slt.u32 s8, $0xFFFFF086  }
0x1c: {  	p1 =	slt.u32 s9, $0xF7A;
	s5 =	simm.s32 @!p2 $0x0  }
0x1d: {  	s5 =	simm.s32 @p1 $0x1;
	p0 =	seq.s32 s7, s2  }
0x1e: {  	s7 =	smul.u32 @!p0 $0xF7A, s2;
	p2 =	seq.s32 @!p0 s5, $0x0  }
0x1f: {  	s9 =	smul.u32 $0xF7A, s1;
	s8 =	simm.s32 @!p0 $0x1BF5;
	p2 =	por !p2, p0  }
0x20: {  	[sflag:s8] =	ssyncset.s32 @!p0 $0xFFFFF086;
	s6 =	sadd.s32 @!p0 s3, s7;
	s7 =	simm.s32 @!p0 $0x108  }
0x21: {  	s3 =	sadd.s32 s3, s9;
	s6 =	sadd.s32 @!p0 $0x88, s6;
	s7 =	simm.s32 @p2 $0x1082  }
0x22: {  	[simem:s7], [sflag:s8] =	dma.local @!p0 [hbm:s6], $0xF7A  }
0x23: {  	s9 =	sor.u32 $0xD0000000, s2;
	s6 =	simm.s32 $0x108;
	_ =	swait.ge @!p0 [sflag:s8], $0x0  }
0x24: {  	s3 =	sadd.s32 $0x88, s3;
	s6 =	simm.s32 @!p1 $0x1082;
	[sflag:s4] =	ssyncset.s32 $0xFFFFF086  }
0x25: {  	[simem:s6], [sflag:s4] =	dma.local [hbm:s3], $0xF7A  }
0x26: {  	[smem:$0x3F8D] =	sst s1;
	(tag) =	ssettag s2;
	_ =	strace s9  }
0x27: {  	s1 =	sld [smem:$0x3F9D]  }
0x28: {  	s2 =	sld [smem:$0x3F9E]  }
0x29: {  	s4 =	sld [smem:$0x3FA0]  }
0x2a: {  	p0 =	seq.s32 s5, $0x0;
	s5 =	sld [smem:$0x3FA1]  }
0x2b: {  	s6 =	sld [smem:$0x3FA2]  }
0x2c: {  	s7 =	sld [smem:$0x3FA3]  }
0x2d: {  	s3 =	simm.s32 $0x108;
	s8 =	sld [smem:$0x3FA4]  }
0x2e: {  	s3 =	simm.s32 @!p0 $0x1082;
	s9 =	sld [smem:$0x3FA5]  }
0x2f: {  	lr =	sadd.s32 s0, s3;
	s0 =	sld [smem:$0x3F9C]  }
0x30: {  	s3 =	sld [smem:$0x3F9F]  }
0x31: {  	[smem:$0x3FA8] =	sst s10  }
0x32: {  	s10 =	sld [smem:$0x3FA6];
	_ =	sdelay $0x3  }
0x33: {  	p0 =	seq.s32 s10, $0x1;
	s10 =	sld [smem:$0x3FA8];
	_ =	sdelay $0x3  }
0x34: {  	[smem:$0x3FA8] =	sst s10  }
0x35: {  	s10 =	sld [smem:$0x3FA7];
	_ =	sdelay $0x3  }
0x36: {  	p1 =	seq.s32 s10, $0x1;
	s10 =	sld [smem:$0x3FA8];
	_ =	sdelay $0x3  }
0x37: {  	[smem:$0x3FA8] =	sst s10  }
0x38: {  	s10 =	sld [smem:$0x3FA9]  }
0x39: {  	_ = 	snop;
	(pc) =	sbr.ind lr, $3  }
0x3a: {  	_ = 	snop  }
0x3b: {  	_ = 	snop  }
0x3c: {  	p2 =	seq.s32 s10, $0x1;
	s10 =	sld [smem:$0x3FA8]  }
0x3d: {  	_ =	shalt  }
0x3e: {  	_ =	shalt  }
0x3f: {  	_ =	shalt  }
0x40: {  	_ =	shalt  }
0x41: {  	_ =	shalt  }
0x42: {  	_ =	shalt  }
0x43: {  	_ =	shalt  }
0x44: {  	_ =	shalt  }
0x45: {  	_ =	shalt  }
0x46: {  	_ =	shalt  }
0x47: {  	_ =	shalt  }
0x48: {  	_ =	shalt  }
0x49: {  	_ =	shalt  }
0x4a: {  	_ =	shalt  }
0x4b: {  	_ =	shalt  }
0x4c: {  	_ =	shalt  }
0x4d: {  	_ =	shalt  }
0x4e: {  	_ =	shalt  }
0x4f: {  	_ =	shalt  }
0x50: {  	_ =	shalt  }
0x51: {  	_ =	shalt  }
0x52: {  	_ =	shalt  }
0x53: {  	_ =	shalt  }
0x54: {  	_ =	shalt  }
0x55: {  	_ =	shalt  }
0x56: {  	_ =	shalt  }
0x57: {  	_ =	shalt  }
0x58: {  	_ =	shalt  }
0x59: {  	_ =	shalt  }
0x5a: {  	_ =	shalt  }
0x5b: {  	_ =	shalt  }
0x5c: {  	_ =	shalt  }
0x5d: {  	_ =	shalt  }
0x5e: {  	_ =	shalt  }
0x5f: {  	_ =	shalt  }
0x60: {  	_ =	shalt  }
0x61: {  	_ =	shalt  }
0x62: {  	_ =	shalt  }
0x63: {  	_ =	shalt  }
0x64: {  	_ =	shalt  }
0x65: {  	_ =	shalt  }
0x66: {  	_ =	shalt  }
0x67: {  	_ =	shalt  }
0x68: {  	_ =	shalt  }
0x69: {  	_ =	shalt  }
0x6a: {  	_ =	shalt  }
0x6b: {  	_ =	shalt  }
0x6c: {  	_ =	shalt  }
0x6d: {  	_ =	shalt  }
0x6e: {  	_ =	shalt  }
0x6f: {  	_ =	shalt  }
0x70: {  	_ =	shalt  }
0x71: {  	_ =	shalt  }
0x72: {  	_ =	shalt  }
0x73: {  	_ =	shalt  }
0x74: {  	_ =	shalt  }
0x75: {  	_ =	shalt  }
0x76: {  	_ =	shalt  }
0x77: {  	_ =	shalt  }
0x78: {  	_ =	shalt  }
0x79: {  	_ =	shalt  }
0x7a: {  	_ =	shalt  }
0x7b: {  	_ =	shalt  }
0x7c: {  	_ =	shalt  }
0x7d: {  	_ =	shalt  }
0x7e: {  	_ =	shalt  }
0x7f: {  	_ =	shalt  }
0x80: {  	_ =	shalt  }
0x81: {  	_ =	shalt  }
0x82: {  	_ =	shalt  }
0x83: {  	_ =	shalt  }
0x84: {  	_ =	shalt  }
0x85: {  	_ =	shalt  }
0x86: {  	_ =	shalt  }
0x87: {  	_ =	shalt  }
.Lfunc_end0:
.L_simem_size_0:
called_computation_lowered:
.L_overlay_start_0:
0x88: {  	s2 =	sld [smem:$0x3FD9]  }
0x89: {  	s3 =	sld [smem:$0x3FFE];
	_ =	sdelay $0x1  }
0x8a: {  	s1 =	srdreg.scid  }
0x8b: {  	s0 =	sand.u32 $0x1, s1  }
0x8c: {  	s17 =	sshll.u32 s0, $0xA;
	s2 =	sadd.s32 s3, s2  }
0x8d: {  	s2 =	sadd.s32 s2, s17  }
0x8e: {  	[smem:$0x3FB4] =	sst s2  }
0x8f: {  	_ = 	snop  }
0x90: {  	s2 =	sld [smem:$0x3FC0]  }
0x91: {  	s18 =	sld [smem:$0x3FBF]  }
0x92: {  	s4 =	sld [smem:$0x3FBE]  }
0x93: {  	s5 =	sld [smem:$0x3FD0];
	(tm) =	ssettm $0x1  }
0x94: {  	s6 =	sld [smem:$0x3FFB];
	_ =	sdelay $0x3  }
0x95: {  	_ =	strace s6  }
0x96: {  	s6 =	sld [smem:$0x3FFC];
	_ =	sdelay $0x3  }
0x97: {  	_ =	strace s6  }
0x98: {  	s6 =	sld [smem:$0x3FFD];
	_ =	sdelay $0x3  }
0x99: {  	_ =	strace s6  }
0x9a: {  	_ =	strace $0x8FFFFFFF  }
0x9b: {  	s19 =	sld [smem:$0x3FDB];
	_ =	sdelay $0x1  }
0x9c: {  	s7 =	simm.s32 $_scs_section_size  }
0x9d: {  	s8 =	simm.s32 $_size__tile_overlayer_lowered;
	s9 =	simm.s32 $_tile_overlayer_lowered  }
0x9e: {  	s22 =	simm.s32 $0x1BFF;
	s21 =	sshll.u32 s9, $0x1;
	s6 =	sadd.s32 s7, s19  }
0x9f: {  	s10 =	simm.s32 $0x0;
	s20 =	sshll.u32 s8, $0x1;
	s8 =	sadd.s32 s21, s6  }
0xa0: {  	[timem:s10], [sflag:s22] =	dma.local [hbm:s8], s20  }
0xa1: {  	_ =	swait.ge [sflag:s22], s20  }
0xa2: {  	s7 =	ssub.s32 $0x0, s20;
	[sflag:s22] =	ssyncset.done $0x0  }
0xa3: {  	[sflag:s22] =	ssyncadd.s32 s7;
	_ =	sdelay $0x1  }
0xa4: {  	s23 =	simm.s32 $0x1B8B  }
0xa5: {  	_ =	swait.ge [sflag:s23], $0x1  }
0xa6: {  	[sflag:s23] =	ssyncset.done $0x0  }
0xa7: {  	s25 =	simm.s32 $0x1B8E;
	s24 =	sld [smem:$0x3FFE];
	[sflag:s23] =	ssyncadd.s32 $0xFFFFFFFF  }
0xa8: {  	s26 =	simm.s32 $execute0_lowered;
	[smem:$0x3FD2] =	sst s25  }
0xa9: {  	s8 =	sshll.u32 s26, $0x1;
	_ =	strace $0x80000046;
	[dreg:$0x1] =	wrdreg $0xFFFFFFFF  }
0xaa: {  	s28 =	simm.s32 $_size_execute0_lowered;
	s6 =	sadd.s32 s6, s8;
	[dreg:$0x0] =	wrdreg $0x0  }
0xab: {  	s8 =	sshll.u32 s28, $0x1;
	[dreg:$0x2] =	wrdreg s6  }
0xac: {  	[dreg:$0x3] =	wrdreg s8  }
0xad: {  	[dreg:$0x4] =	wrdreg $0xC0  }
0xae: {  	_ =	task [dreg:s10], $0x5FFFF  }
0xaf: {  	[dreg:$0x1] =	wrdreg $0xFFFFFFFF  }
0xb0: {  	[dreg:$0x0] =	wrdreg $0x60  }
0xb1: {  	[dreg:$0x2] =	wrdreg s2  }
0xb2: {  	[dreg:$0x3] =	wrdreg s18  }
0xb3: {  	[dreg:$0x4] =	wrdreg s4  }
0xb4: {  	[dreg:$0x5] =	wrdreg s24  }
0xb5: {  	[dreg:$0x6] =	wrdreg s5  }
0xb6: {  	[dreg:$0x7] =	wrdreg $0x180000  }
0xb7: {  	[dreg:$0x8] =	wrdreg $0x19F480  }
0xb8: {  	[dreg:$0x9] =	wrdreg $0x9  }
0xb9: {  	_ =	task.clear_ibuf [dreg:s10], $0xAFFFF;
	_ =	strace $0x90000046  }
0xba: {  	s29 =	simm.s32 $0x9;
	_ =	strace $0x80000048  }
0xbb: {  	_ =	swait.ge [sflag:s29], $0x1  }
0xbc: {  	[sflag:s29] =	ssyncadd.s32 $0xFFFFFFFF  }
0xbd: {  	_ =	strace $0x90000048  }
0xbe: {  	_ =	sfence  }
0xbf: {  	s30 =	sld [smem:$0x0];
	_ =	sdelay $0x2  }
0xc0: {  	s31 =	sshll.u32 s1, $0xD;
	s1 =	sshrl.u32 s1, $0x2  }
0xc1: {  	s3 =	sand.u32 $0x4000, s31;
	s1 =	sadd.s32 s1, s30  }
0xc2: {  	s0 =	sor.u32 s3, s0;
	s1 =	sshll.u32 s1, $0x11  }
0xc3: {  	s0 =	sor.u32 s1, s0  }
0xc4: {  	s0 =	sadd.s32 $0x8F2B, s0  }
0xc5: {  	[sflag:s0] =	ssyncadd.remote.s32 $0x1  }
0xc6: {  	_ =	sfence.sel $0xFFFF  }
0xc7: {  	[dreg:$0x0] =	wrdreg $0xFFFFFFFF;
	(pc) =	sbr.abs _section_cstart, $3  }
0xc8: {  	[dreg:$0x1] =	wrdreg $0xFFFFFFFF  }
0xc9: {  	_ =	task.clear_ibuf [dreg:s10], $0x2FFFF;
	_ =	strace $0x9FFFFFFF  }
0xca: {  	(tm) =	ssettm $0x7FFFFFFF  }
0xcb: {  	_ =	shalt  }
tec
execute0_lowered:
.L_overlay_start_1:
0x0: {  	(tag) =	ssettag $0x1  }
0x1: {  	s2 =	rddreg [dreg:$0x0]  }
0x2: {  	s0 =	rddreg [dreg:$0x1]  }
0x3: {  	s25 =	rddreg [dreg:$0x2]  }
0x4: {  	s8 =	rddreg [dreg:$0x3]  }
0x5: {  	s6 =	rddreg [dreg:$0x4];
	s1 =	srdreg.scid  }
0x6: {  	[dreg:$0x8] =	wrdreg s0;
	s0 =	stileid.u32  }
0x7: {  	s28 =	rddreg [dreg:$0x5];
	s5 =	sand.u32 $0x1, s1;
	s26 =	sshll.u32 s0, $0x1  }
0x8: {  	s3 =	rddreg [dreg:$0x6];
	s9 =	sor.u32 s5, s26  }
0x9: {  	[dreg:$0x9] =	wrdreg s25;
	s1 =	simm.s32 $0x0;
	s7 =	sshll.u32 s9, $0x8  }
0xa: {  	[smem:$0x7FF] =	sst s1;
	s10 =	sadd.s32 s7, s8  }
0xb: {  	_ =	strace $0x80000047;
	s12 =	smul.u32 $0x3200, s9;
	s11 =	sadd.s32 $0x3A00, s10  }
0xc: {  	s9 =	smul.u32 $0x19000, s9;
	s4 =	sadd.s32 $0x5A00, s10;
	[dreg:$0xa] =	wrdreg s11  }
0xd: {  	s7 =	sadd.s32 $0x9A00, s8;
	s10 =	sadd.s32 $0x7A00, s10;
	[dreg:$0xb] =	wrdreg s4  }
0xe: {  	s8 =	sadd.s32 $0x6DA00, s8;
	s13 =	sadd.s32 s7, s12;
	[dreg:$0xc] =	wrdreg s10  }
0xf: {  	s14 =	sadd.s32 s8, s12;
	[dreg:$0xe] =	wrdreg s13  }
0x10: {  	s9 =	sshrl.u32 s9, $0x3;
	s11 =	sadd.s32 s6, s12;
	[dreg:$0xf] =	wrdreg s14  }
0x11: {  	s15 =	sadd.s32 $0x500, s9;
	s10 =	simm.s32 $0x1280;
	[dreg:$0xd] =	wrdreg s11  }
0x12: {  	s16 =	sadd.s32 s6, s15;
	[smem:$0x7F1] =	sst s10  }
0x13: {  	s17 =	sadd.s32 s7, s15;
	[dreg:$0x10] =	wrdreg s16  }
0x14: {  	s19 =	sadd.s32 $0xA00, s9;
	s18 =	sadd.s32 s8, s15;
	[dreg:$0x11] =	wrdreg s17  }
0x15: {  	s20 =	sadd.s32 s6, s19;
	[dreg:$0x12] =	wrdreg s18  }
0x16: {  	s21 =	sadd.s32 s7, s19;
	[dreg:$0x13] =	wrdreg s20  }
0x17: {  	s23 =	sadd.s32 $0xF00, s9;
	s22 =	sadd.s32 s8, s19;
	[dreg:$0x14] =	wrdreg s21  }
0x18: {  	s24 =	sadd.s32 s6, s23;
	[dreg:$0x15] =	wrdreg s22  }
0x19: {  	s25 =	sadd.s32 s7, s23;
	[dreg:$0x16] =	wrdreg s24  }
0x1a: {  	s4 =	sadd.s32 $0x1400, s9;
	s26 =	sadd.s32 s8, s23;
	[dreg:$0x17] =	wrdreg s25  }
0x1b: {  	s12 =	sadd.s32 s6, s4;
	[dreg:$0x18] =	wrdreg s26  }
0x1c: {  	s13 =	sadd.s32 s7, s4;
	[dreg:$0x19] =	wrdreg s12  }
0x1d: {  	s14 =	sadd.s32 s8, s4;
	[dreg:$0x1a] =	wrdreg s13  }
0x1e: {  	s15 =	sadd.s32 $0x1900, s9;
	s11 =	simm.s32 $0x300;
	[dreg:$0x1b] =	wrdreg s14  }
0x1f: {  	s16 =	sadd.s32 s6, s15;
	[smem:$0x7F2] =	sst s11  }
0x20: {  	s17 =	sadd.s32 s7, s15;
	[dreg:$0x1c] =	wrdreg s16  }
0x21: {  	s19 =	sadd.s32 $0x1E00, s9;
	s18 =	sadd.s32 s8, s15;
	[dreg:$0x1d] =	wrdreg s17  }
0x22: {  	s20 =	sadd.s32 s6, s19;
	[dreg:$0x1e] =	wrdreg s18  }
0x23: {  	s21 =	sadd.s32 s7, s19;
	[dreg:$0x1f] =	wrdreg s20  }
0x24: {  	s23 =	sadd.s32 $0x2300, s9;
	s22 =	sadd.s32 s8, s19;
	[smem:$0x7D8] =	sst s21  }
0x25: {  	s24 =	sadd.s32 s6, s23;
	[smem:$0x7D9] =	sst s22  }
0x26: {  	s25 =	sadd.s32 s7, s23;
	[smem:$0x7DA] =	sst s24  }
0x27: {  	s4 =	sadd.s32 $0x2800, s9;
	s26 =	sadd.s32 s8, s23;
	[smem:$0x7DB] =	sst s25  }
0x28: {  	s12 =	sadd.s32 s6, s4;
	[smem:$0x7DC] =	sst s26  }
0x29: {  	s13 =	sadd.s32 s7, s4;
	[smem:$0x7DD] =	sst s12  }
0x2a: {  	s9 =	sadd.s32 $0x2D00, s9;
	s14 =	sadd.s32 s8, s4;
	[smem:$0x7DE] =	sst s13  }
0x2b: {  	s6 =	sadd.s32 s6, s9;
	[smem:$0x7DF] =	sst s14  }
0x2c: {  	p1 =	por $0x0, $0x0;
	s15 =	sadd.s32 s7, s9;
	[smem:$0x7E0] =	sst s6  }
0x2d: {  	s31 =	simm.s32 $0x8;
	s19 =	simm.s32 $0x1080;
	[smem:$0x7E1] =	sst s15  }
0x2e: {  	s30 =	simm.s32 $0x3;
	s23 =	simm.s32 $0x1100;
	[smem:$0x7E5] =	sst s19  }
0x2f: {  	s29 =	simm.s32 $0x6;
	s7 =	simm.s32 $0x1200;
	[smem:$0x7E8] =	sst s23  }
0x30: {  	p0 =	sne.s32 s0, $0x0;
	s16 =	sadd.s32 s8, s9;
	[smem:$0x7EE] =	sst s7  }
0x31: {  	s0 =	simm.s32 $0x5;
	s17 =	simm.s32 $0x80;
	[smem:$0x7E2] =	sst s16  }
0x32: {  	s5 =	ssub.s32 $0x2, s5;
	s18 =	simm.s32 $0x880;
	[smem:$0x7E3] =	sst s17  }
0x33: {  	s10 =	simm.s32 $0x10;
	s21 =	simm.s32 $0x100;
	[smem:$0x7E4] =	sst s18  }
0x34: {  	s4 =	simm.s32 $0x13;
	s22 =	simm.s32 $0x900;
	[smem:$0x7E6] =	sst s21  }
0x35: {  	s11 =	simm.s32 $0x7;
	s24 =	simm.s32 $0x180;
	[smem:$0x7E7] =	sst s22  }
0x36: {  	s20 =	sshrl.u32 s5, $0x1;
	s25 =	simm.s32 $0x980;
	[smem:$0x7E9] =	sst s24  }
0x37: {  	s26 =	simm.s32 $0x1180;
	s6 =	simm.s32 $0xA00;
	[smem:$0x7EA] =	sst s25  }
0x38: {  	s8 =	simm.s32 $0x280;
	s9 =	simm.s32 $0xA80;
	[smem:$0x7EB] =	sst s26  }
0x39: {  	s7 =	simm.s32 $0x13000;
	s12 =	simm.s32 $0xB00;
	[smem:$0x7ED] =	sst s6  }
0x3a: {  	s13 =	simm.s32 $0x1300;
	s15 =	simm.s32 $0x380;
	[smem:$0x7EF] =	sst s8  }
0x3b: {  	s19 =	simm.s32 $0x1380;
	s23 =	simm.s32 $0x480;
	[smem:$0x7F0] =	sst s9  }
0x3c: {  	s5 =	ssub.s32 s5, s20;
	s17 =	simm.s32 $0x800;
	[smem:$0x7F3] =	sst s12  }
0x3d: {  	s16 =	simm.s32 $0x50;
	s6 =	simm.s32 $0x9000;
	[smem:$0x7F4] =	sst s13  }
0x3e: {  	s24 =	simm.s32 $0x10800;
	[smem:$0x7F5] =	sst s15;
	s18 =	simm.s32 $0xB80  }
0x3f: {  	s13 =	simm.s32 $0x1;
	s12 =	simm.s32 $0x4;
	[smem:$0x7F7] =	sst s19  }
0x40: {  	s20 =	simm.s32 $0x400;
	s21 =	simm.s32 $0xC00;
	[smem:$0x7FB] =	sst s23  }
0x41: {  	s22 =	simm.s32 $0x1400;
	s9 =	simm.s32 $0xD;
	[smem:$0x7F6] =	sst s18  }
0x42: {  	s25 =	simm.s32 $0xC80;
	s14 =	smax.u32 s5, $0x1;
	[smem:$0x7F8] =	sst s20  }
0x43: {  	s26 =	simm.s32 $0x1480;
	[smem:$0x7F9] =	sst s21;
	s19 =	sadd.s32 $0xFFFFFFFF, s14  }
0x44: {  	s23 =	simm.s32 $0xC;
	[smem:$0x7FA] =	sst s22;
	p2 =	sne.s32 s19, $0x0  }
.Ltmp0:
0x45: {  	s15 =	sshrl.u32 @!p0 s28, $0x3;
	[smem:$0x7FC] =	sst s25;
	(pc) =	sbr.rel @!p2 .LBB2_1-.Ltmp0, $4  }
0x46: {  	s8 =	sshrl.u32 @!p0 s3, $0x3;
	s5 =	simm.s32 $0x200;
	[smem:$0x7FD] =	sst s26  }
0x47: {  	s26 =	simm.s32 $0xB;
	s25 =	simm.s32 $0xE;
	s22 =	simm.s32 $0x11  }
0x48: {  	s20 =	simm.s32 $0xF;
	s18 =	simm.s32 $0x12;
	s21 =	rddreg [dreg:$0x8]  }
0x49: {  	[smem:$0x7EC] =	sst s5;
	s5 =	simm.s32 $0x1800;
	s14 =	simm.s32 $0x2  }
0x4a: {  	s0 =	simm.s32 @!p0 $0x1C13;
	s9 =	simm.s32 @!p0 $0x13  }
0x4b: {  	[spmem:s15], [sflag:s0] =	dma.local @!p0 [hbm:s21], $0x3E90  }
0x4c: {  	_ =	swait.ge @!p0 [sflag:s9], $0x3E90  }
0x4d: {  	[sflag:s9] =	ssyncset.done @!p0 $0x0  }
0x4e: {  	s21 =	rddreg [dreg:$0x9];
	[sflag:s9] =	ssyncadd.s32 @!p0 $0xFFFFC170  }
0x4f: {  	[spmem:s8], [sflag:s0] =	dma.local @!p0 [hbm:s21], $0x3E90  }
0x50: {  	_ =	swait.ge @!p0 [sflag:s9], $0x3E90  }
0x51: {  	[sflag:s9] =	ssyncset.done @!p0 $0x0  }
0x52: {  	s20 =	rddreg [dreg:$0xa];
	[sflag:s9] =	ssyncadd.s32 @!p0 $0xFFFFC170  }
0x53: {  	[tilespmem:s1], [sflag:$0x13] =	stream.linear.gather [hbm4b:s20+s1], $0x500, $0x38;
	[tilespmem:$0x1BE90] =	vst v63  }
0x54: {  	_ =	swait.ge [sflag:s4], $0x500  }
0x55: {  	[sflag:s4] =	ssyncset.done $0x0  }
0x56: {  	s22 =	rddreg [dreg:$0xb];
	[sflag:s4] =	ssyncadd.s32 $0xFFFFFB00  }
0x57: {  	[tilespmem:s17], [sflag:$0x13] =	stream.linear.gather [hbm4b:s22+s1], $0x500, $0x38;
	[tilespmem:$0x1BE90] =	vst v63  }
0x58: {  	_ =	swait.ge [sflag:s4], $0x500  }
0x59: {  	s23 =	rddreg [dreg:$0xc];
	[sflag:s4] =	ssyncset.done $0x0  }
0x5a: {  	s25 =	simm.s32 $0x1000;
	[smem:$0x7D7] =	sst s19;
	[sflag:s4] =	ssyncadd.s32 $0xFFFFFB00  }
0x5b: {  	[tilespmem:s25], [sflag:$0x13] =	stream.linear.gather [hbm4b:s23+s1], $0x500, $0x38;
	[tilespmem:$0x1BE90] =	vst v63  }
0x5c: {  	_ =	swait.ge [sflag:s4], $0x500  }
0x5d: {  	[sflag:s4] =	ssyncset.done $0x0  }
0x5e: {  	[sflag:s4] =	ssyncadd.s32 $0xFFFFFB00  }
0x5f: {  	[bflag:$0x0] =	sbarrier.arrive $0xFFFF  }
0x60: {  	[tilespmem:s5], [sflag:$0x1] =	stream.indirect.gather [hbm4b:s2+s16], $0x80, s1, s16, $0xb8;
	[tilespmem:$0x1BE90] =	vst v63  }
0x61: {  	s26 =	sld [smem:$0x7E3]  }
0x62: {  	s0 =	sld [smem:$0x7E4]  }
0x63: {  	[smem:$0x7D5] =	sst s15  }
0x64: {  	[tilespmem:s6], [sflag:$0x4] =	stream.indirect.gather [spmem:s28], $0x80, s17, s16, $0xb8;
	[tilespmem:$0x1BE90] =	vst v63  }
0x65: {  	s11 =	sld [smem:$0x7E5]  }
0x66: {  	[tilespmem:s24], [sflag:$0x7] =	stream.indirect.gather [spmem:s3], $0x80, s25, s16, $0xb8;
	[tilespmem:$0x1BE90] =	vst v63  }
0x67: {  	s18 =	simm.s32 $0x4000;
	s13 =	sld [smem:$0x7E6]  }
0x68: {  	[tilespmem:s18], [sflag:$0x2] =	stream.indirect.gather [hbm4b:s2+s16], $0x80, s26, s16, $0xb8;
	[tilespmem:$0x1BE90] =	vst v63  }
0x69: {  	s12 =	simm.s32 $0xB800;
	s19 =	sld [smem:$0x7E8]  }
0x6a: {  	[tilespmem:s12], [sflag:$0x5] =	stream.indirect.gather [spmem:s28], $0x80, s0, s16, $0xb8;
	[tilespmem:$0x1BE90] =	vst v63  }
0x6b: {  	s0 =	sld [smem:$0x7E7]  }
0x6c: {  	[tilespmem:s7], [sflag:$0x8] =	stream.indirect.gather [spmem:s3], $0x80, s11, s16, $0xb8;
	[tilespmem:$0x1BE90] =	vst v63  }
0x6d: {  	s12 =	rddreg [dreg:$0x0];
	s11 =	simm.s32 $0x6800  }
0x6e: {  	[tilespmem:s11], [sflag:$0x3] =	stream.indirect.gather [hbm4b:s12+s16], $0x80, s13, s16, $0xb8;
	[tilespmem:$0x1BE90] =	vst v63  }
0x6f: {  	[smem:$0x7D6] =	sst s8;
	s13 =	simm.s32 $0xE000  }
0x70: {  	[tilespmem:s13], [sflag:$0x6] =	stream.indirect.gather [spmem:s28], $0x80, s0, s16, $0xb8;
	[tilespmem:$0x1BE90] =	vst v63  }
0x71: {  	s8 =	simm.s32 $0x1;
	s11 =	simm.s32 $0x15800;
	s0 =	rddreg [dreg:$0x6]  }
0x72: {  	[tilespmem:s11], [sflag:$0x9] =	stream.indirect.gather [spmem:s0], $0x80, s19, s16, $0xb8;
	[tilespmem:$0x1BE90] =	vst v63  }
0x73: {  	_ =	swait.ge [sflag:s8], $0x2800  }
0x74: {  	[sflag:s8] =	ssyncset.done $0x0  }
0x75: {  	s13 =	simm.s32 $0x4;
	s0 =	rddreg [dreg:$0xd];
	[sflag:s8] =	ssyncadd.s32 $0xFFFFD800  }
0x76: {  	[hbm4b:s0+s1] =	stream.linear.scatter [tilespmem:s5], [sflag:$0xA], $0x2800, $0x38;
	[tilespmem:$0x1BE90] =	vst v63  }
0x77: {  	_ =	swait.ge [sflag:s13], $0x2800  }
0x78: {  	[sflag:s13] =	ssyncset.done $0x0  }
0x79: {  	s12 =	simm.s32 $0x7;
	s3 =	rddreg [dreg:$0xe];
	[sflag:s13] =	ssyncadd.s32 $0xFFFFD800  }
0x7a: {  	[hbm4b:s3+s1] =	stream.linear.scatter [tilespmem:s6], [sflag:$0xD], $0x2800, $0x38;
	[tilespmem:$0x1BE90] =	vst v63  }
0x7b: {  	_ =	swait.ge [sflag:s12], $0x2800  }
0x7c: {  	[sflag:s12] =	ssyncset.done $0x0  }
0x7d: {  	s9 =	simm.s32 $0xA;
	s0 =	rddreg [dreg:$0xf];
	[sflag:s12] =	ssyncadd.s32 $0xFFFFD800  }
0x7e: {  	[hbm4b:s0+s1] =	stream.linear.scatter [tilespmem:s24], [sflag:$0x10], $0x2800, $0x38;
	[tilespmem:$0x1BE90] =	vst v63  }
0x7f: {  	_ =	swait.ge [sflag:s9], $0x2800  }
0x80: {  	s3 =	sld [smem:$0x7E9];
	[sflag:s9] =	ssyncset.done $0x0  }
0x81: {  	[sflag:s9] =	ssyncadd.s32 $0xFFFFD800  }
0x82: {  	s4 =	simm.s32 $0xD;
	s0 =	rddreg [dreg:$0x0]  }
0x83: {  	[tilespmem:s5], [sflag:$0x1] =	stream.indirect.gather [hbm4b:s0+s16], $0x80, s3, s16, $0xb8;
	[tilespmem:$0x1BE90] =	vst v63  }
0x84: {  	s3 =	rddreg [dreg:$0x6];
	_ =	swait.ge [sflag:s4], $0x2800  }
0x85: {  	s0 =	sld [smem:$0x7EA]  }
0x86: {  	[sflag:s4] =	ssyncset.done $0x0  }
0x87: {  	[sflag:s4] =	ssyncadd.s32 $0xFFFFD800  }
0x88: {  	[tilespmem:s6], [sflag:$0x4] =	stream.indirect.gather [spmem:s28], $0x80, s0, s16, $0xb8;
	[tilespmem:$0x1BE90] =	vst v63  }
0x89: {  	_ =	swait.ge [sflag:s10], $0x2800  }
0x8a: {  	s0 =	sld [smem:$0x7EB]  }
0x8b: {  	[sflag:s10] =	ssyncset.done $0x0  }
0x8c: {  	s15 =	simm.s32 $0x2;
	[sflag:s10] =	ssyncadd.s32 $0xFFFFD800  }
0x8d: {  	[tilespmem:s24], [sflag:$0x7] =	stream.indirect.gather [spmem:s3], $0x80, s0, s16, $0xb8;
	[tilespmem:$0x1BE90] =	vst v63  }
0x8e: {  	_ =	swait.ge [sflag:s15], $0x2800  }
0x8f: {  	[sflag:s15] =	ssyncset.done $0x0  }
0x90: {  	s14 =	simm.s32 $0x5;
	s0 =	rddreg [dreg:$0x10];
	[sflag:s15] =	ssyncadd.s32 $0xFFFFD800  }
0x91: {  	[hbm4b:s0+s1] =	stream.linear.scatter [tilespmem:s18], [sflag:$0xB], $0x2800, $0x38;
	[tilespmem:$0x1BE90] =	vst v63  }
0x92: {  	_ =	swait.ge [sflag:s14], $0x2800  }
0x93: {  	s17 =	simm.s32 $0x8;
	[sflag:s14] =	ssyncset.done $0x0  }
0x94: {  	s0 =	simm.s32 $0xB800;
	s19 =	rddreg [dreg:$0x11];
	[sflag:s14] =	ssyncadd.s32 $0xFFFFD800  }
0x95: {  	[hbm4b:s19+s1] =	stream.linear.scatter [tilespmem:s0], [sflag:$0xE], $0x2800, $0x38;
	[tilespmem:$0x1BE90] =	vst v63  }
0x96: {  	_ =	swait.ge [sflag:s17], $0x2800  }
0x97: {  	[sflag:s17] =	ssyncset.done $0x0  }
0x98: {  	s2 =	simm.s32 $0xB;
	s19 =	rddreg [dreg:$0x12];
	[sflag:s17] =	ssyncadd.s32 $0xFFFFD800  }
0x99: {  	[hbm4b:s19+s1] =	stream.linear.scatter [tilespmem:s7], [sflag:$0x11], $0x2800, $0x38;
	[tilespmem:$0x1BE90] =	vst v63  }
0x9a: {  	_ =	swait.ge [sflag:s2], $0x2800  }
0x9b: {  	s19 =	sld [smem:$0x7EC];
	[sflag:s2] =	ssyncset.done $0x0  }
0x9c: {  	[sflag:s2] =	ssyncadd.s32 $0xFFFFD800  }
0x9d: {  	s26 =	simm.s32 $0xE;
	s2 =	rddreg [dreg:$0x0]  }
0x9e: {  	[tilespmem:s18], [sflag:$0x2] =	stream.indirect.gather [hbm4b:s2+s16], $0x80, s19, s16, $0xb8;
	[tilespmem:$0x1BE90] =	vst v63  }
0x9f: {  	_ =	swait.ge [sflag:s26], $0x2800  }
0xa0: {  	s19 =	sld [smem:$0x7ED]  }
0xa1: {  	[sflag:s26] =	ssyncset.done $0x0  }
0xa2: {  	s23 =	simm.s32 $0x11;
	[sflag:s26] =	ssyncadd.s32 $0xFFFFD800  }
0xa3: {  	[tilespmem:s0], [sflag:$0x5] =	stream.indirect.gather [spmem:s28], $0x80, s19, s16, $0xb8;
	[tilespmem:$0x1BE90] =	vst v63  }
0xa4: {  	_ =	swait.ge [sflag:s23], $0x2800  }
0xa5: {  	s0 =	sld [smem:$0x7EE]  }
0xa6: {  	[sflag:s23] =	ssyncset.done $0x0  }
0xa7: {  	s31 =	simm.s32 $0x3;
	[sflag:s23] =	ssyncadd.s32 $0xFFFFD800  }
0xa8: {  	[tilespmem:s7], [sflag:$0x8] =	stream.indirect.gather [spmem:s3], $0x80, s0, s16, $0xb8;
	[tilespmem:$0x1BE90] =	vst v63  }
0xa9: {  	_ =	swait.ge [sflag:s31], $0x2800  }
0xaa: {  	s30 =	simm.s32 $0x6;
	[sflag:s31] =	ssyncset.done $0x0  }
0xab: {  	s0 =	simm.s32 $0x6800;
	s19 =	rddreg [dreg:$0x13];
	[sflag:s31] =	ssyncadd.s32 $0xFFFFD800  }
0xac: {  	[hbm4b:s19+s1] =	stream.linear.scatter [tilespmem:s0], [sflag:$0xC], $0x2800, $0x38;
	[tilespmem:$0x1BE90] =	vst v63  }
0xad: {  	_ =	swait.ge [sflag:s30], $0x2800  }
0xae: {  	s29 =	simm.s32 $0x9;
	[sflag:s30] =	ssyncset.done $0x0  }
0xaf: {  	s21 =	simm.s32 $0xE000;
	s19 =	rddreg [dreg:$0x14];
	[sflag:s30] =	ssyncadd.s32 $0xFFFFD800  }
0xb0: {  	[hbm4b:s19+s1] =	stream.linear.scatter [tilespmem:s21], [sflag:$0xF], $0x2800, $0x38;
	[tilespmem:$0x1BE90] =	vst v63  }
0xb1: {  	_ =	swait.ge [sflag:s29], $0x2800  }
0xb2: {  	[sflag:s29] =	ssyncset.done $0x0  }
0xb3: {  	s25 =	simm.s32 $0xC;
	s19 =	rddreg [dreg:$0x15];
	[sflag:s29] =	ssyncadd.s32 $0xFFFFD800  }
0xb4: {  	[hbm4b:s19+s1] =	stream.linear.scatter [tilespmem:s11], [sflag:$0x12], $0x2800, $0x38;
	[tilespmem:$0x1BE90] =	vst v63  }
0xb5: {  	_ =	swait.ge [sflag:s25], $0x2800  }
0xb6: {  	s19 =	sld [smem:$0x7EF]  }
0xb7: {  	[sflag:s25] =	ssyncset.done $0x0  }
0xb8: {  	s22 =	simm.s32 $0xF;
	[sflag:s25] =	ssyncadd.s32 $0xFFFFD800  }
0xb9: {  	[tilespmem:s0], [sflag:$0x3] =	stream.indirect.gather [hbm4b:s2+s16], $0x80, s19, s16, $0xb8;
	[tilespmem:$0x1BE90] =	vst v63  }
0xba: {  	_ =	swait.ge [sflag:s22], $0x2800  }
0xbb: {  	s0 =	sld [smem:$0x7F0]  }
0xbc: {  	[sflag:s22] =	ssyncset.done $0x0  }
0xbd: {  	s20 =	simm.s32 $0x12;
	[sflag:s22] =	ssyncadd.s32 $0xFFFFD800  }
0xbe: {  	[tilespmem:s21], [sflag:$0x6] =	stream.indirect.gather [spmem:s28], $0x80, s0, s16, $0xb8;
	[tilespmem:$0x1BE90] =	vst v63  }
0xbf: {  	_ =	swait.ge [sflag:s20], $0x2800  }
0xc0: {  	s0 =	sld [smem:$0x7F1]  }
0xc1: {  	[sflag:s20] =	ssyncset.done $0x0  }
0xc2: {  	[sflag:s20] =	ssyncadd.s32 $0xFFFFD800  }
0xc3: {  	[tilespmem:s11], [sflag:$0x9] =	stream.indirect.gather [spmem:s3], $0x80, s0, s16, $0xb8;
	[tilespmem:$0x1BE90] =	vst v63  }
0xc4: {  	_ =	swait.ge [sflag:s8], $0x2800  }
0xc5: {  	[sflag:s8] =	ssyncset.done $0x0  }
0xc6: {  	s0 =	rddreg [dreg:$0x16];
	[sflag:s8] =	ssyncadd.s32 $0xFFFFD800  }
0xc7: {  	[hbm4b:s0+s1] =	stream.linear.scatter [tilespmem:s5], [sflag:$0xA], $0x2800, $0x38;
	[tilespmem:$0x1BE90] =	vst v63  }
0xc8: {  	_ =	swait.ge [sflag:s13], $0x2800  }
0xc9: {  	[sflag:s13] =	ssyncset.done $0x0  }
0xca: {  	s0 =	rddreg [dreg:$0x17];
	[sflag:s13] =	ssyncadd.s32 $0xFFFFD800  }
0xcb: {  	[hbm4b:s0+s1] =	stream.linear.scatter [tilespmem:s6], [sflag:$0xD], $0x2800, $0x38;
	[tilespmem:$0x1BE90] =	vst v63  }
0xcc: {  	_ =	swait.ge [sflag:s12], $0x2800  }
0xcd: {  	[sflag:s12] =	ssyncset.done $0x0  }
0xce: {  	s0 =	rddreg [dreg:$0x18];
	[sflag:s12] =	ssyncadd.s32 $0xFFFFD800  }
0xcf: {  	[hbm4b:s0+s1] =	stream.linear.scatter [tilespmem:s24], [sflag:$0x10], $0x2800, $0x38;
	[tilespmem:$0x1BE90] =	vst v63  }
0xd0: {  	_ =	swait.ge [sflag:s9], $0x2800  }
0xd1: {  	s0 =	sld [smem:$0x7F2]  }
0xd2: {  	[sflag:s9] =	ssyncset.done $0x0  }
0xd3: {  	[sflag:s9] =	ssyncadd.s32 $0xFFFFD800  }
0xd4: {  	[tilespmem:s5], [sflag:$0x1] =	stream.indirect.gather [hbm4b:s2+s16], $0x80, s0, s16, $0xb8;
	[tilespmem:$0x1BE90] =	vst v63  }
0xd5: {  	_ =	swait.ge [sflag:s4], $0x2800  }
0xd6: {  	s0 =	sld [smem:$0x7F3]  }
0xd7: {  	[sflag:s4] =	ssyncset.done $0x0  }
0xd8: {  	[sflag:s4] =	ssyncadd.s32 $0xFFFFD800  }
0xd9: {  	[tilespmem:s6], [sflag:$0x4] =	stream.indirect.gather [spmem:s28], $0x80, s0, s16, $0xb8;
	[tilespmem:$0x1BE90] =	vst v63  }
0xda: {  	_ =	swait.ge [sflag:s10], $0x2800  }
0xdb: {  	s9 =	sld [smem:$0x7F4]  }
0xdc: {  	[sflag:s10] =	ssyncset.done $0x0  }
0xdd: {  	[sflag:s10] =	ssyncadd.s32 $0xFFFFD800  }
0xde: {  	[tilespmem:s24], [sflag:$0x7] =	stream.indirect.gather [spmem:s3], $0x80, s9, s16, $0xb8;
	[tilespmem:$0x1BE90] =	vst v63  }
0xdf: {  	_ =	swait.ge [sflag:s15], $0x2800  }
0xe0: {  	[sflag:s15] =	ssyncset.done $0x0  }
0xe1: {  	s0 =	rddreg [dreg:$0x19];
	[sflag:s15] =	ssyncadd.s32 $0xFFFFD800  }
0xe2: {  	[hbm4b:s0+s1] =	stream.linear.scatter [tilespmem:s18], [sflag:$0xB], $0x2800, $0x38;
	[tilespmem:$0x1BE90] =	vst v63  }
0xe3: {  	_ =	swait.ge [sflag:s14], $0x2800  }
0xe4: {  	[sflag:s14] =	ssyncset.done $0x0  }
0xe5: {  	s15 =	simm.s32 $0xB800;
	s0 =	rddreg [dreg:$0x1a];
	[sflag:s14] =	ssyncadd.s32 $0xFFFFD800  }
0xe6: {  	[hbm4b:s0+s1] =	stream.linear.scatter [tilespmem:s15], [sflag:$0xE], $0x2800, $0x38;
	[tilespmem:$0x1BE90] =	vst v63  }
0xe7: {  	_ =	swait.ge [sflag:s17], $0x2800  }
0xe8: {  	[sflag:s17] =	ssyncset.done $0x0  }
0xe9: {  	s26 =	simm.s32 $0xB;
	s19 =	rddreg [dreg:$0x1b];
	[sflag:s17] =	ssyncadd.s32 $0xFFFFD800  }
0xea: {  	[hbm4b:s19+s1] =	stream.linear.scatter [tilespmem:s7], [sflag:$0x11], $0x2800, $0x38;
	[tilespmem:$0x1BE90] =	vst v63  }
0xeb: {  	_ =	swait.ge [sflag:s26], $0x2800  }
0xec: {  	s17 =	sld [smem:$0x7F5]  }
0xed: {  	[sflag:s26] =	ssyncset.done $0x0  }
0xee: {  	s25 =	simm.s32 $0xE;
	[sflag:s26] =	ssyncadd.s32 $0xFFFFD800  }
0xef: {  	[tilespmem:s18], [sflag:$0x2] =	stream.indirect.gather [hbm4b:s2+s16], $0x80, s17, s16, $0xb8;
	[tilespmem:$0x1BE90] =	vst v63  }
0xf0: {  	_ =	swait.ge [sflag:s25], $0x2800  }
0xf1: {  	s17 =	sld [smem:$0x7F6]  }
0xf2: {  	[sflag:s25] =	ssyncset.done $0x0  }
0xf3: {  	[sflag:s25] =	ssyncadd.s32 $0xFFFFD800  }
0xf4: {  	[tilespmem:s15], [sflag:$0x5] =	stream.indirect.gather [spmem:s28], $0x80, s17, s16, $0xb8;
	[tilespmem:$0x1BE90] =	vst v63  }
0xf5: {  	_ =	swait.ge [sflag:s23], $0x2800  }
0xf6: {  	s17 =	sld [smem:$0x7F7]  }
0xf7: {  	[sflag:s23] =	ssyncset.done $0x0  }
0xf8: {  	[sflag:s23] =	ssyncadd.s32 $0xFFFFD800  }
0xf9: {  	[tilespmem:s7], [sflag:$0x8] =	stream.indirect.gather [spmem:s3], $0x80, s17, s16, $0xb8;
	[tilespmem:$0x1BE90] =	vst v63  }
0xfa: {  	_ =	swait.ge [sflag:s31], $0x2800  }
0xfb: {  	[sflag:s31] =	ssyncset.done $0x0  }
0xfc: {  	s17 =	simm.s32 $0x6800;
	s15 =	rddreg [dreg:$0x1c];
	[sflag:s31] =	ssyncadd.s32 $0xFFFFD800  }
0xfd: {  	[hbm4b:s15+s1] =	stream.linear.scatter [tilespmem:s17], [sflag:$0xC], $0x2800, $0x38;
	[tilespmem:$0x1BE90] =	vst v63  }
0xfe: {  	_ =	swait.ge [sflag:s30], $0x2800  }
0xff: {  	[sflag:s30] =	ssyncset.done $0x0  }
0x100: {  	s15 =	rddreg [dreg:$0x1d];
	[sflag:s30] =	ssyncadd.s32 $0xFFFFD800  }
0x101: {  	[hbm4b:s15+s1] =	stream.linear.scatter [tilespmem:s21], [sflag:$0xF], $0x2800, $0x38;
	[tilespmem:$0x1BE90] =	vst v63  }
0x102: {  	_ =	swait.ge [sflag:s29], $0x2800  }
0x103: {  	[sflag:s29] =	ssyncset.done $0x0  }
0x104: {  	s23 =	simm.s32 $0xC;
	s15 =	rddreg [dreg:$0x1e];
	[sflag:s29] =	ssyncadd.s32 $0xFFFFD800  }
0x105: {  	[hbm4b:s15+s1] =	stream.linear.scatter [tilespmem:s11], [sflag:$0x12], $0x2800, $0x38;
	[tilespmem:$0x1BE90] =	vst v63  }
0x106: {  	_ =	swait.ge [sflag:s23], $0x2800  }
0x107: {  	s15 =	sld [smem:$0x7F8]  }
0x108: {  	[sflag:s23] =	ssyncset.done $0x0  }
0x109: {  	[sflag:s23] =	ssyncadd.s32 $0xFFFFD800  }
0x10a: {  	[tilespmem:s17], [sflag:$0x3] =	stream.indirect.gather [hbm4b:s2+s16], $0x80, s15, s16, $0xb8;
	[tilespmem:$0x1BE90] =	vst v63  }
0x10b: {  	_ =	swait.ge [sflag:s22], $0x2800  }
0x10c: {  	s17 =	sld [smem:$0x7F9]  }
0x10d: {  	[sflag:s22] =	ssyncset.done $0x0  }
0x10e: {  	[sflag:s22] =	ssyncadd.s32 $0xFFFFD800  }
0x10f: {  	[tilespmem:s21], [sflag:$0x6] =	stream.indirect.gather [spmem:s28], $0x80, s17, s16, $0xb8;
	[tilespmem:$0x1BE90] =	vst v63  }
0x110: {  	_ =	swait.ge [sflag:s20], $0x2800  }
0x111: {  	s17 =	sld [smem:$0x7FA]  }
0x112: {  	[sflag:s20] =	ssyncset.done $0x0  }
0x113: {  	[sflag:s20] =	ssyncadd.s32 $0xFFFFD800  }
0x114: {  	[tilespmem:s11], [sflag:$0x9] =	stream.indirect.gather [spmem:s3], $0x80, s17, s16, $0xb8;
	[tilespmem:$0x1BE90] =	vst v63  }
0x115: {  	_ =	swait.ge [sflag:s8], $0x2800  }
0x116: {  	[sflag:s8] =	ssyncset.done $0x0  }
0x117: {  	s17 =	rddreg [dreg:$0x1f];
	[sflag:s8] =	ssyncadd.s32 $0xFFFFD800  }
0x118: {  	[hbm4b:s17+s1] =	stream.linear.scatter [tilespmem:s5], [sflag:$0xA], $0x2800, $0x38;
	[tilespmem:$0x1BE90] =	vst v63  }
0x119: {  	_ =	swait.ge [sflag:s13], $0x2800  }
0x11a: {  	s17 =	sld [smem:$0x7D8]  }
0x11b: {  	[sflag:s13] =	ssyncset.done $0x0  }
0x11c: {  	[sflag:s13] =	ssyncadd.s32 $0xFFFFD800  }
0x11d: {  	[hbm4b:s17+s1] =	stream.linear.scatter [tilespmem:s6], [sflag:$0xD], $0x2800, $0x38;
	[tilespmem:$0x1BE90] =	vst v63  }
0x11e: {  	_ =	swait.ge [sflag:s12], $0x2800  }
0x11f: {  	s8 =	sld [smem:$0x7D9]  }
0x120: {  	[sflag:s12] =	ssyncset.done $0x0  }
0x121: {  	s9 =	simm.s32 $0xA;
	[sflag:s12] =	ssyncadd.s32 $0xFFFFD800  }
0x122: {  	[hbm4b:s8+s1] =	stream.linear.scatter [tilespmem:s24], [sflag:$0x10], $0x2800, $0x38;
	[tilespmem:$0x1BE90] =	vst v63  }
0x123: {  	_ =	swait.ge [sflag:s9], $0x2800  }
0x124: {  	s17 =	sld [smem:$0x7FB]  }
0x125: {  	[sflag:s9] =	ssyncset.done $0x0  }
0x126: {  	[sflag:s9] =	ssyncadd.s32 $0xFFFFD800  }
0x127: {  	[tilespmem:s5], [sflag:$0x1] =	stream.indirect.gather [hbm4b:s2+s16], $0x80, s17, s16, $0xb8;
	[tilespmem:$0x1BE90] =	vst v63  }
0x128: {  	_ =	swait.ge [sflag:s4], $0x2800  }
0x129: {  	s8 =	sld [smem:$0x7FC]  }
0x12a: {  	[sflag:s4] =	ssyncset.done $0x0  }
0x12b: {  	[sflag:s4] =	ssyncadd.s32 $0xFFFFD800  }
0x12c: {  	[tilespmem:s6], [sflag:$0x4] =	stream.indirect.gather [spmem:s28], $0x80, s8, s16, $0xb8;
	[tilespmem:$0x1BE90] =	vst v63  }
0x12d: {  	_ =	swait.ge [sflag:s10], $0x2800  }
0x12e: {  	s17 =	sld [smem:$0x7FD]  }
0x12f: {  	[sflag:s10] =	ssyncset.done $0x0  }
0x130: {  	s14 =	simm.s32 $0x2;
	[sflag:s10] =	ssyncadd.s32 $0xFFFFD800  }
0x131: {  	[tilespmem:s24], [sflag:$0x7] =	stream.indirect.gather [spmem:s3], $0x80, s17, s16, $0xb8;
	[tilespmem:$0x1BE90] =	vst v63  }
0x132: {  	_ =	swait.ge [sflag:s14], $0x2800  }
0x133: {  	s4 =	sld [smem:$0x7DA]  }
0x134: {  	[sflag:s14] =	ssyncset.done $0x0  }
0x135: {  	s0 =	simm.s32 $0x5;
	[sflag:s14] =	ssyncadd.s32 $0xFFFFD800  }
0x136: {  	[hbm4b:s4+s1] =	stream.linear.scatter [tilespmem:s18], [sflag:$0xB], $0x2800, $0x38;
	[tilespmem:$0x1BE90] =	vst v63  }
0x137: {  	_ =	swait.ge [sflag:s0], $0x2800  }
0x138: {  	s8 =	sld [smem:$0x7DB]  }
0x139: {  	[sflag:s0] =	ssyncset.done $0x0  }
0x13a: {  	s31 =	simm.s32 $0x8;
	s18 =	simm.s32 $0xB800;
	[sflag:s0] =	ssyncadd.s32 $0xFFFFD800  }
0x13b: {  	[hbm4b:s8+s1] =	stream.linear.scatter [tilespmem:s18], [sflag:$0xE], $0x2800, $0x38;
	[tilespmem:$0x1BE90] =	vst v63  }
0x13c: {  	_ =	swait.ge [sflag:s31], $0x2800  }
0x13d: {  	s4 =	sld [smem:$0x7DC]  }
0x13e: {  	[sflag:s31] =	ssyncset.done $0x0  }
0x13f: {  	s30 =	simm.s32 $0x3;
	[sflag:s31] =	ssyncadd.s32 $0xFFFFD800  }
0x140: {  	[hbm4b:s4+s1] =	stream.linear.scatter [tilespmem:s7], [sflag:$0x11], $0x2800, $0x38;
	[tilespmem:$0x1BE90] =	vst v63  }
0x141: {  	_ =	swait.ge [sflag:s30], $0x2800  }
0x142: {  	s8 =	sld [smem:$0x7DD]  }
0x143: {  	[sflag:s30] =	ssyncset.done $0x0  }
0x144: {  	s29 =	simm.s32 $0x6;
	s15 =	simm.s32 $0x6800;
	[sflag:s30] =	ssyncadd.s32 $0xFFFFD800  }
0x145: {  	[hbm4b:s8+s1] =	stream.linear.scatter [tilespmem:s15], [sflag:$0xC], $0x2800, $0x38;
	[tilespmem:$0x1BE90] =	vst v63  }
0x146: {  	_ =	swait.ge [sflag:s29], $0x2800  }
0x147: {  	s4 =	sld [smem:$0x7DE]  }
0x148: {  	[sflag:s29] =	ssyncset.done $0x0  }
0x149: {  	s17 =	simm.s32 $0x9;
	[sflag:s29] =	ssyncadd.s32 $0xFFFFD800  }
0x14a: {  	[hbm4b:s4+s1] =	stream.linear.scatter [tilespmem:s21], [sflag:$0xF], $0x2800, $0x38;
	[tilespmem:$0x1BE90] =	vst v63  }
0x14b: {  	_ =	swait.ge [sflag:s17], $0x2800  }
0x14c: {  	s7 =	sld [smem:$0x7DF]  }
0x14d: {  	[sflag:s17] =	ssyncset.done $0x0  }
0x14e: {  	s13 =	simm.s32 $0x1;
	[sflag:s17] =	ssyncadd.s32 $0xFFFFD800  }
0x14f: {  	[hbm4b:s7+s1] =	stream.linear.scatter [tilespmem:s11], [sflag:$0x12], $0x2800, $0x38;
	[tilespmem:$0x1BE90] =	vst v63  }
0x150: {  	_ =	swait.ge [sflag:s13], $0x2800  }
0x151: {  	s8 =	sld [smem:$0x7E0]  }
0x152: {  	[sflag:s13] =	ssyncset.done $0x0  }
0x153: {  	s12 =	simm.s32 $0x4;
	[sflag:s13] =	ssyncadd.s32 $0xFFFFD800  }
0x154: {  	[hbm4b:s8+s1] =	stream.linear.scatter [tilespmem:s5], [sflag:$0xA], $0x2800, $0x38;
	[tilespmem:$0x1BE90] =	vst v63  }
0x155: {  	_ =	swait.ge [sflag:s12], $0x2800  }
0x156: {  	s15 =	sld [smem:$0x7E1]  }
0x157: {  	[sflag:s12] =	ssyncset.done $0x0  }
0x158: {  	s11 =	simm.s32 $0x7;
	[sflag:s12] =	ssyncadd.s32 $0xFFFFD800  }
0x159: {  	[hbm4b:s15+s1] =	stream.linear.scatter [tilespmem:s6], [sflag:$0xD], $0x2800, $0x38;
	[tilespmem:$0x1BE90] =	vst v63  }
0x15a: {  	_ =	swait.ge [sflag:s11], $0x2800  }
0x15b: {  	s17 =	sld [smem:$0x7E2]  }
0x15c: {  	[sflag:s11] =	ssyncset.done $0x0  }
0x15d: {  	[sflag:s11] =	ssyncadd.s32 $0xFFFFD800  }
0x15e: {  	[hbm4b:s17+s1] =	stream.linear.scatter [tilespmem:s24], [sflag:$0x10], $0x2800, $0x38;
	[tilespmem:$0x1BE90] =	vst v63  }
0x15f: {  	_ =	swait.ge [sflag:s26], $0x2800  }
0x160: {  	[sflag:s26] =	ssyncset.done $0x0  }
0x161: {  	[sflag:s26] =	ssyncadd.s32 $0xFFFFD800  }
0x162: {  	_ =	swait.ge [sflag:s25], $0x2800  }
0x163: {  	[sflag:s25] =	ssyncset.done $0x0  }
0x164: {  	s22 =	simm.s32 $0x11;
	[sflag:s25] =	ssyncadd.s32 $0xFFFFD800  }
0x165: {  	_ =	swait.ge [sflag:s22], $0x2800  }
0x166: {  	[sflag:s22] =	ssyncset.done $0x0  }
0x167: {  	[sflag:s22] =	ssyncadd.s32 $0xFFFFD800  }
0x168: {  	_ =	swait.ge [sflag:s23], $0x2800  }
0x169: {  	[sflag:s23] =	ssyncset.done $0x0  }
0x16a: {  	s20 =	simm.s32 $0xF;
	[sflag:s23] =	ssyncadd.s32 $0xFFFFD800  }
0x16b: {  	_ =	swait.ge [sflag:s20], $0x2800  }
0x16c: {  	[sflag:s20] =	ssyncset.done $0x0  }
0x16d: {  	s18 =	simm.s32 $0x12;
	[sflag:s20] =	ssyncadd.s32 $0xFFFFD800  }
0x16e: {  	_ =	swait.ge [sflag:s18], $0x2800  }
0x16f: {  	[sflag:s18] =	ssyncset.done $0x0  }
0x170: {  	[sflag:s18] =	ssyncadd.s32 $0xFFFFD800  }
0x171: {  	_ =	swait.ge [sflag:s9], $0x2800  }
0x172: {  	[sflag:s9] =	ssyncset.done $0x0  }
0x173: {  	[sflag:s9] =	ssyncadd.s32 $0xFFFFD800;
	s9 =	simm.s32 $0xD  }
0x174: {  	_ =	swait.ge [sflag:s9], $0x2800  }
0x175: {  	s21 =	sld [smem:$0x7D7];
	_ =	sdelay $0x2  }
0x176: {  	s28 =	sadd.s32 $0xFFFFFFFF, s21  }
0x177: {  	p2 =	sne.s32 s28, $0x0  }
.Ltmp1:
0x178: {  	_ = 	snop;
	(pc) =	sbr.rel @!p2 .LBB2_3-.Ltmp1, $4  }
0x179: {  	[sflag:s9] =	ssyncset.done $0x0  }
0x17a: {  	[sflag:s9] =	ssyncadd.s32 $0xFFFFD800  }
0x17b: {  	_ =	swait.ge [sflag:s10], $0x2800  }
0x17c: {  	p1 =	por $0x1, $0x1;
	s21 =	rddreg [dreg:$0x8];
	[sflag:s10] =	ssyncset.done $0x0  }
.LBB2_4:
0x17d: {  	s4 =	sld [smem:$0x7D5];
	_ =	sdelay $0x1  }
0x17e: {  	[sflag:s10] =	ssyncadd.s32 $0xFFFFD800;
	s0 =	simm.s32 @!p0 $0x1C13  }
0x17f: {  	[spmem:s4], [sflag:s0] =	dma.local @!p0 [hbm:s21], $0x3E90  }
0x180: {  	s4 =	simm.s32 @!p0 $0x13  }
0x181: {  	_ =	swait.ge @!p0 [sflag:s4], $0x3E90  }
0x182: {  	s5 =	sld [smem:$0x7D6]  }
0x183: {  	[sflag:s4] =	ssyncset.done @!p0 $0x0  }
0x184: {  	s21 =	rddreg [dreg:$0x9];
	[sflag:s4] =	ssyncadd.s32 @!p0 $0xFFFFC170  }
0x185: {  	[spmem:s5], [sflag:s0] =	dma.local @!p0 [hbm:s21], $0x3E90  }
0x186: {  	_ =	swait.ge @!p0 [sflag:s4], $0x3E90  }
0x187: {  	[sflag:s4] =	ssyncset.done @!p0 $0x0  }
0x188: {  	s22 =	simm.s32 $0x13;
	s20 =	rddreg [dreg:$0xa];
	[sflag:s4] =	ssyncadd.s32 @!p0 $0xFFFFC170  }
0x189: {  	[tilespmem:s1], [sflag:$0x13] =	stream.linear.gather [hbm4b:s20+s1], $0x500, $0x38;
	[tilespmem:$0x1BE90] =	vst v63  }
0x18a: {  	_ =	swait.ge [sflag:s22], $0x500  }
0x18b: {  	[sflag:s22] =	ssyncset.done $0x0  }
0x18c: {  	s25 =	simm.s32 $0x800;
	s23 =	rddreg [dreg:$0xb];
	[sflag:s22] =	ssyncadd.s32 $0xFFFFFB00  }
0x18d: {  	[tilespmem:s25], [sflag:$0x13] =	stream.linear.gather [hbm4b:s23+s1], $0x500, $0x38;
	[tilespmem:$0x1BE90] =	vst v63  }
0x18e: {  	_ =	swait.ge [sflag:s22], $0x500  }
0x18f: {  	[sflag:s22] =	ssyncset.done $0x0  }
0x190: {  	s6 =	simm.s32 $0x1000;
	s26 =	rddreg [dreg:$0xc];
	[sflag:s22] =	ssyncadd.s32 $0xFFFFFB00  }
0x191: {  	[tilespmem:s6], [sflag:$0x13] =	stream.linear.gather [hbm4b:s26+s1], $0x500, $0x38;
	[tilespmem:$0x1BE90] =	vst v63  }
0x192: {  	_ =	swait.ge [sflag:s22], $0x500  }
0x193: {  	[sflag:s22] =	ssyncset.done $0x0  }
0x194: {  	[sflag:s22] =	ssyncadd.s32 $0xFFFFFB00  }
0x195: {  	s17 =	simm.s32 $0x1800;
	[bflag:$0x0] =	sbarrier.arrive $0xFFFF  }
0x196: {  	[tilespmem:s17], [sflag:$0x1] =	stream.indirect.gather [hbm4b:s2+s16], $0x80, s1, s16, $0xb8;
	[tilespmem:$0x1BE90] =	vst v63  }
0x197: {  	s19 =	rddreg [dreg:$0x5]  }
0x198: {  	s7 =	simm.s32 $0x9000;
	s8 =	sld [smem:$0x7E3]  }
0x199: {  	[tilespmem:s7], [sflag:$0x4] =	stream.indirect.gather [spmem:s19], $0x80, s25, s16, $0xb8;
	[tilespmem:$0x1BE90] =	vst v63  }
0x19a: {  	s11 =	sld [smem:$0x7E4]  }
0x19b: {  	[tilespmem:s24], [sflag:$0x7] =	stream.indirect.gather [spmem:s3], $0x80, s6, s16, $0xb8;
	[tilespmem:$0x1BE90] =	vst v63  }
0x19c: {  	s17 =	simm.s32 $0x4000;
	s12 =	sld [smem:$0x7E5]  }
0x19d: {  	[tilespmem:s17], [sflag:$0x2] =	stream.indirect.gather [hbm4b:s2+s16], $0x80, s8, s16, $0xb8;
	[tilespmem:$0x1BE90] =	vst v63  }
0x19e: {  	s18 =	simm.s32 $0xB800;
	s13 =	sld [smem:$0x7E6]  }
0x19f: {  	[tilespmem:s18], [sflag:$0x5] =	stream.indirect.gather [spmem:s19], $0x80, s11, s16, $0xb8;
	[tilespmem:$0x1BE90] =	vst v63  }
0x1a0: {  	s7 =	simm.s32 $0x13000;
	s8 =	sld [smem:$0x7E7]  }
0x1a1: {  	[tilespmem:s7], [sflag:$0x8] =	stream.indirect.gather [spmem:s3], $0x80, s12, s16, $0xb8;
	[tilespmem:$0x1BE90] =	vst v63  }
0x1a2: {  	s11 =	rddreg [dreg:$0x0];
	s12 =	simm.s32 $0x6800  }
0x1a3: {  	[tilespmem:s12], [sflag:$0x3] =	stream.indirect.gather [hbm4b:s11+s16], $0x80, s13, s16, $0xb8;
	[tilespmem:$0x1BE90] =	vst v63  }
0x1a4: {  	s24 =	sld [smem:$0x7E8];
	s13 =	simm.s32 $0xE000  }
0x1a5: {  	[tilespmem:s13], [sflag:$0x6] =	stream.indirect.gather [spmem:s19], $0x80, s8, s16, $0xb8;
	[tilespmem:$0x1BE90] =	vst v63  }
0x1a6: {  	s21 =	simm.s32 $0x15800;
	s3 =	rddreg [dreg:$0x6];
	s8 =	simm.s32 $0x1  }
0x1a7: {  	[tilespmem:s21], [sflag:$0x9] =	stream.indirect.gather [spmem:s3], $0x80, s24, s16, $0xb8;
	[tilespmem:$0x1BE90] =	vst v63  }
0x1a8: {  	_ =	swait.ge [sflag:s8], $0x2800  }
0x1a9: {  	s5 =	simm.s32 $0x1800;
	[sflag:s8] =	ssyncset.done $0x0  }
0x1aa: {  	s13 =	simm.s32 $0x4;
	s3 =	rddreg [dreg:$0xd];
	[sflag:s8] =	ssyncadd.s32 $0xFFFFD800  }
0x1ab: {  	[hbm4b:s3+s1] =	stream.linear.scatter [tilespmem:s5], [sflag:$0xA], $0x2800, $0x38;
	[tilespmem:$0x1BE90] =	vst v63  }
0x1ac: {  	_ =	swait.ge [sflag:s13], $0x2800  }
0x1ad: {  	s6 =	simm.s32 $0x9000;
	[sflag:s13] =	ssyncset.done $0x0  }
0x1ae: {  	s12 =	simm.s32 $0x7;
	s3 =	rddreg [dreg:$0xe];
	[sflag:s13] =	ssyncadd.s32 $0xFFFFD800  }
0x1af: {  	[hbm4b:s3+s1] =	stream.linear.scatter [tilespmem:s6], [sflag:$0xD], $0x2800, $0x38;
	[tilespmem:$0x1BE90] =	vst v63  }
0x1b0: {  	_ =	swait.ge [sflag:s12], $0x2800  }
0x1b1: {  	s9 =	simm.s32 $0xA;
	[sflag:s12] =	ssyncset.done $0x0  }
0x1b2: {  	s24 =	simm.s32 $0x10800;
	s3 =	rddreg [dreg:$0xf];
	[sflag:s12] =	ssyncadd.s32 $0xFFFFD800  }
0x1b3: {  	[hbm4b:s3+s1] =	stream.linear.scatter [tilespmem:s24], [sflag:$0x10], $0x2800, $0x38;
	[tilespmem:$0x1BE90] =	vst v63  }
0x1b4: {  	_ =	swait.ge [sflag:s9], $0x2800  }
0x1b5: {  	s21 =	sld [smem:$0x7E9];
	[sflag:s9] =	ssyncset.done $0x0  }
0x1b6: {  	[sflag:s9] =	ssyncadd.s32 $0xFFFFD800  }
0x1b7: {  	s10 =	simm.s32 $0xD;
	s3 =	rddreg [dreg:$0x0]  }
0x1b8: {  	[tilespmem:s5], [sflag:$0x1] =	stream.indirect.gather [hbm4b:s3+s16], $0x80, s21, s16, $0xb8;
	[tilespmem:$0x1BE90] =	vst v63  }
0x1b9: {  	s3 =	rddreg [dreg:$0x6];
	_ =	swait.ge [sflag:s10], $0x2800  }
0x1ba: {  	s21 =	sld [smem:$0x7EA]  }
0x1bb: {  	[sflag:s10] =	ssyncset.done $0x0  }
0x1bc: {  	[sflag:s10] =	ssyncadd.s32 $0xFFFFD800;
	s10 =	simm.s32 $0x10  }
0x1bd: {  	[tilespmem:s6], [sflag:$0x4] =	stream.indirect.gather [spmem:s19], $0x80, s21, s16, $0xb8;
	[tilespmem:$0x1BE90] =	vst v63  }
0x1be: {  	_ =	swait.ge [sflag:s10], $0x2800  }
0x1bf: {  	s21 =	sld [smem:$0x7EB]  }
0x1c0: {  	[sflag:s10] =	ssyncset.done $0x0  }
0x1c1: {  	s15 =	simm.s32 $0x2;
	[sflag:s10] =	ssyncadd.s32 $0xFFFFD800  }
0x1c2: {  	[tilespmem:s24], [sflag:$0x7] =	stream.indirect.gather [spmem:s3], $0x80, s21, s16, $0xb8;
	[tilespmem:$0x1BE90] =	vst v63  }
0x1c3: {  	_ =	swait.ge [sflag:s15], $0x2800  }
0x1c4: {  	[sflag:s15] =	ssyncset.done $0x0  }
0x1c5: {  	s14 =	simm.s32 $0x5;
	s21 =	rddreg [dreg:$0x10];
	[sflag:s15] =	ssyncadd.s32 $0xFFFFD800  }
0x1c6: {  	[hbm4b:s21+s1] =	stream.linear.scatter [tilespmem:s17], [sflag:$0xB], $0x2800, $0x38;
	[tilespmem:$0x1BE90] =	vst v63  }
0x1c7: {  	_ =	swait.ge [sflag:s14], $0x2800  }
0x1c8: {  	[sflag:s14] =	ssyncset.done $0x0  }
0x1c9: {  	s0 =	simm.s32 $0x8;
	s21 =	rddreg [dreg:$0x11];
	[sflag:s14] =	ssyncadd.s32 $0xFFFFD800  }
0x1ca: {  	[hbm4b:s21+s1] =	stream.linear.scatter [tilespmem:s18], [sflag:$0xE], $0x2800, $0x38;
	[tilespmem:$0x1BE90] =	vst v63  }
0x1cb: {  	_ =	swait.ge [sflag:s0], $0x2800  }
0x1cc: {  	s2 =	simm.s32 $0xB;
	[sflag:s0] =	ssyncset.done $0x0  }
0x1cd: {  	s7 =	simm.s32 $0x13000;
	s21 =	rddreg [dreg:$0x12];
	[sflag:s0] =	ssyncadd.s32 $0xFFFFD800  }
0x1ce: {  	[hbm4b:s21+s1] =	stream.linear.scatter [tilespmem:s7], [sflag:$0x11], $0x2800, $0x38;
	[tilespmem:$0x1BE90] =	vst v63  }
0x1cf: {  	_ =	swait.ge [sflag:s2], $0x2800  }
0x1d0: {  	s21 =	sld [smem:$0x7EC];
	[sflag:s2] =	ssyncset.done $0x0  }
0x1d1: {  	[sflag:s2] =	ssyncadd.s32 $0xFFFFD800  }
0x1d2: {  	s26 =	simm.s32 $0xE;
	s2 =	rddreg [dreg:$0x0]  }
0x1d3: {  	[tilespmem:s17], [sflag:$0x2] =	stream.indirect.gather [hbm4b:s2+s16], $0x80, s21, s16, $0xb8;
	[tilespmem:$0x1BE90] =	vst v63  }
0x1d4: {  	_ =	swait.ge [sflag:s26], $0x2800  }
0x1d5: {  	s21 =	sld [smem:$0x7ED]  }
0x1d6: {  	[sflag:s26] =	ssyncset.done $0x0  }
0x1d7: {  	s23 =	simm.s32 $0x11;
	[sflag:s26] =	ssyncadd.s32 $0xFFFFD800  }
0x1d8: {  	[tilespmem:s18], [sflag:$0x5] =	stream.indirect.gather [spmem:s19], $0x80, s21, s16, $0xb8;
	[tilespmem:$0x1BE90] =	vst v63  }
0x1d9: {  	_ =	swait.ge [sflag:s23], $0x2800  }
0x1da: {  	s21 =	sld [smem:$0x7EE]  }
0x1db: {  	[sflag:s23] =	ssyncset.done $0x0  }
0x1dc: {  	s31 =	simm.s32 $0x3;
	[sflag:s23] =	ssyncadd.s32 $0xFFFFD800  }
0x1dd: {  	[tilespmem:s7], [sflag:$0x8] =	stream.indirect.gather [spmem:s3], $0x80, s21, s16, $0xb8;
	[tilespmem:$0x1BE90] =	vst v63  }
0x1de: {  	_ =	swait.ge [sflag:s31], $0x2800  }
0x1df: {  	s30 =	simm.s32 $0x6;
	[sflag:s31] =	ssyncset.done $0x0  }
0x1e0: {  	s4 =	simm.s32 $0x6800;
	s7 =	rddreg [dreg:$0x13];
	[sflag:s31] =	ssyncadd.s32 $0xFFFFD800  }
0x1e1: {  	[hbm4b:s7+s1] =	stream.linear.scatter [tilespmem:s4], [sflag:$0xC], $0x2800, $0x38;
	[tilespmem:$0x1BE90] =	vst v63  }
0x1e2: {  	_ =	swait.ge [sflag:s30], $0x2800  }
0x1e3: {  	s29 =	simm.s32 $0x9;
	[sflag:s30] =	ssyncset.done $0x0  }
0x1e4: {  	s11 =	simm.s32 $0xE000;
	s7 =	rddreg [dreg:$0x14];
	[sflag:s30] =	ssyncadd.s32 $0xFFFFD800  }
0x1e5: {  	[hbm4b:s7+s1] =	stream.linear.scatter [tilespmem:s11], [sflag:$0xF], $0x2800, $0x38;
	[tilespmem:$0x1BE90] =	vst v63  }
0x1e6: {  	_ =	swait.ge [sflag:s29], $0x2800  }
0x1e7: {  	s25 =	simm.s32 $0xC;
	[sflag:s29] =	ssyncset.done $0x0  }
0x1e8: {  	s7 =	simm.s32 $0x15800;
	s21 =	rddreg [dreg:$0x15];
	[sflag:s29] =	ssyncadd.s32 $0xFFFFD800  }
0x1e9: {  	[hbm4b:s21+s1] =	stream.linear.scatter [tilespmem:s7], [sflag:$0x12], $0x2800, $0x38;
	[tilespmem:$0x1BE90] =	vst v63  }
0x1ea: {  	_ =	swait.ge [sflag:s25], $0x2800  }
0x1eb: {  	s21 =	sld [smem:$0x7EF]  }
0x1ec: {  	[sflag:s25] =	ssyncset.done $0x0  }
0x1ed: {  	s22 =	simm.s32 $0xF;
	[sflag:s25] =	ssyncadd.s32 $0xFFFFD800  }
0x1ee: {  	[tilespmem:s4], [sflag:$0x3] =	stream.indirect.gather [hbm4b:s2+s16], $0x80, s21, s16, $0xb8;
	[tilespmem:$0x1BE90] =	vst v63  }
0x1ef: {  	_ =	swait.ge [sflag:s22], $0x2800  }
0x1f0: {  	s4 =	sld [smem:$0x7F0]  }
0x1f1: {  	[sflag:s22] =	ssyncset.done $0x0  }
0x1f2: {  	s20 =	simm.s32 $0x12;
	[sflag:s22] =	ssyncadd.s32 $0xFFFFD800  }
0x1f3: {  	[tilespmem:s11], [sflag:$0x6] =	stream.indirect.gather [spmem:s19], $0x80, s4, s16, $0xb8;
	[tilespmem:$0x1BE90] =	vst v63  }
0x1f4: {  	_ =	swait.ge [sflag:s20], $0x2800  }
0x1f5: {  	s4 =	sld [smem:$0x7F1]  }
0x1f6: {  	[sflag:s20] =	ssyncset.done $0x0  }
0x1f7: {  	[sflag:s20] =	ssyncadd.s32 $0xFFFFD800  }
0x1f8: {  	[tilespmem:s7], [sflag:$0x9] =	stream.indirect.gather [spmem:s3], $0x80, s4, s16, $0xb8;
	[tilespmem:$0x1BE90] =	vst v63  }
0x1f9: {  	_ =	swait.ge [sflag:s8], $0x2800  }
0x1fa: {  	[sflag:s8] =	ssyncset.done $0x0  }
0x1fb: {  	s11 =	rddreg [dreg:$0x16];
	[sflag:s8] =	ssyncadd.s32 $0xFFFFD800  }
0x1fc: {  	[hbm4b:s11+s1] =	stream.linear.scatter [tilespmem:s5], [sflag:$0xA], $0x2800, $0x38;
	[tilespmem:$0x1BE90] =	vst v63  }
0x1fd: {  	_ =	swait.ge [sflag:s13], $0x2800  }
0x1fe: {  	[sflag:s13] =	ssyncset.done $0x0  }
0x1ff: {  	s4 =	rddreg [dreg:$0x17];
	[sflag:s13] =	ssyncadd.s32 $0xFFFFD800  }
0x200: {  	[hbm4b:s4+s1] =	stream.linear.scatter [tilespmem:s6], [sflag:$0xD], $0x2800, $0x38;
	[tilespmem:$0x1BE90] =	vst v63  }
0x201: {  	_ =	swait.ge [sflag:s12], $0x2800  }
0x202: {  	[sflag:s12] =	ssyncset.done $0x0  }
0x203: {  	s7 =	rddreg [dreg:$0x18];
	[sflag:s12] =	ssyncadd.s32 $0xFFFFD800  }
0x204: {  	[hbm4b:s7+s1] =	stream.linear.scatter [tilespmem:s24], [sflag:$0x10], $0x2800, $0x38;
	[tilespmem:$0x1BE90] =	vst v63  }
0x205: {  	_ =	swait.ge [sflag:s9], $0x2800  }
0x206: {  	s11 =	sld [smem:$0x7F2]  }
0x207: {  	[sflag:s9] =	ssyncset.done $0x0  }
0x208: {  	[sflag:s9] =	ssyncadd.s32 $0xFFFFD800;
	s9 =	simm.s32 $0xD  }
0x209: {  	[tilespmem:s5], [sflag:$0x1] =	stream.indirect.gather [hbm4b:s2+s16], $0x80, s11, s16, $0xb8;
	[tilespmem:$0x1BE90] =	vst v63  }
0x20a: {  	_ =	swait.ge [sflag:s9], $0x2800  }
0x20b: {  	s4 =	sld [smem:$0x7F3]  }
0x20c: {  	[sflag:s9] =	ssyncset.done $0x0  }
0x20d: {  	[sflag:s9] =	ssyncadd.s32 $0xFFFFD800  }
0x20e: {  	[tilespmem:s6], [sflag:$0x4] =	stream.indirect.gather [spmem:s19], $0x80, s4, s16, $0xb8;
	[tilespmem:$0x1BE90] =	vst v63  }
0x20f: {  	_ =	swait.ge [sflag:s10], $0x2800  }
0x210: {  	s7 =	sld [smem:$0x7F4]  }
0x211: {  	[sflag:s10] =	ssyncset.done $0x0  }
0x212: {  	[sflag:s10] =	ssyncadd.s32 $0xFFFFD800  }
0x213: {  	[tilespmem:s24], [sflag:$0x7] =	stream.indirect.gather [spmem:s3], $0x80, s7, s16, $0xb8;
	[tilespmem:$0x1BE90] =	vst v63  }
0x214: {  	_ =	swait.ge [sflag:s15], $0x2800  }
0x215: {  	[sflag:s15] =	ssyncset.done $0x0  }
0x216: {  	s11 =	rddreg [dreg:$0x19];
	[sflag:s15] =	ssyncadd.s32 $0xFFFFD800  }
0x217: {  	[hbm4b:s11+s1] =	stream.linear.scatter [tilespmem:s17], [sflag:$0xB], $0x2800, $0x38;
	[tilespmem:$0x1BE90] =	vst v63  }
0x218: {  	_ =	swait.ge [sflag:s14], $0x2800  }
0x219: {  	[sflag:s14] =	ssyncset.done $0x0  }
0x21a: {  	s4 =	rddreg [dreg:$0x1a];
	[sflag:s14] =	ssyncadd.s32 $0xFFFFD800  }
0x21b: {  	[hbm4b:s4+s1] =	stream.linear.scatter [tilespmem:s18], [sflag:$0xE], $0x2800, $0x38;
	[tilespmem:$0x1BE90] =	vst v63  }
0x21c: {  	_ =	swait.ge [sflag:s0], $0x2800  }
0x21d: {  	s26 =	simm.s32 $0xB;
	[sflag:s0] =	ssyncset.done $0x0  }
0x21e: {  	s4 =	simm.s32 $0x13000;
	s7 =	rddreg [dreg:$0x1b];
	[sflag:s0] =	ssyncadd.s32 $0xFFFFD800  }
0x21f: {  	[hbm4b:s7+s1] =	stream.linear.scatter [tilespmem:s4], [sflag:$0x11], $0x2800, $0x38;
	[tilespmem:$0x1BE90] =	vst v63  }
0x220: {  	_ =	swait.ge [sflag:s26], $0x2800  }
0x221: {  	s11 =	sld [smem:$0x7F5]  }
0x222: {  	[sflag:s26] =	ssyncset.done $0x0  }
0x223: {  	s25 =	simm.s32 $0xE;
	[sflag:s26] =	ssyncadd.s32 $0xFFFFD800  }
0x224: {  	[tilespmem:s17], [sflag:$0x2] =	stream.indirect.gather [hbm4b:s2+s16], $0x80, s11, s16, $0xb8;
	[tilespmem:$0x1BE90] =	vst v63  }
0x225: {  	_ =	swait.ge [sflag:s25], $0x2800  }
0x226: {  	s7 =	sld [smem:$0x7F6]  }
0x227: {  	[sflag:s25] =	ssyncset.done $0x0  }
0x228: {  	[sflag:s25] =	ssyncadd.s32 $0xFFFFD800  }
0x229: {  	[tilespmem:s18], [sflag:$0x5] =	stream.indirect.gather [spmem:s19], $0x80, s7, s16, $0xb8;
	[tilespmem:$0x1BE90] =	vst v63  }
0x22a: {  	_ =	swait.ge [sflag:s23], $0x2800  }
0x22b: {  	s11 =	sld [smem:$0x7F7]  }
0x22c: {  	[sflag:s23] =	ssyncset.done $0x0  }
0x22d: {  	[sflag:s23] =	ssyncadd.s32 $0xFFFFD800  }
0x22e: {  	[tilespmem:s4], [sflag:$0x8] =	stream.indirect.gather [spmem:s3], $0x80, s11, s16, $0xb8;
	[tilespmem:$0x1BE90] =	vst v63  }
0x22f: {  	_ =	swait.ge [sflag:s31], $0x2800  }
0x230: {  	[sflag:s31] =	ssyncset.done $0x0  }
0x231: {  	s7 =	simm.s32 $0x6800;
	s4 =	rddreg [dreg:$0x1c];
	[sflag:s31] =	ssyncadd.s32 $0xFFFFD800  }
0x232: {  	[hbm4b:s4+s1] =	stream.linear.scatter [tilespmem:s7], [sflag:$0xC], $0x2800, $0x38;
	[tilespmem:$0x1BE90] =	vst v63  }
0x233: {  	_ =	swait.ge [sflag:s30], $0x2800  }
0x234: {  	[sflag:s30] =	ssyncset.done $0x0  }
0x235: {  	s4 =	simm.s32 $0xE000;
	s11 =	rddreg [dreg:$0x1d];
	[sflag:s30] =	ssyncadd.s32 $0xFFFFD800  }
0x236: {  	[hbm4b:s11+s1] =	stream.linear.scatter [tilespmem:s4], [sflag:$0xF], $0x2800, $0x38;
	[tilespmem:$0x1BE90] =	vst v63  }
0x237: {  	_ =	swait.ge [sflag:s29], $0x2800  }
0x238: {  	s23 =	simm.s32 $0xC;
	[sflag:s29] =	ssyncset.done $0x0  }
0x239: {  	s11 =	simm.s32 $0x15800;
	s21 =	rddreg [dreg:$0x1e];
	[sflag:s29] =	ssyncadd.s32 $0xFFFFD800  }
0x23a: {  	[hbm4b:s21+s1] =	stream.linear.scatter [tilespmem:s11], [sflag:$0x12], $0x2800, $0x38;
	[tilespmem:$0x1BE90] =	vst v63  }
0x23b: {  	_ =	swait.ge [sflag:s23], $0x2800  }
0x23c: {  	s21 =	sld [smem:$0x7F8]  }
0x23d: {  	[sflag:s23] =	ssyncset.done $0x0  }
0x23e: {  	[sflag:s23] =	ssyncadd.s32 $0xFFFFD800  }
0x23f: {  	[tilespmem:s7], [sflag:$0x3] =	stream.indirect.gather [hbm4b:s2+s16], $0x80, s21, s16, $0xb8;
	[tilespmem:$0x1BE90] =	vst v63  }
0x240: {  	_ =	swait.ge [sflag:s22], $0x2800  }
0x241: {  	s21 =	sld [smem:$0x7F9]  }
0x242: {  	[sflag:s22] =	ssyncset.done $0x0  }
0x243: {  	[sflag:s22] =	ssyncadd.s32 $0xFFFFD800  }
0x244: {  	[tilespmem:s4], [sflag:$0x6] =	stream.indirect.gather [spmem:s19], $0x80, s21, s16, $0xb8;
	[tilespmem:$0x1BE90] =	vst v63  }
0x245: {  	_ =	swait.ge [sflag:s20], $0x2800  }
0x246: {  	s21 =	sld [smem:$0x7FA]  }
0x247: {  	[sflag:s20] =	ssyncset.done $0x0  }
0x248: {  	[sflag:s20] =	ssyncadd.s32 $0xFFFFD800  }
0x249: {  	[tilespmem:s11], [sflag:$0x9] =	stream.indirect.gather [spmem:s3], $0x80, s21, s16, $0xb8;
	[tilespmem:$0x1BE90] =	vst v63  }
0x24a: {  	_ =	swait.ge [sflag:s8], $0x2800  }
0x24b: {  	[sflag:s8] =	ssyncset.done $0x0  }
0x24c: {  	s21 =	rddreg [dreg:$0x1f];
	[sflag:s8] =	ssyncadd.s32 $0xFFFFD800  }
0x24d: {  	[hbm4b:s21+s1] =	stream.linear.scatter [tilespmem:s5], [sflag:$0xA], $0x2800, $0x38;
	[tilespmem:$0x1BE90] =	vst v63  }
0x24e: {  	_ =	swait.ge [sflag:s13], $0x2800  }
0x24f: {  	s8 =	sld [smem:$0x7D8]  }
0x250: {  	[sflag:s13] =	ssyncset.done $0x0  }
0x251: {  	[sflag:s13] =	ssyncadd.s32 $0xFFFFD800  }
0x252: {  	[hbm4b:s8+s1] =	stream.linear.scatter [tilespmem:s6], [sflag:$0xD], $0x2800, $0x38;
	[tilespmem:$0x1BE90] =	vst v63  }
0x253: {  	_ =	swait.ge [sflag:s12], $0x2800  }
0x254: {  	s8 =	sld [smem:$0x7D9]  }
0x255: {  	[sflag:s12] =	ssyncset.done $0x0  }
0x256: {  	s15 =	simm.s32 $0xA;
	[sflag:s12] =	ssyncadd.s32 $0xFFFFD800  }
0x257: {  	[hbm4b:s8+s1] =	stream.linear.scatter [tilespmem:s24], [sflag:$0x10], $0x2800, $0x38;
	[tilespmem:$0x1BE90] =	vst v63  }
0x258: {  	_ =	swait.ge [sflag:s15], $0x2800  }
0x259: {  	s8 =	sld [smem:$0x7FB]  }
0x25a: {  	[sflag:s15] =	ssyncset.done $0x0  }
0x25b: {  	[sflag:s15] =	ssyncadd.s32 $0xFFFFD800  }
0x25c: {  	[tilespmem:s5], [sflag:$0x1] =	stream.indirect.gather [hbm4b:s2+s16], $0x80, s8, s16, $0xb8;
	[tilespmem:$0x1BE90] =	vst v63  }
0x25d: {  	_ =	swait.ge [sflag:s9], $0x2800  }
0x25e: {  	s8 =	sld [smem:$0x7FC]  }
0x25f: {  	[sflag:s9] =	ssyncset.done $0x0  }
0x260: {  	[sflag:s9] =	ssyncadd.s32 $0xFFFFD800  }
0x261: {  	[tilespmem:s6], [sflag:$0x4] =	stream.indirect.gather [spmem:s19], $0x80, s8, s16, $0xb8;
	[tilespmem:$0x1BE90] =	vst v63  }
0x262: {  	_ =	swait.ge [sflag:s10], $0x2800  }
0x263: {  	s19 =	sld [smem:$0x7FD]  }
0x264: {  	[sflag:s10] =	ssyncset.done $0x0  }
0x265: {  	s14 =	simm.s32 $0x2;
	[sflag:s10] =	ssyncadd.s32 $0xFFFFD800  }
0x266: {  	[tilespmem:s24], [sflag:$0x7] =	stream.indirect.gather [spmem:s3], $0x80, s19, s16, $0xb8;
	[tilespmem:$0x1BE90] =	vst v63  }
0x267: {  	_ =	swait.ge [sflag:s14], $0x2800  }
0x268: {  	s8 =	sld [smem:$0x7DA]  }
0x269: {  	[sflag:s14] =	ssyncset.done $0x0  }
0x26a: {  	s0 =	simm.s32 $0x5;
	[sflag:s14] =	ssyncadd.s32 $0xFFFFD800  }
0x26b: {  	[hbm4b:s8+s1] =	stream.linear.scatter [tilespmem:s17], [sflag:$0xB], $0x2800, $0x38;
	[tilespmem:$0x1BE90] =	vst v63  }
0x26c: {  	_ =	swait.ge [sflag:s0], $0x2800  }
0x26d: {  	s19 =	sld [smem:$0x7DB]  }
0x26e: {  	[sflag:s0] =	ssyncset.done $0x0  }
0x26f: {  	s31 =	simm.s32 $0x8;
	[sflag:s0] =	ssyncadd.s32 $0xFFFFD800  }
0x270: {  	[hbm4b:s19+s1] =	stream.linear.scatter [tilespmem:s18], [sflag:$0xE], $0x2800, $0x38;
	[tilespmem:$0x1BE90] =	vst v63  }
0x271: {  	_ =	swait.ge [sflag:s31], $0x2800  }
0x272: {  	s8 =	sld [smem:$0x7DC]  }
0x273: {  	[sflag:s31] =	ssyncset.done $0x0  }
0x274: {  	s30 =	simm.s32 $0x3;
	s19 =	simm.s32 $0x13000;
	[sflag:s31] =	ssyncadd.s32 $0xFFFFD800  }
0x275: {  	[hbm4b:s8+s1] =	stream.linear.scatter [tilespmem:s19], [sflag:$0x11], $0x2800, $0x38;
	[tilespmem:$0x1BE90] =	vst v63  }
0x276: {  	_ =	swait.ge [sflag:s30], $0x2800  }
0x277: {  	s8 =	sld [smem:$0x7DD]  }
0x278: {  	[sflag:s30] =	ssyncset.done $0x0  }
0x279: {  	s29 =	simm.s32 $0x6;
	s7 =	simm.s32 $0x6800;
	[sflag:s30] =	ssyncadd.s32 $0xFFFFD800  }
0x27a: {  	[hbm4b:s8+s1] =	stream.linear.scatter [tilespmem:s7], [sflag:$0xC], $0x2800, $0x38;
	[tilespmem:$0x1BE90] =	vst v63  }
0x27b: {  	_ =	swait.ge [sflag:s29], $0x2800  }
0x27c: {  	s19 =	sld [smem:$0x7DE]  }
0x27d: {  	[sflag:s29] =	ssyncset.done $0x0  }
0x27e: {  	s4 =	simm.s32 $0xE000;
	s17 =	simm.s32 $0x9;
	[sflag:s29] =	ssyncadd.s32 $0xFFFFD800  }
0x27f: {  	[hbm4b:s19+s1] =	stream.linear.scatter [tilespmem:s4], [sflag:$0xF], $0x2800, $0x38;
	[tilespmem:$0x1BE90] =	vst v63  }
0x280: {  	_ =	swait.ge [sflag:s17], $0x2800  }
0x281: {  	s7 =	sld [smem:$0x7DF]  }
0x282: {  	[sflag:s17] =	ssyncset.done $0x0  }
0x283: {  	s11 =	simm.s32 $0x15800;
	s13 =	simm.s32 $0x1;
	[sflag:s17] =	ssyncadd.s32 $0xFFFFD800  }
0x284: {  	[hbm4b:s7+s1] =	stream.linear.scatter [tilespmem:s11], [sflag:$0x12], $0x2800, $0x38;
	[tilespmem:$0x1BE90] =	vst v63  }
0x285: {  	_ =	swait.ge [sflag:s13], $0x2800  }
0x286: {  	s8 =	sld [smem:$0x7E0]  }
0x287: {  	[sflag:s13] =	ssyncset.done $0x0  }
0x288: {  	s12 =	simm.s32 $0x4;
	[sflag:s13] =	ssyncadd.s32 $0xFFFFD800  }
0x289: {  	[hbm4b:s8+s1] =	stream.linear.scatter [tilespmem:s5], [sflag:$0xA], $0x2800, $0x38;
	[tilespmem:$0x1BE90] =	vst v63  }
0x28a: {  	_ =	swait.ge [sflag:s12], $0x2800  }
0x28b: {  	s17 =	sld [smem:$0x7E1]  }
0x28c: {  	[sflag:s12] =	ssyncset.done $0x0  }
0x28d: {  	s11 =	simm.s32 $0x7;
	[sflag:s12] =	ssyncadd.s32 $0xFFFFD800  }
0x28e: {  	[hbm4b:s17+s1] =	stream.linear.scatter [tilespmem:s6], [sflag:$0xD], $0x2800, $0x38;
	[tilespmem:$0x1BE90] =	vst v63  }
0x28f: {  	_ =	swait.ge [sflag:s11], $0x2800  }
0x290: {  	s19 =	sld [smem:$0x7E2]  }
0x291: {  	[sflag:s11] =	ssyncset.done $0x0  }
0x292: {  	[sflag:s11] =	ssyncadd.s32 $0xFFFFD800  }
0x293: {  	[hbm4b:s19+s1] =	stream.linear.scatter [tilespmem:s24], [sflag:$0x10], $0x2800, $0x38;
	[tilespmem:$0x1BE90] =	vst v63  }
0x294: {  	_ =	swait.ge [sflag:s26], $0x2800  }
0x295: {  	[sflag:s26] =	ssyncset.done $0x0  }
0x296: {  	[sflag:s26] =	ssyncadd.s32 $0xFFFFD800  }
0x297: {  	_ =	swait.ge [sflag:s25], $0x2800  }
0x298: {  	[sflag:s25] =	ssyncset.done $0x0  }
0x299: {  	s22 =	simm.s32 $0x11;
	[sflag:s25] =	ssyncadd.s32 $0xFFFFD800  }
0x29a: {  	_ =	swait.ge [sflag:s22], $0x2800  }
0x29b: {  	[sflag:s22] =	ssyncset.done $0x0  }
0x29c: {  	[sflag:s22] =	ssyncadd.s32 $0xFFFFD800  }
0x29d: {  	_ =	swait.ge [sflag:s23], $0x2800  }
0x29e: {  	[sflag:s23] =	ssyncset.done $0x0  }
0x29f: {  	s20 =	simm.s32 $0xF;
	[sflag:s23] =	ssyncadd.s32 $0xFFFFD800  }
0x2a0: {  	_ =	swait.ge [sflag:s20], $0x2800  }
0x2a1: {  	[sflag:s20] =	ssyncset.done $0x0  }
0x2a2: {  	s18 =	simm.s32 $0x12;
	[sflag:s20] =	ssyncadd.s32 $0xFFFFD800  }
0x2a3: {  	_ =	swait.ge [sflag:s18], $0x2800  }
0x2a4: {  	[sflag:s18] =	ssyncset.done $0x0  }
0x2a5: {  	[sflag:s18] =	ssyncadd.s32 $0xFFFFD800  }
0x2a6: {  	_ =	swait.ge [sflag:s15], $0x2800  }
0x2a7: {  	s28 =	sadd.s32 $0xFFFFFFFF, s28;
	[sflag:s15] =	ssyncset.done $0x0  }
0x2a8: {  	p2 =	sne.s32 s28, $0x0;
	[sflag:s15] =	ssyncadd.s32 $0xFFFFD800  }
.Ltmp2:
0x2a9: {  	_ =	swait.ge [sflag:s9], $0x2800;
	(pc) =	sbr.rel @p2 .LBB2_4-.Ltmp2, $4  }
0x2aa: {  	[sflag:s9] =	ssyncset.done $0x0  }
0x2ab: {  	[sflag:s9] =	ssyncadd.s32 $0xFFFFD800  }
0x2ac: {  	_ =	swait.ge [sflag:s10], $0x2800  }
0x2ad: {  	s21 =	rddreg [dreg:$0x8];
	[sflag:s10] =	ssyncset.done $0x0  }
0x2ae: {  	s4 =	rddreg [dreg:$0x5]  }
0x2af: {  	s8 =	sld [smem:$0x7D6]  }
0x2b0: {  	s24 =	simm.s32 $0x10800;
	s7 =	simm.s32 $0x13000;
	s15 =	sld [smem:$0x7D5]  }
.LBB2_6:
0x2b1: {  	_ = 	snop  }
0x2b2: {  	[sflag:s10] =	ssyncadd.s32 @p1 $0xFFFFD800;
	s17 =	simm.s32 @!p0 $0x1C13;
	s19 =	simm.s32 @!p0 $0x13  }
0x2b3: {  	[spmem:s15], [sflag:s17] =	dma.local @!p0 [hbm:s21], $0x3E90  }
0x2b4: {  	_ =	swait.ge @!p0 [sflag:s19], $0x3E90  }
0x2b5: {  	[sflag:s19] =	ssyncset.done @!p0 $0x0  }
0x2b6: {  	s21 =	rddreg [dreg:$0x9];
	[sflag:s19] =	ssyncadd.s32 @!p0 $0xFFFFC170  }
0x2b7: {  	[spmem:s8], [sflag:s17] =	dma.local @!p0 [hbm:s21], $0x3E90  }
0x2b8: {  	_ =	swait.ge @!p0 [sflag:s19], $0x3E90  }
0x2b9: {  	[sflag:s19] =	ssyncset.done @!p0 $0x0  }
0x2ba: {  	s8 =	simm.s32 $0x13;
	s15 =	rddreg [dreg:$0xa];
	[sflag:s19] =	ssyncadd.s32 @!p0 $0xFFFFC170  }
0x2bb: {  	[tilespmem:s1], [sflag:$0x13] =	stream.linear.gather [hbm4b:s15+s1], $0x500, $0x38;
	[tilespmem:$0x1BE90] =	vst v63  }
0x2bc: {  	_ =	swait.ge [sflag:s8], $0x500  }
0x2bd: {  	[sflag:s8] =	ssyncset.done $0x0  }
0x2be: {  	s21 =	simm.s32 $0x800;
	s19 =	rddreg [dreg:$0xb];
	[sflag:s8] =	ssyncadd.s32 $0xFFFFFB00  }
0x2bf: {  	[tilespmem:s21], [sflag:$0x13] =	stream.linear.gather [hbm4b:s19+s1], $0x500, $0x38;
	[tilespmem:$0x1BE90] =	vst v63  }
0x2c0: {  	_ =	swait.ge [sflag:s8], $0x500  }
0x2c1: {  	[sflag:s8] =	ssyncset.done $0x0  }
0x2c2: {  	s15 =	simm.s32 $0x1000;
	s28 =	rddreg [dreg:$0xc];
	[sflag:s8] =	ssyncadd.s32 $0xFFFFFB00  }
0x2c3: {  	[tilespmem:s15], [sflag:$0x13] =	stream.linear.gather [hbm4b:s28+s1], $0x500, $0x38;
	[tilespmem:$0x1BE90] =	vst v63  }
0x2c4: {  	_ =	swait.ge [sflag:s8], $0x500  }
0x2c5: {  	[sflag:s8] =	ssyncset.done $0x0  }
0x2c6: {  	[sflag:s8] =	ssyncadd.s32 $0xFFFFFB00  }
0x2c7: {  	[bflag:$0x0] =	sbarrier.arrive $0xFFFF  }
0x2c8: {  	[tilespmem:s5], [sflag:$0x1] =	stream.indirect.gather [hbm4b:s2+s16], $0x80, s1, s16, $0xb8;
	[tilespmem:$0x1BE90] =	vst v63  }
0x2c9: {  	_ = 	snop  }
0x2ca: {  	[tilespmem:s6], [sflag:$0x4] =	stream.indirect.gather [spmem:s4], $0x80, s21, s16, $0xb8;
	[tilespmem:$0x1BE90] =	vst v63  }
0x2cb: {  	s28 =	sld [smem:$0x7E3]  }
0x2cc: {  	[tilespmem:s24], [sflag:$0x7] =	stream.indirect.gather [spmem:s3], $0x80, s15, s16, $0xb8;
	[tilespmem:$0x1BE90] =	vst v63  }
0x2cd: {  	s8 =	sld [smem:$0x7E4];
	s24 =	simm.s32 $0x4000  }
0x2ce: {  	[tilespmem:s24], [sflag:$0x2] =	stream.indirect.gather [hbm4b:s2+s16], $0x80, s28, s16, $0xb8;
	[tilespmem:$0x1BE90] =	vst v63  }
0x2cf: {  	s19 =	sld [smem:$0x7E5];
	s21 =	simm.s32 $0xB800  }
0x2d0: {  	[tilespmem:s21], [sflag:$0x5] =	stream.indirect.gather [spmem:s4], $0x80, s8, s16, $0xb8;
	[tilespmem:$0x1BE90] =	vst v63  }
0x2d1: {  	s28 =	sld [smem:$0x7E6]  }
0x2d2: {  	[tilespmem:s7], [sflag:$0x8] =	stream.indirect.gather [spmem:s3], $0x80, s19, s16, $0xb8;
	[tilespmem:$0x1BE90] =	vst v63  }
0x2d3: {  	s8 =	sld [smem:$0x7E7];
	s19 =	simm.s32 $0x6800  }
0x2d4: {  	[tilespmem:s19], [sflag:$0x3] =	stream.indirect.gather [hbm4b:s2+s16], $0x80, s28, s16, $0xb8;
	[tilespmem:$0x1BE90] =	vst v63  }
0x2d5: {  	s7 =	simm.s32 $0xE000;
	s28 =	sld [smem:$0x7E8]  }
0x2d6: {  	[tilespmem:s7], [sflag:$0x6] =	stream.indirect.gather [spmem:s4], $0x80, s8, s16, $0xb8;
	[tilespmem:$0x1BE90] =	vst v63  }
0x2d7: {  	s15 =	simm.s32 $0x15800  }
0x2d8: {  	[tilespmem:s15], [sflag:$0x9] =	stream.indirect.gather [spmem:s3], $0x80, s28, s16, $0xb8;
	[tilespmem:$0x1BE90] =	vst v63  }
0x2d9: {  	_ =	swait.ge [sflag:s13], $0x2800  }
0x2da: {  	[sflag:s13] =	ssyncset.done $0x0  }
0x2db: {  	s19 =	rddreg [dreg:$0xd];
	[sflag:s13] =	ssyncadd.s32 $0xFFFFD800  }
0x2dc: {  	[hbm4b:s19+s1] =	stream.linear.scatter [tilespmem:s5], [sflag:$0xA], $0x2800, $0x38;
	[tilespmem:$0x1BE90] =	vst v63  }
0x2dd: {  	_ =	swait.ge [sflag:s12], $0x2800  }
0x2de: {  	[sflag:s12] =	ssyncset.done $0x0  }
0x2df: {  	s7 =	rddreg [dreg:$0xe];
	[sflag:s12] =	ssyncadd.s32 $0xFFFFD800  }
0x2e0: {  	[hbm4b:s7+s1] =	stream.linear.scatter [tilespmem:s6], [sflag:$0xD], $0x2800, $0x38;
	[tilespmem:$0x1BE90] =	vst v63  }
0x2e1: {  	_ =	swait.ge [sflag:s11], $0x2800  }
0x2e2: {  	s21 =	simm.s32 $0x10800;
	[sflag:s11] =	ssyncset.done $0x0  }
0x2e3: {  	s19 =	simm.s32 $0xA;
	s8 =	rddreg [dreg:$0xf];
	[sflag:s11] =	ssyncadd.s32 $0xFFFFD800  }
0x2e4: {  	[hbm4b:s8+s1] =	stream.linear.scatter [tilespmem:s21], [sflag:$0x10], $0x2800, $0x38;
	[tilespmem:$0x1BE90] =	vst v63  }
0x2e5: {  	_ =	swait.ge [sflag:s19], $0x2800  }
0x2e6: {  	s17 =	sld [smem:$0x7E9]  }
0x2e7: {  	[sflag:s19] =	ssyncset.done $0x0  }
0x2e8: {  	[sflag:s19] =	ssyncadd.s32 $0xFFFFD800  }
0x2e9: {  	[tilespmem:s5], [sflag:$0x1] =	stream.indirect.gather [hbm4b:s2+s16], $0x80, s17, s16, $0xb8;
	[tilespmem:$0x1BE90] =	vst v63  }
0x2ea: {  	_ =	swait.ge [sflag:s9], $0x2800  }
0x2eb: {  	s7 =	sld [smem:$0x7EA]  }
0x2ec: {  	[sflag:s9] =	ssyncset.done $0x0  }
0x2ed: {  	[sflag:s9] =	ssyncadd.s32 $0xFFFFD800  }
0x2ee: {  	[tilespmem:s6], [sflag:$0x4] =	stream.indirect.gather [spmem:s4], $0x80, s7, s16, $0xb8;
	[tilespmem:$0x1BE90] =	vst v63  }
0x2ef: {  	_ =	swait.ge [sflag:s10], $0x2800  }
0x2f0: {  	s8 =	sld [smem:$0x7EB]  }
0x2f1: {  	[sflag:s10] =	ssyncset.done $0x0  }
0x2f2: {  	[sflag:s10] =	ssyncadd.s32 $0xFFFFD800  }
0x2f3: {  	[tilespmem:s21], [sflag:$0x7] =	stream.indirect.gather [spmem:s3], $0x80, s8, s16, $0xb8;
	[tilespmem:$0x1BE90] =	vst v63  }
0x2f4: {  	_ =	swait.ge [sflag:s14], $0x2800  }
0x2f5: {  	[sflag:s14] =	ssyncset.done $0x0  }
0x2f6: {  	s17 =	rddreg [dreg:$0x10];
	[sflag:s14] =	ssyncadd.s32 $0xFFFFD800  }
0x2f7: {  	[hbm4b:s17+s1] =	stream.linear.scatter [tilespmem:s24], [sflag:$0xB], $0x2800, $0x38;
	[tilespmem:$0x1BE90] =	vst v63  }
0x2f8: {  	_ =	swait.ge [sflag:s0], $0x2800  }
0x2f9: {  	[sflag:s0] =	ssyncset.done $0x0  }
0x2fa: {  	s8 =	simm.s32 $0xB800;
	s7 =	rddreg [dreg:$0x11];
	[sflag:s0] =	ssyncadd.s32 $0xFFFFD800  }
0x2fb: {  	[hbm4b:s7+s1] =	stream.linear.scatter [tilespmem:s8], [sflag:$0xE], $0x2800, $0x38;
	[tilespmem:$0x1BE90] =	vst v63  }
0x2fc: {  	_ =	swait.ge [sflag:s31], $0x2800  }
0x2fd: {  	[sflag:s31] =	ssyncset.done $0x0  }
0x2fe: {  	s7 =	simm.s32 $0x13000;
	s17 =	rddreg [dreg:$0x12];
	[sflag:s31] =	ssyncadd.s32 $0xFFFFD800  }
0x2ff: {  	[hbm4b:s17+s1] =	stream.linear.scatter [tilespmem:s7], [sflag:$0x11], $0x2800, $0x38;
	[tilespmem:$0x1BE90] =	vst v63  }
0x300: {  	_ =	swait.ge [sflag:s26], $0x2800  }
0x301: {  	s17 =	sld [smem:$0x7EC]  }
0x302: {  	[sflag:s26] =	ssyncset.done $0x0  }
0x303: {  	[sflag:s26] =	ssyncadd.s32 $0xFFFFD800  }
0x304: {  	[tilespmem:s24], [sflag:$0x2] =	stream.indirect.gather [hbm4b:s2+s16], $0x80, s17, s16, $0xb8;
	[tilespmem:$0x1BE90] =	vst v63  }
0x305: {  	_ =	swait.ge [sflag:s25], $0x2800  }
0x306: {  	s17 =	sld [smem:$0x7ED]  }
0x307: {  	[sflag:s25] =	ssyncset.done $0x0  }
0x308: {  	[sflag:s25] =	ssyncadd.s32 $0xFFFFD800  }
0x309: {  	[tilespmem:s8], [sflag:$0x5] =	stream.indirect.gather [spmem:s4], $0x80, s17, s16, $0xb8;
	[tilespmem:$0x1BE90] =	vst v63  }
0x30a: {  	_ =	swait.ge [sflag:s22], $0x2800  }
0x30b: {  	s17 =	sld [smem:$0x7EE]  }
0x30c: {  	[sflag:s22] =	ssyncset.done $0x0  }
0x30d: {  	[sflag:s22] =	ssyncadd.s32 $0xFFFFD800  }
0x30e: {  	[tilespmem:s7], [sflag:$0x8] =	stream.indirect.gather [spmem:s3], $0x80, s17, s16, $0xb8;
	[tilespmem:$0x1BE90] =	vst v63  }
0x30f: {  	_ =	swait.ge [sflag:s30], $0x2800  }
0x310: {  	[sflag:s30] =	ssyncset.done $0x0  }
0x311: {  	s8 =	simm.s32 $0x6800;
	s7 =	rddreg [dreg:$0x13];
	[sflag:s30] =	ssyncadd.s32 $0xFFFFD800  }
0x312: {  	[hbm4b:s7+s1] =	stream.linear.scatter [tilespmem:s8], [sflag:$0xC], $0x2800, $0x38;
	[tilespmem:$0x1BE90] =	vst v63  }
0x313: {  	_ =	swait.ge [sflag:s29], $0x2800  }
0x314: {  	[sflag:s29] =	ssyncset.done $0x0  }
0x315: {  	s7 =	simm.s32 $0xE000;
	s17 =	rddreg [dreg:$0x14];
	[sflag:s29] =	ssyncadd.s32 $0xFFFFD800  }
0x316: {  	[hbm4b:s17+s1] =	stream.linear.scatter [tilespmem:s7], [sflag:$0xF], $0x2800, $0x38;
	[tilespmem:$0x1BE90] =	vst v63  }
0x317: {  	s17 =	simm.s32 $0x9  }
0x318: {  	_ =	swait.ge [sflag:s17], $0x2800  }
0x319: {  	[sflag:s17] =	ssyncset.done $0x0  }
0x31a: {  	s28 =	simm.s32 $0x15800;
	s15 =	rddreg [dreg:$0x15];
	[sflag:s17] =	ssyncadd.s32 $0xFFFFD800  }
0x31b: {  	[hbm4b:s15+s1] =	stream.linear.scatter [tilespmem:s28], [sflag:$0x12], $0x2800, $0x38;
	[tilespmem:$0x1BE90] =	vst v63  }
0x31c: {  	_ =	swait.ge [sflag:s23], $0x2800  }
0x31d: {  	s15 =	sld [smem:$0x7EF]  }
0x31e: {  	[sflag:s23] =	ssyncset.done $0x0  }
0x31f: {  	[sflag:s23] =	ssyncadd.s32 $0xFFFFD800  }
0x320: {  	[tilespmem:s8], [sflag:$0x3] =	stream.indirect.gather [hbm4b:s2+s16], $0x80, s15, s16, $0xb8;
	[tilespmem:$0x1BE90] =	vst v63  }
0x321: {  	_ =	swait.ge [sflag:s20], $0x2800  }
0x322: {  	s8 =	sld [smem:$0x7F0]  }
0x323: {  	[sflag:s20] =	ssyncset.done $0x0  }
0x324: {  	[sflag:s20] =	ssyncadd.s32 $0xFFFFD800  }
0x325: {  	[tilespmem:s7], [sflag:$0x6] =	stream.indirect.gather [spmem:s4], $0x80, s8, s16, $0xb8;
	[tilespmem:$0x1BE90] =	vst v63  }
0x326: {  	_ =	swait.ge [sflag:s18], $0x2800  }
0x327: {  	s8 =	sld [smem:$0x7F1]  }
0x328: {  	[sflag:s18] =	ssyncset.done $0x0  }
0x329: {  	[sflag:s18] =	ssyncadd.s32 $0xFFFFD800  }
0x32a: {  	[tilespmem:s28], [sflag:$0x9] =	stream.indirect.gather [spmem:s3], $0x80, s8, s16, $0xb8;
	[tilespmem:$0x1BE90] =	vst v63  }
0x32b: {  	_ =	swait.ge [sflag:s13], $0x2800  }
0x32c: {  	[sflag:s13] =	ssyncset.done $0x0  }
0x32d: {  	s28 =	rddreg [dreg:$0x16];
	[sflag:s13] =	ssyncadd.s32 $0xFFFFD800  }
0x32e: {  	[hbm4b:s28+s1] =	stream.linear.scatter [tilespmem:s5], [sflag:$0xA], $0x2800, $0x38;
	[tilespmem:$0x1BE90] =	vst v63  }
0x32f: {  	_ =	swait.ge [sflag:s12], $0x2800  }
0x330: {  	[sflag:s12] =	ssyncset.done $0x0  }
0x331: {  	s7 =	rddreg [dreg:$0x17];
	[sflag:s12] =	ssyncadd.s32 $0xFFFFD800  }
0x332: {  	[hbm4b:s7+s1] =	stream.linear.scatter [tilespmem:s6], [sflag:$0xD], $0x2800, $0x38;
	[tilespmem:$0x1BE90] =	vst v63  }
0x333: {  	_ =	swait.ge [sflag:s11], $0x2800  }
0x334: {  	[sflag:s11] =	ssyncset.done $0x0  }
0x335: {  	s8 =	rddreg [dreg:$0x18];
	[sflag:s11] =	ssyncadd.s32 $0xFFFFD800  }
0x336: {  	[hbm4b:s8+s1] =	stream.linear.scatter [tilespmem:s21], [sflag:$0x10], $0x2800, $0x38;
	[tilespmem:$0x1BE90] =	vst v63  }
0x337: {  	_ =	swait.ge [sflag:s19], $0x2800  }
0x338: {  	s28 =	sld [smem:$0x7F2]  }
0x339: {  	[sflag:s19] =	ssyncset.done $0x0  }
0x33a: {  	[sflag:s19] =	ssyncadd.s32 $0xFFFFD800  }
0x33b: {  	[tilespmem:s5], [sflag:$0x1] =	stream.indirect.gather [hbm4b:s2+s16], $0x80, s28, s16, $0xb8;
	[tilespmem:$0x1BE90] =	vst v63  }
0x33c: {  	_ =	swait.ge [sflag:s9], $0x2800  }
0x33d: {  	s7 =	sld [smem:$0x7F3]  }
0x33e: {  	[sflag:s9] =	ssyncset.done $0x0  }
0x33f: {  	[sflag:s9] =	ssyncadd.s32 $0xFFFFD800  }
0x340: {  	[tilespmem:s6], [sflag:$0x4] =	stream.indirect.gather [spmem:s4], $0x80, s7, s16, $0xb8;
	[tilespmem:$0x1BE90] =	vst v63  }
0x341: {  	_ =	swait.ge [sflag:s10], $0x2800  }
0x342: {  	s8 =	sld [smem:$0x7F4]  }
0x343: {  	[sflag:s10] =	ssyncset.done $0x0  }
0x344: {  	[sflag:s10] =	ssyncadd.s32 $0xFFFFD800  }
0x345: {  	[tilespmem:s21], [sflag:$0x7] =	stream.indirect.gather [spmem:s3], $0x80, s8, s16, $0xb8;
	[tilespmem:$0x1BE90] =	vst v63  }
0x346: {  	_ =	swait.ge [sflag:s14], $0x2800  }
0x347: {  	[sflag:s14] =	ssyncset.done $0x0  }
0x348: {  	s28 =	rddreg [dreg:$0x19];
	[sflag:s14] =	ssyncadd.s32 $0xFFFFD800  }
0x349: {  	[hbm4b:s28+s1] =	stream.linear.scatter [tilespmem:s24], [sflag:$0xB], $0x2800, $0x38;
	[tilespmem:$0x1BE90] =	vst v63  }
0x34a: {  	_ =	swait.ge [sflag:s0], $0x2800  }
0x34b: {  	[sflag:s0] =	ssyncset.done $0x0  }
0x34c: {  	s8 =	simm.s32 $0xB800;
	s7 =	rddreg [dreg:$0x1a];
	[sflag:s0] =	ssyncadd.s32 $0xFFFFD800  }
0x34d: {  	[hbm4b:s7+s1] =	stream.linear.scatter [tilespmem:s8], [sflag:$0xE], $0x2800, $0x38;
	[tilespmem:$0x1BE90] =	vst v63  }
0x34e: {  	_ =	swait.ge [sflag:s31], $0x2800  }
0x34f: {  	[sflag:s31] =	ssyncset.done $0x0  }
0x350: {  	s7 =	simm.s32 $0x13000;
	s28 =	rddreg [dreg:$0x1b];
	[sflag:s31] =	ssyncadd.s32 $0xFFFFD800  }
0x351: {  	[hbm4b:s28+s1] =	stream.linear.scatter [tilespmem:s7], [sflag:$0x11], $0x2800, $0x38;
	[tilespmem:$0x1BE90] =	vst v63  }
0x352: {  	_ =	swait.ge [sflag:s26], $0x2800  }
0x353: {  	s28 =	sld [smem:$0x7F5]  }
0x354: {  	[sflag:s26] =	ssyncset.done $0x0  }
0x355: {  	[sflag:s26] =	ssyncadd.s32 $0xFFFFD800  }
0x356: {  	[tilespmem:s24], [sflag:$0x2] =	stream.indirect.gather [hbm4b:s2+s16], $0x80, s28, s16, $0xb8;
	[tilespmem:$0x1BE90] =	vst v63  }
0x357: {  	_ =	swait.ge [sflag:s25], $0x2800  }
0x358: {  	s28 =	sld [smem:$0x7F6]  }
0x359: {  	[sflag:s25] =	ssyncset.done $0x0  }
0x35a: {  	[sflag:s25] =	ssyncadd.s32 $0xFFFFD800  }
0x35b: {  	[tilespmem:s8], [sflag:$0x5] =	stream.indirect.gather [spmem:s4], $0x80, s28, s16, $0xb8;
	[tilespmem:$0x1BE90] =	vst v63  }
0x35c: {  	_ =	swait.ge [sflag:s22], $0x2800  }
0x35d: {  	s28 =	sld [smem:$0x7F7]  }
0x35e: {  	[sflag:s22] =	ssyncset.done $0x0  }
0x35f: {  	[sflag:s22] =	ssyncadd.s32 $0xFFFFD800  }
0x360: {  	[tilespmem:s7], [sflag:$0x8] =	stream.indirect.gather [spmem:s3], $0x80, s28, s16, $0xb8;
	[tilespmem:$0x1BE90] =	vst v63  }
0x361: {  	_ =	swait.ge [sflag:s30], $0x2800  }
0x362: {  	[sflag:s30] =	ssyncset.done $0x0  }
0x363: {  	s8 =	simm.s32 $0x6800;
	s7 =	rddreg [dreg:$0x1c];
	[sflag:s30] =	ssyncadd.s32 $0xFFFFD800  }
0x364: {  	[hbm4b:s7+s1] =	stream.linear.scatter [tilespmem:s8], [sflag:$0xC], $0x2800, $0x38;
	[tilespmem:$0x1BE90] =	vst v63  }
0x365: {  	_ =	swait.ge [sflag:s29], $0x2800  }
0x366: {  	[sflag:s29] =	ssyncset.done $0x0  }
0x367: {  	s7 =	simm.s32 $0xE000;
	s28 =	rddreg [dreg:$0x1d];
	[sflag:s29] =	ssyncadd.s32 $0xFFFFD800  }
0x368: {  	[hbm4b:s28+s1] =	stream.linear.scatter [tilespmem:s7], [sflag:$0xF], $0x2800, $0x38;
	[tilespmem:$0x1BE90] =	vst v63  }
0x369: {  	_ =	swait.ge [sflag:s17], $0x2800  }
0x36a: {  	[sflag:s17] =	ssyncset.done $0x0  }
0x36b: {  	s28 =	simm.s32 $0x15800;
	s15 =	rddreg [dreg:$0x1e];
	[sflag:s17] =	ssyncadd.s32 $0xFFFFD800  }
0x36c: {  	[hbm4b:s15+s1] =	stream.linear.scatter [tilespmem:s28], [sflag:$0x12], $0x2800, $0x38;
	[tilespmem:$0x1BE90] =	vst v63  }
0x36d: {  	_ =	swait.ge [sflag:s23], $0x2800  }
0x36e: {  	s15 =	sld [smem:$0x7F8]  }
0x36f: {  	[sflag:s23] =	ssyncset.done $0x0  }
0x370: {  	[sflag:s23] =	ssyncadd.s32 $0xFFFFD800  }
0x371: {  	[tilespmem:s8], [sflag:$0x3] =	stream.indirect.gather [hbm4b:s2+s16], $0x80, s15, s16, $0xb8;
	[tilespmem:$0x1BE90] =	vst v63  }
0x372: {  	_ =	swait.ge [sflag:s20], $0x2800  }
0x373: {  	s15 =	sld [smem:$0x7F9]  }
0x374: {  	[sflag:s20] =	ssyncset.done $0x0  }
0x375: {  	[sflag:s20] =	ssyncadd.s32 $0xFFFFD800  }
0x376: {  	[tilespmem:s7], [sflag:$0x6] =	stream.indirect.gather [spmem:s4], $0x80, s15, s16, $0xb8;
	[tilespmem:$0x1BE90] =	vst v63  }
0x377: {  	_ =	swait.ge [sflag:s18], $0x2800  }
0x378: {  	s15 =	sld [smem:$0x7FA]  }
0x379: {  	[sflag:s18] =	ssyncset.done $0x0  }
0x37a: {  	[sflag:s18] =	ssyncadd.s32 $0xFFFFD800  }
0x37b: {  	[tilespmem:s28], [sflag:$0x9] =	stream.indirect.gather [spmem:s3], $0x80, s15, s16, $0xb8;
	[tilespmem:$0x1BE90] =	vst v63  }
0x37c: {  	_ =	swait.ge [sflag:s13], $0x2800  }
0x37d: {  	[sflag:s13] =	ssyncset.done $0x0  }
0x37e: {  	s15 =	rddreg [dreg:$0x1f];
	[sflag:s13] =	ssyncadd.s32 $0xFFFFD800  }
0x37f: {  	[hbm4b:s15+s1] =	stream.linear.scatter [tilespmem:s5], [sflag:$0xA], $0x2800, $0x38;
	[tilespmem:$0x1BE90] =	vst v63  }
0x380: {  	_ =	swait.ge [sflag:s12], $0x2800  }
0x381: {  	s15 =	sld [smem:$0x7D8]  }
0x382: {  	[sflag:s12] =	ssyncset.done $0x0  }
0x383: {  	[sflag:s12] =	ssyncadd.s32 $0xFFFFD800  }
0x384: {  	[hbm4b:s15+s1] =	stream.linear.scatter [tilespmem:s6], [sflag:$0xD], $0x2800, $0x38;
	[tilespmem:$0x1BE90] =	vst v63  }
0x385: {  	_ =	swait.ge [sflag:s11], $0x2800  }
0x386: {  	s15 =	sld [smem:$0x7D9]  }
0x387: {  	[sflag:s11] =	ssyncset.done $0x0  }
0x388: {  	[sflag:s11] =	ssyncadd.s32 $0xFFFFD800  }
0x389: {  	[hbm4b:s15+s1] =	stream.linear.scatter [tilespmem:s21], [sflag:$0x10], $0x2800, $0x38;
	[tilespmem:$0x1BE90] =	vst v63  }
0x38a: {  	_ =	swait.ge [sflag:s19], $0x2800  }
0x38b: {  	s15 =	sld [smem:$0x7FB]  }
0x38c: {  	[sflag:s19] =	ssyncset.done $0x0  }
0x38d: {  	[sflag:s19] =	ssyncadd.s32 $0xFFFFD800  }
0x38e: {  	[tilespmem:s5], [sflag:$0x1] =	stream.indirect.gather [hbm4b:s2+s16], $0x80, s15, s16, $0xb8;
	[tilespmem:$0x1BE90] =	vst v63  }
0x38f: {  	_ =	swait.ge [sflag:s9], $0x2800  }
0x390: {  	s15 =	sld [smem:$0x7FC]  }
0x391: {  	[sflag:s9] =	ssyncset.done $0x0  }
0x392: {  	[sflag:s9] =	ssyncadd.s32 $0xFFFFD800  }
0x393: {  	[tilespmem:s6], [sflag:$0x4] =	stream.indirect.gather [spmem:s4], $0x80, s15, s16, $0xb8;
	[tilespmem:$0x1BE90] =	vst v63  }
0x394: {  	_ =	swait.ge [sflag:s10], $0x2800  }
0x395: {  	s15 =	sld [smem:$0x7FD]  }
0x396: {  	[sflag:s10] =	ssyncset.done $0x0  }
0x397: {  	[sflag:s10] =	ssyncadd.s32 $0xFFFFD800  }
0x398: {  	[tilespmem:s21], [sflag:$0x7] =	stream.indirect.gather [spmem:s3], $0x80, s15, s16, $0xb8;
	[tilespmem:$0x1BE90] =	vst v63  }
0x399: {  	_ =	swait.ge [sflag:s14], $0x2800  }
0x39a: {  	s16 =	sld [smem:$0x7DA]  }
0x39b: {  	[sflag:s14] =	ssyncset.done $0x0  }
0x39c: {  	[sflag:s14] =	ssyncadd.s32 $0xFFFFD800  }
0x39d: {  	[hbm4b:s16+s1] =	stream.linear.scatter [tilespmem:s24], [sflag:$0xB], $0x2800, $0x38;
	[tilespmem:$0x1BE90] =	vst v63  }
0x39e: {  	_ =	swait.ge [sflag:s0], $0x2800  }
0x39f: {  	s24 =	sld [smem:$0x7DB]  }
0x3a0: {  	[sflag:s0] =	ssyncset.done $0x0  }
0x3a1: {  	s3 =	simm.s32 $0xB800;
	[sflag:s0] =	ssyncadd.s32 $0xFFFFD800  }
0x3a2: {  	[hbm4b:s24+s1] =	stream.linear.scatter [tilespmem:s3], [sflag:$0xE], $0x2800, $0x38;
	[tilespmem:$0x1BE90] =	vst v63  }
0x3a3: {  	_ =	swait.ge [sflag:s31], $0x2800  }
0x3a4: {  	s4 =	sld [smem:$0x7DC]  }
0x3a5: {  	[sflag:s31] =	ssyncset.done $0x0  }
0x3a6: {  	s14 =	simm.s32 $0x13000;
	[sflag:s31] =	ssyncadd.s32 $0xFFFFD800  }
0x3a7: {  	[hbm4b:s4+s1] =	stream.linear.scatter [tilespmem:s14], [sflag:$0x11], $0x2800, $0x38;
	[tilespmem:$0x1BE90] =	vst v63  }
0x3a8: {  	_ =	swait.ge [sflag:s30], $0x2800  }
0x3a9: {  	s15 =	sld [smem:$0x7DD]  }
0x3aa: {  	[sflag:s30] =	ssyncset.done $0x0  }
0x3ab: {  	s8 =	simm.s32 $0x6800;
	[sflag:s30] =	ssyncadd.s32 $0xFFFFD800  }
0x3ac: {  	[hbm4b:s15+s1] =	stream.linear.scatter [tilespmem:s8], [sflag:$0xC], $0x2800, $0x38;
	[tilespmem:$0x1BE90] =	vst v63  }
0x3ad: {  	_ =	swait.ge [sflag:s29], $0x2800  }
0x3ae: {  	s16 =	sld [smem:$0x7DE]  }
0x3af: {  	[sflag:s29] =	ssyncset.done $0x0  }
0x3b0: {  	s7 =	simm.s32 $0xE000;
	[sflag:s29] =	ssyncadd.s32 $0xFFFFD800  }
0x3b1: {  	[hbm4b:s16+s1] =	stream.linear.scatter [tilespmem:s7], [sflag:$0xF], $0x2800, $0x38;
	[tilespmem:$0x1BE90] =	vst v63  }
0x3b2: {  	_ =	swait.ge [sflag:s17], $0x2800  }
0x3b3: {  	s24 =	sld [smem:$0x7DF]  }
0x3b4: {  	[sflag:s17] =	ssyncset.done $0x0  }
0x3b5: {  	s28 =	simm.s32 $0x15800;
	[sflag:s17] =	ssyncadd.s32 $0xFFFFD800  }
0x3b6: {  	[hbm4b:s24+s1] =	stream.linear.scatter [tilespmem:s28], [sflag:$0x12], $0x2800, $0x38;
	[tilespmem:$0x1BE90] =	vst v63  }
0x3b7: {  	_ =	swait.ge [sflag:s13], $0x2800  }
0x3b8: {  	s29 =	sld [smem:$0x7E0]  }
0x3b9: {  	[sflag:s13] =	ssyncset.done $0x0  }
0x3ba: {  	[sflag:s13] =	ssyncadd.s32 $0xFFFFD800  }
0x3bb: {  	[hbm4b:s29+s1] =	stream.linear.scatter [tilespmem:s5], [sflag:$0xA], $0x2800, $0x38;
	[tilespmem:$0x1BE90] =	vst v63  }
0x3bc: {  	_ =	swait.ge [sflag:s12], $0x2800  }
0x3bd: {  	s30 =	sld [smem:$0x7E1]  }
0x3be: {  	[sflag:s12] =	ssyncset.done $0x0  }
0x3bf: {  	[sflag:s12] =	ssyncadd.s32 $0xFFFFD800  }
0x3c0: {  	[hbm4b:s30+s1] =	stream.linear.scatter [tilespmem:s6], [sflag:$0xD], $0x2800, $0x38;
	[tilespmem:$0x1BE90] =	vst v63  }
0x3c1: {  	_ =	swait.ge [sflag:s11], $0x2800  }
0x3c2: {  	s31 =	sld [smem:$0x7E2]  }
0x3c3: {  	[sflag:s11] =	ssyncset.done $0x0  }
0x3c4: {  	[sflag:s11] =	ssyncadd.s32 $0xFFFFD800  }
0x3c5: {  	[hbm4b:s31+s1] =	stream.linear.scatter [tilespmem:s21], [sflag:$0x10], $0x2800, $0x38;
	[tilespmem:$0x1BE90] =	vst v63  }
0x3c6: {  	_ =	swait.ge [sflag:s26], $0x2800  }
0x3c7: {  	[sflag:s26] =	ssyncset.done $0x0  }
0x3c8: {  	[sflag:s26] =	ssyncadd.s32 $0xFFFFD800  }
0x3c9: {  	_ =	swait.ge [sflag:s25], $0x2800  }
0x3ca: {  	[sflag:s25] =	ssyncset.done $0x0  }
0x3cb: {  	[sflag:s25] =	ssyncadd.s32 $0xFFFFD800  }
0x3cc: {  	_ =	swait.ge [sflag:s22], $0x2800  }
0x3cd: {  	[sflag:s22] =	ssyncset.done $0x0  }
0x3ce: {  	[sflag:s22] =	ssyncadd.s32 $0xFFFFD800  }
0x3cf: {  	_ =	swait.ge [sflag:s23], $0x2800  }
0x3d0: {  	[sflag:s23] =	ssyncset.done $0x0  }
0x3d1: {  	[sflag:s23] =	ssyncadd.s32 $0xFFFFD800  }
0x3d2: {  	_ =	swait.ge [sflag:s20], $0x2800  }
0x3d3: {  	[sflag:s20] =	ssyncset.done $0x0  }
0x3d4: {  	[sflag:s20] =	ssyncadd.s32 $0xFFFFD800  }
0x3d5: {  	_ =	swait.ge [sflag:s18], $0x2800  }
0x3d6: {  	[sflag:s18] =	ssyncset.done $0x0  }
0x3d7: {  	[sflag:s18] =	ssyncadd.s32 $0xFFFFD800  }
0x3d8: {  	_ =	swait.ge [sflag:s19], $0x2800  }
0x3d9: {  	[sflag:s19] =	ssyncset.done $0x0  }
0x3da: {  	[sflag:s19] =	ssyncadd.s32 $0xFFFFD800  }
0x3db: {  	_ =	swait.ge [sflag:s9], $0x2800  }
0x3dc: {  	[sflag:s9] =	ssyncset.done $0x0  }
0x3dd: {  	[sflag:s9] =	ssyncadd.s32 $0xFFFFD800  }
0x3de: {  	_ =	swait.ge [sflag:s10], $0x2800  }
0x3df: {  	[sflag:s10] =	ssyncset.done $0x0  }
0x3e0: {  	[sflag:s10] =	ssyncadd.s32 $0xFFFFD800  }
0x3e1: {  	_ =	sfence.sel $0x180000  }
0x3e2: {  	[bflag:$0x0] =	sbarrier.arrive $0xFFFF  }
0x3e3: {  	_ =	strace $0x90000047  }
0x3e4: {  	[bflag:$0x2] =	sbarrier.arrive $0xFFFF  }
0x3e5: {  	s0 =	rddreg [dreg:$0x7]  }
0x3e6: {  	s0 =	sadd.s32 @!p0 $0x100000, s0  }
0x3e7: {  	[sflag:s0] =	ssyncadd.tile.s32 @!p0 $0x1;
	_ =	shalt  }
.LBB2_1:
.Ltmp3:
0x3e8: {  	(pc) =	sbr.rel .LBB2_6-.Ltmp3, $2  }
0x3e9: {  	_ =	sdelay $0x2  }
0x3ea: {  	s4 =	smov.u32 s28  }
.LBB2_3:
.Ltmp4:
0x3eb: {  	(pc) =	sbr.rel .LBB2_6-.Ltmp4, $4  }
0x3ec: {  	_ = 	snop  }
0x3ed: {  	s4 =	rddreg [dreg:$0x5]  }
0x3ee: {  	s8 =	sld [smem:$0x7D6]  }
0x3ef: {  	s24 =	simm.s32 $0x10800;
	s7 =	simm.s32 $0x13000;
	s15 =	sld [smem:$0x7D5]  }
.Lfunc_end2:
_tile_overlayer_lowered:
.L_overlay_start_2:
0x3f0: {  	(tag) =	ssettag $0x2  }
0x3f1: {  	s0 =	rddreg [dreg:$0x0];
	s2 =	stileid.u32  }
0x3f2: {  	s1 =	rddreg [dreg:$0x1];
	p0 =	sne.s32 s2, $0x0  }
0x3f3: {  	s3 =	rddreg [dreg:$0x2];
	[bflag:$0x3] =	sbarrier.arrive $0xFFFF;
	s2 =	simm.s32 @!p0 $0x1C13  }
0x3f4: {  	[timem:s3], [sflag:s2] =	dma.local @!p0 [hbm:s0], s1  }
0x3f5: {  	s0 =	simm.s32 @!p0 $0x13  }
0x3f6: {  	_ =	swait.ge @!p0 [sflag:s0], s1  }
0x3f7: {  	s1 =	ssub.s32 @!p0 $0x0, s1;
	[sflag:s0] =	ssyncset.done @!p0 $0x0  }
0x3f8: {  	[sflag:s0] =	ssyncadd.s32 @!p0 s1  }
0x3f9: {  	[bflag:$0x3] =	sbarrier.arrive $0xFFFF  }
0x3fa: {  	_ =	shalt  }

// kernel: kernel.9.cloned.1.call-start
scs
__scs_entry_jumppad:
0x0: {  	(pc) =	sbr.rel $0x88, $3  }
0x1: {  	(tag) =	ssettag $0x0;
	lr =	simm.s32 $0x1  }
0x2: {  	[smem:$0x3F8D] =	sst lr;
	_ =	strace $0xD0000000  }
0x3: {  	_ = 	snop  }
0x4: {  	_ = 	snop  }
0x5: {  	_ = 	snop  }
0x6: {  	_ = 	snop  }
0x7: {  	_ = 	snop  }
__scs_overlays_trampoline_lowered:
0x8: {  	[smem:$0x3F9C] =	sst s0  }
0x9: {  	[smem:$0x3F9D] =	sst s1  }
0xa: {  	[smem:$0x3F9E] =	sst s2  }
0xb: {  	[smem:$0x3F9F] =	sst s3  }
0xc: {  	[smem:$0x3FA0] =	sst s4  }
0xd: {  	[smem:$0x3FA1] =	sst s5  }
0xe: {  	[smem:$0x3FA2] =	sst s6  }
0xf: {  	[smem:$0x3FA3] =	sst s7  }
0x10: {  	[smem:$0x3FA4] =	sst s8  }
0x11: {  	[smem:$0x3FA5] =	sst s9;
	s0 =	simm.s32 @!p0 $0x0  }
0x12: {  	s1 =	sld [smem:$0x3F8B];
	s0 =	simm.s32 @p0 $0x1  }
0x13: {  	[smem:$0x3FA6] =	sst s0;
	s0 =	simm.s32 @!p1 $0x0  }
0x14: {  	s2 =	sld [smem:$0x3F8A];
	s0 =	simm.s32 @p1 $0x1  }
0x15: {  	[smem:$0x3FA7] =	sst s0;
	s0 =	simm.s32 @!p2 $0x0  }
0x16: {  	s3 =	sld [smem:$0x3FDB];
	s0 =	simm.s32 @p2 $0x1  }
0x17: {  	s4 =	simm.s32 $0x1BF5;
	[smem:$0x3FA9] =	sst s0  }
0x18: {  	s0 =	sld [smem:$0x3F8C];
	_ =	swait.ge [sflag:s4], $0x0  }
0x19: {  	s7 =	sld [smem:$0x3F8D]  }
0x1a: {  	s8 =	sadd.s32 $0xFFFFE003, lr  }
0x1b: {  	s9 =	sadd.s32 $0xFFFFFEF7, lr;
	s5 =	simm.s32 $0xFFFFFFFF;
	p2 =	slt.u32 s8, $0xFFFFF086  }
0x1c: {  	p1 =	slt.u32 s9, $0xF7A;
	s5 =	simm.s32 @!p2 $0x0  }
0x1d: {  	s5 =	simm.s32 @p1 $0x1;
	p0 =	seq.s32 s7, s2  }
0x1e: {  	s7 =	smul.u32 @!p0 $0xF7A, s2;
	p2 =	seq.s32 @!p0 s5, $0x0  }
0x1f: {  	s9 =	smul.u32 $0xF7A, s1;
	s8 =	simm.s32 @!p0 $0x1BF5;
	p2 =	por !p2, p0  }
0x20: {  	[sflag:s8] =	ssyncset.s32 @!p0 $0xFFFFF086;
	s6 =	sadd.s32 @!p0 s3, s7;
	s7 =	simm.s32 @!p0 $0x108  }
0x21: {  	s3 =	sadd.s32 s3, s9;
	s6 =	sadd.s32 @!p0 $0x88, s6;
	s7 =	simm.s32 @p2 $0x1082  }
0x22: {  	[simem:s7], [sflag:s8] =	dma.local @!p0 [hbm:s6], $0xF7A  }
0x23: {  	s9 =	sor.u32 $0xD0000000, s2;
	s6 =	simm.s32 $0x108;
	_ =	swait.ge @!p0 [sflag:s8], $0x0  }
0x24: {  	s3 =	sadd.s32 $0x88, s3;
	s6 =	simm.s32 @!p1 $0x1082;
	[sflag:s4] =	ssyncset.s32 $0xFFFFF086  }
0x25: {  	[simem:s6], [sflag:s4] =	dma.local [hbm:s3], $0xF7A  }
0x26: {  	[smem:$0x3F8D] =	sst s1;
	(tag) =	ssettag s2;
	_ =	strace s9  }
0x27: {  	s1 =	sld [smem:$0x3F9D]  }
0x28: {  	s2 =	sld [smem:$0x3F9E]  }
0x29: {  	s4 =	sld [smem:$0x3FA0]  }
0x2a: {  	p0 =	seq.s32 s5, $0x0;
	s5 =	sld [smem:$0x3FA1]  }
0x2b: {  	s6 =	sld [smem:$0x3FA2]  }
0x2c: {  	s7 =	sld [smem:$0x3FA3]  }
0x2d: {  	s3 =	simm.s32 $0x108;
	s8 =	sld [smem:$0x3FA4]  }
0x2e: {  	s3 =	simm.s32 @!p0 $0x1082;
	s9 =	sld [smem:$0x3FA5]  }
0x2f: {  	lr =	sadd.s32 s0, s3;
	s0 =	sld [smem:$0x3F9C]  }
0x30: {  	s3 =	sld [smem:$0x3F9F]  }
0x31: {  	[smem:$0x3FA8] =	sst s10  }
0x32: {  	s10 =	sld [smem:$0x3FA6];
	_ =	sdelay $0x3  }
0x33: {  	p0 =	seq.s32 s10, $0x1;
	s10 =	sld [smem:$0x3FA8];
	_ =	sdelay $0x3  }
0x34: {  	[smem:$0x3FA8] =	sst s10  }
0x35: {  	s10 =	sld [smem:$0x3FA7];
	_ =	sdelay $0x3  }
0x36: {  	p1 =	seq.s32 s10, $0x1;
	s10 =	sld [smem:$0x3FA8];
	_ =	sdelay $0x3  }
0x37: {  	[smem:$0x3FA8] =	sst s10  }
0x38: {  	s10 =	sld [smem:$0x3FA9]  }
0x39: {  	_ = 	snop;
	(pc) =	sbr.ind lr, $3  }
0x3a: {  	_ = 	snop  }
0x3b: {  	_ = 	snop  }
0x3c: {  	p2 =	seq.s32 s10, $0x1;
	s10 =	sld [smem:$0x3FA8]  }
0x3d: {  	_ =	shalt  }
0x3e: {  	_ =	shalt  }
0x3f: {  	_ =	shalt  }
0x40: {  	_ =	shalt  }
0x41: {  	_ =	shalt  }
0x42: {  	_ =	shalt  }
0x43: {  	_ =	shalt  }
0x44: {  	_ =	shalt  }
0x45: {  	_ =	shalt  }
0x46: {  	_ =	shalt  }
0x47: {  	_ =	shalt  }
0x48: {  	_ =	shalt  }
0x49: {  	_ =	shalt  }
0x4a: {  	_ =	shalt  }
0x4b: {  	_ =	shalt  }
0x4c: {  	_ =	shalt  }
0x4d: {  	_ =	shalt  }
0x4e: {  	_ =	shalt  }
0x4f: {  	_ =	shalt  }
0x50: {  	_ =	shalt  }
0x51: {  	_ =	shalt  }
0x52: {  	_ =	shalt  }
0x53: {  	_ =	shalt  }
0x54: {  	_ =	shalt  }
0x55: {  	_ =	shalt  }
0x56: {  	_ =	shalt  }
0x57: {  	_ =	shalt  }
0x58: {  	_ =	shalt  }
0x59: {  	_ =	shalt  }
0x5a: {  	_ =	shalt  }
0x5b: {  	_ =	shalt  }
0x5c: {  	_ =	shalt  }
0x5d: {  	_ =	shalt  }
0x5e: {  	_ =	shalt  }
0x5f: {  	_ =	shalt  }
0x60: {  	_ =	shalt  }
0x61: {  	_ =	shalt  }
0x62: {  	_ =	shalt  }
0x63: {  	_ =	shalt  }
0x64: {  	_ =	shalt  }
0x65: {  	_ =	shalt  }
0x66: {  	_ =	shalt  }
0x67: {  	_ =	shalt  }
0x68: {  	_ =	shalt  }
0x69: {  	_ =	shalt  }
0x6a: {  	_ =	shalt  }
0x6b: {  	_ =	shalt  }
0x6c: {  	_ =	shalt  }
0x6d: {  	_ =	shalt  }
0x6e: {  	_ =	shalt  }
0x6f: {  	_ =	shalt  }
0x70: {  	_ =	shalt  }
0x71: {  	_ =	shalt  }
0x72: {  	_ =	shalt  }
0x73: {  	_ =	shalt  }
0x74: {  	_ =	shalt  }
0x75: {  	_ =	shalt  }
0x76: {  	_ =	shalt  }
0x77: {  	_ =	shalt  }
0x78: {  	_ =	shalt  }
0x79: {  	_ =	shalt  }
0x7a: {  	_ =	shalt  }
0x7b: {  	_ =	shalt  }
0x7c: {  	_ =	shalt  }
0x7d: {  	_ =	shalt  }
0x7e: {  	_ =	shalt  }
0x7f: {  	_ =	shalt  }
0x80: {  	_ =	shalt  }
0x81: {  	_ =	shalt  }
0x82: {  	_ =	shalt  }
0x83: {  	_ =	shalt  }
0x84: {  	_ =	shalt  }
0x85: {  	_ =	shalt  }
0x86: {  	_ =	shalt  }
0x87: {  	_ =	shalt  }
.Lfunc_end0:
.L_simem_size_0:
called_computation.1_lowered:
.L_overlay_start_0:
0x88: {  	s2 =	sld [smem:$0x3FD9]  }
0x89: {  	s3 =	sld [smem:$0x3FFE];
	_ =	sdelay $0x1  }
0x8a: {  	s1 =	srdreg.scid  }
0x8b: {  	s0 =	sand.u32 $0x1, s1  }
0x8c: {  	s17 =	sshll.u32 s0, $0xA;
	s2 =	sadd.s32 s3, s2  }
0x8d: {  	s2 =	sadd.s32 s2, s17  }
0x8e: {  	[smem:$0x3FB4] =	sst s2  }
0x8f: {  	_ = 	snop  }
0x90: {  	s18 =	sld [smem:$0x3FC0]  }
0x91: {  	s4 =	sld [smem:$0x3FBF]  }
0x92: {  	s5 =	sld [smem:$0x3FBE];
	(tm) =	ssettm $0x1  }
0x93: {  	s19 =	sld [smem:$0x3FFB];
	_ =	sdelay $0x3  }
0x94: {  	_ =	strace s19  }
0x95: {  	s2 =	sld [smem:$0x3FFC];
	_ =	sdelay $0x3  }
0x96: {  	_ =	strace s2  }
0x97: {  	s2 =	sld [smem:$0x3FFD];
	_ =	sdelay $0x3  }
0x98: {  	_ =	strace s2  }
0x99: {  	_ =	strace $0x8FFFFFFF  }
0x9a: {  	s20 =	sld [smem:$0x3FDB];
	_ =	sdelay $0x1  }
0x9b: {  	s6 =	simm.s32 $_scs_section_size  }
0x9c: {  	s7 =	simm.s32 $_size__tile_overlayer_lowered;
	s8 =	simm.s32 $_tile_overlayer_lowered  }
0x9d: {  	s9 =	simm.s32 $0x1BFF;
	s21 =	sshll.u32 s8, $0x1;
	s6 =	sadd.s32 s6, s20  }
0x9e: {  	s22 =	simm.s32 $0x0;
	s7 =	sshll.u32 s7, $0x1;
	s8 =	sadd.s32 s21, s6  }
0x9f: {  	[timem:s22], [sflag:s9] =	dma.local [hbm:s8], s7  }
0xa0: {  	_ =	swait.ge [sflag:s9], s7  }
0xa1: {  	s7 =	ssub.s32 $0x0, s7;
	[sflag:s9] =	ssyncset.done $0x0  }
0xa2: {  	[sflag:s9] =	ssyncadd.s32 s7;
	_ =	sdelay $0x1  }
0xa3: {  	s23 =	simm.s32 $0x1B8B  }
0xa4: {  	_ =	swait.ge [sflag:s23], $0x1  }
0xa5: {  	[sflag:s23] =	ssyncset.done $0x0  }
0xa6: {  	[sflag:s23] =	ssyncadd.s32 $0xFFFFFFFF  }
0xa7: {  	s7 =	sld [smem:$0x0]  }
0xa8: {  	s8 =	sand.u32 $0xFFFFFFFE, s1  }
0xa9: {  	p0 =	sne.s32 s1, s8  }
0xaa: {  	s8 =	sshll.u32 @p0 s8, $0xE  }
0xab: {  	s8 =	sadd.s32 @p0 $0x11B8D, s8;
	s9 =	sshll.u32 @p0 s7, $0x11  }
0xac: {  	s8 =	sor.u32 @p0 s9, s8  }
0xad: {  	[sflag:s8] =	ssyncadd.remote.s32 @p0 $0x1;
	_ =	sdelay $0x1  }
0xae: {  	s8 =	simm.s32 @p0 $0x1B8D  }
0xaf: {  	_ =	swait.eq @p0 [sflag:s8], $0x1  }
0xb0: {  	[sflag:s8] =	ssyncadd.s32 @p0 $0xFFFFFFFF  }
0xb1: {  	s9 =	sshll.u32 @!p0 s1, $0xE  }
0xb2: {  	s9 =	sor.u32 @!p0 $0x4000, s9;
	s8 =	simm.s32 @!p0 $0x1B8D  }
0xb3: {  	s7 =	sshll.u32 @!p0 s7, $0x11;
	s9 =	sadd.s32 @!p0 $0x11B8D, s9;
	_ =	swait.eq @!p0 [sflag:s8], $0x1  }
0xb4: {  	s7 =	sor.u32 @!p0 s7, s9;
	[sflag:s8] =	ssyncadd.s32 @!p0 $0xFFFFFFFF  }
0xb5: {  	s25 =	simm.s32 $0x1B8E;
	s24 =	sld [smem:$0x3FFE];
	[sflag:s7] =	ssyncadd.remote.s32 @!p0 $0x1  }
0xb6: {  	s26 =	simm.s32 $execute0_lowered;
	[smem:$0x3FD2] =	sst s25  }
0xb7: {  	s8 =	sshll.u32 s26, $0x1;
	_ =	strace $0x80000049;
	[dreg:$0x1] =	wrdreg $0xFFFFFFFF  }
0xb8: {  	s28 =	simm.s32 $_size_execute0_lowered;
	s6 =	sadd.s32 s6, s8;
	[dreg:$0x0] =	wrdreg $0x0  }
0xb9: {  	s8 =	sshll.u32 s28, $0x1;
	[dreg:$0x2] =	wrdreg s6  }
0xba: {  	[dreg:$0x3] =	wrdreg s8  }
0xbb: {  	[dreg:$0x4] =	wrdreg $0xC0  }
0xbc: {  	_ =	task [dreg:s22], $0x5FFFF  }
0xbd: {  	[dreg:$0x1] =	wrdreg $0xFFFFFFFF  }
0xbe: {  	[dreg:$0x0] =	wrdreg $0x60  }
0xbf: {  	[dreg:$0x2] =	wrdreg s18  }
0xc0: {  	[dreg:$0x3] =	wrdreg s4  }
0xc1: {  	[dreg:$0x4] =	wrdreg s5  }
0xc2: {  	[dreg:$0x5] =	wrdreg s24  }
0xc3: {  	[dreg:$0x6] =	wrdreg $0x180000  }
0xc4: {  	[dreg:$0x7] =	wrdreg $0x19F480  }
0xc5: {  	[dreg:$0x8] =	wrdreg $0xA  }
0xc6: {  	_ =	task.clear_ibuf [dreg:s22], $0x9FFFF;
	_ =	strace $0x90000049  }
0xc7: {  	s29 =	simm.s32 $0xA;
	_ =	strace $0x8000004B  }
0xc8: {  	_ =	swait.ge [sflag:s29], $0x1  }
0xc9: {  	[sflag:s29] =	ssyncadd.s32 $0xFFFFFFFF  }
0xca: {  	_ =	strace $0x9000004B  }
0xcb: {  	_ =	sfence  }
0xcc: {  	s30 =	sld [smem:$0x0];
	_ =	sdelay $0x2  }
0xcd: {  	s31 =	sshll.u32 s1, $0xD;
	s1 =	sshrl.u32 s1, $0x2  }
0xce: {  	s4 =	sand.u32 $0x4000, s31;
	s1 =	sadd.s32 s1, s30  }
0xcf: {  	s0 =	sor.u32 s4, s0;
	s1 =	sshll.u32 s1, $0x11  }
0xd0: {  	s0 =	sor.u32 s1, s0  }
0xd1: {  	s0 =	sadd.s32 $0x8F2B, s0  }
0xd2: {  	[sflag:s0] =	ssyncadd.remote.s32 $0x1  }
0xd3: {  	_ =	sfence.sel $0xFFFF  }
0xd4: {  	[dreg:$0x0] =	wrdreg $0xFFFFFFFF;
	(pc) =	sbr.abs _section_cstart, $3  }
0xd5: {  	[dreg:$0x1] =	wrdreg $0xFFFFFFFF  }
0xd6: {  	_ =	task.clear_ibuf [dreg:s22], $0x2FFFF;
	_ =	strace $0x9FFFFFFF  }
0xd7: {  	(tm) =	ssettm $0x7FFFFFFF  }
tec
execute0_lowered:
.L_overlay_start_1:
0x0: {  	(tag) =	ssettag $0x1  }
0x1: {  	s3 =	rddreg [dreg:$0x0]  }
0x2: {  	s0 =	rddreg [dreg:$0x1]  }
0x3: {  	s12 =	rddreg [dreg:$0x2]  }
0x4: {  	s8 =	rddreg [dreg:$0x3];
	s1 =	srdreg.scid  }
0x5: {  	[dreg:$0x7] =	wrdreg s0;
	s0 =	stileid.u32  }
0x6: {  	s28 =	rddreg [dreg:$0x4];
	s5 =	sand.u32 $0x1, s1;
	s6 =	sshll.u32 s0, $0x1  }
0x7: {  	s2 =	rddreg [dreg:$0x5];
	s9 =	sor.u32 s5, s6  }
0x8: {  	[dreg:$0x8] =	wrdreg s12;
	s1 =	simm.s32 $0x0;
	s6 =	sshll.u32 s9, $0x8  }
0x9: {  	[smem:$0x7FF] =	sst s1;
	s10 =	sadd.s32 s6, s8  }
0xa: {  	s7 =	sadd.s32 $0xD7A00, s8;
	_ =	strace $0x8000004A;
	s11 =	sadd.s32 $0xD1A00, s10  }
0xb: {  	s12 =	smul.u32 $0x3200, s9;
	s13 =	sadd.s32 $0xD5A00, s10;
	[dreg:$0x9] =	wrdreg s11  }
0xc: {  	s9 =	smul.u32 $0x19000, s9;
	s10 =	sadd.s32 $0xD3A00, s10;
	[dreg:$0xa] =	wrdreg s13  }
0xd: {  	s6 =	sadd.s32 $0x13BA00, s8;
	s14 =	sadd.s32 s7, s12;
	[dreg:$0xb] =	wrdreg s10  }
0xe: {  	s8 =	sadd.s32 $0x19FA00, s8;
	s15 =	sadd.s32 s6, s12;
	[dreg:$0xc] =	wrdreg s14  }
0xf: {  	s9 =	sshrl.u32 s9, $0x3;
	s16 =	sadd.s32 s8, s12;
	[dreg:$0xd] =	wrdreg s15  }
0x10: {  	s17 =	sadd.s32 $0x500, s9;
	[dreg:$0xe] =	wrdreg s16;
	s10 =	simm.s32 $0x1280  }
0x11: {  	s18 =	sadd.s32 s7, s17;
	[smem:$0x7F1] =	sst s10  }
0x12: {  	s19 =	sadd.s32 s6, s17;
	[dreg:$0xf] =	wrdreg s18  }
0x13: {  	s21 =	sadd.s32 $0xA00, s9;
	s20 =	sadd.s32 s8, s17;
	[dreg:$0x10] =	wrdreg s19  }
0x14: {  	s22 =	sadd.s32 s7, s21;
	[dreg:$0x11] =	wrdreg s20  }
0x15: {  	s23 =	sadd.s32 s6, s21;
	[dreg:$0x12] =	wrdreg s22  }
0x16: {  	s25 =	sadd.s32 $0xF00, s9;
	s24 =	sadd.s32 s8, s21;
	[dreg:$0x13] =	wrdreg s23  }
0x17: {  	s26 =	sadd.s32 s7, s25;
	[dreg:$0x14] =	wrdreg s24  }
0x18: {  	s4 =	sadd.s32 s6, s25;
	[dreg:$0x15] =	wrdreg s26  }
0x19: {  	s13 =	sadd.s32 $0x1400, s9;
	s12 =	sadd.s32 s8, s25;
	[dreg:$0x16] =	wrdreg s4  }
0x1a: {  	s14 =	sadd.s32 s7, s13;
	[dreg:$0x17] =	wrdreg s12  }
0x1b: {  	s15 =	sadd.s32 s6, s13;
	[dreg:$0x18] =	wrdreg s14  }
0x1c: {  	s16 =	sadd.s32 s8, s13;
	s17 =	sadd.s32 $0x1900, s9;
	[dreg:$0x19] =	wrdreg s15  }
0x1d: {  	[dreg:$0x1a] =	wrdreg s16;
	s18 =	sadd.s32 s7, s17  }
0x1e: {  	s19 =	sadd.s32 s6, s17;
	[dreg:$0x1b] =	wrdreg s18  }
0x1f: {  	s21 =	sadd.s32 $0x1E00, s9;
	s20 =	sadd.s32 s8, s17;
	[dreg:$0x1c] =	wrdreg s19  }
0x20: {  	s22 =	sadd.s32 s7, s21;
	[dreg:$0x1d] =	wrdreg s20  }
0x21: {  	s23 =	sadd.s32 s6, s21;
	[dreg:$0x1e] =	wrdreg s22  }
0x22: {  	s25 =	sadd.s32 $0x2300, s9;
	s24 =	sadd.s32 s8, s21;
	[dreg:$0x1f] =	wrdreg s23  }
0x23: {  	s26 =	sadd.s32 s7, s25;
	[smem:$0x7D9] =	sst s24  }
0x24: {  	s4 =	sadd.s32 s6, s25;
	[smem:$0x7DA] =	sst s26  }
0x25: {  	s11 =	sadd.s32 s8, s25;
	[smem:$0x7DB] =	sst s4  }
0x26: {  	s17 =	simm.s32 $0x80;
	[smem:$0x7DC] =	sst s11  }
0x27: {  	s21 =	simm.s32 $0x100;
	[smem:$0x7E3] =	sst s17  }
0x28: {  	s12 =	sadd.s32 $0x2800, s9;
	s25 =	simm.s32 $0x980;
	[smem:$0x7E6] =	sst s21  }
0x29: {  	s13 =	sadd.s32 s7, s12;
	[smem:$0x7EA] =	sst s25  }
0x2a: {  	s14 =	sadd.s32 s6, s12;
	[smem:$0x7DD] =	sst s13  }
0x2b: {  	s9 =	sadd.s32 $0x2D00, s9;
	s15 =	sadd.s32 s8, s12;
	[smem:$0x7DE] =	sst s14  }
0x2c: {  	s7 =	sadd.s32 s7, s9;
	[smem:$0x7DF] =	sst s15  }
0x2d: {  	s6 =	sadd.s32 s6, s9;
	[smem:$0x7E0] =	sst s7  }
0x2e: {  	p1 =	por $0x0, $0x0;
	s16 =	sadd.s32 s8, s9;
	[smem:$0x7E1] =	sst s6  }
0x2f: {  	s31 =	simm.s32 $0x8;
	s18 =	simm.s32 $0x880;
	[smem:$0x7E2] =	sst s16  }
0x30: {  	s30 =	simm.s32 $0x3;
	s19 =	simm.s32 $0x1080;
	[smem:$0x7E4] =	sst s18  }
0x31: {  	s29 =	simm.s32 $0x6;
	s22 =	simm.s32 $0x900;
	[smem:$0x7E5] =	sst s19  }
0x32: {  	p0 =	sne.s32 s0, $0x0;
	s23 =	simm.s32 $0x1100;
	[smem:$0x7E7] =	sst s22  }
0x33: {  	s0 =	simm.s32 $0x5;
	s24 =	simm.s32 $0x180;
	[smem:$0x7E8] =	sst s23  }
0x34: {  	s5 =	ssub.s32 $0x2, s5;
	s26 =	simm.s32 $0x1180;
	[smem:$0x7E9] =	sst s24  }
0x35: {  	s10 =	simm.s32 $0x10;
	s8 =	simm.s32 $0x280;
	[smem:$0x7EB] =	sst s26  }
0x36: {  	s20 =	sshrl.u32 s5, $0x1;
	s9 =	simm.s32 $0xA80;
	[smem:$0x7EF] =	sst s8  }
0x37: {  	s4 =	simm.s32 $0x13;
	s11 =	simm.s32 $0x300;
	[smem:$0x7F0] =	sst s9  }
0x38: {  	s17 =	simm.s32 $0x800;
	s12 =	simm.s32 $0xB00;
	[smem:$0x7F2] =	sst s11  }
0x39: {  	s21 =	simm.s32 $0xC00;
	s25 =	simm.s32 $0xC80;
	[smem:$0x7F3] =	sst s12  }
0x3a: {  	s5 =	ssub.s32 s5, s20;
	s16 =	simm.s32 $0x50;
	[smem:$0x7F9] =	sst s21  }
0x3b: {  	s6 =	simm.s32 $0xA00;
	s7 =	simm.s32 $0x1200;
	[smem:$0x7FC] =	sst s25  }
0x3c: {  	s24 =	simm.s32 $0x10800;
	s13 =	simm.s32 $0x1300;
	s21 =	rddreg [dreg:$0x7]  }
0x3d: {  	s15 =	simm.s32 $0x380;
	s18 =	simm.s32 $0xB80;
	[smem:$0x7ED] =	sst s6  }
0x3e: {  	s19 =	simm.s32 $0x1380;
	s12 =	simm.s32 $0x4;
	[smem:$0x7EE] =	sst s7  }
0x3f: {  	s20 =	simm.s32 $0x400;
	s11 =	simm.s32 $0x7;
	[smem:$0x7F4] =	sst s13  }
0x40: {  	s22 =	simm.s32 $0x1400;
	s9 =	simm.s32 $0xD;
	[smem:$0x7F5] =	sst s15  }
0x41: {  	s23 =	simm.s32 $0x480;
	s26 =	simm.s32 $0x1480;
	[smem:$0x7F6] =	sst s18  }
0x42: {  	s25 =	simm.s32 $0xE;
	s14 =	smax.u32 s5, $0x1;
	[smem:$0x7F7] =	sst s19  }
0x43: {  	s8 =	sshrl.u32 @!p0 s2, $0x3;
	[smem:$0x7F8] =	sst s20;
	s19 =	sadd.s32 $0xFFFFFFFF, s14  }
0x44: {  	s5 =	simm.s32 $0x200;
	[smem:$0x7FA] =	sst s22;
	p2 =	sne.s32 s19, $0x0  }
.Ltmp0:
0x45: {  	s6 =	simm.s32 $0x9000;
	[smem:$0x7FB] =	sst s23;
	(pc) =	sbr.rel @!p2 .LBB2_1-.Ltmp0, $4  }
0x46: {  	s7 =	simm.s32 $0x13000;
	s13 =	simm.s32 $0x1;
	[smem:$0x7FD] =	sst s26  }
0x47: {  	s26 =	simm.s32 $0xB;
	s22 =	simm.s32 $0x11;
	s23 =	simm.s32 $0xC  }
0x48: {  	s20 =	simm.s32 $0xF;
	s18 =	simm.s32 $0x12;
	s15 =	sshrl.u32 @!p0 s28, $0x3  }
0x49: {  	[smem:$0x7EC] =	sst s5;
	s5 =	simm.s32 $0x1800;
	s14 =	simm.s32 $0x2  }
0x4a: {  	s0 =	simm.s32 @!p0 $0x1C13;
	s9 =	simm.s32 @!p0 $0x13  }
0x4b: {  	[spmem:s15], [sflag:s0] =	dma.local @!p0 [hbm:s21], $0x3E90  }
0x4c: {  	_ =	swait.ge @!p0 [sflag:s9], $0x3E90  }
0x4d: {  	[sflag:s9] =	ssyncset.done @!p0 $0x0  }
0x4e: {  	s21 =	rddreg [dreg:$0x8];
	[sflag:s9] =	ssyncadd.s32 @!p0 $0xFFFFC170  }
0x4f: {  	[spmem:s8], [sflag:s0] =	dma.local @!p0 [hbm:s21], $0x3E90  }
0x50: {  	_ =	swait.ge @!p0 [sflag:s9], $0x3E90  }
0x51: {  	[sflag:s9] =	ssyncset.done @!p0 $0x0  }
0x52: {  	s20 =	rddreg [dreg:$0x9];
	[sflag:s9] =	ssyncadd.s32 @!p0 $0xFFFFC170  }
0x53: {  	[tilespmem:s1], [sflag:$0x13] =	stream.linear.gather [hbm4b:s20+s1], $0x500, $0x38;
	[tilespmem:$0x1BE90] =	vst v63  }
0x54: {  	_ =	swait.ge [sflag:s4], $0x500  }
0x55: {  	[sflag:s4] =	ssyncset.done $0x0  }
0x56: {  	s22 =	rddreg [dreg:$0xa];
	[sflag:s4] =	ssyncadd.s32 $0xFFFFFB00  }
0x57: {  	[tilespmem:s17], [sflag:$0x13] =	stream.linear.gather [hbm4b:s22+s1], $0x500, $0x38;
	[tilespmem:$0x1BE90] =	vst v63  }
0x58: {  	_ =	swait.ge [sflag:s4], $0x500  }
0x59: {  	s23 =	rddreg [dreg:$0xb];
	[sflag:s4] =	ssyncset.done $0x0  }
0x5a: {  	s25 =	simm.s32 $0x1000;
	[smem:$0x7D8] =	sst s19;
	[sflag:s4] =	ssyncadd.s32 $0xFFFFFB00  }
0x5b: {  	[tilespmem:s25], [sflag:$0x13] =	stream.linear.gather [hbm4b:s23+s1], $0x500, $0x38;
	[tilespmem:$0x1BE90] =	vst v63  }
0x5c: {  	_ =	swait.ge [sflag:s4], $0x500  }
0x5d: {  	[sflag:s4] =	ssyncset.done $0x0  }
0x5e: {  	[sflag:s4] =	ssyncadd.s32 $0xFFFFFB00  }
0x5f: {  	[bflag:$0x0] =	sbarrier.arrive $0xFFFF  }
0x60: {  	[tilespmem:s5], [sflag:$0x1] =	stream.indirect.gather [hbm4b:s3+s16], $0x80, s1, s16, $0xb8;
	[tilespmem:$0x1BE90] =	vst v63  }
0x61: {  	s26 =	sld [smem:$0x7E3]  }
0x62: {  	s0 =	sld [smem:$0x7E4]  }
0x63: {  	[smem:$0x7D6] =	sst s15  }
0x64: {  	s11 =	sld [smem:$0x7E5]  }
0x65: {  	[tilespmem:s6], [sflag:$0x4] =	stream.indirect.gather [spmem:s28], $0x80, s17, s16, $0xb8;
	[tilespmem:$0x1BE90] =	vst v63  }
0x66: {  	s19 =	sld [smem:$0x7E6]  }
0x67: {  	[tilespmem:s24], [sflag:$0x7] =	stream.indirect.gather [spmem:s2], $0x80, s25, s16, $0xb8;
	[tilespmem:$0x1BE90] =	vst v63  }
0x68: {  	s18 =	simm.s32 $0x4000;
	s13 =	rddreg [dreg:$0x5]  }
0x69: {  	[tilespmem:s18], [sflag:$0x2] =	stream.indirect.gather [hbm4b:s3+s16], $0x80, s26, s16, $0xb8;
	[tilespmem:$0x1BE90] =	vst v63  }
0x6a: {  	s12 =	simm.s32 $0xB800;
	[smem:$0x7D7] =	sst s8  }
0x6b: {  	[tilespmem:s12], [sflag:$0x5] =	stream.indirect.gather [spmem:s28], $0x80, s0, s16, $0xb8;
	[tilespmem:$0x1BE90] =	vst v63  }
0x6c: {  	s0 =	sld [smem:$0x7E7]  }
0x6d: {  	[tilespmem:s7], [sflag:$0x8] =	stream.indirect.gather [spmem:s13], $0x80, s11, s16, $0xb8;
	[tilespmem:$0x1BE90] =	vst v63  }
0x6e: {  	s12 =	rddreg [dreg:$0x0];
	s11 =	simm.s32 $0x6800  }
0x6f: {  	[tilespmem:s11], [sflag:$0x3] =	stream.indirect.gather [hbm4b:s12+s16], $0x80, s19, s16, $0xb8;
	[tilespmem:$0x1BE90] =	vst v63  }
0x70: {  	s13 =	simm.s32 $0xE000;
	s19 =	sld [smem:$0x7E8]  }
0x71: {  	[tilespmem:s13], [sflag:$0x6] =	stream.indirect.gather [spmem:s28], $0x80, s0, s16, $0xb8;
	[tilespmem:$0x1BE90] =	vst v63  }
0x72: {  	s8 =	simm.s32 $0x1;
	s11 =	simm.s32 $0x15800;
	s0 =	rddreg [dreg:$0x5]  }
0x73: {  	[tilespmem:s11], [sflag:$0x9] =	stream.indirect.gather [spmem:s0], $0x80, s19, s16, $0xb8;
	[tilespmem:$0x1BE90] =	vst v63  }
0x74: {  	_ =	swait.ge [sflag:s8], $0x2800  }
0x75: {  	[sflag:s8] =	ssyncset.done $0x0  }
0x76: {  	s13 =	simm.s32 $0x4;
	s0 =	rddreg [dreg:$0xc];
	[sflag:s8] =	ssyncadd.s32 $0xFFFFD800  }
0x77: {  	[hbm4b:s0+s1] =	stream.linear.scatter [tilespmem:s5], [sflag:$0xA], $0x2800, $0x38;
	[tilespmem:$0x1BE90] =	vst v63  }
0x78: {  	_ =	swait.ge [sflag:s13], $0x2800  }
0x79: {  	[sflag:s13] =	ssyncset.done $0x0  }
0x7a: {  	s12 =	simm.s32 $0x7;
	s3 =	rddreg [dreg:$0xd];
	[sflag:s13] =	ssyncadd.s32 $0xFFFFD800  }
0x7b: {  	[hbm4b:s3+s1] =	stream.linear.scatter [tilespmem:s6], [sflag:$0xD], $0x2800, $0x38;
	[tilespmem:$0x1BE90] =	vst v63  }
0x7c: {  	_ =	swait.ge [sflag:s12], $0x2800  }
0x7d: {  	[sflag:s12] =	ssyncset.done $0x0  }
0x7e: {  	s9 =	simm.s32 $0xA;
	s0 =	rddreg [dreg:$0xe];
	[sflag:s12] =	ssyncadd.s32 $0xFFFFD800  }
0x7f: {  	[hbm4b:s0+s1] =	stream.linear.scatter [tilespmem:s24], [sflag:$0x10], $0x2800, $0x38;
	[tilespmem:$0x1BE90] =	vst v63  }
0x80: {  	_ =	swait.ge [sflag:s9], $0x2800  }
0x81: {  	s3 =	sld [smem:$0x7E9];
	[sflag:s9] =	ssyncset.done $0x0  }
0x82: {  	[sflag:s9] =	ssyncadd.s32 $0xFFFFD800  }
0x83: {  	s4 =	simm.s32 $0xD;
	s0 =	rddreg [dreg:$0x0]  }
0x84: {  	[tilespmem:s5], [sflag:$0x1] =	stream.indirect.gather [hbm4b:s0+s16], $0x80, s3, s16, $0xb8;
	[tilespmem:$0x1BE90] =	vst v63  }
0x85: {  	_ =	swait.ge [sflag:s4], $0x2800  }
0x86: {  	s0 =	sld [smem:$0x7EA]  }
0x87: {  	[sflag:s4] =	ssyncset.done $0x0  }
0x88: {  	[sflag:s4] =	ssyncadd.s32 $0xFFFFD800  }
0x89: {  	[tilespmem:s6], [sflag:$0x4] =	stream.indirect.gather [spmem:s28], $0x80, s0, s16, $0xb8;
	[tilespmem:$0x1BE90] =	vst v63  }
0x8a: {  	_ =	swait.ge [sflag:s10], $0x2800  }
0x8b: {  	s3 =	sld [smem:$0x7EB];
	[sflag:s10] =	ssyncset.done $0x0  }
0x8c: {  	[sflag:s10] =	ssyncadd.s32 $0xFFFFD800  }
0x8d: {  	s15 =	simm.s32 $0x2;
	s0 =	rddreg [dreg:$0x5]  }
0x8e: {  	[tilespmem:s24], [sflag:$0x7] =	stream.indirect.gather [spmem:s0], $0x80, s3, s16, $0xb8;
	[tilespmem:$0x1BE90] =	vst v63  }
0x8f: {  	s3 =	rddreg [dreg:$0x0];
	_ =	swait.ge [sflag:s15], $0x2800  }
0x90: {  	[sflag:s15] =	ssyncset.done $0x0  }
0x91: {  	s14 =	simm.s32 $0x5;
	s0 =	rddreg [dreg:$0xf];
	[sflag:s15] =	ssyncadd.s32 $0xFFFFD800  }
0x92: {  	[hbm4b:s0+s1] =	stream.linear.scatter [tilespmem:s18], [sflag:$0xB], $0x2800, $0x38;
	[tilespmem:$0x1BE90] =	vst v63  }
0x93: {  	_ =	swait.ge [sflag:s14], $0x2800  }
0x94: {  	s17 =	simm.s32 $0x8;
	[sflag:s14] =	ssyncset.done $0x0  }
0x95: {  	s0 =	simm.s32 $0xB800;
	s19 =	rddreg [dreg:$0x10];
	[sflag:s14] =	ssyncadd.s32 $0xFFFFD800  }
0x96: {  	[hbm4b:s19+s1] =	stream.linear.scatter [tilespmem:s0], [sflag:$0xE], $0x2800, $0x38;
	[tilespmem:$0x1BE90] =	vst v63  }
0x97: {  	_ =	swait.ge [sflag:s17], $0x2800  }
0x98: {  	[sflag:s17] =	ssyncset.done $0x0  }
0x99: {  	s2 =	simm.s32 $0xB;
	s19 =	rddreg [dreg:$0x11];
	[sflag:s17] =	ssyncadd.s32 $0xFFFFD800  }
0x9a: {  	[hbm4b:s19+s1] =	stream.linear.scatter [tilespmem:s7], [sflag:$0x11], $0x2800, $0x38;
	[tilespmem:$0x1BE90] =	vst v63  }
0x9b: {  	_ =	swait.ge [sflag:s2], $0x2800  }
0x9c: {  	s19 =	sld [smem:$0x7EC]  }
0x9d: {  	[sflag:s2] =	ssyncset.done $0x0  }
0x9e: {  	s26 =	simm.s32 $0xE;
	[sflag:s2] =	ssyncadd.s32 $0xFFFFD800  }
0x9f: {  	[tilespmem:s18], [sflag:$0x2] =	stream.indirect.gather [hbm4b:s3+s16], $0x80, s19, s16, $0xb8;
	[tilespmem:$0x1BE90] =	vst v63  }
0xa0: {  	s2 =	rddreg [dreg:$0x5];
	_ =	swait.ge [sflag:s26], $0x2800  }
0xa1: {  	s19 =	sld [smem:$0x7ED]  }
0xa2: {  	[sflag:s26] =	ssyncset.done $0x0  }
0xa3: {  	s23 =	simm.s32 $0x11;
	[sflag:s26] =	ssyncadd.s32 $0xFFFFD800  }
0xa4: {  	[tilespmem:s0], [sflag:$0x5] =	stream.indirect.gather [spmem:s28], $0x80, s19, s16, $0xb8;
	[tilespmem:$0x1BE90] =	vst v63  }
0xa5: {  	_ =	swait.ge [sflag:s23], $0x2800  }
0xa6: {  	s0 =	sld [smem:$0x7EE]  }
0xa7: {  	[sflag:s23] =	ssyncset.done $0x0  }
0xa8: {  	s31 =	simm.s32 $0x3;
	[sflag:s23] =	ssyncadd.s32 $0xFFFFD800  }
0xa9: {  	[tilespmem:s7], [sflag:$0x8] =	stream.indirect.gather [spmem:s2], $0x80, s0, s16, $0xb8;
	[tilespmem:$0x1BE90] =	vst v63  }
0xaa: {  	_ =	swait.ge [sflag:s31], $0x2800  }
0xab: {  	s30 =	simm.s32 $0x6;
	[sflag:s31] =	ssyncset.done $0x0  }
0xac: {  	s0 =	simm.s32 $0x6800;
	s19 =	rddreg [dreg:$0x12];
	[sflag:s31] =	ssyncadd.s32 $0xFFFFD800  }
0xad: {  	[hbm4b:s19+s1] =	stream.linear.scatter [tilespmem:s0], [sflag:$0xC], $0x2800, $0x38;
	[tilespmem:$0x1BE90] =	vst v63  }
0xae: {  	_ =	swait.ge [sflag:s30], $0x2800  }
0xaf: {  	s29 =	simm.s32 $0x9;
	[sflag:s30] =	ssyncset.done $0x0  }
0xb0: {  	s21 =	simm.s32 $0xE000;
	s19 =	rddreg [dreg:$0x13];
	[sflag:s30] =	ssyncadd.s32 $0xFFFFD800  }
0xb1: {  	[hbm4b:s19+s1] =	stream.linear.scatter [tilespmem:s21], [sflag:$0xF], $0x2800, $0x38;
	[tilespmem:$0x1BE90] =	vst v63  }
0xb2: {  	_ =	swait.ge [sflag:s29], $0x2800  }
0xb3: {  	[sflag:s29] =	ssyncset.done $0x0  }
0xb4: {  	s25 =	simm.s32 $0xC;
	s19 =	rddreg [dreg:$0x14];
	[sflag:s29] =	ssyncadd.s32 $0xFFFFD800  }
0xb5: {  	[hbm4b:s19+s1] =	stream.linear.scatter [tilespmem:s11], [sflag:$0x12], $0x2800, $0x38;
	[tilespmem:$0x1BE90] =	vst v63  }
0xb6: {  	_ =	swait.ge [sflag:s25], $0x2800  }
0xb7: {  	s19 =	sld [smem:$0x7EF]  }
0xb8: {  	[sflag:s25] =	ssyncset.done $0x0  }
0xb9: {  	s22 =	simm.s32 $0xF;
	[sflag:s25] =	ssyncadd.s32 $0xFFFFD800  }
0xba: {  	[tilespmem:s0], [sflag:$0x3] =	stream.indirect.gather [hbm4b:s3+s16], $0x80, s19, s16, $0xb8;
	[tilespmem:$0x1BE90] =	vst v63  }
0xbb: {  	_ =	swait.ge [sflag:s22], $0x2800  }
0xbc: {  	s0 =	sld [smem:$0x7F0]  }
0xbd: {  	[sflag:s22] =	ssyncset.done $0x0  }
0xbe: {  	s20 =	simm.s32 $0x12;
	[sflag:s22] =	ssyncadd.s32 $0xFFFFD800  }
0xbf: {  	[tilespmem:s21], [sflag:$0x6] =	stream.indirect.gather [spmem:s28], $0x80, s0, s16, $0xb8;
	[tilespmem:$0x1BE90] =	vst v63  }
0xc0: {  	_ =	swait.ge [sflag:s20], $0x2800  }
0xc1: {  	s0 =	sld [smem:$0x7F1]  }
0xc2: {  	[sflag:s20] =	ssyncset.done $0x0  }
0xc3: {  	[sflag:s20] =	ssyncadd.s32 $0xFFFFD800  }
0xc4: {  	[tilespmem:s11], [sflag:$0x9] =	stream.indirect.gather [spmem:s2], $0x80, s0, s16, $0xb8;
	[tilespmem:$0x1BE90] =	vst v63  }
0xc5: {  	_ =	swait.ge [sflag:s8], $0x2800  }
0xc6: {  	[sflag:s8] =	ssyncset.done $0x0  }
0xc7: {  	s0 =	rddreg [dreg:$0x15];
	[sflag:s8] =	ssyncadd.s32 $0xFFFFD800  }
0xc8: {  	[hbm4b:s0+s1] =	stream.linear.scatter [tilespmem:s5], [sflag:$0xA], $0x2800, $0x38;
	[tilespmem:$0x1BE90] =	vst v63  }
0xc9: {  	_ =	swait.ge [sflag:s13], $0x2800  }
0xca: {  	[sflag:s13] =	ssyncset.done $0x0  }
0xcb: {  	s0 =	rddreg [dreg:$0x16];
	[sflag:s13] =	ssyncadd.s32 $0xFFFFD800  }
0xcc: {  	[hbm4b:s0+s1] =	stream.linear.scatter [tilespmem:s6], [sflag:$0xD], $0x2800, $0x38;
	[tilespmem:$0x1BE90] =	vst v63  }
0xcd: {  	_ =	swait.ge [sflag:s12], $0x2800  }
0xce: {  	[sflag:s12] =	ssyncset.done $0x0  }
0xcf: {  	s0 =	rddreg [dreg:$0x17];
	[sflag:s12] =	ssyncadd.s32 $0xFFFFD800  }
0xd0: {  	[hbm4b:s0+s1] =	stream.linear.scatter [tilespmem:s24], [sflag:$0x10], $0x2800, $0x38;
	[tilespmem:$0x1BE90] =	vst v63  }
0xd1: {  	_ =	swait.ge [sflag:s9], $0x2800  }
0xd2: {  	s0 =	sld [smem:$0x7F2]  }
0xd3: {  	[sflag:s9] =	ssyncset.done $0x0  }
0xd4: {  	[sflag:s9] =	ssyncadd.s32 $0xFFFFD800  }
0xd5: {  	[tilespmem:s5], [sflag:$0x1] =	stream.indirect.gather [hbm4b:s3+s16], $0x80, s0, s16, $0xb8;
	[tilespmem:$0x1BE90] =	vst v63  }
0xd6: {  	_ =	swait.ge [sflag:s4], $0x2800  }
0xd7: {  	s0 =	sld [smem:$0x7F3]  }
0xd8: {  	[sflag:s4] =	ssyncset.done $0x0  }
0xd9: {  	[sflag:s4] =	ssyncadd.s32 $0xFFFFD800  }
0xda: {  	[tilespmem:s6], [sflag:$0x4] =	stream.indirect.gather [spmem:s28], $0x80, s0, s16, $0xb8;
	[tilespmem:$0x1BE90] =	vst v63  }
0xdb: {  	_ =	swait.ge [sflag:s10], $0x2800  }
0xdc: {  	s9 =	sld [smem:$0x7F4]  }
0xdd: {  	[sflag:s10] =	ssyncset.done $0x0  }
0xde: {  	[sflag:s10] =	ssyncadd.s32 $0xFFFFD800  }
0xdf: {  	[tilespmem:s24], [sflag:$0x7] =	stream.indirect.gather [spmem:s2], $0x80, s9, s16, $0xb8;
	[tilespmem:$0x1BE90] =	vst v63  }
0xe0: {  	_ =	swait.ge [sflag:s15], $0x2800  }
0xe1: {  	[sflag:s15] =	ssyncset.done $0x0  }
0xe2: {  	s0 =	rddreg [dreg:$0x18];
	[sflag:s15] =	ssyncadd.s32 $0xFFFFD800  }
0xe3: {  	[hbm4b:s0+s1] =	stream.linear.scatter [tilespmem:s18], [sflag:$0xB], $0x2800, $0x38;
	[tilespmem:$0x1BE90] =	vst v63  }
0xe4: {  	_ =	swait.ge [sflag:s14], $0x2800  }
0xe5: {  	[sflag:s14] =	ssyncset.done $0x0  }
0xe6: {  	s15 =	simm.s32 $0xB800;
	s0 =	rddreg [dreg:$0x19];
	[sflag:s14] =	ssyncadd.s32 $0xFFFFD800  }
0xe7: {  	[hbm4b:s0+s1] =	stream.linear.scatter [tilespmem:s15], [sflag:$0xE], $0x2800, $0x38;
	[tilespmem:$0x1BE90] =	vst v63  }
0xe8: {  	_ =	swait.ge [sflag:s17], $0x2800  }
0xe9: {  	[sflag:s17] =	ssyncset.done $0x0  }
0xea: {  	s26 =	simm.s32 $0xB;
	s19 =	rddreg [dreg:$0x1a];
	[sflag:s17] =	ssyncadd.s32 $0xFFFFD800  }
0xeb: {  	[hbm4b:s19+s1] =	stream.linear.scatter [tilespmem:s7], [sflag:$0x11], $0x2800, $0x38;
	[tilespmem:$0x1BE90] =	vst v63  }
0xec: {  	_ =	swait.ge [sflag:s26], $0x2800  }
0xed: {  	s17 =	sld [smem:$0x7F5]  }
0xee: {  	[sflag:s26] =	ssyncset.done $0x0  }
0xef: {  	s25 =	simm.s32 $0xE;
	[sflag:s26] =	ssyncadd.s32 $0xFFFFD800  }
0xf0: {  	[tilespmem:s18], [sflag:$0x2] =	stream.indirect.gather [hbm4b:s3+s16], $0x80, s17, s16, $0xb8;
	[tilespmem:$0x1BE90] =	vst v63  }
0xf1: {  	_ =	swait.ge [sflag:s25], $0x2800  }
0xf2: {  	s17 =	sld [smem:$0x7F6]  }
0xf3: {  	[sflag:s25] =	ssyncset.done $0x0  }
0xf4: {  	[sflag:s25] =	ssyncadd.s32 $0xFFFFD800  }
0xf5: {  	[tilespmem:s15], [sflag:$0x5] =	stream.indirect.gather [spmem:s28], $0x80, s17, s16, $0xb8;
	[tilespmem:$0x1BE90] =	vst v63  }
0xf6: {  	_ =	swait.ge [sflag:s23], $0x2800  }
0xf7: {  	s17 =	sld [smem:$0x7F7]  }
0xf8: {  	[sflag:s23] =	ssyncset.done $0x0  }
0xf9: {  	[sflag:s23] =	ssyncadd.s32 $0xFFFFD800  }
0xfa: {  	[tilespmem:s7], [sflag:$0x8] =	stream.indirect.gather [spmem:s2], $0x80, s17, s16, $0xb8;
	[tilespmem:$0x1BE90] =	vst v63  }
0xfb: {  	_ =	swait.ge [sflag:s31], $0x2800  }
0xfc: {  	[sflag:s31] =	ssyncset.done $0x0  }
0xfd: {  	s17 =	simm.s32 $0x6800;
	s15 =	rddreg [dreg:$0x1b];
	[sflag:s31] =	ssyncadd.s32 $0xFFFFD800  }
0xfe: {  	[hbm4b:s15+s1] =	stream.linear.scatter [tilespmem:s17], [sflag:$0xC], $0x2800, $0x38;
	[tilespmem:$0x1BE90] =	vst v63  }
0xff: {  	_ =	swait.ge [sflag:s30], $0x2800  }
0x100: {  	[sflag:s30] =	ssyncset.done $0x0  }
0x101: {  	s15 =	rddreg [dreg:$0x1c];
	[sflag:s30] =	ssyncadd.s32 $0xFFFFD800  }
0x102: {  	[hbm4b:s15+s1] =	stream.linear.scatter [tilespmem:s21], [sflag:$0xF], $0x2800, $0x38;
	[tilespmem:$0x1BE90] =	vst v63  }
0x103: {  	_ =	swait.ge [sflag:s29], $0x2800  }
0x104: {  	[sflag:s29] =	ssyncset.done $0x0  }
0x105: {  	s23 =	simm.s32 $0xC;
	s15 =	rddreg [dreg:$0x1d];
	[sflag:s29] =	ssyncadd.s32 $0xFFFFD800  }
0x106: {  	[hbm4b:s15+s1] =	stream.linear.scatter [tilespmem:s11], [sflag:$0x12], $0x2800, $0x38;
	[tilespmem:$0x1BE90] =	vst v63  }
0x107: {  	_ =	swait.ge [sflag:s23], $0x2800  }
0x108: {  	s15 =	sld [smem:$0x7F8]  }
0x109: {  	[sflag:s23] =	ssyncset.done $0x0  }
0x10a: {  	[sflag:s23] =	ssyncadd.s32 $0xFFFFD800  }
0x10b: {  	[tilespmem:s17], [sflag:$0x3] =	stream.indirect.gather [hbm4b:s3+s16], $0x80, s15, s16, $0xb8;
	[tilespmem:$0x1BE90] =	vst v63  }
0x10c: {  	_ =	swait.ge [sflag:s22], $0x2800  }
0x10d: {  	s17 =	sld [smem:$0x7F9]  }
0x10e: {  	[sflag:s22] =	ssyncset.done $0x0  }
0x10f: {  	[sflag:s22] =	ssyncadd.s32 $0xFFFFD800  }
0x110: {  	[tilespmem:s21], [sflag:$0x6] =	stream.indirect.gather [spmem:s28], $0x80, s17, s16, $0xb8;
	[tilespmem:$0x1BE90] =	vst v63  }
0x111: {  	_ =	swait.ge [sflag:s20], $0x2800  }
0x112: {  	s17 =	sld [smem:$0x7FA]  }
0x113: {  	[sflag:s20] =	ssyncset.done $0x0  }
0x114: {  	[sflag:s20] =	ssyncadd.s32 $0xFFFFD800  }
0x115: {  	[tilespmem:s11], [sflag:$0x9] =	stream.indirect.gather [spmem:s2], $0x80, s17, s16, $0xb8;
	[tilespmem:$0x1BE90] =	vst v63  }
0x116: {  	_ =	swait.ge [sflag:s8], $0x2800  }
0x117: {  	[sflag:s8] =	ssyncset.done $0x0  }
0x118: {  	s17 =	rddreg [dreg:$0x1e];
	[sflag:s8] =	ssyncadd.s32 $0xFFFFD800  }
0x119: {  	[hbm4b:s17+s1] =	stream.linear.scatter [tilespmem:s5], [sflag:$0xA], $0x2800, $0x38;
	[tilespmem:$0x1BE90] =	vst v63  }
0x11a: {  	_ =	swait.ge [sflag:s13], $0x2800  }
0x11b: {  	[sflag:s13] =	ssyncset.done $0x0  }
0x11c: {  	s17 =	rddreg [dreg:$0x1f];
	[sflag:s13] =	ssyncadd.s32 $0xFFFFD800  }
0x11d: {  	[hbm4b:s17+s1] =	stream.linear.scatter [tilespmem:s6], [sflag:$0xD], $0x2800, $0x38;
	[tilespmem:$0x1BE90] =	vst v63  }
0x11e: {  	_ =	swait.ge [sflag:s12], $0x2800  }
0x11f: {  	s8 =	sld [smem:$0x7D9]  }
0x120: {  	[sflag:s12] =	ssyncset.done $0x0  }
0x121: {  	s9 =	simm.s32 $0xA;
	[sflag:s12] =	ssyncadd.s32 $0xFFFFD800  }
0x122: {  	[hbm4b:s8+s1] =	stream.linear.scatter [tilespmem:s24], [sflag:$0x10], $0x2800, $0x38;
	[tilespmem:$0x1BE90] =	vst v63  }
0x123: {  	_ =	swait.ge [sflag:s9], $0x2800  }
0x124: {  	s17 =	sld [smem:$0x7FB]  }
0x125: {  	[sflag:s9] =	ssyncset.done $0x0  }
0x126: {  	[sflag:s9] =	ssyncadd.s32 $0xFFFFD800  }
0x127: {  	[tilespmem:s5], [sflag:$0x1] =	stream.indirect.gather [hbm4b:s3+s16], $0x80, s17, s16, $0xb8;
	[tilespmem:$0x1BE90] =	vst v63  }
0x128: {  	_ =	swait.ge [sflag:s4], $0x2800  }
0x129: {  	s8 =	sld [smem:$0x7FC]  }
0x12a: {  	[sflag:s4] =	ssyncset.done $0x0  }
0x12b: {  	[sflag:s4] =	ssyncadd.s32 $0xFFFFD800  }
0x12c: {  	[tilespmem:s6], [sflag:$0x4] =	stream.indirect.gather [spmem:s28], $0x80, s8, s16, $0xb8;
	[tilespmem:$0x1BE90] =	vst v63  }
0x12d: {  	_ =	swait.ge [sflag:s10], $0x2800  }
0x12e: {  	s17 =	sld [smem:$0x7FD]  }
0x12f: {  	[sflag:s10] =	ssyncset.done $0x0  }
0x130: {  	s14 =	simm.s32 $0x2;
	[sflag:s10] =	ssyncadd.s32 $0xFFFFD800  }
0x131: {  	[tilespmem:s24], [sflag:$0x7] =	stream.indirect.gather [spmem:s2], $0x80, s17, s16, $0xb8;
	[tilespmem:$0x1BE90] =	vst v63  }
0x132: {  	_ =	swait.ge [sflag:s14], $0x2800  }
0x133: {  	s4 =	sld [smem:$0x7DA]  }
0x134: {  	[sflag:s14] =	ssyncset.done $0x0  }
0x135: {  	s0 =	simm.s32 $0x5;
	[sflag:s14] =	ssyncadd.s32 $0xFFFFD800  }
0x136: {  	[hbm4b:s4+s1] =	stream.linear.scatter [tilespmem:s18], [sflag:$0xB], $0x2800, $0x38;
	[tilespmem:$0x1BE90] =	vst v63  }
0x137: {  	_ =	swait.ge [sflag:s0], $0x2800  }
0x138: {  	s8 =	sld [smem:$0x7DB]  }
0x139: {  	[sflag:s0] =	ssyncset.done $0x0  }
0x13a: {  	s31 =	simm.s32 $0x8;
	s18 =	simm.s32 $0xB800;
	[sflag:s0] =	ssyncadd.s32 $0xFFFFD800  }
0x13b: {  	[hbm4b:s8+s1] =	stream.linear.scatter [tilespmem:s18], [sflag:$0xE], $0x2800, $0x38;
	[tilespmem:$0x1BE90] =	vst v63  }
0x13c: {  	_ =	swait.ge [sflag:s31], $0x2800  }
0x13d: {  	s4 =	sld [smem:$0x7DC]  }
0x13e: {  	[sflag:s31] =	ssyncset.done $0x0  }
0x13f: {  	s30 =	simm.s32 $0x3;
	[sflag:s31] =	ssyncadd.s32 $0xFFFFD800  }
0x140: {  	[hbm4b:s4+s1] =	stream.linear.scatter [tilespmem:s7], [sflag:$0x11], $0x2800, $0x38;
	[tilespmem:$0x1BE90] =	vst v63  }
0x141: {  	_ =	swait.ge [sflag:s30], $0x2800  }
0x142: {  	s8 =	sld [smem:$0x7DD]  }
0x143: {  	[sflag:s30] =	ssyncset.done $0x0  }
0x144: {  	s29 =	simm.s32 $0x6;
	s15 =	simm.s32 $0x6800;
	[sflag:s30] =	ssyncadd.s32 $0xFFFFD800  }
0x145: {  	[hbm4b:s8+s1] =	stream.linear.scatter [tilespmem:s15], [sflag:$0xC], $0x2800, $0x38;
	[tilespmem:$0x1BE90] =	vst v63  }
0x146: {  	_ =	swait.ge [sflag:s29], $0x2800  }
0x147: {  	s4 =	sld [smem:$0x7DE]  }
0x148: {  	[sflag:s29] =	ssyncset.done $0x0  }
0x149: {  	s17 =	simm.s32 $0x9;
	[sflag:s29] =	ssyncadd.s32 $0xFFFFD800  }
0x14a: {  	[hbm4b:s4+s1] =	stream.linear.scatter [tilespmem:s21], [sflag:$0xF], $0x2800, $0x38;
	[tilespmem:$0x1BE90] =	vst v63  }
0x14b: {  	_ =	swait.ge [sflag:s17], $0x2800  }
0x14c: {  	s7 =	sld [smem:$0x7DF]  }
0x14d: {  	[sflag:s17] =	ssyncset.done $0x0  }
0x14e: {  	s13 =	simm.s32 $0x1;
	[sflag:s17] =	ssyncadd.s32 $0xFFFFD800  }
0x14f: {  	[hbm4b:s7+s1] =	stream.linear.scatter [tilespmem:s11], [sflag:$0x12], $0x2800, $0x38;
	[tilespmem:$0x1BE90] =	vst v63  }
0x150: {  	_ =	swait.ge [sflag:s13], $0x2800  }
0x151: {  	s8 =	sld [smem:$0x7E0]  }
0x152: {  	[sflag:s13] =	ssyncset.done $0x0  }
0x153: {  	s12 =	simm.s32 $0x4;
	[sflag:s13] =	ssyncadd.s32 $0xFFFFD800  }
0x154: {  	[hbm4b:s8+s1] =	stream.linear.scatter [tilespmem:s5], [sflag:$0xA], $0x2800, $0x38;
	[tilespmem:$0x1BE90] =	vst v63  }
0x155: {  	_ =	swait.ge [sflag:s12], $0x2800  }
0x156: {  	s15 =	sld [smem:$0x7E1]  }
0x157: {  	[sflag:s12] =	ssyncset.done $0x0  }
0x158: {  	s11 =	simm.s32 $0x7;
	[sflag:s12] =	ssyncadd.s32 $0xFFFFD800  }
0x159: {  	[hbm4b:s15+s1] =	stream.linear.scatter [tilespmem:s6], [sflag:$0xD], $0x2800, $0x38;
	[tilespmem:$0x1BE90] =	vst v63  }
0x15a: {  	_ =	swait.ge [sflag:s11], $0x2800  }
0x15b: {  	s17 =	sld [smem:$0x7E2]  }
0x15c: {  	[sflag:s11] =	ssyncset.done $0x0  }
0x15d: {  	[sflag:s11] =	ssyncadd.s32 $0xFFFFD800  }
0x15e: {  	[hbm4b:s17+s1] =	stream.linear.scatter [tilespmem:s24], [sflag:$0x10], $0x2800, $0x38;
	[tilespmem:$0x1BE90] =	vst v63  }
0x15f: {  	_ =	swait.ge [sflag:s26], $0x2800  }
0x160: {  	[sflag:s26] =	ssyncset.done $0x0  }
0x161: {  	[sflag:s26] =	ssyncadd.s32 $0xFFFFD800  }
0x162: {  	_ =	swait.ge [sflag:s25], $0x2800  }
0x163: {  	[sflag:s25] =	ssyncset.done $0x0  }
0x164: {  	s22 =	simm.s32 $0x11;
	[sflag:s25] =	ssyncadd.s32 $0xFFFFD800  }
0x165: {  	_ =	swait.ge [sflag:s22], $0x2800  }
0x166: {  	[sflag:s22] =	ssyncset.done $0x0  }
0x167: {  	[sflag:s22] =	ssyncadd.s32 $0xFFFFD800  }
0x168: {  	_ =	swait.ge [sflag:s23], $0x2800  }
0x169: {  	[sflag:s23] =	ssyncset.done $0x0  }
0x16a: {  	s20 =	simm.s32 $0xF;
	[sflag:s23] =	ssyncadd.s32 $0xFFFFD800  }
0x16b: {  	_ =	swait.ge [sflag:s20], $0x2800  }
0x16c: {  	[sflag:s20] =	ssyncset.done $0x0  }
0x16d: {  	s18 =	simm.s32 $0x12;
	[sflag:s20] =	ssyncadd.s32 $0xFFFFD800  }
0x16e: {  	_ =	swait.ge [sflag:s18], $0x2800  }
0x16f: {  	[sflag:s18] =	ssyncset.done $0x0  }
0x170: {  	[sflag:s18] =	ssyncadd.s32 $0xFFFFD800  }
0x171: {  	_ =	swait.ge [sflag:s9], $0x2800  }
0x172: {  	[sflag:s9] =	ssyncset.done $0x0  }
0x173: {  	[sflag:s9] =	ssyncadd.s32 $0xFFFFD800;
	s9 =	simm.s32 $0xD  }
0x174: {  	_ =	swait.ge [sflag:s9], $0x2800  }
0x175: {  	s21 =	sld [smem:$0x7D8];
	_ =	sdelay $0x2  }
0x176: {  	s28 =	sadd.s32 $0xFFFFFFFF, s21  }
0x177: {  	p2 =	sne.s32 s28, $0x0  }
.Ltmp1:
0x178: {  	_ = 	snop;
	(pc) =	sbr.rel @!p2 .LBB2_3-.Ltmp1, $4  }
0x179: {  	[sflag:s9] =	ssyncset.done $0x0  }
0x17a: {  	[sflag:s9] =	ssyncadd.s32 $0xFFFFD800  }
0x17b: {  	_ =	swait.ge [sflag:s10], $0x2800  }
0x17c: {  	p1 =	por $0x1, $0x1;
	s21 =	rddreg [dreg:$0x7];
	[sflag:s10] =	ssyncset.done $0x0  }
.LBB2_4:
0x17d: {  	s4 =	sld [smem:$0x7D6];
	_ =	sdelay $0x1  }
0x17e: {  	[sflag:s10] =	ssyncadd.s32 $0xFFFFD800;
	s0 =	simm.s32 @!p0 $0x1C13  }
0x17f: {  	[spmem:s4], [sflag:s0] =	dma.local @!p0 [hbm:s21], $0x3E90  }
0x180: {  	s4 =	simm.s32 @!p0 $0x13  }
0x181: {  	_ =	swait.ge @!p0 [sflag:s4], $0x3E90  }
0x182: {  	s5 =	sld [smem:$0x7D7]  }
0x183: {  	[sflag:s4] =	ssyncset.done @!p0 $0x0  }
0x184: {  	s21 =	rddreg [dreg:$0x8];
	[sflag:s4] =	ssyncadd.s32 @!p0 $0xFFFFC170  }
0x185: {  	[spmem:s5], [sflag:s0] =	dma.local @!p0 [hbm:s21], $0x3E90  }
0x186: {  	_ =	swait.ge @!p0 [sflag:s4], $0x3E90  }
0x187: {  	[sflag:s4] =	ssyncset.done @!p0 $0x0  }
0x188: {  	s22 =	simm.s32 $0x13;
	s20 =	rddreg [dreg:$0x9];
	[sflag:s4] =	ssyncadd.s32 @!p0 $0xFFFFC170  }
0x189: {  	[tilespmem:s1], [sflag:$0x13] =	stream.linear.gather [hbm4b:s20+s1], $0x500, $0x38;
	[tilespmem:$0x1BE90] =	vst v63  }
0x18a: {  	_ =	swait.ge [sflag:s22], $0x500  }
0x18b: {  	[sflag:s22] =	ssyncset.done $0x0  }
0x18c: {  	s25 =	simm.s32 $0x800;
	s23 =	rddreg [dreg:$0xa];
	[sflag:s22] =	ssyncadd.s32 $0xFFFFFB00  }
0x18d: {  	[tilespmem:s25], [sflag:$0x13] =	stream.linear.gather [hbm4b:s23+s1], $0x500, $0x38;
	[tilespmem:$0x1BE90] =	vst v63  }
0x18e: {  	_ =	swait.ge [sflag:s22], $0x500  }
0x18f: {  	[sflag:s22] =	ssyncset.done $0x0  }
0x190: {  	s6 =	simm.s32 $0x1000;
	s26 =	rddreg [dreg:$0xb];
	[sflag:s22] =	ssyncadd.s32 $0xFFFFFB00  }
0x191: {  	[tilespmem:s6], [sflag:$0x13] =	stream.linear.gather [hbm4b:s26+s1], $0x500, $0x38;
	[tilespmem:$0x1BE90] =	vst v63  }
0x192: {  	_ =	swait.ge [sflag:s22], $0x500  }
0x193: {  	[sflag:s22] =	ssyncset.done $0x0  }
0x194: {  	[sflag:s22] =	ssyncadd.s32 $0xFFFFFB00  }
0x195: {  	s17 =	simm.s32 $0x1800;
	[bflag:$0x0] =	sbarrier.arrive $0xFFFF  }
0x196: {  	[tilespmem:s17], [sflag:$0x1] =	stream.indirect.gather [hbm4b:s3+s16], $0x80, s1, s16, $0xb8;
	[tilespmem:$0x1BE90] =	vst v63  }
0x197: {  	s19 =	rddreg [dreg:$0x4]  }
0x198: {  	s8 =	sld [smem:$0x7E3]  }
0x199: {  	s7 =	simm.s32 $0x9000;
	s11 =	sld [smem:$0x7E4]  }
0x19a: {  	[tilespmem:s7], [sflag:$0x4] =	stream.indirect.gather [spmem:s19], $0x80, s25, s16, $0xb8;
	[tilespmem:$0x1BE90] =	vst v63  }
0x19b: {  	s12 =	sld [smem:$0x7E5]  }
0x19c: {  	[tilespmem:s24], [sflag:$0x7] =	stream.indirect.gather [spmem:s2], $0x80, s6, s16, $0xb8;
	[tilespmem:$0x1BE90] =	vst v63  }
0x19d: {  	s17 =	simm.s32 $0x4000;
	s13 =	sld [smem:$0x7E6]  }
0x19e: {  	[tilespmem:s17], [sflag:$0x2] =	stream.indirect.gather [hbm4b:s3+s16], $0x80, s8, s16, $0xb8;
	[tilespmem:$0x1BE90] =	vst v63  }
0x19f: {  	s18 =	simm.s32 $0xB800;
	s4 =	rddreg [dreg:$0x5]  }
0x1a0: {  	[tilespmem:s18], [sflag:$0x5] =	stream.indirect.gather [spmem:s19], $0x80, s11, s16, $0xb8;
	[tilespmem:$0x1BE90] =	vst v63  }
0x1a1: {  	s7 =	simm.s32 $0x13000;
	s8 =	sld [smem:$0x7E7]  }
0x1a2: {  	[tilespmem:s7], [sflag:$0x8] =	stream.indirect.gather [spmem:s4], $0x80, s12, s16, $0xb8;
	[tilespmem:$0x1BE90] =	vst v63  }
0x1a3: {  	s11 =	rddreg [dreg:$0x0];
	s12 =	simm.s32 $0x6800  }
0x1a4: {  	[tilespmem:s12], [sflag:$0x3] =	stream.indirect.gather [hbm4b:s11+s16], $0x80, s13, s16, $0xb8;
	[tilespmem:$0x1BE90] =	vst v63  }
0x1a5: {  	s24 =	sld [smem:$0x7E8];
	s13 =	simm.s32 $0xE000  }
0x1a6: {  	[tilespmem:s13], [sflag:$0x6] =	stream.indirect.gather [spmem:s19], $0x80, s8, s16, $0xb8;
	[tilespmem:$0x1BE90] =	vst v63  }
0x1a7: {  	s21 =	rddreg [dreg:$0x5];
	s3 =	simm.s32 $0x15800;
	s8 =	simm.s32 $0x1  }
0x1a8: {  	[tilespmem:s3], [sflag:$0x9] =	stream.indirect.gather [spmem:s21], $0x80, s24, s16, $0xb8;
	[tilespmem:$0x1BE90] =	vst v63  }
0x1a9: {  	_ =	swait.ge [sflag:s8], $0x2800  }
0x1aa: {  	s5 =	simm.s32 $0x1800;
	[sflag:s8] =	ssyncset.done $0x0  }
0x1ab: {  	s13 =	simm.s32 $0x4;
	s3 =	rddreg [dreg:$0xc];
	[sflag:s8] =	ssyncadd.s32 $0xFFFFD800  }
0x1ac: {  	[hbm4b:s3+s1] =	stream.linear.scatter [tilespmem:s5], [sflag:$0xA], $0x2800, $0x38;
	[tilespmem:$0x1BE90] =	vst v63  }
0x1ad: {  	_ =	swait.ge [sflag:s13], $0x2800  }
0x1ae: {  	s6 =	simm.s32 $0x9000;
	[sflag:s13] =	ssyncset.done $0x0  }
0x1af: {  	s12 =	simm.s32 $0x7;
	s3 =	rddreg [dreg:$0xd];
	[sflag:s13] =	ssyncadd.s32 $0xFFFFD800  }
0x1b0: {  	[hbm4b:s3+s1] =	stream.linear.scatter [tilespmem:s6], [sflag:$0xD], $0x2800, $0x38;
	[tilespmem:$0x1BE90] =	vst v63  }
0x1b1: {  	_ =	swait.ge [sflag:s12], $0x2800  }
0x1b2: {  	s9 =	simm.s32 $0xA;
	[sflag:s12] =	ssyncset.done $0x0  }
0x1b3: {  	s24 =	simm.s32 $0x10800;
	s3 =	rddreg [dreg:$0xe];
	[sflag:s12] =	ssyncadd.s32 $0xFFFFD800  }
0x1b4: {  	[hbm4b:s3+s1] =	stream.linear.scatter [tilespmem:s24], [sflag:$0x10], $0x2800, $0x38;
	[tilespmem:$0x1BE90] =	vst v63  }
0x1b5: {  	_ =	swait.ge [sflag:s9], $0x2800  }
0x1b6: {  	s21 =	sld [smem:$0x7E9];
	[sflag:s9] =	ssyncset.done $0x0  }
0x1b7: {  	[sflag:s9] =	ssyncadd.s32 $0xFFFFD800  }
0x1b8: {  	s10 =	simm.s32 $0xD;
	s3 =	rddreg [dreg:$0x0]  }
0x1b9: {  	[tilespmem:s5], [sflag:$0x1] =	stream.indirect.gather [hbm4b:s3+s16], $0x80, s21, s16, $0xb8;
	[tilespmem:$0x1BE90] =	vst v63  }
0x1ba: {  	_ =	swait.ge [sflag:s10], $0x2800  }
0x1bb: {  	s3 =	sld [smem:$0x7EA]  }
0x1bc: {  	[sflag:s10] =	ssyncset.done $0x0  }
0x1bd: {  	[sflag:s10] =	ssyncadd.s32 $0xFFFFD800;
	s10 =	simm.s32 $0x10  }
0x1be: {  	[tilespmem:s6], [sflag:$0x4] =	stream.indirect.gather [spmem:s19], $0x80, s3, s16, $0xb8;
	[tilespmem:$0x1BE90] =	vst v63  }
0x1bf: {  	_ =	swait.ge [sflag:s10], $0x2800  }
0x1c0: {  	s21 =	sld [smem:$0x7EB];
	[sflag:s10] =	ssyncset.done $0x0  }
0x1c1: {  	[sflag:s10] =	ssyncadd.s32 $0xFFFFD800  }
0x1c2: {  	s15 =	simm.s32 $0x2;
	s3 =	rddreg [dreg:$0x5]  }
0x1c3: {  	[tilespmem:s24], [sflag:$0x7] =	stream.indirect.gather [spmem:s3], $0x80, s21, s16, $0xb8;
	[tilespmem:$0x1BE90] =	vst v63  }
0x1c4: {  	s3 =	rddreg [dreg:$0x0];
	_ =	swait.ge [sflag:s15], $0x2800  }
0x1c5: {  	[sflag:s15] =	ssyncset.done $0x0  }
0x1c6: {  	s14 =	simm.s32 $0x5;
	s21 =	rddreg [dreg:$0xf];
	[sflag:s15] =	ssyncadd.s32 $0xFFFFD800  }
0x1c7: {  	[hbm4b:s21+s1] =	stream.linear.scatter [tilespmem:s17], [sflag:$0xB], $0x2800, $0x38;
	[tilespmem:$0x1BE90] =	vst v63  }
0x1c8: {  	_ =	swait.ge [sflag:s14], $0x2800  }
0x1c9: {  	[sflag:s14] =	ssyncset.done $0x0  }
0x1ca: {  	s0 =	simm.s32 $0x8;
	s21 =	rddreg [dreg:$0x10];
	[sflag:s14] =	ssyncadd.s32 $0xFFFFD800  }
0x1cb: {  	[hbm4b:s21+s1] =	stream.linear.scatter [tilespmem:s18], [sflag:$0xE], $0x2800, $0x38;
	[tilespmem:$0x1BE90] =	vst v63  }
0x1cc: {  	_ =	swait.ge [sflag:s0], $0x2800  }
0x1cd: {  	s2 =	simm.s32 $0xB;
	[sflag:s0] =	ssyncset.done $0x0  }
0x1ce: {  	s7 =	simm.s32 $0x13000;
	s21 =	rddreg [dreg:$0x11];
	[sflag:s0] =	ssyncadd.s32 $0xFFFFD800  }
0x1cf: {  	[hbm4b:s21+s1] =	stream.linear.scatter [tilespmem:s7], [sflag:$0x11], $0x2800, $0x38;
	[tilespmem:$0x1BE90] =	vst v63  }
0x1d0: {  	_ =	swait.ge [sflag:s2], $0x2800  }
0x1d1: {  	s21 =	sld [smem:$0x7EC]  }
0x1d2: {  	[sflag:s2] =	ssyncset.done $0x0  }
0x1d3: {  	s26 =	simm.s32 $0xE;
	[sflag:s2] =	ssyncadd.s32 $0xFFFFD800  }
0x1d4: {  	[tilespmem:s17], [sflag:$0x2] =	stream.indirect.gather [hbm4b:s3+s16], $0x80, s21, s16, $0xb8;
	[tilespmem:$0x1BE90] =	vst v63  }
0x1d5: {  	s2 =	rddreg [dreg:$0x5];
	_ =	swait.ge [sflag:s26], $0x2800  }
0x1d6: {  	s21 =	sld [smem:$0x7ED]  }
0x1d7: {  	[sflag:s26] =	ssyncset.done $0x0  }
0x1d8: {  	s23 =	simm.s32 $0x11;
	[sflag:s26] =	ssyncadd.s32 $0xFFFFD800  }
0x1d9: {  	[tilespmem:s18], [sflag:$0x5] =	stream.indirect.gather [spmem:s19], $0x80, s21, s16, $0xb8;
	[tilespmem:$0x1BE90] =	vst v63  }
0x1da: {  	_ =	swait.ge [sflag:s23], $0x2800  }
0x1db: {  	s21 =	sld [smem:$0x7EE]  }
0x1dc: {  	[sflag:s23] =	ssyncset.done $0x0  }
0x1dd: {  	s31 =	simm.s32 $0x3;
	[sflag:s23] =	ssyncadd.s32 $0xFFFFD800  }
0x1de: {  	[tilespmem:s7], [sflag:$0x8] =	stream.indirect.gather [spmem:s2], $0x80, s21, s16, $0xb8;
	[tilespmem:$0x1BE90] =	vst v63  }
0x1df: {  	_ =	swait.ge [sflag:s31], $0x2800  }
0x1e0: {  	s30 =	simm.s32 $0x6;
	[sflag:s31] =	ssyncset.done $0x0  }
0x1e1: {  	s4 =	simm.s32 $0x6800;
	s7 =	rddreg [dreg:$0x12];
	[sflag:s31] =	ssyncadd.s32 $0xFFFFD800  }
0x1e2: {  	[hbm4b:s7+s1] =	stream.linear.scatter [tilespmem:s4], [sflag:$0xC], $0x2800, $0x38;
	[tilespmem:$0x1BE90] =	vst v63  }
0x1e3: {  	_ =	swait.ge [sflag:s30], $0x2800  }
0x1e4: {  	s29 =	simm.s32 $0x9;
	[sflag:s30] =	ssyncset.done $0x0  }
0x1e5: {  	s11 =	simm.s32 $0xE000;
	s7 =	rddreg [dreg:$0x13];
	[sflag:s30] =	ssyncadd.s32 $0xFFFFD800  }
0x1e6: {  	[hbm4b:s7+s1] =	stream.linear.scatter [tilespmem:s11], [sflag:$0xF], $0x2800, $0x38;
	[tilespmem:$0x1BE90] =	vst v63  }
0x1e7: {  	_ =	swait.ge [sflag:s29], $0x2800  }
0x1e8: {  	s25 =	simm.s32 $0xC;
	[sflag:s29] =	ssyncset.done $0x0  }
0x1e9: {  	s7 =	simm.s32 $0x15800;
	s21 =	rddreg [dreg:$0x14];
	[sflag:s29] =	ssyncadd.s32 $0xFFFFD800  }
0x1ea: {  	[hbm4b:s21+s1] =	stream.linear.scatter [tilespmem:s7], [sflag:$0x12], $0x2800, $0x38;
	[tilespmem:$0x1BE90] =	vst v63  }
0x1eb: {  	_ =	swait.ge [sflag:s25], $0x2800  }
0x1ec: {  	s21 =	sld [smem:$0x7EF]  }
0x1ed: {  	[sflag:s25] =	ssyncset.done $0x0  }
0x1ee: {  	s22 =	simm.s32 $0xF;
	[sflag:s25] =	ssyncadd.s32 $0xFFFFD800  }
0x1ef: {  	[tilespmem:s4], [sflag:$0x3] =	stream.indirect.gather [hbm4b:s3+s16], $0x80, s21, s16, $0xb8;
	[tilespmem:$0x1BE90] =	vst v63  }
0x1f0: {  	_ =	swait.ge [sflag:s22], $0x2800  }
0x1f1: {  	s4 =	sld [smem:$0x7F0]  }
0x1f2: {  	[sflag:s22] =	ssyncset.done $0x0  }
0x1f3: {  	s20 =	simm.s32 $0x12;
	[sflag:s22] =	ssyncadd.s32 $0xFFFFD800  }
0x1f4: {  	[tilespmem:s11], [sflag:$0x6] =	stream.indirect.gather [spmem:s19], $0x80, s4, s16, $0xb8;
	[tilespmem:$0x1BE90] =	vst v63  }
0x1f5: {  	_ =	swait.ge [sflag:s20], $0x2800  }
0x1f6: {  	s4 =	sld [smem:$0x7F1]  }
0x1f7: {  	[sflag:s20] =	ssyncset.done $0x0  }
0x1f8: {  	[sflag:s20] =	ssyncadd.s32 $0xFFFFD800  }
0x1f9: {  	[tilespmem:s7], [sflag:$0x9] =	stream.indirect.gather [spmem:s2], $0x80, s4, s16, $0xb8;
	[tilespmem:$0x1BE90] =	vst v63  }
0x1fa: {  	_ =	swait.ge [sflag:s8], $0x2800  }
0x1fb: {  	[sflag:s8] =	ssyncset.done $0x0  }
0x1fc: {  	s11 =	rddreg [dreg:$0x15];
	[sflag:s8] =	ssyncadd.s32 $0xFFFFD800  }
0x1fd: {  	[hbm4b:s11+s1] =	stream.linear.scatter [tilespmem:s5], [sflag:$0xA], $0x2800, $0x38;
	[tilespmem:$0x1BE90] =	vst v63  }
0x1fe: {  	_ =	swait.ge [sflag:s13], $0x2800  }
0x1ff: {  	[sflag:s13] =	ssyncset.done $0x0  }
0x200: {  	s4 =	rddreg [dreg:$0x16];
	[sflag:s13] =	ssyncadd.s32 $0xFFFFD800  }
0x201: {  	[hbm4b:s4+s1] =	stream.linear.scatter [tilespmem:s6], [sflag:$0xD], $0x2800, $0x38;
	[tilespmem:$0x1BE90] =	vst v63  }
0x202: {  	_ =	swait.ge [sflag:s12], $0x2800  }
0x203: {  	[sflag:s12] =	ssyncset.done $0x0  }
0x204: {  	s7 =	rddreg [dreg:$0x17];
	[sflag:s12] =	ssyncadd.s32 $0xFFFFD800  }
0x205: {  	[hbm4b:s7+s1] =	stream.linear.scatter [tilespmem:s24], [sflag:$0x10], $0x2800, $0x38;
	[tilespmem:$0x1BE90] =	vst v63  }
0x206: {  	_ =	swait.ge [sflag:s9], $0x2800  }
0x207: {  	s11 =	sld [smem:$0x7F2]  }
0x208: {  	[sflag:s9] =	ssyncset.done $0x0  }
0x209: {  	[sflag:s9] =	ssyncadd.s32 $0xFFFFD800;
	s9 =	simm.s32 $0xD  }
0x20a: {  	[tilespmem:s5], [sflag:$0x1] =	stream.indirect.gather [hbm4b:s3+s16], $0x80, s11, s16, $0xb8;
	[tilespmem:$0x1BE90] =	vst v63  }
0x20b: {  	_ =	swait.ge [sflag:s9], $0x2800  }
0x20c: {  	s4 =	sld [smem:$0x7F3]  }
0x20d: {  	[sflag:s9] =	ssyncset.done $0x0  }
0x20e: {  	[sflag:s9] =	ssyncadd.s32 $0xFFFFD800  }
0x20f: {  	[tilespmem:s6], [sflag:$0x4] =	stream.indirect.gather [spmem:s19], $0x80, s4, s16, $0xb8;
	[tilespmem:$0x1BE90] =	vst v63  }
0x210: {  	_ =	swait.ge [sflag:s10], $0x2800  }
0x211: {  	s7 =	sld [smem:$0x7F4]  }
0x212: {  	[sflag:s10] =	ssyncset.done $0x0  }
0x213: {  	[sflag:s10] =	ssyncadd.s32 $0xFFFFD800  }
0x214: {  	[tilespmem:s24], [sflag:$0x7] =	stream.indirect.gather [spmem:s2], $0x80, s7, s16, $0xb8;
	[tilespmem:$0x1BE90] =	vst v63  }
0x215: {  	_ =	swait.ge [sflag:s15], $0x2800  }
0x216: {  	[sflag:s15] =	ssyncset.done $0x0  }
0x217: {  	s11 =	rddreg [dreg:$0x18];
	[sflag:s15] =	ssyncadd.s32 $0xFFFFD800  }
0x218: {  	[hbm4b:s11+s1] =	stream.linear.scatter [tilespmem:s17], [sflag:$0xB], $0x2800, $0x38;
	[tilespmem:$0x1BE90] =	vst v63  }
0x219: {  	_ =	swait.ge [sflag:s14], $0x2800  }
0x21a: {  	[sflag:s14] =	ssyncset.done $0x0  }
0x21b: {  	s4 =	rddreg [dreg:$0x19];
	[sflag:s14] =	ssyncadd.s32 $0xFFFFD800  }
0x21c: {  	[hbm4b:s4+s1] =	stream.linear.scatter [tilespmem:s18], [sflag:$0xE], $0x2800, $0x38;
	[tilespmem:$0x1BE90] =	vst v63  }
0x21d: {  	_ =	swait.ge [sflag:s0], $0x2800  }
0x21e: {  	s26 =	simm.s32 $0xB;
	[sflag:s0] =	ssyncset.done $0x0  }
0x21f: {  	s4 =	simm.s32 $0x13000;
	s7 =	rddreg [dreg:$0x1a];
	[sflag:s0] =	ssyncadd.s32 $0xFFFFD800  }
0x220: {  	[hbm4b:s7+s1] =	stream.linear.scatter [tilespmem:s4], [sflag:$0x11], $0x2800, $0x38;
	[tilespmem:$0x1BE90] =	vst v63  }
0x221: {  	_ =	swait.ge [sflag:s26], $0x2800  }
0x222: {  	s11 =	sld [smem:$0x7F5]  }
0x223: {  	[sflag:s26] =	ssyncset.done $0x0  }
0x224: {  	s25 =	simm.s32 $0xE;
	[sflag:s26] =	ssyncadd.s32 $0xFFFFD800  }
0x225: {  	[tilespmem:s17], [sflag:$0x2] =	stream.indirect.gather [hbm4b:s3+s16], $0x80, s11, s16, $0xb8;
	[tilespmem:$0x1BE90] =	vst v63  }
0x226: {  	_ =	swait.ge [sflag:s25], $0x2800  }
0x227: {  	s7 =	sld [smem:$0x7F6]  }
0x228: {  	[sflag:s25] =	ssyncset.done $0x0  }
0x229: {  	[sflag:s25] =	ssyncadd.s32 $0xFFFFD800  }
0x22a: {  	[tilespmem:s18], [sflag:$0x5] =	stream.indirect.gather [spmem:s19], $0x80, s7, s16, $0xb8;
	[tilespmem:$0x1BE90] =	vst v63  }
0x22b: {  	_ =	swait.ge [sflag:s23], $0x2800  }
0x22c: {  	s11 =	sld [smem:$0x7F7]  }
0x22d: {  	[sflag:s23] =	ssyncset.done $0x0  }
0x22e: {  	[sflag:s23] =	ssyncadd.s32 $0xFFFFD800  }
0x22f: {  	[tilespmem:s4], [sflag:$0x8] =	stream.indirect.gather [spmem:s2], $0x80, s11, s16, $0xb8;
	[tilespmem:$0x1BE90] =	vst v63  }
0x230: {  	_ =	swait.ge [sflag:s31], $0x2800  }
0x231: {  	[sflag:s31] =	ssyncset.done $0x0  }
0x232: {  	s7 =	simm.s32 $0x6800;
	s4 =	rddreg [dreg:$0x1b];
	[sflag:s31] =	ssyncadd.s32 $0xFFFFD800  }
0x233: {  	[hbm4b:s4+s1] =	stream.linear.scatter [tilespmem:s7], [sflag:$0xC], $0x2800, $0x38;
	[tilespmem:$0x1BE90] =	vst v63  }
0x234: {  	_ =	swait.ge [sflag:s30], $0x2800  }
0x235: {  	[sflag:s30] =	ssyncset.done $0x0  }
0x236: {  	s4 =	simm.s32 $0xE000;
	s11 =	rddreg [dreg:$0x1c];
	[sflag:s30] =	ssyncadd.s32 $0xFFFFD800  }
0x237: {  	[hbm4b:s11+s1] =	stream.linear.scatter [tilespmem:s4], [sflag:$0xF], $0x2800, $0x38;
	[tilespmem:$0x1BE90] =	vst v63  }
0x238: {  	_ =	swait.ge [sflag:s29], $0x2800  }
0x239: {  	s23 =	simm.s32 $0xC;
	[sflag:s29] =	ssyncset.done $0x0  }
0x23a: {  	s11 =	simm.s32 $0x15800;
	s21 =	rddreg [dreg:$0x1d];
	[sflag:s29] =	ssyncadd.s32 $0xFFFFD800  }
0x23b: {  	[hbm4b:s21+s1] =	stream.linear.scatter [tilespmem:s11], [sflag:$0x12], $0x2800, $0x38;
	[tilespmem:$0x1BE90] =	vst v63  }
0x23c: {  	_ =	swait.ge [sflag:s23], $0x2800  }
0x23d: {  	s21 =	sld [smem:$0x7F8]  }
0x23e: {  	[sflag:s23] =	ssyncset.done $0x0  }
0x23f: {  	[sflag:s23] =	ssyncadd.s32 $0xFFFFD800  }
0x240: {  	[tilespmem:s7], [sflag:$0x3] =	stream.indirect.gather [hbm4b:s3+s16], $0x80, s21, s16, $0xb8;
	[tilespmem:$0x1BE90] =	vst v63  }
0x241: {  	_ =	swait.ge [sflag:s22], $0x2800  }
0x242: {  	s21 =	sld [smem:$0x7F9]  }
0x243: {  	[sflag:s22] =	ssyncset.done $0x0  }
0x244: {  	[sflag:s22] =	ssyncadd.s32 $0xFFFFD800  }
0x245: {  	[tilespmem:s4], [sflag:$0x6] =	stream.indirect.gather [spmem:s19], $0x80, s21, s16, $0xb8;
	[tilespmem:$0x1BE90] =	vst v63  }
0x246: {  	_ =	swait.ge [sflag:s20], $0x2800  }
0x247: {  	s21 =	sld [smem:$0x7FA]  }
0x248: {  	[sflag:s20] =	ssyncset.done $0x0  }
0x249: {  	[sflag:s20] =	ssyncadd.s32 $0xFFFFD800  }
0x24a: {  	[tilespmem:s11], [sflag:$0x9] =	stream.indirect.gather [spmem:s2], $0x80, s21, s16, $0xb8;
	[tilespmem:$0x1BE90] =	vst v63  }
0x24b: {  	_ =	swait.ge [sflag:s8], $0x2800  }
0x24c: {  	[sflag:s8] =	ssyncset.done $0x0  }
0x24d: {  	s21 =	rddreg [dreg:$0x1e];
	[sflag:s8] =	ssyncadd.s32 $0xFFFFD800  }
0x24e: {  	[hbm4b:s21+s1] =	stream.linear.scatter [tilespmem:s5], [sflag:$0xA], $0x2800, $0x38;
	[tilespmem:$0x1BE90] =	vst v63  }
0x24f: {  	_ =	swait.ge [sflag:s13], $0x2800  }
0x250: {  	[sflag:s13] =	ssyncset.done $0x0  }
0x251: {  	s8 =	rddreg [dreg:$0x1f];
	[sflag:s13] =	ssyncadd.s32 $0xFFFFD800  }
0x252: {  	[hbm4b:s8+s1] =	stream.linear.scatter [tilespmem:s6], [sflag:$0xD], $0x2800, $0x38;
	[tilespmem:$0x1BE90] =	vst v63  }
0x253: {  	_ =	swait.ge [sflag:s12], $0x2800  }
0x254: {  	s8 =	sld [smem:$0x7D9]  }
0x255: {  	[sflag:s12] =	ssyncset.done $0x0  }
0x256: {  	s15 =	simm.s32 $0xA;
	[sflag:s12] =	ssyncadd.s32 $0xFFFFD800  }
0x257: {  	[hbm4b:s8+s1] =	stream.linear.scatter [tilespmem:s24], [sflag:$0x10], $0x2800, $0x38;
	[tilespmem:$0x1BE90] =	vst v63  }
0x258: {  	_ =	swait.ge [sflag:s15], $0x2800  }
0x259: {  	s8 =	sld [smem:$0x7FB]  }
0x25a: {  	[sflag:s15] =	ssyncset.done $0x0  }
0x25b: {  	[sflag:s15] =	ssyncadd.s32 $0xFFFFD800  }
0x25c: {  	[tilespmem:s5], [sflag:$0x1] =	stream.indirect.gather [hbm4b:s3+s16], $0x80, s8, s16, $0xb8;
	[tilespmem:$0x1BE90] =	vst v63  }
0x25d: {  	_ =	swait.ge [sflag:s9], $0x2800  }
0x25e: {  	s8 =	sld [smem:$0x7FC]  }
0x25f: {  	[sflag:s9] =	ssyncset.done $0x0  }
0x260: {  	[sflag:s9] =	ssyncadd.s32 $0xFFFFD800  }
0x261: {  	[tilespmem:s6], [sflag:$0x4] =	stream.indirect.gather [spmem:s19], $0x80, s8, s16, $0xb8;
	[tilespmem:$0x1BE90] =	vst v63  }
0x262: {  	_ =	swait.ge [sflag:s10], $0x2800  }
0x263: {  	s19 =	sld [smem:$0x7FD]  }
0x264: {  	[sflag:s10] =	ssyncset.done $0x0  }
0x265: {  	s14 =	simm.s32 $0x2;
	[sflag:s10] =	ssyncadd.s32 $0xFFFFD800  }
0x266: {  	[tilespmem:s24], [sflag:$0x7] =	stream.indirect.gather [spmem:s2], $0x80, s19, s16, $0xb8;
	[tilespmem:$0x1BE90] =	vst v63  }
0x267: {  	_ =	swait.ge [sflag:s14], $0x2800  }
0x268: {  	s8 =	sld [smem:$0x7DA]  }
0x269: {  	[sflag:s14] =	ssyncset.done $0x0  }
0x26a: {  	s0 =	simm.s32 $0x5;
	[sflag:s14] =	ssyncadd.s32 $0xFFFFD800  }
0x26b: {  	[hbm4b:s8+s1] =	stream.linear.scatter [tilespmem:s17], [sflag:$0xB], $0x2800, $0x38;
	[tilespmem:$0x1BE90] =	vst v63  }
0x26c: {  	_ =	swait.ge [sflag:s0], $0x2800  }
0x26d: {  	s19 =	sld [smem:$0x7DB]  }
0x26e: {  	[sflag:s0] =	ssyncset.done $0x0  }
0x26f: {  	s31 =	simm.s32 $0x8;
	[sflag:s0] =	ssyncadd.s32 $0xFFFFD800  }
0x270: {  	[hbm4b:s19+s1] =	stream.linear.scatter [tilespmem:s18], [sflag:$0xE], $0x2800, $0x38;
	[tilespmem:$0x1BE90] =	vst v63  }
0x271: {  	_ =	swait.ge [sflag:s31], $0x2800  }
0x272: {  	s8 =	sld [smem:$0x7DC]  }
0x273: {  	[sflag:s31] =	ssyncset.done $0x0  }
0x274: {  	s30 =	simm.s32 $0x3;
	s19 =	simm.s32 $0x13000;
	[sflag:s31] =	ssyncadd.s32 $0xFFFFD800  }
0x275: {  	[hbm4b:s8+s1] =	stream.linear.scatter [tilespmem:s19], [sflag:$0x11], $0x2800, $0x38;
	[tilespmem:$0x1BE90] =	vst v63  }
0x276: {  	_ =	swait.ge [sflag:s30], $0x2800  }
0x277: {  	s8 =	sld [smem:$0x7DD]  }
0x278: {  	[sflag:s30] =	ssyncset.done $0x0  }
0x279: {  	s29 =	simm.s32 $0x6;
	s7 =	simm.s32 $0x6800;
	[sflag:s30] =	ssyncadd.s32 $0xFFFFD800  }
0x27a: {  	[hbm4b:s8+s1] =	stream.linear.scatter [tilespmem:s7], [sflag:$0xC], $0x2800, $0x38;
	[tilespmem:$0x1BE90] =	vst v63  }
0x27b: {  	_ =	swait.ge [sflag:s29], $0x2800  }
0x27c: {  	s19 =	sld [smem:$0x7DE]  }
0x27d: {  	[sflag:s29] =	ssyncset.done $0x0  }
0x27e: {  	s4 =	simm.s32 $0xE000;
	s17 =	simm.s32 $0x9;
	[sflag:s29] =	ssyncadd.s32 $0xFFFFD800  }
0x27f: {  	[hbm4b:s19+s1] =	stream.linear.scatter [tilespmem:s4], [sflag:$0xF], $0x2800, $0x38;
	[tilespmem:$0x1BE90] =	vst v63  }
0x280: {  	_ =	swait.ge [sflag:s17], $0x2800  }
0x281: {  	s7 =	sld [smem:$0x7DF]  }
0x282: {  	[sflag:s17] =	ssyncset.done $0x0  }
0x283: {  	s11 =	simm.s32 $0x15800;
	s13 =	simm.s32 $0x1;
	[sflag:s17] =	ssyncadd.s32 $0xFFFFD800  }
0x284: {  	[hbm4b:s7+s1] =	stream.linear.scatter [tilespmem:s11], [sflag:$0x12], $0x2800, $0x38;
	[tilespmem:$0x1BE90] =	vst v63  }
0x285: {  	_ =	swait.ge [sflag:s13], $0x2800  }
0x286: {  	s8 =	sld [smem:$0x7E0]  }
0x287: {  	[sflag:s13] =	ssyncset.done $0x0  }
0x288: {  	s12 =	simm.s32 $0x4;
	[sflag:s13] =	ssyncadd.s32 $0xFFFFD800  }
0x289: {  	[hbm4b:s8+s1] =	stream.linear.scatter [tilespmem:s5], [sflag:$0xA], $0x2800, $0x38;
	[tilespmem:$0x1BE90] =	vst v63  }
0x28a: {  	_ =	swait.ge [sflag:s12], $0x2800  }
0x28b: {  	s17 =	sld [smem:$0x7E1]  }
0x28c: {  	[sflag:s12] =	ssyncset.done $0x0  }
0x28d: {  	s11 =	simm.s32 $0x7;
	[sflag:s12] =	ssyncadd.s32 $0xFFFFD800  }
0x28e: {  	[hbm4b:s17+s1] =	stream.linear.scatter [tilespmem:s6], [sflag:$0xD], $0x2800, $0x38;
	[tilespmem:$0x1BE90] =	vst v63  }
0x28f: {  	_ =	swait.ge [sflag:s11], $0x2800  }
0x290: {  	s19 =	sld [smem:$0x7E2]  }
0x291: {  	[sflag:s11] =	ssyncset.done $0x0  }
0x292: {  	[sflag:s11] =	ssyncadd.s32 $0xFFFFD800  }
0x293: {  	[hbm4b:s19+s1] =	stream.linear.scatter [tilespmem:s24], [sflag:$0x10], $0x2800, $0x38;
	[tilespmem:$0x1BE90] =	vst v63  }
0x294: {  	_ =	swait.ge [sflag:s26], $0x2800  }
0x295: {  	[sflag:s26] =	ssyncset.done $0x0  }
0x296: {  	[sflag:s26] =	ssyncadd.s32 $0xFFFFD800  }
0x297: {  	_ =	swait.ge [sflag:s25], $0x2800  }
0x298: {  	[sflag:s25] =	ssyncset.done $0x0  }
0x299: {  	s22 =	simm.s32 $0x11;
	[sflag:s25] =	ssyncadd.s32 $0xFFFFD800  }
0x29a: {  	_ =	swait.ge [sflag:s22], $0x2800  }
0x29b: {  	[sflag:s22] =	ssyncset.done $0x0  }
0x29c: {  	[sflag:s22] =	ssyncadd.s32 $0xFFFFD800  }
0x29d: {  	_ =	swait.ge [sflag:s23], $0x2800  }
0x29e: {  	[sflag:s23] =	ssyncset.done $0x0  }
0x29f: {  	s20 =	simm.s32 $0xF;
	[sflag:s23] =	ssyncadd.s32 $0xFFFFD800  }
0x2a0: {  	_ =	swait.ge [sflag:s20], $0x2800  }
0x2a1: {  	[sflag:s20] =	ssyncset.done $0x0  }
0x2a2: {  	s18 =	simm.s32 $0x12;
	[sflag:s20] =	ssyncadd.s32 $0xFFFFD800  }
0x2a3: {  	_ =	swait.ge [sflag:s18], $0x2800  }
0x2a4: {  	[sflag:s18] =	ssyncset.done $0x0  }
0x2a5: {  	[sflag:s18] =	ssyncadd.s32 $0xFFFFD800  }
0x2a6: {  	_ =	swait.ge [sflag:s15], $0x2800  }
0x2a7: {  	s28 =	sadd.s32 $0xFFFFFFFF, s28;
	[sflag:s15] =	ssyncset.done $0x0  }
0x2a8: {  	p2 =	sne.s32 s28, $0x0;
	[sflag:s15] =	ssyncadd.s32 $0xFFFFD800  }
.Ltmp2:
0x2a9: {  	_ =	swait.ge [sflag:s9], $0x2800;
	(pc) =	sbr.rel @p2 .LBB2_4-.Ltmp2, $4  }
0x2aa: {  	[sflag:s9] =	ssyncset.done $0x0  }
0x2ab: {  	[sflag:s9] =	ssyncadd.s32 $0xFFFFD800  }
0x2ac: {  	_ =	swait.ge [sflag:s10], $0x2800  }
0x2ad: {  	s21 =	rddreg [dreg:$0x7];
	[sflag:s10] =	ssyncset.done $0x0  }
0x2ae: {  	s4 =	rddreg [dreg:$0x4]  }
0x2af: {  	s8 =	sld [smem:$0x7D7]  }
0x2b0: {  	s24 =	simm.s32 $0x10800;
	s7 =	simm.s32 $0x13000;
	s15 =	sld [smem:$0x7D6]  }
.LBB2_6:
0x2b1: {  	_ = 	snop  }
0x2b2: {  	[sflag:s10] =	ssyncadd.s32 @p1 $0xFFFFD800;
	s17 =	simm.s32 @!p0 $0x1C13;
	s19 =	simm.s32 @!p0 $0x13  }
0x2b3: {  	[spmem:s15], [sflag:s17] =	dma.local @!p0 [hbm:s21], $0x3E90  }
0x2b4: {  	_ =	swait.ge @!p0 [sflag:s19], $0x3E90  }
0x2b5: {  	[sflag:s19] =	ssyncset.done @!p0 $0x0  }
0x2b6: {  	s21 =	rddreg [dreg:$0x8];
	[sflag:s19] =	ssyncadd.s32 @!p0 $0xFFFFC170  }
0x2b7: {  	[spmem:s8], [sflag:s17] =	dma.local @!p0 [hbm:s21], $0x3E90  }
0x2b8: {  	_ =	swait.ge @!p0 [sflag:s19], $0x3E90  }
0x2b9: {  	[sflag:s19] =	ssyncset.done @!p0 $0x0  }
0x2ba: {  	s8 =	simm.s32 $0x13;
	s15 =	rddreg [dreg:$0x9];
	[sflag:s19] =	ssyncadd.s32 @!p0 $0xFFFFC170  }
0x2bb: {  	[tilespmem:s1], [sflag:$0x13] =	stream.linear.gather [hbm4b:s15+s1], $0x500, $0x38;
	[tilespmem:$0x1BE90] =	vst v63  }
0x2bc: {  	_ =	swait.ge [sflag:s8], $0x500  }
0x2bd: {  	[sflag:s8] =	ssyncset.done $0x0  }
0x2be: {  	s21 =	simm.s32 $0x800;
	s19 =	rddreg [dreg:$0xa];
	[sflag:s8] =	ssyncadd.s32 $0xFFFFFB00  }
0x2bf: {  	[tilespmem:s21], [sflag:$0x13] =	stream.linear.gather [hbm4b:s19+s1], $0x500, $0x38;
	[tilespmem:$0x1BE90] =	vst v63  }
0x2c0: {  	_ =	swait.ge [sflag:s8], $0x500  }
0x2c1: {  	[sflag:s8] =	ssyncset.done $0x0  }
0x2c2: {  	s15 =	simm.s32 $0x1000;
	s28 =	rddreg [dreg:$0xb];
	[sflag:s8] =	ssyncadd.s32 $0xFFFFFB00  }
0x2c3: {  	[tilespmem:s15], [sflag:$0x13] =	stream.linear.gather [hbm4b:s28+s1], $0x500, $0x38;
	[tilespmem:$0x1BE90] =	vst v63  }
0x2c4: {  	_ =	swait.ge [sflag:s8], $0x500  }
0x2c5: {  	[sflag:s8] =	ssyncset.done $0x0  }
0x2c6: {  	[sflag:s8] =	ssyncadd.s32 $0xFFFFFB00  }
0x2c7: {  	[bflag:$0x0] =	sbarrier.arrive $0xFFFF  }
0x2c8: {  	[tilespmem:s5], [sflag:$0x1] =	stream.indirect.gather [hbm4b:s3+s16], $0x80, s1, s16, $0xb8;
	[tilespmem:$0x1BE90] =	vst v63  }
0x2c9: {  	_ = 	snop  }
0x2ca: {  	[tilespmem:s6], [sflag:$0x4] =	stream.indirect.gather [spmem:s4], $0x80, s21, s16, $0xb8;
	[tilespmem:$0x1BE90] =	vst v63  }
0x2cb: {  	s28 =	sld [smem:$0x7E3]  }
0x2cc: {  	[tilespmem:s24], [sflag:$0x7] =	stream.indirect.gather [spmem:s2], $0x80, s15, s16, $0xb8;
	[tilespmem:$0x1BE90] =	vst v63  }
0x2cd: {  	s8 =	sld [smem:$0x7E4];
	s24 =	simm.s32 $0x4000  }
0x2ce: {  	[tilespmem:s24], [sflag:$0x2] =	stream.indirect.gather [hbm4b:s3+s16], $0x80, s28, s16, $0xb8;
	[tilespmem:$0x1BE90] =	vst v63  }
0x2cf: {  	s19 =	sld [smem:$0x7E5];
	s21 =	simm.s32 $0xB800  }
0x2d0: {  	[tilespmem:s21], [sflag:$0x5] =	stream.indirect.gather [spmem:s4], $0x80, s8, s16, $0xb8;
	[tilespmem:$0x1BE90] =	vst v63  }
0x2d1: {  	s28 =	sld [smem:$0x7E6]  }
0x2d2: {  	[tilespmem:s7], [sflag:$0x8] =	stream.indirect.gather [spmem:s2], $0x80, s19, s16, $0xb8;
	[tilespmem:$0x1BE90] =	vst v63  }
0x2d3: {  	s8 =	sld [smem:$0x7E7];
	s19 =	simm.s32 $0x6800  }
0x2d4: {  	[tilespmem:s19], [sflag:$0x3] =	stream.indirect.gather [hbm4b:s3+s16], $0x80, s28, s16, $0xb8;
	[tilespmem:$0x1BE90] =	vst v63  }
0x2d5: {  	s7 =	simm.s32 $0xE000;
	s28 =	sld [smem:$0x7E8]  }
0x2d6: {  	[tilespmem:s7], [sflag:$0x6] =	stream.indirect.gather [spmem:s4], $0x80, s8, s16, $0xb8;
	[tilespmem:$0x1BE90] =	vst v63  }
0x2d7: {  	s15 =	simm.s32 $0x15800  }
0x2d8: {  	[tilespmem:s15], [sflag:$0x9] =	stream.indirect.gather [spmem:s2], $0x80, s28, s16, $0xb8;
	[tilespmem:$0x1BE90] =	vst v63  }
0x2d9: {  	_ =	swait.ge [sflag:s13], $0x2800  }
0x2da: {  	[sflag:s13] =	ssyncset.done $0x0  }
0x2db: {  	s19 =	rddreg [dreg:$0xc];
	[sflag:s13] =	ssyncadd.s32 $0xFFFFD800  }
0x2dc: {  	[hbm4b:s19+s1] =	stream.linear.scatter [tilespmem:s5], [sflag:$0xA], $0x2800, $0x38;
	[tilespmem:$0x1BE90] =	vst v63  }
0x2dd: {  	_ =	swait.ge [sflag:s12], $0x2800  }
0x2de: {  	[sflag:s12] =	ssyncset.done $0x0  }
0x2df: {  	s7 =	rddreg [dreg:$0xd];
	[sflag:s12] =	ssyncadd.s32 $0xFFFFD800  }
0x2e0: {  	[hbm4b:s7+s1] =	stream.linear.scatter [tilespmem:s6], [sflag:$0xD], $0x2800, $0x38;
	[tilespmem:$0x1BE90] =	vst v63  }
0x2e1: {  	_ =	swait.ge [sflag:s11], $0x2800  }
0x2e2: {  	s21 =	simm.s32 $0x10800;
	[sflag:s11] =	ssyncset.done $0x0  }
0x2e3: {  	s19 =	simm.s32 $0xA;
	s8 =	rddreg [dreg:$0xe];
	[sflag:s11] =	ssyncadd.s32 $0xFFFFD800  }
0x2e4: {  	[hbm4b:s8+s1] =	stream.linear.scatter [tilespmem:s21], [sflag:$0x10], $0x2800, $0x38;
	[tilespmem:$0x1BE90] =	vst v63  }
0x2e5: {  	_ =	swait.ge [sflag:s19], $0x2800  }
0x2e6: {  	s17 =	sld [smem:$0x7E9]  }
0x2e7: {  	[sflag:s19] =	ssyncset.done $0x0  }
0x2e8: {  	[sflag:s19] =	ssyncadd.s32 $0xFFFFD800  }
0x2e9: {  	[tilespmem:s5], [sflag:$0x1] =	stream.indirect.gather [hbm4b:s3+s16], $0x80, s17, s16, $0xb8;
	[tilespmem:$0x1BE90] =	vst v63  }
0x2ea: {  	_ =	swait.ge [sflag:s9], $0x2800  }
0x2eb: {  	s7 =	sld [smem:$0x7EA]  }
0x2ec: {  	[sflag:s9] =	ssyncset.done $0x0  }
0x2ed: {  	[sflag:s9] =	ssyncadd.s32 $0xFFFFD800  }
0x2ee: {  	[tilespmem:s6], [sflag:$0x4] =	stream.indirect.gather [spmem:s4], $0x80, s7, s16, $0xb8;
	[tilespmem:$0x1BE90] =	vst v63  }
0x2ef: {  	_ =	swait.ge [sflag:s10], $0x2800  }
0x2f0: {  	s8 =	sld [smem:$0x7EB]  }
0x2f1: {  	[sflag:s10] =	ssyncset.done $0x0  }
0x2f2: {  	[sflag:s10] =	ssyncadd.s32 $0xFFFFD800  }
0x2f3: {  	[tilespmem:s21], [sflag:$0x7] =	stream.indirect.gather [spmem:s2], $0x80, s8, s16, $0xb8;
	[tilespmem:$0x1BE90] =	vst v63  }
0x2f4: {  	_ =	swait.ge [sflag:s14], $0x2800  }
0x2f5: {  	[sflag:s14] =	ssyncset.done $0x0  }
0x2f6: {  	s17 =	rddreg [dreg:$0xf];
	[sflag:s14] =	ssyncadd.s32 $0xFFFFD800  }
0x2f7: {  	[hbm4b:s17+s1] =	stream.linear.scatter [tilespmem:s24], [sflag:$0xB], $0x2800, $0x38;
	[tilespmem:$0x1BE90] =	vst v63  }
0x2f8: {  	_ =	swait.ge [sflag:s0], $0x2800  }
0x2f9: {  	[sflag:s0] =	ssyncset.done $0x0  }
0x2fa: {  	s8 =	simm.s32 $0xB800;
	s7 =	rddreg [dreg:$0x10];
	[sflag:s0] =	ssyncadd.s32 $0xFFFFD800  }
0x2fb: {  	[hbm4b:s7+s1] =	stream.linear.scatter [tilespmem:s8], [sflag:$0xE], $0x2800, $0x38;
	[tilespmem:$0x1BE90] =	vst v63  }
0x2fc: {  	_ =	swait.ge [sflag:s31], $0x2800  }
0x2fd: {  	[sflag:s31] =	ssyncset.done $0x0  }
0x2fe: {  	s7 =	simm.s32 $0x13000;
	s17 =	rddreg [dreg:$0x11];
	[sflag:s31] =	ssyncadd.s32 $0xFFFFD800  }
0x2ff: {  	[hbm4b:s17+s1] =	stream.linear.scatter [tilespmem:s7], [sflag:$0x11], $0x2800, $0x38;
	[tilespmem:$0x1BE90] =	vst v63  }
0x300: {  	_ =	swait.ge [sflag:s26], $0x2800  }
0x301: {  	s17 =	sld [smem:$0x7EC]  }
0x302: {  	[sflag:s26] =	ssyncset.done $0x0  }
0x303: {  	[sflag:s26] =	ssyncadd.s32 $0xFFFFD800  }
0x304: {  	[tilespmem:s24], [sflag:$0x2] =	stream.indirect.gather [hbm4b:s3+s16], $0x80, s17, s16, $0xb8;
	[tilespmem:$0x1BE90] =	vst v63  }
0x305: {  	_ =	swait.ge [sflag:s25], $0x2800  }
0x306: {  	s17 =	sld [smem:$0x7ED]  }
0x307: {  	[sflag:s25] =	ssyncset.done $0x0  }
0x308: {  	[sflag:s25] =	ssyncadd.s32 $0xFFFFD800  }
0x309: {  	[tilespmem:s8], [sflag:$0x5] =	stream.indirect.gather [spmem:s4], $0x80, s17, s16, $0xb8;
	[tilespmem:$0x1BE90] =	vst v63  }
0x30a: {  	_ =	swait.ge [sflag:s22], $0x2800  }
0x30b: {  	s17 =	sld [smem:$0x7EE]  }
0x30c: {  	[sflag:s22] =	ssyncset.done $0x0  }
0x30d: {  	[sflag:s22] =	ssyncadd.s32 $0xFFFFD800  }
0x30e: {  	[tilespmem:s7], [sflag:$0x8] =	stream.indirect.gather [spmem:s2], $0x80, s17, s16, $0xb8;
	[tilespmem:$0x1BE90] =	vst v63  }
0x30f: {  	_ =	swait.ge [sflag:s30], $0x2800  }
0x310: {  	[sflag:s30] =	ssyncset.done $0x0  }
0x311: {  	s8 =	simm.s32 $0x6800;
	s7 =	rddreg [dreg:$0x12];
	[sflag:s30] =	ssyncadd.s32 $0xFFFFD800  }
0x312: {  	[hbm4b:s7+s1] =	stream.linear.scatter [tilespmem:s8], [sflag:$0xC], $0x2800, $0x38;
	[tilespmem:$0x1BE90] =	vst v63  }
0x313: {  	_ =	swait.ge [sflag:s29], $0x2800  }
0x314: {  	[sflag:s29] =	ssyncset.done $0x0  }
0x315: {  	s7 =	simm.s32 $0xE000;
	s17 =	rddreg [dreg:$0x13];
	[sflag:s29] =	ssyncadd.s32 $0xFFFFD800  }
0x316: {  	[hbm4b:s17+s1] =	stream.linear.scatter [tilespmem:s7], [sflag:$0xF], $0x2800, $0x38;
	[tilespmem:$0x1BE90] =	vst v63  }
0x317: {  	s17 =	simm.s32 $0x9  }
0x318: {  	_ =	swait.ge [sflag:s17], $0x2800  }
0x319: {  	[sflag:s17] =	ssyncset.done $0x0  }
0x31a: {  	s28 =	simm.s32 $0x15800;
	s15 =	rddreg [dreg:$0x14];
	[sflag:s17] =	ssyncadd.s32 $0xFFFFD800  }
0x31b: {  	[hbm4b:s15+s1] =	stream.linear.scatter [tilespmem:s28], [sflag:$0x12], $0x2800, $0x38;
	[tilespmem:$0x1BE90] =	vst v63  }
0x31c: {  	_ =	swait.ge [sflag:s23], $0x2800  }
0x31d: {  	s15 =	sld [smem:$0x7EF]  }
0x31e: {  	[sflag:s23] =	ssyncset.done $0x0  }
0x31f: {  	[sflag:s23] =	ssyncadd.s32 $0xFFFFD800  }
0x320: {  	[tilespmem:s8], [sflag:$0x3] =	stream.indirect.gather [hbm4b:s3+s16], $0x80, s15, s16, $0xb8;
	[tilespmem:$0x1BE90] =	vst v63  }
0x321: {  	_ =	swait.ge [sflag:s20], $0x2800  }
0x322: {  	s8 =	sld [smem:$0x7F0]  }
0x323: {  	[sflag:s20] =	ssyncset.done $0x0  }
0x324: {  	[sflag:s20] =	ssyncadd.s32 $0xFFFFD800  }
0x325: {  	[tilespmem:s7], [sflag:$0x6] =	stream.indirect.gather [spmem:s4], $0x80, s8, s16, $0xb8;
	[tilespmem:$0x1BE90] =	vst v63  }
0x326: {  	_ =	swait.ge [sflag:s18], $0x2800  }
0x327: {  	s8 =	sld [smem:$0x7F1]  }
0x328: {  	[sflag:s18] =	ssyncset.done $0x0  }
0x329: {  	[sflag:s18] =	ssyncadd.s32 $0xFFFFD800  }
0x32a: {  	[tilespmem:s28], [sflag:$0x9] =	stream.indirect.gather [spmem:s2], $0x80, s8, s16, $0xb8;
	[tilespmem:$0x1BE90] =	vst v63  }
0x32b: {  	_ =	swait.ge [sflag:s13], $0x2800  }
0x32c: {  	[sflag:s13] =	ssyncset.done $0x0  }
0x32d: {  	s28 =	rddreg [dreg:$0x15];
	[sflag:s13] =	ssyncadd.s32 $0xFFFFD800  }
0x32e: {  	[hbm4b:s28+s1] =	stream.linear.scatter [tilespmem:s5], [sflag:$0xA], $0x2800, $0x38;
	[tilespmem:$0x1BE90] =	vst v63  }
0x32f: {  	_ =	swait.ge [sflag:s12], $0x2800  }
0x330: {  	[sflag:s12] =	ssyncset.done $0x0  }
0x331: {  	s7 =	rddreg [dreg:$0x16];
	[sflag:s12] =	ssyncadd.s32 $0xFFFFD800  }
0x332: {  	[hbm4b:s7+s1] =	stream.linear.scatter [tilespmem:s6], [sflag:$0xD], $0x2800, $0x38;
	[tilespmem:$0x1BE90] =	vst v63  }
0x333: {  	_ =	swait.ge [sflag:s11], $0x2800  }
0x334: {  	[sflag:s11] =	ssyncset.done $0x0  }
0x335: {  	s8 =	rddreg [dreg:$0x17];
	[sflag:s11] =	ssyncadd.s32 $0xFFFFD800  }
0x336: {  	[hbm4b:s8+s1] =	stream.linear.scatter [tilespmem:s21], [sflag:$0x10], $0x2800, $0x38;
	[tilespmem:$0x1BE90] =	vst v63  }
0x337: {  	_ =	swait.ge [sflag:s19], $0x2800  }
0x338: {  	s28 =	sld [smem:$0x7F2]  }
0x339: {  	[sflag:s19] =	ssyncset.done $0x0  }
0x33a: {  	[sflag:s19] =	ssyncadd.s32 $0xFFFFD800  }
0x33b: {  	[tilespmem:s5], [sflag:$0x1] =	stream.indirect.gather [hbm4b:s3+s16], $0x80, s28, s16, $0xb8;
	[tilespmem:$0x1BE90] =	vst v63  }
0x33c: {  	_ =	swait.ge [sflag:s9], $0x2800  }
0x33d: {  	s7 =	sld [smem:$0x7F3]  }
0x33e: {  	[sflag:s9] =	ssyncset.done $0x0  }
0x33f: {  	[sflag:s9] =	ssyncadd.s32 $0xFFFFD800  }
0x340: {  	[tilespmem:s6], [sflag:$0x4] =	stream.indirect.gather [spmem:s4], $0x80, s7, s16, $0xb8;
	[tilespmem:$0x1BE90] =	vst v63  }
0x341: {  	_ =	swait.ge [sflag:s10], $0x2800  }
0x342: {  	s8 =	sld [smem:$0x7F4]  }
0x343: {  	[sflag:s10] =	ssyncset.done $0x0  }
0x344: {  	[sflag:s10] =	ssyncadd.s32 $0xFFFFD800  }
0x345: {  	[tilespmem:s21], [sflag:$0x7] =	stream.indirect.gather [spmem:s2], $0x80, s8, s16, $0xb8;
	[tilespmem:$0x1BE90] =	vst v63  }
0x346: {  	_ =	swait.ge [sflag:s14], $0x2800  }
0x347: {  	[sflag:s14] =	ssyncset.done $0x0  }
0x348: {  	s28 =	rddreg [dreg:$0x18];
	[sflag:s14] =	ssyncadd.s32 $0xFFFFD800  }
0x349: {  	[hbm4b:s28+s1] =	stream.linear.scatter [tilespmem:s24], [sflag:$0xB], $0x2800, $0x38;
	[tilespmem:$0x1BE90] =	vst v63  }
0x34a: {  	_ =	swait.ge [sflag:s0], $0x2800  }
0x34b: {  	[sflag:s0] =	ssyncset.done $0x0  }
0x34c: {  	s8 =	simm.s32 $0xB800;
	s7 =	rddreg [dreg:$0x19];
	[sflag:s0] =	ssyncadd.s32 $0xFFFFD800  }
0x34d: {  	[hbm4b:s7+s1] =	stream.linear.scatter [tilespmem:s8], [sflag:$0xE], $0x2800, $0x38;
	[tilespmem:$0x1BE90] =	vst v63  }
0x34e: {  	_ =	swait.ge [sflag:s31], $0x2800  }
0x34f: {  	[sflag:s31] =	ssyncset.done $0x0  }
0x350: {  	s7 =	simm.s32 $0x13000;
	s28 =	rddreg [dreg:$0x1a];
	[sflag:s31] =	ssyncadd.s32 $0xFFFFD800  }
0x351: {  	[hbm4b:s28+s1] =	stream.linear.scatter [tilespmem:s7], [sflag:$0x11], $0x2800, $0x38;
	[tilespmem:$0x1BE90] =	vst v63  }
0x352: {  	_ =	swait.ge [sflag:s26], $0x2800  }
0x353: {  	s28 =	sld [smem:$0x7F5]  }
0x354: {  	[sflag:s26] =	ssyncset.done $0x0  }
0x355: {  	[sflag:s26] =	ssyncadd.s32 $0xFFFFD800  }
0x356: {  	[tilespmem:s24], [sflag:$0x2] =	stream.indirect.gather [hbm4b:s3+s16], $0x80, s28, s16, $0xb8;
	[tilespmem:$0x1BE90] =	vst v63  }
0x357: {  	_ =	swait.ge [sflag:s25], $0x2800  }
0x358: {  	s28 =	sld [smem:$0x7F6]  }
0x359: {  	[sflag:s25] =	ssyncset.done $0x0  }
0x35a: {  	[sflag:s25] =	ssyncadd.s32 $0xFFFFD800  }
0x35b: {  	[tilespmem:s8], [sflag:$0x5] =	stream.indirect.gather [spmem:s4], $0x80, s28, s16, $0xb8;
	[tilespmem:$0x1BE90] =	vst v63  }
0x35c: {  	_ =	swait.ge [sflag:s22], $0x2800  }
0x35d: {  	s28 =	sld [smem:$0x7F7]  }
0x35e: {  	[sflag:s22] =	ssyncset.done $0x0  }
0x35f: {  	[sflag:s22] =	ssyncadd.s32 $0xFFFFD800  }
0x360: {  	[tilespmem:s7], [sflag:$0x8] =	stream.indirect.gather [spmem:s2], $0x80, s28, s16, $0xb8;
	[tilespmem:$0x1BE90] =	vst v63  }
0x361: {  	_ =	swait.ge [sflag:s30], $0x2800  }
0x362: {  	[sflag:s30] =	ssyncset.done $0x0  }
0x363: {  	s8 =	simm.s32 $0x6800;
	s7 =	rddreg [dreg:$0x1b];
	[sflag:s30] =	ssyncadd.s32 $0xFFFFD800  }
0x364: {  	[hbm4b:s7+s1] =	stream.linear.scatter [tilespmem:s8], [sflag:$0xC], $0x2800, $0x38;
	[tilespmem:$0x1BE90] =	vst v63  }
0x365: {  	_ =	swait.ge [sflag:s29], $0x2800  }
0x366: {  	[sflag:s29] =	ssyncset.done $0x0  }
0x367: {  	s7 =	simm.s32 $0xE000;
	s28 =	rddreg [dreg:$0x1c];
	[sflag:s29] =	ssyncadd.s32 $0xFFFFD800  }
0x368: {  	[hbm4b:s28+s1] =	stream.linear.scatter [tilespmem:s7], [sflag:$0xF], $0x2800, $0x38;
	[tilespmem:$0x1BE90] =	vst v63  }
0x369: {  	_ =	swait.ge [sflag:s17], $0x2800  }
0x36a: {  	[sflag:s17] =	ssyncset.done $0x0  }
0x36b: {  	s28 =	simm.s32 $0x15800;
	s15 =	rddreg [dreg:$0x1d];
	[sflag:s17] =	ssyncadd.s32 $0xFFFFD800  }
0x36c: {  	[hbm4b:s15+s1] =	stream.linear.scatter [tilespmem:s28], [sflag:$0x12], $0x2800, $0x38;
	[tilespmem:$0x1BE90] =	vst v63  }
0x36d: {  	_ =	swait.ge [sflag:s23], $0x2800  }
0x36e: {  	s15 =	sld [smem:$0x7F8]  }
0x36f: {  	[sflag:s23] =	ssyncset.done $0x0  }
0x370: {  	[sflag:s23] =	ssyncadd.s32 $0xFFFFD800  }
0x371: {  	[tilespmem:s8], [sflag:$0x3] =	stream.indirect.gather [hbm4b:s3+s16], $0x80, s15, s16, $0xb8;
	[tilespmem:$0x1BE90] =	vst v63  }
0x372: {  	_ =	swait.ge [sflag:s20], $0x2800  }
0x373: {  	s15 =	sld [smem:$0x7F9]  }
0x374: {  	[sflag:s20] =	ssyncset.done $0x0  }
0x375: {  	[sflag:s20] =	ssyncadd.s32 $0xFFFFD800  }
0x376: {  	[tilespmem:s7], [sflag:$0x6] =	stream.indirect.gather [spmem:s4], $0x80, s15, s16, $0xb8;
	[tilespmem:$0x1BE90] =	vst v63  }
0x377: {  	_ =	swait.ge [sflag:s18], $0x2800  }
0x378: {  	s15 =	sld [smem:$0x7FA]  }
0x379: {  	[sflag:s18] =	ssyncset.done $0x0  }
0x37a: {  	[sflag:s18] =	ssyncadd.s32 $0xFFFFD800  }
0x37b: {  	[tilespmem:s28], [sflag:$0x9] =	stream.indirect.gather [spmem:s2], $0x80, s15, s16, $0xb8;
	[tilespmem:$0x1BE90] =	vst v63  }
0x37c: {  	_ =	swait.ge [sflag:s13], $0x2800  }
0x37d: {  	[sflag:s13] =	ssyncset.done $0x0  }
0x37e: {  	s15 =	rddreg [dreg:$0x1e];
	[sflag:s13] =	ssyncadd.s32 $0xFFFFD800  }
0x37f: {  	[hbm4b:s15+s1] =	stream.linear.scatter [tilespmem:s5], [sflag:$0xA], $0x2800, $0x38;
	[tilespmem:$0x1BE90] =	vst v63  }
0x380: {  	_ =	swait.ge [sflag:s12], $0x2800  }
0x381: {  	[sflag:s12] =	ssyncset.done $0x0  }
0x382: {  	s15 =	rddreg [dreg:$0x1f];
	[sflag:s12] =	ssyncadd.s32 $0xFFFFD800  }
0x383: {  	[hbm4b:s15+s1] =	stream.linear.scatter [tilespmem:s6], [sflag:$0xD], $0x2800, $0x38;
	[tilespmem:$0x1BE90] =	vst v63  }
0x384: {  	_ =	swait.ge [sflag:s11], $0x2800  }
0x385: {  	s15 =	sld [smem:$0x7D9]  }
0x386: {  	[sflag:s11] =	ssyncset.done $0x0  }
0x387: {  	[sflag:s11] =	ssyncadd.s32 $0xFFFFD800  }
0x388: {  	[hbm4b:s15+s1] =	stream.linear.scatter [tilespmem:s21], [sflag:$0x10], $0x2800, $0x38;
	[tilespmem:$0x1BE90] =	vst v63  }
0x389: {  	_ =	swait.ge [sflag:s19], $0x2800  }
0x38a: {  	s15 =	sld [smem:$0x7FB]  }
0x38b: {  	[sflag:s19] =	ssyncset.done $0x0  }
0x38c: {  	[sflag:s19] =	ssyncadd.s32 $0xFFFFD800  }
0x38d: {  	[tilespmem:s5], [sflag:$0x1] =	stream.indirect.gather [hbm4b:s3+s16], $0x80, s15, s16, $0xb8;
	[tilespmem:$0x1BE90] =	vst v63  }
0x38e: {  	_ =	swait.ge [sflag:s9], $0x2800  }
0x38f: {  	s15 =	sld [smem:$0x7FC]  }
0x390: {  	[sflag:s9] =	ssyncset.done $0x0  }
0x391: {  	[sflag:s9] =	ssyncadd.s32 $0xFFFFD800  }
0x392: {  	[tilespmem:s6], [sflag:$0x4] =	stream.indirect.gather [spmem:s4], $0x80, s15, s16, $0xb8;
	[tilespmem:$0x1BE90] =	vst v63  }
0x393: {  	_ =	swait.ge [sflag:s10], $0x2800  }
0x394: {  	s15 =	sld [smem:$0x7FD]  }
0x395: {  	[sflag:s10] =	ssyncset.done $0x0  }
0x396: {  	[sflag:s10] =	ssyncadd.s32 $0xFFFFD800  }
0x397: {  	[tilespmem:s21], [sflag:$0x7] =	stream.indirect.gather [spmem:s2], $0x80, s15, s16, $0xb8;
	[tilespmem:$0x1BE90] =	vst v63  }
0x398: {  	_ =	swait.ge [sflag:s14], $0x2800  }
0x399: {  	s16 =	sld [smem:$0x7DA]  }
0x39a: {  	[sflag:s14] =	ssyncset.done $0x0  }
0x39b: {  	[sflag:s14] =	ssyncadd.s32 $0xFFFFD800  }
0x39c: {  	[hbm4b:s16+s1] =	stream.linear.scatter [tilespmem:s24], [sflag:$0xB], $0x2800, $0x38;
	[tilespmem:$0x1BE90] =	vst v63  }
0x39d: {  	_ =	swait.ge [sflag:s0], $0x2800  }
0x39e: {  	s24 =	sld [smem:$0x7DB]  }
0x39f: {  	[sflag:s0] =	ssyncset.done $0x0  }
0x3a0: {  	s3 =	simm.s32 $0xB800;
	[sflag:s0] =	ssyncadd.s32 $0xFFFFD800  }
0x3a1: {  	[hbm4b:s24+s1] =	stream.linear.scatter [tilespmem:s3], [sflag:$0xE], $0x2800, $0x38;
	[tilespmem:$0x1BE90] =	vst v63  }
0x3a2: {  	_ =	swait.ge [sflag:s31], $0x2800  }
0x3a3: {  	s4 =	sld [smem:$0x7DC]  }
0x3a4: {  	[sflag:s31] =	ssyncset.done $0x0  }
0x3a5: {  	s14 =	simm.s32 $0x13000;
	[sflag:s31] =	ssyncadd.s32 $0xFFFFD800  }
0x3a6: {  	[hbm4b:s4+s1] =	stream.linear.scatter [tilespmem:s14], [sflag:$0x11], $0x2800, $0x38;
	[tilespmem:$0x1BE90] =	vst v63  }
0x3a7: {  	_ =	swait.ge [sflag:s30], $0x2800  }
0x3a8: {  	s15 =	sld [smem:$0x7DD]  }
0x3a9: {  	[sflag:s30] =	ssyncset.done $0x0  }
0x3aa: {  	s8 =	simm.s32 $0x6800;
	[sflag:s30] =	ssyncadd.s32 $0xFFFFD800  }
0x3ab: {  	[hbm4b:s15+s1] =	stream.linear.scatter [tilespmem:s8], [sflag:$0xC], $0x2800, $0x38;
	[tilespmem:$0x1BE90] =	vst v63  }
0x3ac: {  	_ =	swait.ge [sflag:s29], $0x2800  }
0x3ad: {  	s16 =	sld [smem:$0x7DE]  }
0x3ae: {  	[sflag:s29] =	ssyncset.done $0x0  }
0x3af: {  	s7 =	simm.s32 $0xE000;
	[sflag:s29] =	ssyncadd.s32 $0xFFFFD800  }
0x3b0: {  	[hbm4b:s16+s1] =	stream.linear.scatter [tilespmem:s7], [sflag:$0xF], $0x2800, $0x38;
	[tilespmem:$0x1BE90] =	vst v63  }
0x3b1: {  	_ =	swait.ge [sflag:s17], $0x2800  }
0x3b2: {  	s24 =	sld [smem:$0x7DF]  }
0x3b3: {  	[sflag:s17] =	ssyncset.done $0x0  }
0x3b4: {  	s28 =	simm.s32 $0x15800;
	[sflag:s17] =	ssyncadd.s32 $0xFFFFD800  }
0x3b5: {  	[hbm4b:s24+s1] =	stream.linear.scatter [tilespmem:s28], [sflag:$0x12], $0x2800, $0x38;
	[tilespmem:$0x1BE90] =	vst v63  }
0x3b6: {  	_ =	swait.ge [sflag:s13], $0x2800  }
0x3b7: {  	s29 =	sld [smem:$0x7E0]  }
0x3b8: {  	[sflag:s13] =	ssyncset.done $0x0  }
0x3b9: {  	[sflag:s13] =	ssyncadd.s32 $0xFFFFD800  }
0x3ba: {  	[hbm4b:s29+s1] =	stream.linear.scatter [tilespmem:s5], [sflag:$0xA], $0x2800, $0x38;
	[tilespmem:$0x1BE90] =	vst v63  }
0x3bb: {  	_ =	swait.ge [sflag:s12], $0x2800  }
0x3bc: {  	s30 =	sld [smem:$0x7E1]  }
0x3bd: {  	[sflag:s12] =	ssyncset.done $0x0  }
0x3be: {  	[sflag:s12] =	ssyncadd.s32 $0xFFFFD800  }
0x3bf: {  	[hbm4b:s30+s1] =	stream.linear.scatter [tilespmem:s6], [sflag:$0xD], $0x2800, $0x38;
	[tilespmem:$0x1BE90] =	vst v63  }
0x3c0: {  	_ =	swait.ge [sflag:s11], $0x2800  }
0x3c1: {  	s31 =	sld [smem:$0x7E2]  }
0x3c2: {  	[sflag:s11] =	ssyncset.done $0x0  }
0x3c3: {  	[sflag:s11] =	ssyncadd.s32 $0xFFFFD800  }
0x3c4: {  	[hbm4b:s31+s1] =	stream.linear.scatter [tilespmem:s21], [sflag:$0x10], $0x2800, $0x38;
	[tilespmem:$0x1BE90] =	vst v63  }
0x3c5: {  	_ =	swait.ge [sflag:s26], $0x2800  }
0x3c6: {  	[sflag:s26] =	ssyncset.done $0x0  }
0x3c7: {  	[sflag:s26] =	ssyncadd.s32 $0xFFFFD800  }
0x3c8: {  	_ =	swait.ge [sflag:s25], $0x2800  }
0x3c9: {  	[sflag:s25] =	ssyncset.done $0x0  }
0x3ca: {  	[sflag:s25] =	ssyncadd.s32 $0xFFFFD800  }
0x3cb: {  	_ =	swait.ge [sflag:s22], $0x2800  }
0x3cc: {  	[sflag:s22] =	ssyncset.done $0x0  }
0x3cd: {  	[sflag:s22] =	ssyncadd.s32 $0xFFFFD800  }
0x3ce: {  	_ =	swait.ge [sflag:s23], $0x2800  }
0x3cf: {  	[sflag:s23] =	ssyncset.done $0x0  }
0x3d0: {  	[sflag:s23] =	ssyncadd.s32 $0xFFFFD800  }
0x3d1: {  	_ =	swait.ge [sflag:s20], $0x2800  }
0x3d2: {  	[sflag:s20] =	ssyncset.done $0x0  }
0x3d3: {  	[sflag:s20] =	ssyncadd.s32 $0xFFFFD800  }
0x3d4: {  	_ =	swait.ge [sflag:s18], $0x2800  }
0x3d5: {  	[sflag:s18] =	ssyncset.done $0x0  }
0x3d6: {  	[sflag:s18] =	ssyncadd.s32 $0xFFFFD800  }
0x3d7: {  	_ =	swait.ge [sflag:s19], $0x2800  }
0x3d8: {  	[sflag:s19] =	ssyncset.done $0x0  }
0x3d9: {  	[sflag:s19] =	ssyncadd.s32 $0xFFFFD800  }
0x3da: {  	_ =	swait.ge [sflag:s9], $0x2800  }
0x3db: {  	[sflag:s9] =	ssyncset.done $0x0  }
0x3dc: {  	[sflag:s9] =	ssyncadd.s32 $0xFFFFD800  }
0x3dd: {  	_ =	swait.ge [sflag:s10], $0x2800  }
0x3de: {  	[sflag:s10] =	ssyncset.done $0x0  }
0x3df: {  	[sflag:s10] =	ssyncadd.s32 $0xFFFFD800  }
0x3e0: {  	_ =	sfence.sel $0x180000  }
0x3e1: {  	[bflag:$0x0] =	sbarrier.arrive $0xFFFF  }
0x3e2: {  	_ =	strace $0x9000004A  }
0x3e3: {  	[bflag:$0x2] =	sbarrier.arrive $0xFFFF  }
0x3e4: {  	s0 =	rddreg [dreg:$0x6]  }
0x3e5: {  	s0 =	sadd.s32 @!p0 $0x100000, s0  }
0x3e6: {  	[sflag:s0] =	ssyncadd.tile.s32 @!p0 $0x1;
	_ =	shalt  }
.LBB2_1:
.Ltmp3:
0x3e7: {  	(pc) =	sbr.rel .LBB2_6-.Ltmp3, $2  }
0x3e8: {  	_ =	sdelay $0x2  }
0x3e9: {  	s4 =	smov.u32 s28  }
.LBB2_3:
.Ltmp4:
0x3ea: {  	(pc) =	sbr.rel .LBB2_6-.Ltmp4, $4  }
0x3eb: {  	_ = 	snop  }
0x3ec: {  	s4 =	rddreg [dreg:$0x4]  }
0x3ed: {  	s8 =	sld [smem:$0x7D7]  }
0x3ee: {  	s24 =	simm.s32 $0x10800;
	s7 =	simm.s32 $0x13000;
	s15 =	sld [smem:$0x7D6]  }
.Lfunc_end2:
_tile_overlayer_lowered:
.L_overlay_start_2:
0x3ef: {  	(tag) =	ssettag $0x2  }
0x3f0: {  	s0 =	rddreg [dreg:$0x0];
	s2 =	stileid.u32  }
0x3f1: {  	s1 =	rddreg [dreg:$0x1];
	p0 =	sne.s32 s2, $0x0  }
0x3f2: {  	s3 =	rddreg [dreg:$0x2];
	[bflag:$0x3] =	sbarrier.arrive $0xFFFF;
	s2 =	simm.s32 @!p0 $0x1C13  }
0x3f3: {  	[timem:s3], [sflag:s2] =	dma.local @!p0 [hbm:s0], s1  }
0x3f4: {  	s0 =	simm.s32 @!p0 $0x13  }
0x3f5: {  	_ =	swait.ge @!p0 [sflag:s0], s1  }
0x3f6: {  	s1 =	ssub.s32 @!p0 $0x0, s1;
	[sflag:s0] =	ssyncset.done @!p0 $0x0  }
0x3f7: {  	[sflag:s0] =	ssyncadd.s32 @!p0 s1  }
0x3f8: {  	[bflag:$0x3] =	sbarrier.arrive $0xFFFF  }
0x3f9: {  	_ =	shalt  }

</sc_bundles>
